<compile_context>
chip_gen: v7x
topology: tpu7x:2x2x1
jax: 0.10.2.dev20260603
libtpu: 0.0.44.dev20260713+nightly
codegen_flags: <defaults>
</compile_context>

<pallas_src>
import functools

import jax
import jax.numpy as jnp
from jax import lax
from jax.experimental import pallas as pl
from jax.experimental.pallas import tpu as pltpu
from jax.experimental.pallas import tpu_sc as plsc

N_NODES = 10000
N_EDGES = 320000
D_FEAT = 128

NC = 2
NS = 16
CHUNK = 128
SB = 8
CH0 = 152
CH1 = 8
T_CH = NS * (CH0 + CH1)
E_PAD = T_CH * CHUNK
RSTRIDE = 624
ZROWS = 648
WROWS = 640
ACC_ROWS = RSTRIDE * (NS - 1) + ZROWS


def _sc_partials(x, src_w, dst_w, zeros):
    mesh = plsc.VectorSubcoreMesh(core_axis_name="c", subcore_axis_name="s")

    @functools.partial(
        pl.kernel,
        out_type=jax.ShapeDtypeStruct((NC, N_NODES, D_FEAT), jnp.float32),
        mesh=mesh,
        scratch_types=[
            pltpu.VMEM((SB, CHUNK), jnp.int32),
            pltpu.VMEM((SB, CHUNK), jnp.int32),
            pltpu.VMEM((CHUNK, D_FEAT), jnp.float32),
            pltpu.VMEM((CHUNK, D_FEAT), jnp.float32),
            pltpu.VMEM_SHARED((ACC_ROWS, D_FEAT), jnp.float32),
            pltpu.SemaphoreType.DMA,
            pltpu.SemaphoreType.DMA,
        ],
    )
    def body(x_hbm, src_hbm, dst_hbm, z_hbm, out_hbm, src_v, dst_v, rows_a,
             rows_b, acc, sem_a, sem_b):
        c = lax.axis_index("c")
        s = lax.axis_index("s")

        pltpu.sync_copy(z_hbm, acc.at[pl.ds(s * RSTRIDE, ZROWS)])
        plsc.subcore_barrier()

        def start_gather(j, buf, sem):
            pltpu.async_copy(x_hbm.at[src_v.at[j]], buf, sem)

        def wait_gather(j, buf, sem):
            pltpu.make_async_copy(x_hbm.at[src_v.at[j]], buf, sem).wait()

        def scatter_add(j, buf):
            pltpu.sync_copy(buf, acc.at[dst_v.at[j]], add=True)

        def run_superblock(base):
            pltpu.sync_copy(src_hbm.at[pl.ds(base, SB)], src_v)
            pltpu.sync_copy(dst_hbm.at[pl.ds(base, SB)], dst_v)
            start_gather(0, rows_a, sem_a)

            def pair_step(i, carry):
                j = 2 * i
                start_gather(j + 1, rows_b, sem_b)
                wait_gather(j, rows_a, sem_a)
                scatter_add(j, rows_a)

                @pl.when(i < SB // 2 - 1)
                def _():
                    start_gather(j + 2, rows_a, sem_a)

                wait_gather(j + 1, rows_b, sem_b)
                scatter_add(j + 1, rows_b)
                return carry

            lax.fori_loop(0, SB // 2, pair_step, 0)

        @pl.when(c == 0)
        def _():
            for b in range(CH0 // SB):
                run_superblock(s * CH0 + b * SB)

        @pl.when(c == 1)
        def _():
            for b in range(CH1 // SB):
                run_superblock(NS * CH0 + s * CH1 + b * SB)

        plsc.subcore_barrier()

        pltpu.sync_copy(acc.at[pl.ds(s * RSTRIDE, WROWS)],
                        out_hbm.at[c, pl.ds(s * RSTRIDE, WROWS)])

    return body(x, src_w, dst_w, zeros)


def _combine(p):
    def add_body(a_ref, b_ref, o_ref):
        o_ref[...] = a_ref[0] + b_ref[0]

    grid = 10
    blk = N_NODES // grid
    return pl.pallas_call(
        add_body,
        grid=(grid,),
        in_specs=[
            pl.BlockSpec((1, blk, D_FEAT), lambda i: (0, i, 0)),
            pl.BlockSpec((1, blk, D_FEAT), lambda i: (1, i, 0)),
        ],
        out_specs=pl.BlockSpec((blk, D_FEAT), lambda i: (i, 0)),
        out_shape=jax.ShapeDtypeStruct((N_NODES, D_FEAT), jnp.float32),
    )(p, p)


def kernel(x, edge_index):
    src = edge_index[0].astype(jnp.int32)
    dst = edge_index[1].astype(jnp.int32)
    pad = E_PAD - N_EDGES
    src_w = jnp.concatenate([src, jnp.zeros((pad,), jnp.int32)])
    dst_w = jnp.concatenate([dst, jnp.full((pad,), N_NODES, jnp.int32)])
    src_w = src_w.reshape(T_CH, CHUNK)
    dst_w = dst_w.reshape(T_CH, CHUNK)
    zeros = jnp.zeros((ZROWS, D_FEAT), jnp.float32)
    partials = _sc_partials(x, src_w, dst_w, zeros)
    return _combine(partials)

# --- scband reference (transcript-rebuilt; emitter-appended) ---
"""Pipeline reference for scband-message-passing-69097433858446 (READ-ONLY COPY).

The authoritative reference and input builder live on the scoring server;
editing this copy changes nothing except your own understanding.
"""

import jax, jax.numpy as jnp
import numpy as np

N_NODES = 10000
N_EDGES = 320000
D_FEAT = 128


def setup_inputs(seed: int = 0) -> dict:
    key = jax.random.key(seed)
    kx, ke = jax.random.split(key)
    x = jax.random.normal(kx, (N_NODES, D_FEAT), dtype=jnp.float32)
    edge_index = jax.random.randint(ke, (2, N_EDGES), 0, N_NODES, dtype=jnp.int64)
    return {"x": x, "edge_index": edge_index}


def reference(x, edge_index):
    # propagate: src, dst = edge_index
    src = edge_index[0]
    dst = edge_index[1]
    # message(x_i=x[src], x_j=x[dst], edge_attr=None) -> canonical source-feature message x[src]
    messages = jnp.take(x, src, axis=0)
    # aggr='add': scatter-add into dst rows (torch index_add_)
    out = jnp.zeros_like(x).at[dst].add(messages)
    # update(aggr_out, x) -> aggr_out
    return out

if __name__ == "__main__":
    import jax
    _d = setup_inputs()
    print(jax.jit(kernel)(*tuple(_d.values())))

</pallas_src>

<mosaic_0001>
#map = affine_map<(d0, d1) -> (0, 0)>
#map1 = affine_map<(d0, d1) -> (0, 0, 0)>
module attributes {stable_mosaic.version = 14 : i64} {
  func.func @body(%arg0: i32, %arg1: i32, %arg2: memref<10000x128xf32, #tpu.memory_space<hbm>>, %arg3: memref<2560x128xi32, #tpu.memory_space<hbm>>, %arg4: memref<2560x128xi32, #tpu.memory_space<hbm>>, %arg5: memref<648x128xf32, #tpu.memory_space<hbm>>, %arg6: memref<2x10000x128xf32, #tpu.memory_space<hbm>>, %arg7: memref<8x128xi32, #tpu.memory_space<vmem>>, %arg8: memref<8x128xi32, #tpu.memory_space<vmem>>, %arg9: memref<128x128xf32, #tpu.memory_space<vmem>>, %arg10: memref<128x128xf32, #tpu.memory_space<vmem>>, %arg11: memref<10008x128xf32, #tpu.memory_space<vmem_shared>>, %arg12: memref<!tpu.dma_semaphore, #tpu.memory_space<semaphore_mem>>, %arg13: memref<!tpu.dma_semaphore, #tpu.memory_space<semaphore_mem>>) attributes {dimension_semantics = [#tpu.dimension_semantics<core_parallel>, #tpu.dimension_semantics<subcore_parallel>], iteration_bounds = array<i64: 2, 16>, scalar_prefetch = 0 : i64, scratch_operands = 7 : i64, tpu.core_type = #tpu.core_type<sc_vector_subcore>, window_params = [{transform_indices = #map}, {transform_indices = #map}, {transform_indices = #map}, {transform_indices = #map}, {transform_indices = #map1}]} {
    %mul3A = arith.constant 624 : i32
    %mul3A_0 = arith.muli %arg1, %mul3A : i32
    "tpu.region"() ({
      %run_scoped3A = tpu.sem_alloc : memref<!tpu.dma_semaphore, #tpu.memory_space<semaphore_mem>>
      %dma_start3A = arith.constant 0 : i32
      %dma_start3A_13 = tpu.memref_slice %arg11[%mul3A_0, %dma_start3A] : memref<10008x128xf32, #tpu.memory_space<vmem_shared>> -> memref<648x128xf32, #tpu.memory_space<vmem_shared>>
      tpu.enqueue_dma source(%arg5 : memref<648x128xf32, #tpu.memory_space<hbm>>) target(%dma_start3A_13 : memref<648x128xf32, #tpu.memory_space<vmem_shared>>) target_semaphore(%run_scoped3A : memref<!tpu.dma_semaphore, #tpu.memory_space<semaphore_mem>>)
      %dma_wait3A = arith.constant 0 : i32
      %dma_wait3A_14 = tpu.memref_slice %arg11[%mul3A_0, %dma_wait3A] : memref<10008x128xf32, #tpu.memory_space<vmem_shared>> -> memref<648x128xf32, #tpu.memory_space<vmem_shared>>
      tpu.wait_dma2 semaphore(%run_scoped3A : memref<!tpu.dma_semaphore, #tpu.memory_space<semaphore_mem>>) src(%arg5 : memref<648x128xf32, #tpu.memory_space<hbm>>) dst(%dma_wait3A_14 : memref<648x128xf32, #tpu.memory_space<vmem_shared>>)
      tpu.yield
    }) : () -> ()
    %barrier3A = arith.constant 0 : index
    tpu.barrier barrier_id(%barrier3A)
    %eq3A = arith.constant 0 : i32
    %eq3A_1 = arith.cmpi eq, %arg0, %eq3A : i32
    %convert_element_type3A = arith.extui %eq3A_1 : i1 to i32
    %cond3A = arith.constant 0 : i32
    %cond3A_2 = arith.cmpi ne, %convert_element_type3A, %cond3A : i32
    scf.if %cond3A_2 {
      %mul3A_13 = arith.constant 152 : i32
      %mul3A_14 = arith.muli %arg1, %mul3A_13 : i32
      %add3A = arith.constant 0 : i32
      %add3A_15 = arith.addi %mul3A_14, %add3A : i32
      "tpu.region"() ({
        %run_scoped3A = tpu.sem_alloc : memref<!tpu.dma_semaphore, #tpu.memory_space<semaphore_mem>>
        %dma_start3A_333 = arith.constant 0 : i32
        %dma_start3A_334 = tpu.memref_slice %arg3[%add3A_15, %dma_start3A_333] : memref<2560x128xi32, #tpu.memory_space<hbm>> -> memref<8x128xi32, #tpu.memory_space<hbm>>
        %dma_start3A_335 = arith.constant 0 : i32
        %dma_start3A_336 = tpu.memref_slice %arg3[%add3A_15, %dma_start3A_335] : memref<2560x128xi32, #tpu.memory_space<hbm>> -> memref<8x128xi32, #tpu.memory_space<hbm>>
        tpu.enqueue_dma source(%dma_start3A_336 : memref<8x128xi32, #tpu.memory_space<hbm>>) target(%arg7 : memref<8x128xi32, #tpu.memory_space<vmem>>) target_semaphore(%run_scoped3A : memref<!tpu.dma_semaphore, #tpu.memory_space<semaphore_mem>>)
        %dma_wait3A = arith.constant 0 : i32
        %dma_wait3A_337 = tpu.memref_slice %arg3[%add3A_15, %dma_wait3A] : memref<2560x128xi32, #tpu.memory_space<hbm>> -> memref<8x128xi32, #tpu.memory_space<hbm>>
        %dma_wait3A_338 = arith.constant 0 : i32
        %dma_wait3A_339 = tpu.memref_slice %arg3[%add3A_15, %dma_wait3A_338] : memref<2560x128xi32, #tpu.memory_space<hbm>> -> memref<8x128xi32, #tpu.memory_space<hbm>>
        tpu.wait_dma2 semaphore(%run_scoped3A : memref<!tpu.dma_semaphore, #tpu.memory_space<semaphore_mem>>) src(%dma_wait3A_339 : memref<8x128xi32, #tpu.memory_space<hbm>>) dst(%arg7 : memref<8x128xi32, #tpu.memory_space<vmem>>)
        tpu.yield
      }) : () -> ()
      "tpu.region"() ({
        %run_scoped3A = tpu.sem_alloc : memref<!tpu.dma_semaphore, #tpu.memory_space<semaphore_mem>>
        %dma_start3A_333 = arith.constant 0 : i32
        %dma_start3A_334 = tpu.memref_slice %arg4[%add3A_15, %dma_start3A_333] : memref<2560x128xi32, #tpu.memory_space<hbm>> -> memref<8x128xi32, #tpu.memory_space<hbm>>
        %dma_start3A_335 = arith.constant 0 : i32
        %dma_start3A_336 = tpu.memref_slice %arg4[%add3A_15, %dma_start3A_335] : memref<2560x128xi32, #tpu.memory_space<hbm>> -> memref<8x128xi32, #tpu.memory_space<hbm>>
        tpu.enqueue_dma source(%dma_start3A_336 : memref<8x128xi32, #tpu.memory_space<hbm>>) target(%arg8 : memref<8x128xi32, #tpu.memory_space<vmem>>) target_semaphore(%run_scoped3A : memref<!tpu.dma_semaphore, #tpu.memory_space<semaphore_mem>>)
        %dma_wait3A = arith.constant 0 : i32
        %dma_wait3A_337 = tpu.memref_slice %arg4[%add3A_15, %dma_wait3A] : memref<2560x128xi32, #tpu.memory_space<hbm>> -> memref<8x128xi32, #tpu.memory_space<hbm>>
        %dma_wait3A_338 = arith.constant 0 : i32
        %dma_wait3A_339 = tpu.memref_slice %arg4[%add3A_15, %dma_wait3A_338] : memref<2560x128xi32, #tpu.memory_space<hbm>> -> memref<8x128xi32, #tpu.memory_space<hbm>>
        tpu.wait_dma2 semaphore(%run_scoped3A : memref<!tpu.dma_semaphore, #tpu.memory_space<semaphore_mem>>) src(%dma_wait3A_339 : memref<8x128xi32, #tpu.memory_space<hbm>>) dst(%arg8 : memref<8x128xi32, #tpu.memory_space<vmem>>)
        tpu.yield
      }) : () -> ()
      %dma_start3A = arith.constant 0 : i32
      %dma_start3A_16 = arith.constant 0 : i32
      %dma_start3A_17 = tpu.memref_slice %arg7[%dma_start3A, %dma_start3A_16] : memref<8x128xi32, #tpu.memory_space<vmem>> -> memref<1x128xi32, #tpu.memory_space<vmem>>
      %dma_start3A_18 = tpu.memref_squeeze %dma_start3A_17 : memref<1x128xi32, #tpu.memory_space<vmem>> -> memref<128xi32, #tpu.memory_space<vmem>>
      %dma_start3A_19 = arith.constant 0 : i32
      %dma_start3A_20 = arith.constant 0 : i32
      %dma_start3A_21 = tpu.memref_slice %arg2[%dma_start3A_19, %dma_start3A_20] : memref<10000x128xf32, #tpu.memory_space<hbm>> -> memref<10000x128xf32, #tpu.memory_space<hbm>>
      tpu.enqueue_indirect_dma source(%dma_start3A_21 : memref<10000x128xf32, #tpu.memory_space<hbm>>) target(%arg9 : memref<128x128xf32, #tpu.memory_space<vmem>>) offsets(%dma_start3A_18 : memref<128xi32, #tpu.memory_space<vmem>>) semaphore(%arg12 : memref<!tpu.dma_semaphore, #tpu.memory_space<semaphore_mem>>)
      %scan3A = arith.constant 0 : i32
      %scan3A_22 = arith.constant 0 : i32
      %scan3A_23 = arith.constant 4 : i32
      %scan3A_24 = arith.addi %scan3A_22, %scan3A_23 : i32
      %scan3A_25 = arith.constant 1 : i32
      scf.for %scan3A_333 = %scan3A_22 to %scan3A_24 step %scan3A_25  : i32 {
        %mul3A_334 = arith.constant 2 : i32
        %mul3A_335 = arith.muli %mul3A_334, %scan3A_333 : i32
        %add3A_336 = arith.constant 1 : i32
        %add3A_337 = arith.addi %mul3A_335, %add3A_336 : i32
        %dma_start3A_338 = arith.constant 0 : i32
        %dma_start3A_339 = tpu.memref_slice %arg7[%add3A_337, %dma_start3A_338] : memref<8x128xi32, #tpu.memory_space<vmem>> -> memref<1x128xi32, #tpu.memory_space<vmem>>
        %dma_start3A_340 = tpu.memref_squeeze %dma_start3A_339 : memref<1x128xi32, #tpu.memory_space<vmem>> -> memref<128xi32, #tpu.memory_space<vmem>>
        %dma_start3A_341 = arith.constant 0 : i32
        %dma_start3A_342 = arith.constant 0 : i32
        %dma_start3A_343 = tpu.memref_slice %arg2[%dma_start3A_341, %dma_start3A_342] : memref<10000x128xf32, #tpu.memory_space<hbm>> -> memref<10000x128xf32, #tpu.memory_space<hbm>>
        tpu.enqueue_indirect_dma source(%dma_start3A_343 : memref<10000x128xf32, #tpu.memory_space<hbm>>) target(%arg10 : memref<128x128xf32, #tpu.memory_space<vmem>>) offsets(%dma_start3A_340 : memref<128xi32, #tpu.memory_space<vmem>>) semaphore(%arg13 : memref<!tpu.dma_semaphore, #tpu.memory_space<semaphore_mem>>)
        %dma_wait3A = arith.constant 0 : i32
        %dma_wait3A_344 = tpu.memref_slice %arg7[%mul3A_335, %dma_wait3A] : memref<8x128xi32, #tpu.memory_space<vmem>> -> memref<1x128xi32, #tpu.memory_space<vmem>>
        %dma_wait3A_345 = tpu.memref_squeeze %dma_wait3A_344 : memref<1x128xi32, #tpu.memory_space<vmem>> -> memref<128xi32, #tpu.memory_space<vmem>>
        %dma_wait3A_346 = arith.constant 0 : i32
        %dma_wait3A_347 = arith.constant 0 : i32
        %dma_wait3A_348 = tpu.memref_slice %arg2[%dma_wait3A_346, %dma_wait3A_347] : memref<10000x128xf32, #tpu.memory_space<hbm>> -> memref<10000x128xf32, #tpu.memory_space<hbm>>
        tpu.wait_indirect_dma semaphore(%arg12 : memref<!tpu.dma_semaphore, #tpu.memory_space<semaphore_mem>>) src(%dma_wait3A_348 : memref<10000x128xf32, #tpu.memory_space<hbm>>) dst(%arg9 : memref<128x128xf32, #tpu.memory_space<vmem>>)
        "tpu.region"() ({
          %run_scoped3A = tpu.sem_alloc : memref<!tpu.dma_semaphore, #tpu.memory_space<semaphore_mem>>
          %dma_start3A_363 = arith.constant 0 : i32
          %dma_start3A_364 = tpu.memref_slice %arg8[%mul3A_335, %dma_start3A_363] : memref<8x128xi32, #tpu.memory_space<vmem>> -> memref<1x128xi32, #tpu.memory_space<vmem>>
          %dma_start3A_365 = tpu.memref_squeeze %dma_start3A_364 : memref<1x128xi32, #tpu.memory_space<vmem>> -> memref<128xi32, #tpu.memory_space<vmem>>
          %dma_start3A_366 = arith.constant 0 : i32
          %dma_start3A_367 = arith.constant 0 : i32
          %dma_start3A_368 = tpu.memref_slice %arg11[%dma_start3A_366, %dma_start3A_367] : memref<10008x128xf32, #tpu.memory_space<vmem_shared>> -> memref<10008x128xf32, #tpu.memory_space<vmem_shared>>
          tpu.enqueue_indirect_dma source(%arg9 : memref<128x128xf32, #tpu.memory_space<vmem>>) target(%dma_start3A_368 : memref<10008x128xf32, #tpu.memory_space<vmem_shared>>) offsets(%dma_start3A_365 : memref<128xi32, #tpu.memory_space<vmem>>) semaphore(%run_scoped3A : memref<!tpu.dma_semaphore, #tpu.memory_space<semaphore_mem>>) {add = true}
          %dma_wait3A_369 = arith.constant 0 : i32
          %dma_wait3A_370 = tpu.memref_slice %arg8[%mul3A_335, %dma_wait3A_369] : memref<8x128xi32, #tpu.memory_space<vmem>> -> memref<1x128xi32, #tpu.memory_space<vmem>>
          %dma_wait3A_371 = tpu.memref_squeeze %dma_wait3A_370 : memref<1x128xi32, #tpu.memory_space<vmem>> -> memref<128xi32, #tpu.memory_space<vmem>>
          %dma_wait3A_372 = arith.constant 0 : i32
          %dma_wait3A_373 = arith.constant 0 : i32
          %dma_wait3A_374 = tpu.memref_slice %arg11[%dma_wait3A_372, %dma_wait3A_373] : memref<10008x128xf32, #tpu.memory_space<vmem_shared>> -> memref<10008x128xf32, #tpu.memory_space<vmem_shared>>
          tpu.wait_indirect_dma semaphore(%run_scoped3A : memref<!tpu.dma_semaphore, #tpu.memory_space<semaphore_mem>>) src(%arg9 : memref<128x128xf32, #tpu.memory_space<vmem>>) dst(%dma_wait3A_374 : memref<10008x128xf32, #tpu.memory_space<vmem_shared>>)
          tpu.yield
        }) : () -> ()
        %lt3A = arith.constant 3 : i32
        %lt3A_349 = arith.cmpi slt, %scan3A_333, %lt3A : i32
        %convert_element_type3A_350 = arith.extui %lt3A_349 : i1 to i32
        %cond3A_351 = arith.constant 0 : i32
        %cond3A_352 = arith.cmpi ne, %convert_element_type3A_350, %cond3A_351 : i32
        scf.if %cond3A_352 {
          %add3A_363 = arith.constant 2 : i32
          %add3A_364 = arith.addi %mul3A_335, %add3A_363 : i32
          %dma_start3A_365 = arith.constant 0 : i32
          %dma_start3A_366 = tpu.memref_slice %arg7[%add3A_364, %dma_start3A_365] : memref<8x128xi32, #tpu.memory_space<vmem>> -> memref<1x128xi32, #tpu.memory_space<vmem>>
          %dma_start3A_367 = tpu.memref_squeeze %dma_start3A_366 : memref<1x128xi32, #tpu.memory_space<vmem>> -> memref<128xi32, #tpu.memory_space<vmem>>
          %dma_start3A_368 = arith.constant 0 : i32
          %dma_start3A_369 = arith.constant 0 : i32
          %dma_start3A_370 = tpu.memref_slice %arg2[%dma_start3A_368, %dma_start3A_369] : memref<10000x128xf32, #tpu.memory_space<hbm>> -> memref<10000x128xf32, #tpu.memory_space<hbm>>
          tpu.enqueue_indirect_dma source(%dma_start3A_370 : memref<10000x128xf32, #tpu.memory_space<hbm>>) target(%arg9 : memref<128x128xf32, #tpu.memory_space<vmem>>) offsets(%dma_start3A_367 : memref<128xi32, #tpu.memory_space<vmem>>) semaphore(%arg12 : memref<!tpu.dma_semaphore, #tpu.memory_space<semaphore_mem>>)
        } else {
        }
        %add3A_353 = arith.constant 1 : i32
        %add3A_354 = arith.addi %mul3A_335, %add3A_353 : i32
        %dma_wait3A_355 = arith.constant 0 : i32
        %dma_wait3A_356 = tpu.memref_slice %arg7[%add3A_354, %dma_wait3A_355] : memref<8x128xi32, #tpu.memory_space<vmem>> -> memref<1x128xi32, #tpu.memory_space<vmem>>
        %dma_wait3A_357 = tpu.memref_squeeze %dma_wait3A_356 : memref<1x128xi32, #tpu.memory_space<vmem>> -> memref<128xi32, #tpu.memory_space<vmem>>
        %dma_wait3A_358 = arith.constant 0 : i32
        %dma_wait3A_359 = arith.constant 0 : i32
        %dma_wait3A_360 = tpu.memref_slice %arg2[%dma_wait3A_358, %dma_wait3A_359] : memref<10000x128xf32, #tpu.memory_space<hbm>> -> memref<10000x128xf32, #tpu.memory_space<hbm>>
        tpu.wait_indirect_dma semaphore(%arg13 : memref<!tpu.dma_semaphore, #tpu.memory_space<semaphore_mem>>) src(%dma_wait3A_360 : memref<10000x128xf32, #tpu.memory_space<hbm>>) dst(%arg10 : memref<128x128xf32, #tpu.memory_space<vmem>>)
        %add3A_361 = arith.constant 1 : i32
        %add3A_362 = arith.addi %mul3A_335, %add3A_361 : i32
        "tpu.region"() ({
          %run_scoped3A = tpu.sem_alloc : memref<!tpu.dma_semaphore, #tpu.memory_space<semaphore_mem>>
          %dma_start3A_363 = arith.constant 0 : i32
          %dma_start3A_364 = tpu.memref_slice %arg8[%add3A_362, %dma_start3A_363] : memref<8x128xi32, #tpu.memory_space<vmem>> -> memref<1x128xi32, #tpu.memory_space<vmem>>
          %dma_start3A_365 = tpu.memref_squeeze %dma_start3A_364 : memref<1x128xi32, #tpu.memory_space<vmem>> -> memref<128xi32, #tpu.memory_space<vmem>>
          %dma_start3A_366 = arith.constant 0 : i32
          %dma_start3A_367 = arith.constant 0 : i32
          %dma_start3A_368 = tpu.memref_slice %arg11[%dma_start3A_366, %dma_start3A_367] : memref<10008x128xf32, #tpu.memory_space<vmem_shared>> -> memref<10008x128xf32, #tpu.memory_space<vmem_shared>>
          tpu.enqueue_indirect_dma source(%arg10 : memref<128x128xf32, #tpu.memory_space<vmem>>) target(%dma_start3A_368 : memref<10008x128xf32, #tpu.memory_space<vmem_shared>>) offsets(%dma_start3A_365 : memref<128xi32, #tpu.memory_space<vmem>>) semaphore(%run_scoped3A : memref<!tpu.dma_semaphore, #tpu.memory_space<semaphore_mem>>) {add = true}
          %dma_wait3A_369 = arith.constant 0 : i32
          %dma_wait3A_370 = tpu.memref_slice %arg8[%add3A_362, %dma_wait3A_369] : memref<8x128xi32, #tpu.memory_space<vmem>> -> memref<1x128xi32, #tpu.memory_space<vmem>>
          %dma_wait3A_371 = tpu.memref_squeeze %dma_wait3A_370 : memref<1x128xi32, #tpu.memory_space<vmem>> -> memref<128xi32, #tpu.memory_space<vmem>>
          %dma_wait3A_372 = arith.constant 0 : i32
          %dma_wait3A_373 = arith.constant 0 : i32
          %dma_wait3A_374 = tpu.memref_slice %arg11[%dma_wait3A_372, %dma_wait3A_373] : memref<10008x128xf32, #tpu.memory_space<vmem_shared>> -> memref<10008x128xf32, #tpu.memory_space<vmem_shared>>
          tpu.wait_indirect_dma semaphore(%run_scoped3A : memref<!tpu.dma_semaphore, #tpu.memory_space<semaphore_mem>>) src(%arg10 : memref<128x128xf32, #tpu.memory_space<vmem>>) dst(%dma_wait3A_374 : memref<10008x128xf32, #tpu.memory_space<vmem_shared>>)
          tpu.yield
        }) : () -> ()
      }
      %scan3A_26 = arith.constant 4 : i32
      %mul3A_27 = arith.constant 152 : i32
      %mul3A_28 = arith.muli %arg1, %mul3A_27 : i32
      %add3A_29 = arith.constant 8 : i32
      %add3A_30 = arith.addi %mul3A_28, %add3A_29 : i32
      "tpu.region"() ({
        %run_scoped3A = tpu.sem_alloc : memref<!tpu.dma_semaphore, #tpu.memory_space<semaphore_mem>>
        %dma_start3A_333 = arith.constant 0 : i32
        %dma_start3A_334 = tpu.memref_slice %arg3[%add3A_30, %dma_start3A_333] : memref<2560x128xi32, #tpu.memory_space<hbm>> -> memref<8x128xi32, #tpu.memory_space<hbm>>
        %dma_start3A_335 = arith.constant 0 : i32
        %dma_start3A_336 = tpu.memref_slice %arg3[%add3A_30, %dma_start3A_335] : memref<2560x128xi32, #tpu.memory_space<hbm>> -> memref<8x128xi32, #tpu.memory_space<hbm>>
        tpu.enqueue_dma source(%dma_start3A_336 : memref<8x128xi32, #tpu.memory_space<hbm>>) target(%arg7 : memref<8x128xi32, #tpu.memory_space<vmem>>) target_semaphore(%run_scoped3A : memref<!tpu.dma_semaphore, #tpu.memory_space<semaphore_mem>>)
        %dma_wait3A = arith.constant 0 : i32
        %dma_wait3A_337 = tpu.memref_slice %arg3[%add3A_30, %dma_wait3A] : memref<2560x128xi32, #tpu.memory_space<hbm>> -> memref<8x128xi32, #tpu.memory_space<hbm>>
        %dma_wait3A_338 = arith.constant 0 : i32
        %dma_wait3A_339 = tpu.memref_slice %arg3[%add3A_30, %dma_wait3A_338] : memref<2560x128xi32, #tpu.memory_space<hbm>> -> memref<8x128xi32, #tpu.memory_space<hbm>>
        tpu.wait_dma2 semaphore(%run_scoped3A : memref<!tpu.dma_semaphore, #tpu.memory_space<semaphore_mem>>) src(%dma_wait3A_339 : memref<8x128xi32, #tpu.memory_space<hbm>>) dst(%arg7 : memref<8x128xi32, #tpu.memory_space<vmem>>)
        tpu.yield
      }) : () -> ()
      "tpu.region"() ({
        %run_scoped3A = tpu.sem_alloc : memref<!tpu.dma_semaphore, #tpu.memory_space<semaphore_mem>>
        %dma_start3A_333 = arith.constant 0 : i32
        %dma_start3A_334 = tpu.memref_slice %arg4[%add3A_30, %dma_start3A_333] : memref<2560x128xi32, #tpu.memory_space<hbm>> -> memref<8x128xi32, #tpu.memory_space<hbm>>
        %dma_start3A_335 = arith.constant 0 : i32
        %dma_start3A_336 = tpu.memref_slice %arg4[%add3A_30, %dma_start3A_335] : memref<2560x128xi32, #tpu.memory_space<hbm>> -> memref<8x128xi32, #tpu.memory_space<hbm>>
        tpu.enqueue_dma source(%dma_start3A_336 : memref<8x128xi32, #tpu.memory_space<hbm>>) target(%arg8 : memref<8x128xi32, #tpu.memory_space<vmem>>) target_semaphore(%run_scoped3A : memref<!tpu.dma_semaphore, #tpu.memory_space<semaphore_mem>>)
        %dma_wait3A = arith.constant 0 : i32
        %dma_wait3A_337 = tpu.memref_slice %arg4[%add3A_30, %dma_wait3A] : memref<2560x128xi32, #tpu.memory_space<hbm>> -> memref<8x128xi32, #tpu.memory_space<hbm>>
        %dma_wait3A_338 = arith.constant 0 : i32
        %dma_wait3A_339 = tpu.memref_slice %arg4[%add3A_30, %dma_wait3A_338] : memref<2560x128xi32, #tpu.memory_space<hbm>> -> memref<8x128xi32, #tpu.memory_space<hbm>>
        tpu.wait_dma2 semaphore(%run_scoped3A : memref<!tpu.dma_semaphore, #tpu.memory_space<semaphore_mem>>) src(%dma_wait3A_339 : memref<8x128xi32, #tpu.memory_space<hbm>>) dst(%arg8 : memref<8x128xi32, #tpu.memory_space<vmem>>)
        tpu.yield
      }) : () -> ()
      %dma_start3A_31 = arith.constant 0 : i32
      %dma_start3A_32 = arith.constant 0 : i32
      %dma_start3A_33 = tpu.memref_slice %arg7[%dma_start3A_31, %dma_start3A_32] : memref<8x128xi32, #tpu.memory_space<vmem>> -> memref<1x128xi32, #tpu.memory_space<vmem>>
      %dma_start3A_34 = tpu.memref_squeeze %dma_start3A_33 : memref<1x128xi32, #tpu.memory_space<vmem>> -> memref<128xi32, #tpu.memory_space<vmem>>
      %dma_start3A_35 = arith.constant 0 : i32
      %dma_start3A_36 = arith.constant 0 : i32
      %dma_start3A_37 = tpu.memref_slice %arg2[%dma_start3A_35, %dma_start3A_36] : memref<10000x128xf32, #tpu.memory_space<hbm>> -> memref<10000x128xf32, #tpu.memory_space<hbm>>
      tpu.enqueue_indirect_dma source(%dma_start3A_37 : memref<10000x128xf32, #tpu.memory_space<hbm>>) target(%arg9 : memref<128x128xf32, #tpu.memory_space<vmem>>) offsets(%dma_start3A_34 : memref<128xi32, #tpu.memory_space<vmem>>) semaphore(%arg12 : memref<!tpu.dma_semaphore, #tpu.memory_space<semaphore_mem>>)
      %scan3A_38 = arith.constant 0 : i32
      %scan3A_39 = arith.constant 0 : i32
      %scan3A_40 = arith.constant 4 : i32
      %scan3A_41 = arith.addi %scan3A_39, %scan3A_40 : i32
      %scan3A_42 = arith.constant 1 : i32
      scf.for %scan3A_333 = %scan3A_39 to %scan3A_41 step %scan3A_42  : i32 {
        %mul3A_334 = arith.constant 2 : i32
        %mul3A_335 = arith.muli %mul3A_334, %scan3A_333 : i32
        %add3A_336 = arith.constant 1 : i32
        %add3A_337 = arith.addi %mul3A_335, %add3A_336 : i32
        %dma_start3A_338 = arith.constant 0 : i32
        %dma_start3A_339 = tpu.memref_slice %arg7[%add3A_337, %dma_start3A_338] : memref<8x128xi32, #tpu.memory_space<vmem>> -> memref<1x128xi32, #tpu.memory_space<vmem>>
        %dma_start3A_340 = tpu.memref_squeeze %dma_start3A_339 : memref<1x128xi32, #tpu.memory_space<vmem>> -> memref<128xi32, #tpu.memory_space<vmem>>
        %dma_start3A_341 = arith.constant 0 : i32
        %dma_start3A_342 = arith.constant 0 : i32
        %dma_start3A_343 = tpu.memref_slice %arg2[%dma_start3A_341, %dma_start3A_342] : memref<10000x128xf32, #tpu.memory_space<hbm>> -> memref<10000x128xf32, #tpu.memory_space<hbm>>
        tpu.enqueue_indirect_dma source(%dma_start3A_343 : memref<10000x128xf32, #tpu.memory_space<hbm>>) target(%arg10 : memref<128x128xf32, #tpu.memory_space<vmem>>) offsets(%dma_start3A_340 : memref<128xi32, #tpu.memory_space<vmem>>) semaphore(%arg13 : memref<!tpu.dma_semaphore, #tpu.memory_space<semaphore_mem>>)
        %dma_wait3A = arith.constant 0 : i32
        %dma_wait3A_344 = tpu.memref_slice %arg7[%mul3A_335, %dma_wait3A] : memref<8x128xi32, #tpu.memory_space<vmem>> -> memref<1x128xi32, #tpu.memory_space<vmem>>
        %dma_wait3A_345 = tpu.memref_squeeze %dma_wait3A_344 : memref<1x128xi32, #tpu.memory_space<vmem>> -> memref<128xi32, #tpu.memory_space<vmem>>
        %dma_wait3A_346 = arith.constant 0 : i32
        %dma_wait3A_347 = arith.constant 0 : i32
        %dma_wait3A_348 = tpu.memref_slice %arg2[%dma_wait3A_346, %dma_wait3A_347] : memref<10000x128xf32, #tpu.memory_space<hbm>> -> memref<10000x128xf32, #tpu.memory_space<hbm>>
        tpu.wait_indirect_dma semaphore(%arg12 : memref<!tpu.dma_semaphore, #tpu.memory_space<semaphore_mem>>) src(%dma_wait3A_348 : memref<10000x128xf32, #tpu.memory_space<hbm>>) dst(%arg9 : memref<128x128xf32, #tpu.memory_space<vmem>>)
        "tpu.region"() ({
          %run_scoped3A = tpu.sem_alloc : memref<!tpu.dma_semaphore, #tpu.memory_space<semaphore_mem>>
          %dma_start3A_363 = arith.constant 0 : i32
          %dma_start3A_364 = tpu.memref_slice %arg8[%mul3A_335, %dma_start3A_363] : memref<8x128xi32, #tpu.memory_space<vmem>> -> memref<1x128xi32, #tpu.memory_space<vmem>>
          %dma_start3A_365 = tpu.memref_squeeze %dma_start3A_364 : memref<1x128xi32, #tpu.memory_space<vmem>> -> memref<128xi32, #tpu.memory_space<vmem>>
          %dma_start3A_366 = arith.constant 0 : i32
          %dma_start3A_367 = arith.constant 0 : i32
          %dma_start3A_368 = tpu.memref_slice %arg11[%dma_start3A_366, %dma_start3A_367] : memref<10008x128xf32, #tpu.memory_space<vmem_shared>> -> memref<10008x128xf32, #tpu.memory_space<vmem_shared>>
          tpu.enqueue_indirect_dma source(%arg9 : memref<128x128xf32, #tpu.memory_space<vmem>>) target(%dma_start3A_368 : memref<10008x128xf32, #tpu.memory_space<vmem_shared>>) offsets(%dma_start3A_365 : memref<128xi32, #tpu.memory_space<vmem>>) semaphore(%run_scoped3A : memref<!tpu.dma_semaphore, #tpu.memory_space<semaphore_mem>>) {add = true}
          %dma_wait3A_369 = arith.constant 0 : i32
          %dma_wait3A_370 = tpu.memref_slice %arg8[%mul3A_335, %dma_wait3A_369] : memref<8x128xi32, #tpu.memory_space<vmem>> -> memref<1x128xi32, #tpu.memory_space<vmem>>
          %dma_wait3A_371 = tpu.memref_squeeze %dma_wait3A_370 : memref<1x128xi32, #tpu.memory_space<vmem>> -> memref<128xi32, #tpu.memory_space<vmem>>
          %dma_wait3A_372 = arith.constant 0 : i32
          %dma_wait3A_373 = arith.constant 0 : i32
          %dma_wait3A_374 = tpu.memref_slice %arg11[%dma_wait3A_372, %dma_wait3A_373] : memref<10008x128xf32, #tpu.memory_space<vmem_shared>> -> memref<10008x128xf32, #tpu.memory_space<vmem_shared>>
          tpu.wait_indirect_dma semaphore(%run_scoped3A : memref<!tpu.dma_semaphore, #tpu.memory_space<semaphore_mem>>) src(%arg9 : memref<128x128xf32, #tpu.memory_space<vmem>>) dst(%dma_wait3A_374 : memref<10008x128xf32, #tpu.memory_space<vmem_shared>>)
          tpu.yield
        }) : () -> ()
        %lt3A = arith.constant 3 : i32
        %lt3A_349 = arith.cmpi slt, %scan3A_333, %lt3A : i32
        %convert_element_type3A_350 = arith.extui %lt3A_349 : i1 to i32
        %cond3A_351 = arith.constant 0 : i32
        %cond3A_352 = arith.cmpi ne, %convert_element_type3A_350, %cond3A_351 : i32
        scf.if %cond3A_352 {
          %add3A_363 = arith.constant 2 : i32
          %add3A_364 = arith.addi %mul3A_335, %add3A_363 : i32
          %dma_start3A_365 = arith.constant 0 : i32
          %dma_start3A_366 = tpu.memref_slice %arg7[%add3A_364, %dma_start3A_365] : memref<8x128xi32, #tpu.memory_space<vmem>> -> memref<1x128xi32, #tpu.memory_space<vmem>>
          %dma_start3A_367 = tpu.memref_squeeze %dma_start3A_366 : memref<1x128xi32, #tpu.memory_space<vmem>> -> memref<128xi32, #tpu.memory_space<vmem>>
          %dma_start3A_368 = arith.constant 0 : i32
          %dma_start3A_369 = arith.constant 0 : i32
          %dma_start3A_370 = tpu.memref_slice %arg2[%dma_start3A_368, %dma_start3A_369] : memref<10000x128xf32, #tpu.memory_space<hbm>> -> memref<10000x128xf32, #tpu.memory_space<hbm>>
          tpu.enqueue_indirect_dma source(%dma_start3A_370 : memref<10000x128xf32, #tpu.memory_space<hbm>>) target(%arg9 : memref<128x128xf32, #tpu.memory_space<vmem>>) offsets(%dma_start3A_367 : memref<128xi32, #tpu.memory_space<vmem>>) semaphore(%arg12 : memref<!tpu.dma_semaphore, #tpu.memory_space<semaphore_mem>>)
        } else {
        }
        %add3A_353 = arith.constant 1 : i32
        %add3A_354 = arith.addi %mul3A_335, %add3A_353 : i32
        %dma_wait3A_355 = arith.constant 0 : i32
        %dma_wait3A_356 = tpu.memref_slice %arg7[%add3A_354, %dma_wait3A_355] : memref<8x128xi32, #tpu.memory_space<vmem>> -> memref<1x128xi32, #tpu.memory_space<vmem>>
        %dma_wait3A_357 = tpu.memref_squeeze %dma_wait3A_356 : memref<1x128xi32, #tpu.memory_space<vmem>> -> memref<128xi32, #tpu.memory_space<vmem>>
        %dma_wait3A_358 = arith.constant 0 : i32
        %dma_wait3A_359 = arith.constant 0 : i32
        %dma_wait3A_360 = tpu.memref_slice %arg2[%dma_wait3A_358, %dma_wait3A_359] : memref<10000x128xf32, #tpu.memory_space<hbm>> -> memref<10000x128xf32, #tpu.memory_space<hbm>>
        tpu.wait_indirect_dma semaphore(%arg13 : memref<!tpu.dma_semaphore, #tpu.memory_space<semaphore_mem>>) src(%dma_wait3A_360 : memref<10000x128xf32, #tpu.memory_space<hbm>>) dst(%arg10 : memref<128x128xf32, #tpu.memory_space<vmem>>)
        %add3A_361 = arith.constant 1 : i32
        %add3A_362 = arith.addi %mul3A_335, %add3A_361 : i32
        "tpu.region"() ({
          %run_scoped3A = tpu.sem_alloc : memref<!tpu.dma_semaphore, #tpu.memory_space<semaphore_mem>>
          %dma_start3A_363 = arith.constant 0 : i32
          %dma_start3A_364 = tpu.memref_slice %arg8[%add3A_362, %dma_start3A_363] : memref<8x128xi32, #tpu.memory_space<vmem>> -> memref<1x128xi32, #tpu.memory_space<vmem>>
          %dma_start3A_365 = tpu.memref_squeeze %dma_start3A_364 : memref<1x128xi32, #tpu.memory_space<vmem>> -> memref<128xi32, #tpu.memory_space<vmem>>
          %dma_start3A_366 = arith.constant 0 : i32
          %dma_start3A_367 = arith.constant 0 : i32
          %dma_start3A_368 = tpu.memref_slice %arg11[%dma_start3A_366, %dma_start3A_367] : memref<10008x128xf32, #tpu.memory_space<vmem_shared>> -> memref<10008x128xf32, #tpu.memory_space<vmem_shared>>
          tpu.enqueue_indirect_dma source(%arg10 : memref<128x128xf32, #tpu.memory_space<vmem>>) target(%dma_start3A_368 : memref<10008x128xf32, #tpu.memory_space<vmem_shared>>) offsets(%dma_start3A_365 : memref<128xi32, #tpu.memory_space<vmem>>) semaphore(%run_scoped3A : memref<!tpu.dma_semaphore, #tpu.memory_space<semaphore_mem>>) {add = true}
          %dma_wait3A_369 = arith.constant 0 : i32
          %dma_wait3A_370 = tpu.memref_slice %arg8[%add3A_362, %dma_wait3A_369] : memref<8x128xi32, #tpu.memory_space<vmem>> -> memref<1x128xi32, #tpu.memory_space<vmem>>
          %dma_wait3A_371 = tpu.memref_squeeze %dma_wait3A_370 : memref<1x128xi32, #tpu.memory_space<vmem>> -> memref<128xi32, #tpu.memory_space<vmem>>
          %dma_wait3A_372 = arith.constant 0 : i32
          %dma_wait3A_373 = arith.constant 0 : i32
          %dma_wait3A_374 = tpu.memref_slice %arg11[%dma_wait3A_372, %dma_wait3A_373] : memref<10008x128xf32, #tpu.memory_space<vmem_shared>> -> memref<10008x128xf32, #tpu.memory_space<vmem_shared>>
          tpu.wait_indirect_dma semaphore(%run_scoped3A : memref<!tpu.dma_semaphore, #tpu.memory_space<semaphore_mem>>) src(%arg10 : memref<128x128xf32, #tpu.memory_space<vmem>>) dst(%dma_wait3A_374 : memref<10008x128xf32, #tpu.memory_space<vmem_shared>>)
          tpu.yield
        }) : () -> ()
      }
      %scan3A_43 = arith.constant 4 : i32
      %mul3A_44 = arith.constant 152 : i32
      %mul3A_45 = arith.muli %arg1, %mul3A_44 : i32
      %add3A_46 = arith.constant 16 : i32
      %add3A_47 = arith.addi %mul3A_45, %add3A_46 : i32
      "tpu.region"() ({
        %run_scoped3A = tpu.sem_alloc : memref<!tpu.dma_semaphore, #tpu.memory_space<semaphore_mem>>
        %dma_start3A_333 = arith.constant 0 : i32
        %dma_start3A_334 = tpu.memref_slice %arg3[%add3A_47, %dma_start3A_333] : memref<2560x128xi32, #tpu.memory_space<hbm>> -> memref<8x128xi32, #tpu.memory_space<hbm>>
        %dma_start3A_335 = arith.constant 0 : i32
        %dma_start3A_336 = tpu.memref_slice %arg3[%add3A_47, %dma_start3A_335] : memref<2560x128xi32, #tpu.memory_space<hbm>> -> memref<8x128xi32, #tpu.memory_space<hbm>>
        tpu.enqueue_dma source(%dma_start3A_336 : memref<8x128xi32, #tpu.memory_space<hbm>>) target(%arg7 : memref<8x128xi32, #tpu.memory_space<vmem>>) target_semaphore(%run_scoped3A : memref<!tpu.dma_semaphore, #tpu.memory_space<semaphore_mem>>)
        %dma_wait3A = arith.constant 0 : i32
        %dma_wait3A_337 = tpu.memref_slice %arg3[%add3A_47, %dma_wait3A] : memref<2560x128xi32, #tpu.memory_space<hbm>> -> memref<8x128xi32, #tpu.memory_space<hbm>>
        %dma_wait3A_338 = arith.constant 0 : i32
        %dma_wait3A_339 = tpu.memref_slice %arg3[%add3A_47, %dma_wait3A_338] : memref<2560x128xi32, #tpu.memory_space<hbm>> -> memref<8x128xi32, #tpu.memory_space<hbm>>
        tpu.wait_dma2 semaphore(%run_scoped3A : memref<!tpu.dma_semaphore, #tpu.memory_space<semaphore_mem>>) src(%dma_wait3A_339 : memref<8x128xi32, #tpu.memory_space<hbm>>) dst(%arg7 : memref<8x128xi32, #tpu.memory_space<vmem>>)
        tpu.yield
      }) : () -> ()
      "tpu.region"() ({
        %run_scoped3A = tpu.sem_alloc : memref<!tpu.dma_semaphore, #tpu.memory_space<semaphore_mem>>
        %dma_start3A_333 = arith.constant 0 : i32
        %dma_start3A_334 = tpu.memref_slice %arg4[%add3A_47, %dma_start3A_333] : memref<2560x128xi32, #tpu.memory_space<hbm>> -> memref<8x128xi32, #tpu.memory_space<hbm>>
        %dma_start3A_335 = arith.constant 0 : i32
        %dma_start3A_336 = tpu.memref_slice %arg4[%add3A_47, %dma_start3A_335] : memref<2560x128xi32, #tpu.memory_space<hbm>> -> memref<8x128xi32, #tpu.memory_space<hbm>>
        tpu.enqueue_dma source(%dma_start3A_336 : memref<8x128xi32, #tpu.memory_space<hbm>>) target(%arg8 : memref<8x128xi32, #tpu.memory_space<vmem>>) target_semaphore(%run_scoped3A : memref<!tpu.dma_semaphore, #tpu.memory_space<semaphore_mem>>)
        %dma_wait3A = arith.constant 0 : i32
        %dma_wait3A_337 = tpu.memref_slice %arg4[%add3A_47, %dma_wait3A] : memref<2560x128xi32, #tpu.memory_space<hbm>> -> memref<8x128xi32, #tpu.memory_space<hbm>>
        %dma_wait3A_338 = arith.constant 0 : i32
        %dma_wait3A_339 = tpu.memref_slice %arg4[%add3A_47, %dma_wait3A_338] : memref<2560x128xi32, #tpu.memory_space<hbm>> -> memref<8x128xi32, #tpu.memory_space<hbm>>
        tpu.wait_dma2 semaphore(%run_scoped3A : memref<!tpu.dma_semaphore, #tpu.memory_space<semaphore_mem>>) src(%dma_wait3A_339 : memref<8x128xi32, #tpu.memory_space<hbm>>) dst(%arg8 : memref<8x128xi32, #tpu.memory_space<vmem>>)
        tpu.yield
      }) : () -> ()
      %dma_start3A_48 = arith.constant 0 : i32
      %dma_start3A_49 = arith.constant 0 : i32
      %dma_start3A_50 = tpu.memref_slice %arg7[%dma_start3A_48, %dma_start3A_49] : memref<8x128xi32, #tpu.memory_space<vmem>> -> memref<1x128xi32, #tpu.memory_space<vmem>>
      %dma_start3A_51 = tpu.memref_squeeze %dma_start3A_50 : memref<1x128xi32, #tpu.memory_space<vmem>> -> memref<128xi32, #tpu.memory_space<vmem>>
      %dma_start3A_52 = arith.constant 0 : i32
      %dma_start3A_53 = arith.constant 0 : i32
      %dma_start3A_54 = tpu.memref_slice %arg2[%dma_start3A_52, %dma_start3A_53] : memref<10000x128xf32, #tpu.memory_space<hbm>> -> memref<10000x128xf32, #tpu.memory_space<hbm>>
      tpu.enqueue_indirect_dma source(%dma_start3A_54 : memref<10000x128xf32, #tpu.memory_space<hbm>>) target(%arg9 : memref<128x128xf32, #tpu.memory_space<vmem>>) offsets(%dma_start3A_51 : memref<128xi32, #tpu.memory_space<vmem>>) semaphore(%arg12 : memref<!tpu.dma_semaphore, #tpu.memory_space<semaphore_mem>>)
      %scan3A_55 = arith.constant 0 : i32
      %scan3A_56 = arith.constant 0 : i32
      %scan3A_57 = arith.constant 4 : i32
      %scan3A_58 = arith.addi %scan3A_56, %scan3A_57 : i32
      %scan3A_59 = arith.constant 1 : i32
      scf.for %scan3A_333 = %scan3A_56 to %scan3A_58 step %scan3A_59  : i32 {
        %mul3A_334 = arith.constant 2 : i32
        %mul3A_335 = arith.muli %mul3A_334, %scan3A_333 : i32
        %add3A_336 = arith.constant 1 : i32
        %add3A_337 = arith.addi %mul3A_335, %add3A_336 : i32
        %dma_start3A_338 = arith.constant 0 : i32
        %dma_start3A_339 = tpu.memref_slice %arg7[%add3A_337, %dma_start3A_338] : memref<8x128xi32, #tpu.memory_space<vmem>> -> memref<1x128xi32, #tpu.memory_space<vmem>>
        %dma_start3A_340 = tpu.memref_squeeze %dma_start3A_339 : memref<1x128xi32, #tpu.memory_space<vmem>> -> memref<128xi32, #tpu.memory_space<vmem>>
        %dma_start3A_341 = arith.constant 0 : i32
        %dma_start3A_342 = arith.constant 0 : i32
        %dma_start3A_343 = tpu.memref_slice %arg2[%dma_start3A_341, %dma_start3A_342] : memref<10000x128xf32, #tpu.memory_space<hbm>> -> memref<10000x128xf32, #tpu.memory_space<hbm>>
        tpu.enqueue_indirect_dma source(%dma_start3A_343 : memref<10000x128xf32, #tpu.memory_space<hbm>>) target(%arg10 : memref<128x128xf32, #tpu.memory_space<vmem>>) offsets(%dma_start3A_340 : memref<128xi32, #tpu.memory_space<vmem>>) semaphore(%arg13 : memref<!tpu.dma_semaphore, #tpu.memory_space<semaphore_mem>>)
        %dma_wait3A = arith.constant 0 : i32
        %dma_wait3A_344 = tpu.memref_slice %arg7[%mul3A_335, %dma_wait3A] : memref<8x128xi32, #tpu.memory_space<vmem>> -> memref<1x128xi32, #tpu.memory_space<vmem>>
        %dma_wait3A_345 = tpu.memref_squeeze %dma_wait3A_344 : memref<1x128xi32, #tpu.memory_space<vmem>> -> memref<128xi32, #tpu.memory_space<vmem>>
        %dma_wait3A_346 = arith.constant 0 : i32
        %dma_wait3A_347 = arith.constant 0 : i32
        %dma_wait3A_348 = tpu.memref_slice %arg2[%dma_wait3A_346, %dma_wait3A_347] : memref<10000x128xf32, #tpu.memory_space<hbm>> -> memref<10000x128xf32, #tpu.memory_space<hbm>>
        tpu.wait_indirect_dma semaphore(%arg12 : memref<!tpu.dma_semaphore, #tpu.memory_space<semaphore_mem>>) src(%dma_wait3A_348 : memref<10000x128xf32, #tpu.memory_space<hbm>>) dst(%arg9 : memref<128x128xf32, #tpu.memory_space<vmem>>)
        "tpu.region"() ({
          %run_scoped3A = tpu.sem_alloc : memref<!tpu.dma_semaphore, #tpu.memory_space<semaphore_mem>>
          %dma_start3A_363 = arith.constant 0 : i32
          %dma_start3A_364 = tpu.memref_slice %arg8[%mul3A_335, %dma_start3A_363] : memref<8x128xi32, #tpu.memory_space<vmem>> -> memref<1x128xi32, #tpu.memory_space<vmem>>
          %dma_start3A_365 = tpu.memref_squeeze %dma_start3A_364 : memref<1x128xi32, #tpu.memory_space<vmem>> -> memref<128xi32, #tpu.memory_space<vmem>>
          %dma_start3A_366 = arith.constant 0 : i32
          %dma_start3A_367 = arith.constant 0 : i32
          %dma_start3A_368 = tpu.memref_slice %arg11[%dma_start3A_366, %dma_start3A_367] : memref<10008x128xf32, #tpu.memory_space<vmem_shared>> -> memref<10008x128xf32, #tpu.memory_space<vmem_shared>>
          tpu.enqueue_indirect_dma source(%arg9 : memref<128x128xf32, #tpu.memory_space<vmem>>) target(%dma_start3A_368 : memref<10008x128xf32, #tpu.memory_space<vmem_shared>>) offsets(%dma_start3A_365 : memref<128xi32, #tpu.memory_space<vmem>>) semaphore(%run_scoped3A : memref<!tpu.dma_semaphore, #tpu.memory_space<semaphore_mem>>) {add = true}
          %dma_wait3A_369 = arith.constant 0 : i32
          %dma_wait3A_370 = tpu.memref_slice %arg8[%mul3A_335, %dma_wait3A_369] : memref<8x128xi32, #tpu.memory_space<vmem>> -> memref<1x128xi32, #tpu.memory_space<vmem>>
          %dma_wait3A_371 = tpu.memref_squeeze %dma_wait3A_370 : memref<1x128xi32, #tpu.memory_space<vmem>> -> memref<128xi32, #tpu.memory_space<vmem>>
          %dma_wait3A_372 = arith.constant 0 : i32
          %dma_wait3A_373 = arith.constant 0 : i32
          %dma_wait3A_374 = tpu.memref_slice %arg11[%dma_wait3A_372, %dma_wait3A_373] : memref<10008x128xf32, #tpu.memory_space<vmem_shared>> -> memref<10008x128xf32, #tpu.memory_space<vmem_shared>>
          tpu.wait_indirect_dma semaphore(%run_scoped3A : memref<!tpu.dma_semaphore, #tpu.memory_space<semaphore_mem>>) src(%arg9 : memref<128x128xf32, #tpu.memory_space<vmem>>) dst(%dma_wait3A_374 : memref<10008x128xf32, #tpu.memory_space<vmem_shared>>)
          tpu.yield
        }) : () -> ()
        %lt3A = arith.constant 3 : i32
        %lt3A_349 = arith.cmpi slt, %scan3A_333, %lt3A : i32
        %convert_element_type3A_350 = arith.extui %lt3A_349 : i1 to i32
        %cond3A_351 = arith.constant 0 : i32
        %cond3A_352 = arith.cmpi ne, %convert_element_type3A_350, %cond3A_351 : i32
        scf.if %cond3A_352 {
          %add3A_363 = arith.constant 2 : i32
          %add3A_364 = arith.addi %mul3A_335, %add3A_363 : i32
          %dma_start3A_365 = arith.constant 0 : i32
          %dma_start3A_366 = tpu.memref_slice %arg7[%add3A_364, %dma_start3A_365] : memref<8x128xi32, #tpu.memory_space<vmem>> -> memref<1x128xi32, #tpu.memory_space<vmem>>
          %dma_start3A_367 = tpu.memref_squeeze %dma_start3A_366 : memref<1x128xi32, #tpu.memory_space<vmem>> -> memref<128xi32, #tpu.memory_space<vmem>>
          %dma_start3A_368 = arith.constant 0 : i32
          %dma_start3A_369 = arith.constant 0 : i32
          %dma_start3A_370 = tpu.memref_slice %arg2[%dma_start3A_368, %dma_start3A_369] : memref<10000x128xf32, #tpu.memory_space<hbm>> -> memref<10000x128xf32, #tpu.memory_space<hbm>>
          tpu.enqueue_indirect_dma source(%dma_start3A_370 : memref<10000x128xf32, #tpu.memory_space<hbm>>) target(%arg9 : memref<128x128xf32, #tpu.memory_space<vmem>>) offsets(%dma_start3A_367 : memref<128xi32, #tpu.memory_space<vmem>>) semaphore(%arg12 : memref<!tpu.dma_semaphore, #tpu.memory_space<semaphore_mem>>)
        } else {
        }
        %add3A_353 = arith.constant 1 : i32
        %add3A_354 = arith.addi %mul3A_335, %add3A_353 : i32
        %dma_wait3A_355 = arith.constant 0 : i32
        %dma_wait3A_356 = tpu.memref_slice %arg7[%add3A_354, %dma_wait3A_355] : memref<8x128xi32, #tpu.memory_space<vmem>> -> memref<1x128xi32, #tpu.memory_space<vmem>>
        %dma_wait3A_357 = tpu.memref_squeeze %dma_wait3A_356 : memref<1x128xi32, #tpu.memory_space<vmem>> -> memref<128xi32, #tpu.memory_space<vmem>>
        %dma_wait3A_358 = arith.constant 0 : i32
        %dma_wait3A_359 = arith.constant 0 : i32
        %dma_wait3A_360 = tpu.memref_slice %arg2[%dma_wait3A_358, %dma_wait3A_359] : memref<10000x128xf32, #tpu.memory_space<hbm>> -> memref<10000x128xf32, #tpu.memory_space<hbm>>
        tpu.wait_indirect_dma semaphore(%arg13 : memref<!tpu.dma_semaphore, #tpu.memory_space<semaphore_mem>>) src(%dma_wait3A_360 : memref<10000x128xf32, #tpu.memory_space<hbm>>) dst(%arg10 : memref<128x128xf32, #tpu.memory_space<vmem>>)
        %add3A_361 = arith.constant 1 : i32
        %add3A_362 = arith.addi %mul3A_335, %add3A_361 : i32
        "tpu.region"() ({
          %run_scoped3A = tpu.sem_alloc : memref<!tpu.dma_semaphore, #tpu.memory_space<semaphore_mem>>
          %dma_start3A_363 = arith.constant 0 : i32
          %dma_start3A_364 = tpu.memref_slice %arg8[%add3A_362, %dma_start3A_363] : memref<8x128xi32, #tpu.memory_space<vmem>> -> memref<1x128xi32, #tpu.memory_space<vmem>>
          %dma_start3A_365 = tpu.memref_squeeze %dma_start3A_364 : memref<1x128xi32, #tpu.memory_space<vmem>> -> memref<128xi32, #tpu.memory_space<vmem>>
          %dma_start3A_366 = arith.constant 0 : i32
          %dma_start3A_367 = arith.constant 0 : i32
          %dma_start3A_368 = tpu.memref_slice %arg11[%dma_start3A_366, %dma_start3A_367] : memref<10008x128xf32, #tpu.memory_space<vmem_shared>> -> memref<10008x128xf32, #tpu.memory_space<vmem_shared>>
          tpu.enqueue_indirect_dma source(%arg10 : memref<128x128xf32, #tpu.memory_space<vmem>>) target(%dma_start3A_368 : memref<10008x128xf32, #tpu.memory_space<vmem_shared>>) offsets(%dma_start3A_365 : memref<128xi32, #tpu.memory_space<vmem>>) semaphore(%run_scoped3A : memref<!tpu.dma_semaphore, #tpu.memory_space<semaphore_mem>>) {add = true}
          %dma_wait3A_369 = arith.constant 0 : i32
          %dma_wait3A_370 = tpu.memref_slice %arg8[%add3A_362, %dma_wait3A_369] : memref<8x128xi32, #tpu.memory_space<vmem>> -> memref<1x128xi32, #tpu.memory_space<vmem>>
          %dma_wait3A_371 = tpu.memref_squeeze %dma_wait3A_370 : memref<1x128xi32, #tpu.memory_space<vmem>> -> memref<128xi32, #tpu.memory_space<vmem>>
          %dma_wait3A_372 = arith.constant 0 : i32
          %dma_wait3A_373 = arith.constant 0 : i32
          %dma_wait3A_374 = tpu.memref_slice %arg11[%dma_wait3A_372, %dma_wait3A_373] : memref<10008x128xf32, #tpu.memory_space<vmem_shared>> -> memref<10008x128xf32, #tpu.memory_space<vmem_shared>>
          tpu.wait_indirect_dma semaphore(%run_scoped3A : memref<!tpu.dma_semaphore, #tpu.memory_space<semaphore_mem>>) src(%arg10 : memref<128x128xf32, #tpu.memory_space<vmem>>) dst(%dma_wait3A_374 : memref<10008x128xf32, #tpu.memory_space<vmem_shared>>)
          tpu.yield
        }) : () -> ()
      }
      %scan3A_60 = arith.constant 4 : i32
      %mul3A_61 = arith.constant 152 : i32
      %mul3A_62 = arith.muli %arg1, %mul3A_61 : i32
      %add3A_63 = arith.constant 24 : i32
      %add3A_64 = arith.addi %mul3A_62, %add3A_63 : i32
      "tpu.region"() ({
        %run_scoped3A = tpu.sem_alloc : memref<!tpu.dma_semaphore, #tpu.memory_space<semaphore_mem>>
        %dma_start3A_333 = arith.constant 0 : i32
        %dma_start3A_334 = tpu.memref_slice %arg3[%add3A_64, %dma_start3A_333] : memref<2560x128xi32, #tpu.memory_space<hbm>> -> memref<8x128xi32, #tpu.memory_space<hbm>>
        %dma_start3A_335 = arith.constant 0 : i32
        %dma_start3A_336 = tpu.memref_slice %arg3[%add3A_64, %dma_start3A_335] : memref<2560x128xi32, #tpu.memory_space<hbm>> -> memref<8x128xi32, #tpu.memory_space<hbm>>
        tpu.enqueue_dma source(%dma_start3A_336 : memref<8x128xi32, #tpu.memory_space<hbm>>) target(%arg7 : memref<8x128xi32, #tpu.memory_space<vmem>>) target_semaphore(%run_scoped3A : memref<!tpu.dma_semaphore, #tpu.memory_space<semaphore_mem>>)
        %dma_wait3A = arith.constant 0 : i32
        %dma_wait3A_337 = tpu.memref_slice %arg3[%add3A_64, %dma_wait3A] : memref<2560x128xi32, #tpu.memory_space<hbm>> -> memref<8x128xi32, #tpu.memory_space<hbm>>
        %dma_wait3A_338 = arith.constant 0 : i32
        %dma_wait3A_339 = tpu.memref_slice %arg3[%add3A_64, %dma_wait3A_338] : memref<2560x128xi32, #tpu.memory_space<hbm>> -> memref<8x128xi32, #tpu.memory_space<hbm>>
        tpu.wait_dma2 semaphore(%run_scoped3A : memref<!tpu.dma_semaphore, #tpu.memory_space<semaphore_mem>>) src(%dma_wait3A_339 : memref<8x128xi32, #tpu.memory_space<hbm>>) dst(%arg7 : memref<8x128xi32, #tpu.memory_space<vmem>>)
        tpu.yield
      }) : () -> ()
      "tpu.region"() ({
        %run_scoped3A = tpu.sem_alloc : memref<!tpu.dma_semaphore, #tpu.memory_space<semaphore_mem>>
        %dma_start3A_333 = arith.constant 0 : i32
        %dma_start3A_334 = tpu.memref_slice %arg4[%add3A_64, %dma_start3A_333] : memref<2560x128xi32, #tpu.memory_space<hbm>> -> memref<8x128xi32, #tpu.memory_space<hbm>>
        %dma_start3A_335 = arith.constant 0 : i32
        %dma_start3A_336 = tpu.memref_slice %arg4[%add3A_64, %dma_start3A_335] : memref<2560x128xi32, #tpu.memory_space<hbm>> -> memref<8x128xi32, #tpu.memory_space<hbm>>
        tpu.enqueue_dma source(%dma_start3A_336 : memref<8x128xi32, #tpu.memory_space<hbm>>) target(%arg8 : memref<8x128xi32, #tpu.memory_space<vmem>>) target_semaphore(%run_scoped3A : memref<!tpu.dma_semaphore, #tpu.memory_space<semaphore_mem>>)
        %dma_wait3A = arith.constant 0 : i32
        %dma_wait3A_337 = tpu.memref_slice %arg4[%add3A_64, %dma_wait3A] : memref<2560x128xi32, #tpu.memory_space<hbm>> -> memref<8x128xi32, #tpu.memory_space<hbm>>
        %dma_wait3A_338 = arith.constant 0 : i32
        %dma_wait3A_339 = tpu.memref_slice %arg4[%add3A_64, %dma_wait3A_338] : memref<2560x128xi32, #tpu.memory_space<hbm>> -> memref<8x128xi32, #tpu.memory_space<hbm>>
        tpu.wait_dma2 semaphore(%run_scoped3A : memref<!tpu.dma_semaphore, #tpu.memory_space<semaphore_mem>>) src(%dma_wait3A_339 : memref<8x128xi32, #tpu.memory_space<hbm>>) dst(%arg8 : memref<8x128xi32, #tpu.memory_space<vmem>>)
        tpu.yield
      }) : () -> ()
      %dma_start3A_65 = arith.constant 0 : i32
      %dma_start3A_66 = arith.constant 0 : i32
      %dma_start3A_67 = tpu.memref_slice %arg7[%dma_start3A_65, %dma_start3A_66] : memref<8x128xi32, #tpu.memory_space<vmem>> -> memref<1x128xi32, #tpu.memory_space<vmem>>
      %dma_start3A_68 = tpu.memref_squeeze %dma_start3A_67 : memref<1x128xi32, #tpu.memory_space<vmem>> -> memref<128xi32, #tpu.memory_space<vmem>>
      %dma_start3A_69 = arith.constant 0 : i32
      %dma_start3A_70 = arith.constant 0 : i32
      %dma_start3A_71 = tpu.memref_slice %arg2[%dma_start3A_69, %dma_start3A_70] : memref<10000x128xf32, #tpu.memory_space<hbm>> -> memref<10000x128xf32, #tpu.memory_space<hbm>>
      tpu.enqueue_indirect_dma source(%dma_start3A_71 : memref<10000x128xf32, #tpu.memory_space<hbm>>) target(%arg9 : memref<128x128xf32, #tpu.memory_space<vmem>>) offsets(%dma_start3A_68 : memref<128xi32, #tpu.memory_space<vmem>>) semaphore(%arg12 : memref<!tpu.dma_semaphore, #tpu.memory_space<semaphore_mem>>)
      %scan3A_72 = arith.constant 0 : i32
      %scan3A_73 = arith.constant 0 : i32
      %scan3A_74 = arith.constant 4 : i32
      %scan3A_75 = arith.addi %scan3A_73, %scan3A_74 : i32
      %scan3A_76 = arith.constant 1 : i32
      scf.for %scan3A_333 = %scan3A_73 to %scan3A_75 step %scan3A_76  : i32 {
        %mul3A_334 = arith.constant 2 : i32
        %mul3A_335 = arith.muli %mul3A_334, %scan3A_333 : i32
        %add3A_336 = arith.constant 1 : i32
        %add3A_337 = arith.addi %mul3A_335, %add3A_336 : i32
        %dma_start3A_338 = arith.constant 0 : i32
        %dma_start3A_339 = tpu.memref_slice %arg7[%add3A_337, %dma_start3A_338] : memref<8x128xi32, #tpu.memory_space<vmem>> -> memref<1x128xi32, #tpu.memory_space<vmem>>
        %dma_start3A_340 = tpu.memref_squeeze %dma_start3A_339 : memref<1x128xi32, #tpu.memory_space<vmem>> -> memref<128xi32, #tpu.memory_space<vmem>>
        %dma_start3A_341 = arith.constant 0 : i32
        %dma_start3A_342 = arith.constant 0 : i32
        %dma_start3A_343 = tpu.memref_slice %arg2[%dma_start3A_341, %dma_start3A_342] : memref<10000x128xf32, #tpu.memory_space<hbm>> -> memref<10000x128xf32, #tpu.memory_space<hbm>>
        tpu.enqueue_indirect_dma source(%dma_start3A_343 : memref<10000x128xf32, #tpu.memory_space<hbm>>) target(%arg10 : memref<128x128xf32, #tpu.memory_space<vmem>>) offsets(%dma_start3A_340 : memref<128xi32, #tpu.memory_space<vmem>>) semaphore(%arg13 : memref<!tpu.dma_semaphore, #tpu.memory_space<semaphore_mem>>)
        %dma_wait3A = arith.constant 0 : i32
        %dma_wait3A_344 = tpu.memref_slice %arg7[%mul3A_335, %dma_wait3A] : memref<8x128xi32, #tpu.memory_space<vmem>> -> memref<1x128xi32, #tpu.memory_space<vmem>>
        %dma_wait3A_345 = tpu.memref_squeeze %dma_wait3A_344 : memref<1x128xi32, #tpu.memory_space<vmem>> -> memref<128xi32, #tpu.memory_space<vmem>>
        %dma_wait3A_346 = arith.constant 0 : i32
        %dma_wait3A_347 = arith.constant 0 : i32
        %dma_wait3A_348 = tpu.memref_slice %arg2[%dma_wait3A_346, %dma_wait3A_347] : memref<10000x128xf32, #tpu.memory_space<hbm>> -> memref<10000x128xf32, #tpu.memory_space<hbm>>
        tpu.wait_indirect_dma semaphore(%arg12 : memref<!tpu.dma_semaphore, #tpu.memory_space<semaphore_mem>>) src(%dma_wait3A_348 : memref<10000x128xf32, #tpu.memory_space<hbm>>) dst(%arg9 : memref<128x128xf32, #tpu.memory_space<vmem>>)
        "tpu.region"() ({
          %run_scoped3A = tpu.sem_alloc : memref<!tpu.dma_semaphore, #tpu.memory_space<semaphore_mem>>
          %dma_start3A_363 = arith.constant 0 : i32
          %dma_start3A_364 = tpu.memref_slice %arg8[%mul3A_335, %dma_start3A_363] : memref<8x128xi32, #tpu.memory_space<vmem>> -> memref<1x128xi32, #tpu.memory_space<vmem>>
          %dma_start3A_365 = tpu.memref_squeeze %dma_start3A_364 : memref<1x128xi32, #tpu.memory_space<vmem>> -> memref<128xi32, #tpu.memory_space<vmem>>
          %dma_start3A_366 = arith.constant 0 : i32
          %dma_start3A_367 = arith.constant 0 : i32
          %dma_start3A_368 = tpu.memref_slice %arg11[%dma_start3A_366, %dma_start3A_367] : memref<10008x128xf32, #tpu.memory_space<vmem_shared>> -> memref<10008x128xf32, #tpu.memory_space<vmem_shared>>
          tpu.enqueue_indirect_dma source(%arg9 : memref<128x128xf32, #tpu.memory_space<vmem>>) target(%dma_start3A_368 : memref<10008x128xf32, #tpu.memory_space<vmem_shared>>) offsets(%dma_start3A_365 : memref<128xi32, #tpu.memory_space<vmem>>) semaphore(%run_scoped3A : memref<!tpu.dma_semaphore, #tpu.memory_space<semaphore_mem>>) {add = true}
          %dma_wait3A_369 = arith.constant 0 : i32
          %dma_wait3A_370 = tpu.memref_slice %arg8[%mul3A_335, %dma_wait3A_369] : memref<8x128xi32, #tpu.memory_space<vmem>> -> memref<1x128xi32, #tpu.memory_space<vmem>>
          %dma_wait3A_371 = tpu.memref_squeeze %dma_wait3A_370 : memref<1x128xi32, #tpu.memory_space<vmem>> -> memref<128xi32, #tpu.memory_space<vmem>>
          %dma_wait3A_372 = arith.constant 0 : i32
          %dma_wait3A_373 = arith.constant 0 : i32
          %dma_wait3A_374 = tpu.memref_slice %arg11[%dma_wait3A_372, %dma_wait3A_373] : memref<10008x128xf32, #tpu.memory_space<vmem_shared>> -> memref<10008x128xf32, #tpu.memory_space<vmem_shared>>
          tpu.wait_indirect_dma semaphore(%run_scoped3A : memref<!tpu.dma_semaphore, #tpu.memory_space<semaphore_mem>>) src(%arg9 : memref<128x128xf32, #tpu.memory_space<vmem>>) dst(%dma_wait3A_374 : memref<10008x128xf32, #tpu.memory_space<vmem_shared>>)
          tpu.yield
        }) : () -> ()
        %lt3A = arith.constant 3 : i32
        %lt3A_349 = arith.cmpi slt, %scan3A_333, %lt3A : i32
        %convert_element_type3A_350 = arith.extui %lt3A_349 : i1 to i32
        %cond3A_351 = arith.constant 0 : i32
        %cond3A_352 = arith.cmpi ne, %convert_element_type3A_350, %cond3A_351 : i32
        scf.if %cond3A_352 {
          %add3A_363 = arith.constant 2 : i32
          %add3A_364 = arith.addi %mul3A_335, %add3A_363 : i32
          %dma_start3A_365 = arith.constant 0 : i32
          %dma_start3A_366 = tpu.memref_slice %arg7[%add3A_364, %dma_start3A_365] : memref<8x128xi32, #tpu.memory_space<vmem>> -> memref<1x128xi32, #tpu.memory_space<vmem>>
          %dma_start3A_367 = tpu.memref_squeeze %dma_start3A_366 : memref<1x128xi32, #tpu.memory_space<vmem>> -> memref<128xi32, #tpu.memory_space<vmem>>
          %dma_start3A_368 = arith.constant 0 : i32
          %dma_start3A_369 = arith.constant 0 : i32
          %dma_start3A_370 = tpu.memref_slice %arg2[%dma_start3A_368, %dma_start3A_369] : memref<10000x128xf32, #tpu.memory_space<hbm>> -> memref<10000x128xf32, #tpu.memory_space<hbm>>
          tpu.enqueue_indirect_dma source(%dma_start3A_370 : memref<10000x128xf32, #tpu.memory_space<hbm>>) target(%arg9 : memref<128x128xf32, #tpu.memory_space<vmem>>) offsets(%dma_start3A_367 : memref<128xi32, #tpu.memory_space<vmem>>) semaphore(%arg12 : memref<!tpu.dma_semaphore, #tpu.memory_space<semaphore_mem>>)
        } else {
        }
        %add3A_353 = arith.constant 1 : i32
        %add3A_354 = arith.addi %mul3A_335, %add3A_353 : i32
        %dma_wait3A_355 = arith.constant 0 : i32
        %dma_wait3A_356 = tpu.memref_slice %arg7[%add3A_354, %dma_wait3A_355] : memref<8x128xi32, #tpu.memory_space<vmem>> -> memref<1x128xi32, #tpu.memory_space<vmem>>
        %dma_wait3A_357 = tpu.memref_squeeze %dma_wait3A_356 : memref<1x128xi32, #tpu.memory_space<vmem>> -> memref<128xi32, #tpu.memory_space<vmem>>
        %dma_wait3A_358 = arith.constant 0 : i32
        %dma_wait3A_359 = arith.constant 0 : i32
        %dma_wait3A_360 = tpu.memref_slice %arg2[%dma_wait3A_358, %dma_wait3A_359] : memref<10000x128xf32, #tpu.memory_space<hbm>> -> memref<10000x128xf32, #tpu.memory_space<hbm>>
        tpu.wait_indirect_dma semaphore(%arg13 : memref<!tpu.dma_semaphore, #tpu.memory_space<semaphore_mem>>) src(%dma_wait3A_360 : memref<10000x128xf32, #tpu.memory_space<hbm>>) dst(%arg10 : memref<128x128xf32, #tpu.memory_space<vmem>>)
        %add3A_361 = arith.constant 1 : i32
        %add3A_362 = arith.addi %mul3A_335, %add3A_361 : i32
        "tpu.region"() ({
          %run_scoped3A = tpu.sem_alloc : memref<!tpu.dma_semaphore, #tpu.memory_space<semaphore_mem>>
          %dma_start3A_363 = arith.constant 0 : i32
          %dma_start3A_364 = tpu.memref_slice %arg8[%add3A_362, %dma_start3A_363] : memref<8x128xi32, #tpu.memory_space<vmem>> -> memref<1x128xi32, #tpu.memory_space<vmem>>
          %dma_start3A_365 = tpu.memref_squeeze %dma_start3A_364 : memref<1x128xi32, #tpu.memory_space<vmem>> -> memref<128xi32, #tpu.memory_space<vmem>>
          %dma_start3A_366 = arith.constant 0 : i32
          %dma_start3A_367 = arith.constant 0 : i32
          %dma_start3A_368 = tpu.memref_slice %arg11[%dma_start3A_366, %dma_start3A_367] : memref<10008x128xf32, #tpu.memory_space<vmem_shared>> -> memref<10008x128xf32, #tpu.memory_space<vmem_shared>>
          tpu.enqueue_indirect_dma source(%arg10 : memref<128x128xf32, #tpu.memory_space<vmem>>) target(%dma_start3A_368 : memref<10008x128xf32, #tpu.memory_space<vmem_shared>>) offsets(%dma_start3A_365 : memref<128xi32, #tpu.memory_space<vmem>>) semaphore(%run_scoped3A : memref<!tpu.dma_semaphore, #tpu.memory_space<semaphore_mem>>) {add = true}
          %dma_wait3A_369 = arith.constant 0 : i32
          %dma_wait3A_370 = tpu.memref_slice %arg8[%add3A_362, %dma_wait3A_369] : memref<8x128xi32, #tpu.memory_space<vmem>> -> memref<1x128xi32, #tpu.memory_space<vmem>>
          %dma_wait3A_371 = tpu.memref_squeeze %dma_wait3A_370 : memref<1x128xi32, #tpu.memory_space<vmem>> -> memref<128xi32, #tpu.memory_space<vmem>>
          %dma_wait3A_372 = arith.constant 0 : i32
          %dma_wait3A_373 = arith.constant 0 : i32
          %dma_wait3A_374 = tpu.memref_slice %arg11[%dma_wait3A_372, %dma_wait3A_373] : memref<10008x128xf32, #tpu.memory_space<vmem_shared>> -> memref<10008x128xf32, #tpu.memory_space<vmem_shared>>
          tpu.wait_indirect_dma semaphore(%run_scoped3A : memref<!tpu.dma_semaphore, #tpu.memory_space<semaphore_mem>>) src(%arg10 : memref<128x128xf32, #tpu.memory_space<vmem>>) dst(%dma_wait3A_374 : memref<10008x128xf32, #tpu.memory_space<vmem_shared>>)
          tpu.yield
        }) : () -> ()
      }
      %scan3A_77 = arith.constant 4 : i32
      %mul3A_78 = arith.constant 152 : i32
      %mul3A_79 = arith.muli %arg1, %mul3A_78 : i32
      %add3A_80 = arith.constant 32 : i32
      %add3A_81 = arith.addi %mul3A_79, %add3A_80 : i32
      "tpu.region"() ({
        %run_scoped3A = tpu.sem_alloc : memref<!tpu.dma_semaphore, #tpu.memory_space<semaphore_mem>>
        %dma_start3A_333 = arith.constant 0 : i32
        %dma_start3A_334 = tpu.memref_slice %arg3[%add3A_81, %dma_start3A_333] : memref<2560x128xi32, #tpu.memory_space<hbm>> -> memref<8x128xi32, #tpu.memory_space<hbm>>
        %dma_start3A_335 = arith.constant 0 : i32
        %dma_start3A_336 = tpu.memref_slice %arg3[%add3A_81, %dma_start3A_335] : memref<2560x128xi32, #tpu.memory_space<hbm>> -> memref<8x128xi32, #tpu.memory_space<hbm>>
        tpu.enqueue_dma source(%dma_start3A_336 : memref<8x128xi32, #tpu.memory_space<hbm>>) target(%arg7 : memref<8x128xi32, #tpu.memory_space<vmem>>) target_semaphore(%run_scoped3A : memref<!tpu.dma_semaphore, #tpu.memory_space<semaphore_mem>>)
        %dma_wait3A = arith.constant 0 : i32
        %dma_wait3A_337 = tpu.memref_slice %arg3[%add3A_81, %dma_wait3A] : memref<2560x128xi32, #tpu.memory_space<hbm>> -> memref<8x128xi32, #tpu.memory_space<hbm>>
        %dma_wait3A_338 = arith.constant 0 : i32
        %dma_wait3A_339 = tpu.memref_slice %arg3[%add3A_81, %dma_wait3A_338] : memref<2560x128xi32, #tpu.memory_space<hbm>> -> memref<8x128xi32, #tpu.memory_space<hbm>>
        tpu.wait_dma2 semaphore(%run_scoped3A : memref<!tpu.dma_semaphore, #tpu.memory_space<semaphore_mem>>) src(%dma_wait3A_339 : memref<8x128xi32, #tpu.memory_space<hbm>>) dst(%arg7 : memref<8x128xi32, #tpu.memory_space<vmem>>)
        tpu.yield
      }) : () -> ()
      "tpu.region"() ({
        %run_scoped3A = tpu.sem_alloc : memref<!tpu.dma_semaphore, #tpu.memory_space<semaphore_mem>>
        %dma_start3A_333 = arith.constant 0 : i32
        %dma_start3A_334 = tpu.memref_slice %arg4[%add3A_81, %dma_start3A_333] : memref<2560x128xi32, #tpu.memory_space<hbm>> -> memref<8x128xi32, #tpu.memory_space<hbm>>
        %dma_start3A_335 = arith.constant 0 : i32
        %dma_start3A_336 = tpu.memref_slice %arg4[%add3A_81, %dma_start3A_335] : memref<2560x128xi32, #tpu.memory_space<hbm>> -> memref<8x128xi32, #tpu.memory_space<hbm>>
        tpu.enqueue_dma source(%dma_start3A_336 : memref<8x128xi32, #tpu.memory_space<hbm>>) target(%arg8 : memref<8x128xi32, #tpu.memory_space<vmem>>) target_semaphore(%run_scoped3A : memref<!tpu.dma_semaphore, #tpu.memory_space<semaphore_mem>>)
        %dma_wait3A = arith.constant 0 : i32
        %dma_wait3A_337 = tpu.memref_slice %arg4[%add3A_81, %dma_wait3A] : memref<2560x128xi32, #tpu.memory_space<hbm>> -> memref<8x128xi32, #tpu.memory_space<hbm>>
        %dma_wait3A_338 = arith.constant 0 : i32
        %dma_wait3A_339 = tpu.memref_slice %arg4[%add3A_81, %dma_wait3A_338] : memref<2560x128xi32, #tpu.memory_space<hbm>> -> memref<8x128xi32, #tpu.memory_space<hbm>>
        tpu.wait_dma2 semaphore(%run_scoped3A : memref<!tpu.dma_semaphore, #tpu.memory_space<semaphore_mem>>) src(%dma_wait3A_339 : memref<8x128xi32, #tpu.memory_space<hbm>>) dst(%arg8 : memref<8x128xi32, #tpu.memory_space<vmem>>)
        tpu.yield
      }) : () -> ()
      %dma_start3A_82 = arith.constant 0 : i32
      %dma_start3A_83 = arith.constant 0 : i32
      %dma_start3A_84 = tpu.memref_slice %arg7[%dma_start3A_82, %dma_start3A_83] : memref<8x128xi32, #tpu.memory_space<vmem>> -> memref<1x128xi32, #tpu.memory_space<vmem>>
      %dma_start3A_85 = tpu.memref_squeeze %dma_start3A_84 : memref<1x128xi32, #tpu.memory_space<vmem>> -> memref<128xi32, #tpu.memory_space<vmem>>
      %dma_start3A_86 = arith.constant 0 : i32
      %dma_start3A_87 = arith.constant 0 : i32
      %dma_start3A_88 = tpu.memref_slice %arg2[%dma_start3A_86, %dma_start3A_87] : memref<10000x128xf32, #tpu.memory_space<hbm>> -> memref<10000x128xf32, #tpu.memory_space<hbm>>
      tpu.enqueue_indirect_dma source(%dma_start3A_88 : memref<10000x128xf32, #tpu.memory_space<hbm>>) target(%arg9 : memref<128x128xf32, #tpu.memory_space<vmem>>) offsets(%dma_start3A_85 : memref<128xi32, #tpu.memory_space<vmem>>) semaphore(%arg12 : memref<!tpu.dma_semaphore, #tpu.memory_space<semaphore_mem>>)
      %scan3A_89 = arith.constant 0 : i32
      %scan3A_90 = arith.constant 0 : i32
      %scan3A_91 = arith.constant 4 : i32
      %scan3A_92 = arith.addi %scan3A_90, %scan3A_91 : i32
      %scan3A_93 = arith.constant 1 : i32
      scf.for %scan3A_333 = %scan3A_90 to %scan3A_92 step %scan3A_93  : i32 {
        %mul3A_334 = arith.constant 2 : i32
        %mul3A_335 = arith.muli %mul3A_334, %scan3A_333 : i32
        %add3A_336 = arith.constant 1 : i32
        %add3A_337 = arith.addi %mul3A_335, %add3A_336 : i32
        %dma_start3A_338 = arith.constant 0 : i32
        %dma_start3A_339 = tpu.memref_slice %arg7[%add3A_337, %dma_start3A_338] : memref<8x128xi32, #tpu.memory_space<vmem>> -> memref<1x128xi32, #tpu.memory_space<vmem>>
        %dma_start3A_340 = tpu.memref_squeeze %dma_start3A_339 : memref<1x128xi32, #tpu.memory_space<vmem>> -> memref<128xi32, #tpu.memory_space<vmem>>
        %dma_start3A_341 = arith.constant 0 : i32
        %dma_start3A_342 = arith.constant 0 : i32
        %dma_start3A_343 = tpu.memref_slice %arg2[%dma_start3A_341, %dma_start3A_342] : memref<10000x128xf32, #tpu.memory_space<hbm>> -> memref<10000x128xf32, #tpu.memory_space<hbm>>
        tpu.enqueue_indirect_dma source(%dma_start3A_343 : memref<10000x128xf32, #tpu.memory_space<hbm>>) target(%arg10 : memref<128x128xf32, #tpu.memory_space<vmem>>) offsets(%dma_start3A_340 : memref<128xi32, #tpu.memory_space<vmem>>) semaphore(%arg13 : memref<!tpu.dma_semaphore, #tpu.memory_space<semaphore_mem>>)
        %dma_wait3A = arith.constant 0 : i32
        %dma_wait3A_344 = tpu.memref_slice %arg7[%mul3A_335, %dma_wait3A] : memref<8x128xi32, #tpu.memory_space<vmem>> -> memref<1x128xi32, #tpu.memory_space<vmem>>
        %dma_wait3A_345 = tpu.memref_squeeze %dma_wait3A_344 : memref<1x128xi32, #tpu.memory_space<vmem>> -> memref<128xi32, #tpu.memory_space<vmem>>
        %dma_wait3A_346 = arith.constant 0 : i32
        %dma_wait3A_347 = arith.constant 0 : i32
        %dma_wait3A_348 = tpu.memref_slice %arg2[%dma_wait3A_346, %dma_wait3A_347] : memref<10000x128xf32, #tpu.memory_space<hbm>> -> memref<10000x128xf32, #tpu.memory_space<hbm>>
        tpu.wait_indirect_dma semaphore(%arg12 : memref<!tpu.dma_semaphore, #tpu.memory_space<semaphore_mem>>) src(%dma_wait3A_348 : memref<10000x128xf32, #tpu.memory_space<hbm>>) dst(%arg9 : memref<128x128xf32, #tpu.memory_space<vmem>>)
        "tpu.region"() ({
          %run_scoped3A = tpu.sem_alloc : memref<!tpu.dma_semaphore, #tpu.memory_space<semaphore_mem>>
          %dma_start3A_363 = arith.constant 0 : i32
          %dma_start3A_364 = tpu.memref_slice %arg8[%mul3A_335, %dma_start3A_363] : memref<8x128xi32, #tpu.memory_space<vmem>> -> memref<1x128xi32, #tpu.memory_space<vmem>>
          %dma_start3A_365 = tpu.memref_squeeze %dma_start3A_364 : memref<1x128xi32, #tpu.memory_space<vmem>> -> memref<128xi32, #tpu.memory_space<vmem>>
          %dma_start3A_366 = arith.constant 0 : i32
          %dma_start3A_367 = arith.constant 0 : i32
          %dma_start3A_368 = tpu.memref_slice %arg11[%dma_start3A_366, %dma_start3A_367] : memref<10008x128xf32, #tpu.memory_space<vmem_shared>> -> memref<10008x128xf32, #tpu.memory_space<vmem_shared>>
          tpu.enqueue_indirect_dma source(%arg9 : memref<128x128xf32, #tpu.memory_space<vmem>>) target(%dma_start3A_368 : memref<10008x128xf32, #tpu.memory_space<vmem_shared>>) offsets(%dma_start3A_365 : memref<128xi32, #tpu.memory_space<vmem>>) semaphore(%run_scoped3A : memref<!tpu.dma_semaphore, #tpu.memory_space<semaphore_mem>>) {add = true}
          %dma_wait3A_369 = arith.constant 0 : i32
          %dma_wait3A_370 = tpu.memref_slice %arg8[%mul3A_335, %dma_wait3A_369] : memref<8x128xi32, #tpu.memory_space<vmem>> -> memref<1x128xi32, #tpu.memory_space<vmem>>
          %dma_wait3A_371 = tpu.memref_squeeze %dma_wait3A_370 : memref<1x128xi32, #tpu.memory_space<vmem>> -> memref<128xi32, #tpu.memory_space<vmem>>
          %dma_wait3A_372 = arith.constant 0 : i32
          %dma_wait3A_373 = arith.constant 0 : i32
          %dma_wait3A_374 = tpu.memref_slice %arg11[%dma_wait3A_372, %dma_wait3A_373] : memref<10008x128xf32, #tpu.memory_space<vmem_shared>> -> memref<10008x128xf32, #tpu.memory_space<vmem_shared>>
          tpu.wait_indirect_dma semaphore(%run_scoped3A : memref<!tpu.dma_semaphore, #tpu.memory_space<semaphore_mem>>) src(%arg9 : memref<128x128xf32, #tpu.memory_space<vmem>>) dst(%dma_wait3A_374 : memref<10008x128xf32, #tpu.memory_space<vmem_shared>>)
          tpu.yield
        }) : () -> ()
        %lt3A = arith.constant 3 : i32
        %lt3A_349 = arith.cmpi slt, %scan3A_333, %lt3A : i32
        %convert_element_type3A_350 = arith.extui %lt3A_349 : i1 to i32
        %cond3A_351 = arith.constant 0 : i32
        %cond3A_352 = arith.cmpi ne, %convert_element_type3A_350, %cond3A_351 : i32
        scf.if %cond3A_352 {
          %add3A_363 = arith.constant 2 : i32
          %add3A_364 = arith.addi %mul3A_335, %add3A_363 : i32
          %dma_start3A_365 = arith.constant 0 : i32
          %dma_start3A_366 = tpu.memref_slice %arg7[%add3A_364, %dma_start3A_365] : memref<8x128xi32, #tpu.memory_space<vmem>> -> memref<1x128xi32, #tpu.memory_space<vmem>>
          %dma_start3A_367 = tpu.memref_squeeze %dma_start3A_366 : memref<1x128xi32, #tpu.memory_space<vmem>> -> memref<128xi32, #tpu.memory_space<vmem>>
          %dma_start3A_368 = arith.constant 0 : i32
          %dma_start3A_369 = arith.constant 0 : i32
          %dma_start3A_370 = tpu.memref_slice %arg2[%dma_start3A_368, %dma_start3A_369] : memref<10000x128xf32, #tpu.memory_space<hbm>> -> memref<10000x128xf32, #tpu.memory_space<hbm>>
          tpu.enqueue_indirect_dma source(%dma_start3A_370 : memref<10000x128xf32, #tpu.memory_space<hbm>>) target(%arg9 : memref<128x128xf32, #tpu.memory_space<vmem>>) offsets(%dma_start3A_367 : memref<128xi32, #tpu.memory_space<vmem>>) semaphore(%arg12 : memref<!tpu.dma_semaphore, #tpu.memory_space<semaphore_mem>>)
        } else {
        }
        %add3A_353 = arith.constant 1 : i32
        %add3A_354 = arith.addi %mul3A_335, %add3A_353 : i32
        %dma_wait3A_355 = arith.constant 0 : i32
        %dma_wait3A_356 = tpu.memref_slice %arg7[%add3A_354, %dma_wait3A_355] : memref<8x128xi32, #tpu.memory_space<vmem>> -> memref<1x128xi32, #tpu.memory_space<vmem>>
        %dma_wait3A_357 = tpu.memref_squeeze %dma_wait3A_356 : memref<1x128xi32, #tpu.memory_space<vmem>> -> memref<128xi32, #tpu.memory_space<vmem>>
        %dma_wait3A_358 = arith.constant 0 : i32
        %dma_wait3A_359 = arith.constant 0 : i32
        %dma_wait3A_360 = tpu.memref_slice %arg2[%dma_wait3A_358, %dma_wait3A_359] : memref<10000x128xf32, #tpu.memory_space<hbm>> -> memref<10000x128xf32, #tpu.memory_space<hbm>>
        tpu.wait_indirect_dma semaphore(%arg13 : memref<!tpu.dma_semaphore, #tpu.memory_space<semaphore_mem>>) src(%dma_wait3A_360 : memref<10000x128xf32, #tpu.memory_space<hbm>>) dst(%arg10 : memref<128x128xf32, #tpu.memory_space<vmem>>)
        %add3A_361 = arith.constant 1 : i32
        %add3A_362 = arith.addi %mul3A_335, %add3A_361 : i32
        "tpu.region"() ({
          %run_scoped3A = tpu.sem_alloc : memref<!tpu.dma_semaphore, #tpu.memory_space<semaphore_mem>>
          %dma_start3A_363 = arith.constant 0 : i32
          %dma_start3A_364 = tpu.memref_slice %arg8[%add3A_362, %dma_start3A_363] : memref<8x128xi32, #tpu.memory_space<vmem>> -> memref<1x128xi32, #tpu.memory_space<vmem>>
          %dma_start3A_365 = tpu.memref_squeeze %dma_start3A_364 : memref<1x128xi32, #tpu.memory_space<vmem>> -> memref<128xi32, #tpu.memory_space<vmem>>
          %dma_start3A_366 = arith.constant 0 : i32
          %dma_start3A_367 = arith.constant 0 : i32
          %dma_start3A_368 = tpu.memref_slice %arg11[%dma_start3A_366, %dma_start3A_367] : memref<10008x128xf32, #tpu.memory_space<vmem_shared>> -> memref<10008x128xf32, #tpu.memory_space<vmem_shared>>
          tpu.enqueue_indirect_dma source(%arg10 : memref<128x128xf32, #tpu.memory_space<vmem>>) target(%dma_start3A_368 : memref<10008x128xf32, #tpu.memory_space<vmem_shared>>) offsets(%dma_start3A_365 : memref<128xi32, #tpu.memory_space<vmem>>) semaphore(%run_scoped3A : memref<!tpu.dma_semaphore, #tpu.memory_space<semaphore_mem>>) {add = true}
          %dma_wait3A_369 = arith.constant 0 : i32
          %dma_wait3A_370 = tpu.memref_slice %arg8[%add3A_362, %dma_wait3A_369] : memref<8x128xi32, #tpu.memory_space<vmem>> -> memref<1x128xi32, #tpu.memory_space<vmem>>
          %dma_wait3A_371 = tpu.memref_squeeze %dma_wait3A_370 : memref<1x128xi32, #tpu.memory_space<vmem>> -> memref<128xi32, #tpu.memory_space<vmem>>
          %dma_wait3A_372 = arith.constant 0 : i32
          %dma_wait3A_373 = arith.constant 0 : i32
          %dma_wait3A_374 = tpu.memref_slice %arg11[%dma_wait3A_372, %dma_wait3A_373] : memref<10008x128xf32, #tpu.memory_space<vmem_shared>> -> memref<10008x128xf32, #tpu.memory_space<vmem_shared>>
          tpu.wait_indirect_dma semaphore(%run_scoped3A : memref<!tpu.dma_semaphore, #tpu.memory_space<semaphore_mem>>) src(%arg10 : memref<128x128xf32, #tpu.memory_space<vmem>>) dst(%dma_wait3A_374 : memref<10008x128xf32, #tpu.memory_space<vmem_shared>>)
          tpu.yield
        }) : () -> ()
      }
      %scan3A_94 = arith.constant 4 : i32
      %mul3A_95 = arith.constant 152 : i32
      %mul3A_96 = arith.muli %arg1, %mul3A_95 : i32
      %add3A_97 = arith.constant 40 : i32
      %add3A_98 = arith.addi %mul3A_96, %add3A_97 : i32
      "tpu.region"() ({
        %run_scoped3A = tpu.sem_alloc : memref<!tpu.dma_semaphore, #tpu.memory_space<semaphore_mem>>
        %dma_start3A_333 = arith.constant 0 : i32
        %dma_start3A_334 = tpu.memref_slice %arg3[%add3A_98, %dma_start3A_333] : memref<2560x128xi32, #tpu.memory_space<hbm>> -> memref<8x128xi32, #tpu.memory_space<hbm>>
        %dma_start3A_335 = arith.constant 0 : i32
        %dma_start3A_336 = tpu.memref_slice %arg3[%add3A_98, %dma_start3A_335] : memref<2560x128xi32, #tpu.memory_space<hbm>> -> memref<8x128xi32, #tpu.memory_space<hbm>>
        tpu.enqueue_dma source(%dma_start3A_336 : memref<8x128xi32, #tpu.memory_space<hbm>>) target(%arg7 : memref<8x128xi32, #tpu.memory_space<vmem>>) target_semaphore(%run_scoped3A : memref<!tpu.dma_semaphore, #tpu.memory_space<semaphore_mem>>)
        %dma_wait3A = arith.constant 0 : i32
        %dma_wait3A_337 = tpu.memref_slice %arg3[%add3A_98, %dma_wait3A] : memref<2560x128xi32, #tpu.memory_space<hbm>> -> memref<8x128xi32, #tpu.memory_space<hbm>>
        %dma_wait3A_338 = arith.constant 0 : i32
        %dma_wait3A_339 = tpu.memref_slice %arg3[%add3A_98, %dma_wait3A_338] : memref<2560x128xi32, #tpu.memory_space<hbm>> -> memref<8x128xi32, #tpu.memory_space<hbm>>
        tpu.wait_dma2 semaphore(%run_scoped3A : memref<!tpu.dma_semaphore, #tpu.memory_space<semaphore_mem>>) src(%dma_wait3A_339 : memref<8x128xi32, #tpu.memory_space<hbm>>) dst(%arg7 : memref<8x128xi32, #tpu.memory_space<vmem>>)
        tpu.yield
      }) : () -> ()
      "tpu.region"() ({
        %run_scoped3A = tpu.sem_alloc : memref<!tpu.dma_semaphore, #tpu.memory_space<semaphore_mem>>
        %dma_start3A_333 = arith.constant 0 : i32
        %dma_start3A_334 = tpu.memref_slice %arg4[%add3A_98, %dma_start3A_333] : memref<2560x128xi32, #tpu.memory_space<hbm>> -> memref<8x128xi32, #tpu.memory_space<hbm>>
        %dma_start3A_335 = arith.constant 0 : i32
        %dma_start3A_336 = tpu.memref_slice %arg4[%add3A_98, %dma_start3A_335] : memref<2560x128xi32, #tpu.memory_space<hbm>> -> memref<8x128xi32, #tpu.memory_space<hbm>>
        tpu.enqueue_dma source(%dma_start3A_336 : memref<8x128xi32, #tpu.memory_space<hbm>>) target(%arg8 : memref<8x128xi32, #tpu.memory_space<vmem>>) target_semaphore(%run_scoped3A : memref<!tpu.dma_semaphore, #tpu.memory_space<semaphore_mem>>)
        %dma_wait3A = arith.constant 0 : i32
        %dma_wait3A_337 = tpu.memref_slice %arg4[%add3A_98, %dma_wait3A] : memref<2560x128xi32, #tpu.memory_space<hbm>> -> memref<8x128xi32, #tpu.memory_space<hbm>>
        %dma_wait3A_338 = arith.constant 0 : i32
        %dma_wait3A_339 = tpu.memref_slice %arg4[%add3A_98, %dma_wait3A_338] : memref<2560x128xi32, #tpu.memory_space<hbm>> -> memref<8x128xi32, #tpu.memory_space<hbm>>
        tpu.wait_dma2 semaphore(%run_scoped3A : memref<!tpu.dma_semaphore, #tpu.memory_space<semaphore_mem>>) src(%dma_wait3A_339 : memref<8x128xi32, #tpu.memory_space<hbm>>) dst(%arg8 : memref<8x128xi32, #tpu.memory_space<vmem>>)
        tpu.yield
      }) : () -> ()
      %dma_start3A_99 = arith.constant 0 : i32
      %dma_start3A_100 = arith.constant 0 : i32
      %dma_start3A_101 = tpu.memref_slice %arg7[%dma_start3A_99, %dma_start3A_100] : memref<8x128xi32, #tpu.memory_space<vmem>> -> memref<1x128xi32, #tpu.memory_space<vmem>>
      %dma_start3A_102 = tpu.memref_squeeze %dma_start3A_101 : memref<1x128xi32, #tpu.memory_space<vmem>> -> memref<128xi32, #tpu.memory_space<vmem>>
      %dma_start3A_103 = arith.constant 0 : i32
      %dma_start3A_104 = arith.constant 0 : i32
      %dma_start3A_105 = tpu.memref_slice %arg2[%dma_start3A_103, %dma_start3A_104] : memref<10000x128xf32, #tpu.memory_space<hbm>> -> memref<10000x128xf32, #tpu.memory_space<hbm>>
      tpu.enqueue_indirect_dma source(%dma_start3A_105 : memref<10000x128xf32, #tpu.memory_space<hbm>>) target(%arg9 : memref<128x128xf32, #tpu.memory_space<vmem>>) offsets(%dma_start3A_102 : memref<128xi32, #tpu.memory_space<vmem>>) semaphore(%arg12 : memref<!tpu.dma_semaphore, #tpu.memory_space<semaphore_mem>>)
      %scan3A_106 = arith.constant 0 : i32
      %scan3A_107 = arith.constant 0 : i32
      %scan3A_108 = arith.constant 4 : i32
      %scan3A_109 = arith.addi %scan3A_107, %scan3A_108 : i32
      %scan3A_110 = arith.constant 1 : i32
      scf.for %scan3A_333 = %scan3A_107 to %scan3A_109 step %scan3A_110  : i32 {
        %mul3A_334 = arith.constant 2 : i32
        %mul3A_335 = arith.muli %mul3A_334, %scan3A_333 : i32
        %add3A_336 = arith.constant 1 : i32
        %add3A_337 = arith.addi %mul3A_335, %add3A_336 : i32
        %dma_start3A_338 = arith.constant 0 : i32
        %dma_start3A_339 = tpu.memref_slice %arg7[%add3A_337, %dma_start3A_338] : memref<8x128xi32, #tpu.memory_space<vmem>> -> memref<1x128xi32, #tpu.memory_space<vmem>>
        %dma_start3A_340 = tpu.memref_squeeze %dma_start3A_339 : memref<1x128xi32, #tpu.memory_space<vmem>> -> memref<128xi32, #tpu.memory_space<vmem>>
        %dma_start3A_341 = arith.constant 0 : i32
        %dma_start3A_342 = arith.constant 0 : i32
        %dma_start3A_343 = tpu.memref_slice %arg2[%dma_start3A_341, %dma_start3A_342] : memref<10000x128xf32, #tpu.memory_space<hbm>> -> memref<10000x128xf32, #tpu.memory_space<hbm>>
        tpu.enqueue_indirect_dma source(%dma_start3A_343 : memref<10000x128xf32, #tpu.memory_space<hbm>>) target(%arg10 : memref<128x128xf32, #tpu.memory_space<vmem>>) offsets(%dma_start3A_340 : memref<128xi32, #tpu.memory_space<vmem>>) semaphore(%arg13 : memref<!tpu.dma_semaphore, #tpu.memory_space<semaphore_mem>>)
        %dma_wait3A = arith.constant 0 : i32
        %dma_wait3A_344 = tpu.memref_slice %arg7[%mul3A_335, %dma_wait3A] : memref<8x128xi32, #tpu.memory_space<vmem>> -> memref<1x128xi32, #tpu.memory_space<vmem>>
        %dma_wait3A_345 = tpu.memref_squeeze %dma_wait3A_344 : memref<1x128xi32, #tpu.memory_space<vmem>> -> memref<128xi32, #tpu.memory_space<vmem>>
        %dma_wait3A_346 = arith.constant 0 : i32
        %dma_wait3A_347 = arith.constant 0 : i32
        %dma_wait3A_348 = tpu.memref_slice %arg2[%dma_wait3A_346, %dma_wait3A_347] : memref<10000x128xf32, #tpu.memory_space<hbm>> -> memref<10000x128xf32, #tpu.memory_space<hbm>>
        tpu.wait_indirect_dma semaphore(%arg12 : memref<!tpu.dma_semaphore, #tpu.memory_space<semaphore_mem>>) src(%dma_wait3A_348 : memref<10000x128xf32, #tpu.memory_space<hbm>>) dst(%arg9 : memref<128x128xf32, #tpu.memory_space<vmem>>)
        "tpu.region"() ({
          %run_scoped3A = tpu.sem_alloc : memref<!tpu.dma_semaphore, #tpu.memory_space<semaphore_mem>>
          %dma_start3A_363 = arith.constant 0 : i32
          %dma_start3A_364 = tpu.memref_slice %arg8[%mul3A_335, %dma_start3A_363] : memref<8x128xi32, #tpu.memory_space<vmem>> -> memref<1x128xi32, #tpu.memory_space<vmem>>
          %dma_start3A_365 = tpu.memref_squeeze %dma_start3A_364 : memref<1x128xi32, #tpu.memory_space<vmem>> -> memref<128xi32, #tpu.memory_space<vmem>>
          %dma_start3A_366 = arith.constant 0 : i32
          %dma_start3A_367 = arith.constant 0 : i32
          %dma_start3A_368 = tpu.memref_slice %arg11[%dma_start3A_366, %dma_start3A_367] : memref<10008x128xf32, #tpu.memory_space<vmem_shared>> -> memref<10008x128xf32, #tpu.memory_space<vmem_shared>>
          tpu.enqueue_indirect_dma source(%arg9 : memref<128x128xf32, #tpu.memory_space<vmem>>) target(%dma_start3A_368 : memref<10008x128xf32, #tpu.memory_space<vmem_shared>>) offsets(%dma_start3A_365 : memref<128xi32, #tpu.memory_space<vmem>>) semaphore(%run_scoped3A : memref<!tpu.dma_semaphore, #tpu.memory_space<semaphore_mem>>) {add = true}
          %dma_wait3A_369 = arith.constant 0 : i32
          %dma_wait3A_370 = tpu.memref_slice %arg8[%mul3A_335, %dma_wait3A_369] : memref<8x128xi32, #tpu.memory_space<vmem>> -> memref<1x128xi32, #tpu.memory_space<vmem>>
          %dma_wait3A_371 = tpu.memref_squeeze %dma_wait3A_370 : memref<1x128xi32, #tpu.memory_space<vmem>> -> memref<128xi32, #tpu.memory_space<vmem>>
          %dma_wait3A_372 = arith.constant 0 : i32
          %dma_wait3A_373 = arith.constant 0 : i32
          %dma_wait3A_374 = tpu.memref_slice %arg11[%dma_wait3A_372, %dma_wait3A_373] : memref<10008x128xf32, #tpu.memory_space<vmem_shared>> -> memref<10008x128xf32, #tpu.memory_space<vmem_shared>>
          tpu.wait_indirect_dma semaphore(%run_scoped3A : memref<!tpu.dma_semaphore, #tpu.memory_space<semaphore_mem>>) src(%arg9 : memref<128x128xf32, #tpu.memory_space<vmem>>) dst(%dma_wait3A_374 : memref<10008x128xf32, #tpu.memory_space<vmem_shared>>)
          tpu.yield
        }) : () -> ()
        %lt3A = arith.constant 3 : i32
        %lt3A_349 = arith.cmpi slt, %scan3A_333, %lt3A : i32
        %convert_element_type3A_350 = arith.extui %lt3A_349 : i1 to i32
        %cond3A_351 = arith.constant 0 : i32
        %cond3A_352 = arith.cmpi ne, %convert_element_type3A_350, %cond3A_351 : i32
        scf.if %cond3A_352 {
          %add3A_363 = arith.constant 2 : i32
          %add3A_364 = arith.addi %mul3A_335, %add3A_363 : i32
          %dma_start3A_365 = arith.constant 0 : i32
          %dma_start3A_366 = tpu.memref_slice %arg7[%add3A_364, %dma_start3A_365] : memref<8x128xi32, #tpu.memory_space<vmem>> -> memref<1x128xi32, #tpu.memory_space<vmem>>
          %dma_start3A_367 = tpu.memref_squeeze %dma_start3A_366 : memref<1x128xi32, #tpu.memory_space<vmem>> -> memref<128xi32, #tpu.memory_space<vmem>>
          %dma_start3A_368 = arith.constant 0 : i32
          %dma_start3A_369 = arith.constant 0 : i32
          %dma_start3A_370 = tpu.memref_slice %arg2[%dma_start3A_368, %dma_start3A_369] : memref<10000x128xf32, #tpu.memory_space<hbm>> -> memref<10000x128xf32, #tpu.memory_space<hbm>>
          tpu.enqueue_indirect_dma source(%dma_start3A_370 : memref<10000x128xf32, #tpu.memory_space<hbm>>) target(%arg9 : memref<128x128xf32, #tpu.memory_space<vmem>>) offsets(%dma_start3A_367 : memref<128xi32, #tpu.memory_space<vmem>>) semaphore(%arg12 : memref<!tpu.dma_semaphore, #tpu.memory_space<semaphore_mem>>)
        } else {
        }
        %add3A_353 = arith.constant 1 : i32
        %add3A_354 = arith.addi %mul3A_335, %add3A_353 : i32
        %dma_wait3A_355 = arith.constant 0 : i32
        %dma_wait3A_356 = tpu.memref_slice %arg7[%add3A_354, %dma_wait3A_355] : memref<8x128xi32, #tpu.memory_space<vmem>> -> memref<1x128xi32, #tpu.memory_space<vmem>>
        %dma_wait3A_357 = tpu.memref_squeeze %dma_wait3A_356 : memref<1x128xi32, #tpu.memory_space<vmem>> -> memref<128xi32, #tpu.memory_space<vmem>>
        %dma_wait3A_358 = arith.constant 0 : i32
        %dma_wait3A_359 = arith.constant 0 : i32
        %dma_wait3A_360 = tpu.memref_slice %arg2[%dma_wait3A_358, %dma_wait3A_359] : memref<10000x128xf32, #tpu.memory_space<hbm>> -> memref<10000x128xf32, #tpu.memory_space<hbm>>
        tpu.wait_indirect_dma semaphore(%arg13 : memref<!tpu.dma_semaphore, #tpu.memory_space<semaphore_mem>>) src(%dma_wait3A_360 : memref<10000x128xf32, #tpu.memory_space<hbm>>) dst(%arg10 : memref<128x128xf32, #tpu.memory_space<vmem>>)
        %add3A_361 = arith.constant 1 : i32
        %add3A_362 = arith.addi %mul3A_335, %add3A_361 : i32
        "tpu.region"() ({
          %run_scoped3A = tpu.sem_alloc : memref<!tpu.dma_semaphore, #tpu.memory_space<semaphore_mem>>
          %dma_start3A_363 = arith.constant 0 : i32
          %dma_start3A_364 = tpu.memref_slice %arg8[%add3A_362, %dma_start3A_363] : memref<8x128xi32, #tpu.memory_space<vmem>> -> memref<1x128xi32, #tpu.memory_space<vmem>>
          %dma_start3A_365 = tpu.memref_squeeze %dma_start3A_364 : memref<1x128xi32, #tpu.memory_space<vmem>> -> memref<128xi32, #tpu.memory_space<vmem>>
          %dma_start3A_366 = arith.constant 0 : i32
          %dma_start3A_367 = arith.constant 0 : i32
          %dma_start3A_368 = tpu.memref_slice %arg11[%dma_start3A_366, %dma_start3A_367] : memref<10008x128xf32, #tpu.memory_space<vmem_shared>> -> memref<10008x128xf32, #tpu.memory_space<vmem_shared>>
          tpu.enqueue_indirect_dma source(%arg10 : memref<128x128xf32, #tpu.memory_space<vmem>>) target(%dma_start3A_368 : memref<10008x128xf32, #tpu.memory_space<vmem_shared>>) offsets(%dma_start3A_365 : memref<128xi32, #tpu.memory_space<vmem>>) semaphore(%run_scoped3A : memref<!tpu.dma_semaphore, #tpu.memory_space<semaphore_mem>>) {add = true}
          %dma_wait3A_369 = arith.constant 0 : i32
          %dma_wait3A_370 = tpu.memref_slice %arg8[%add3A_362, %dma_wait3A_369] : memref<8x128xi32, #tpu.memory_space<vmem>> -> memref<1x128xi32, #tpu.memory_space<vmem>>
          %dma_wait3A_371 = tpu.memref_squeeze %dma_wait3A_370 : memref<1x128xi32, #tpu.memory_space<vmem>> -> memref<128xi32, #tpu.memory_space<vmem>>
          %dma_wait3A_372 = arith.constant 0 : i32
          %dma_wait3A_373 = arith.constant 0 : i32
          %dma_wait3A_374 = tpu.memref_slice %arg11[%dma_wait3A_372, %dma_wait3A_373] : memref<10008x128xf32, #tpu.memory_space<vmem_shared>> -> memref<10008x128xf32, #tpu.memory_space<vmem_shared>>
          tpu.wait_indirect_dma semaphore(%run_scoped3A : memref<!tpu.dma_semaphore, #tpu.memory_space<semaphore_mem>>) src(%arg10 : memref<128x128xf32, #tpu.memory_space<vmem>>) dst(%dma_wait3A_374 : memref<10008x128xf32, #tpu.memory_space<vmem_shared>>)
          tpu.yield
        }) : () -> ()
      }
      %scan3A_111 = arith.constant 4 : i32
      %mul3A_112 = arith.constant 152 : i32
      %mul3A_113 = arith.muli %arg1, %mul3A_112 : i32
      %add3A_114 = arith.constant 48 : i32
      %add3A_115 = arith.addi %mul3A_113, %add3A_114 : i32
      "tpu.region"() ({
        %run_scoped3A = tpu.sem_alloc : memref<!tpu.dma_semaphore, #tpu.memory_space<semaphore_mem>>
        %dma_start3A_333 = arith.constant 0 : i32
        %dma_start3A_334 = tpu.memref_slice %arg3[%add3A_115, %dma_start3A_333] : memref<2560x128xi32, #tpu.memory_space<hbm>> -> memref<8x128xi32, #tpu.memory_space<hbm>>
        %dma_start3A_335 = arith.constant 0 : i32
        %dma_start3A_336 = tpu.memref_slice %arg3[%add3A_115, %dma_start3A_335] : memref<2560x128xi32, #tpu.memory_space<hbm>> -> memref<8x128xi32, #tpu.memory_space<hbm>>
        tpu.enqueue_dma source(%dma_start3A_336 : memref<8x128xi32, #tpu.memory_space<hbm>>) target(%arg7 : memref<8x128xi32, #tpu.memory_space<vmem>>) target_semaphore(%run_scoped3A : memref<!tpu.dma_semaphore, #tpu.memory_space<semaphore_mem>>)
        %dma_wait3A = arith.constant 0 : i32
        %dma_wait3A_337 = tpu.memref_slice %arg3[%add3A_115, %dma_wait3A] : memref<2560x128xi32, #tpu.memory_space<hbm>> -> memref<8x128xi32, #tpu.memory_space<hbm>>
        %dma_wait3A_338 = arith.constant 0 : i32
        %dma_wait3A_339 = tpu.memref_slice %arg3[%add3A_115, %dma_wait3A_338] : memref<2560x128xi32, #tpu.memory_space<hbm>> -> memref<8x128xi32, #tpu.memory_space<hbm>>
        tpu.wait_dma2 semaphore(%run_scoped3A : memref<!tpu.dma_semaphore, #tpu.memory_space<semaphore_mem>>) src(%dma_wait3A_339 : memref<8x128xi32, #tpu.memory_space<hbm>>) dst(%arg7 : memref<8x128xi32, #tpu.memory_space<vmem>>)
        tpu.yield
      }) : () -> ()
      "tpu.region"() ({
        %run_scoped3A = tpu.sem_alloc : memref<!tpu.dma_semaphore, #tpu.memory_space<semaphore_mem>>
        %dma_start3A_333 = arith.constant 0 : i32
        %dma_start3A_334 = tpu.memref_slice %arg4[%add3A_115, %dma_start3A_333] : memref<2560x128xi32, #tpu.memory_space<hbm>> -> memref<8x128xi32, #tpu.memory_space<hbm>>
        %dma_start3A_335 = arith.constant 0 : i32
        %dma_start3A_336 = tpu.memref_slice %arg4[%add3A_115, %dma_start3A_335] : memref<2560x128xi32, #tpu.memory_space<hbm>> -> memref<8x128xi32, #tpu.memory_space<hbm>>
        tpu.enqueue_dma source(%dma_start3A_336 : memref<8x128xi32, #tpu.memory_space<hbm>>) target(%arg8 : memref<8x128xi32, #tpu.memory_space<vmem>>) target_semaphore(%run_scoped3A : memref<!tpu.dma_semaphore, #tpu.memory_space<semaphore_mem>>)
        %dma_wait3A = arith.constant 0 : i32
        %dma_wait3A_337 = tpu.memref_slice %arg4[%add3A_115, %dma_wait3A] : memref<2560x128xi32, #tpu.memory_space<hbm>> -> memref<8x128xi32, #tpu.memory_space<hbm>>
        %dma_wait3A_338 = arith.constant 0 : i32
        %dma_wait3A_339 = tpu.memref_slice %arg4[%add3A_115, %dma_wait3A_338] : memref<2560x128xi32, #tpu.memory_space<hbm>> -> memref<8x128xi32, #tpu.memory_space<hbm>>
        tpu.wait_dma2 semaphore(%run_scoped3A : memref<!tpu.dma_semaphore, #tpu.memory_space<semaphore_mem>>) src(%dma_wait3A_339 : memref<8x128xi32, #tpu.memory_space<hbm>>) dst(%arg8 : memref<8x128xi32, #tpu.memory_space<vmem>>)
        tpu.yield
      }) : () -> ()
      %dma_start3A_116 = arith.constant 0 : i32
      %dma_start3A_117 = arith.constant 0 : i32
      %dma_start3A_118 = tpu.memref_slice %arg7[%dma_start3A_116, %dma_start3A_117] : memref<8x128xi32, #tpu.memory_space<vmem>> -> memref<1x128xi32, #tpu.memory_space<vmem>>
      %dma_start3A_119 = tpu.memref_squeeze %dma_start3A_118 : memref<1x128xi32, #tpu.memory_space<vmem>> -> memref<128xi32, #tpu.memory_space<vmem>>
      %dma_start3A_120 = arith.constant 0 : i32
      %dma_start3A_121 = arith.constant 0 : i32
      %dma_start3A_122 = tpu.memref_slice %arg2[%dma_start3A_120, %dma_start3A_121] : memref<10000x128xf32, #tpu.memory_space<hbm>> -> memref<10000x128xf32, #tpu.memory_space<hbm>>
      tpu.enqueue_indirect_dma source(%dma_start3A_122 : memref<10000x128xf32, #tpu.memory_space<hbm>>) target(%arg9 : memref<128x128xf32, #tpu.memory_space<vmem>>) offsets(%dma_start3A_119 : memref<128xi32, #tpu.memory_space<vmem>>) semaphore(%arg12 : memref<!tpu.dma_semaphore, #tpu.memory_space<semaphore_mem>>)
      %scan3A_123 = arith.constant 0 : i32
      %scan3A_124 = arith.constant 0 : i32
      %scan3A_125 = arith.constant 4 : i32
      %scan3A_126 = arith.addi %scan3A_124, %scan3A_125 : i32
      %scan3A_127 = arith.constant 1 : i32
      scf.for %scan3A_333 = %scan3A_124 to %scan3A_126 step %scan3A_127  : i32 {
        %mul3A_334 = arith.constant 2 : i32
        %mul3A_335 = arith.muli %mul3A_334, %scan3A_333 : i32
        %add3A_336 = arith.constant 1 : i32
        %add3A_337 = arith.addi %mul3A_335, %add3A_336 : i32
        %dma_start3A_338 = arith.constant 0 : i32
        %dma_start3A_339 = tpu.memref_slice %arg7[%add3A_337, %dma_start3A_338] : memref<8x128xi32, #tpu.memory_space<vmem>> -> memref<1x128xi32, #tpu.memory_space<vmem>>
        %dma_start3A_340 = tpu.memref_squeeze %dma_start3A_339 : memref<1x128xi32, #tpu.memory_space<vmem>> -> memref<128xi32, #tpu.memory_space<vmem>>
        %dma_start3A_341 = arith.constant 0 : i32
        %dma_start3A_342 = arith.constant 0 : i32
        %dma_start3A_343 = tpu.memref_slice %arg2[%dma_start3A_341, %dma_start3A_342] : memref<10000x128xf32, #tpu.memory_space<hbm>> -> memref<10000x128xf32, #tpu.memory_space<hbm>>
        tpu.enqueue_indirect_dma source(%dma_start3A_343 : memref<10000x128xf32, #tpu.memory_space<hbm>>) target(%arg10 : memref<128x128xf32, #tpu.memory_space<vmem>>) offsets(%dma_start3A_340 : memref<128xi32, #tpu.memory_space<vmem>>) semaphore(%arg13 : memref<!tpu.dma_semaphore, #tpu.memory_space<semaphore_mem>>)
        %dma_wait3A = arith.constant 0 : i32
        %dma_wait3A_344 = tpu.memref_slice %arg7[%mul3A_335, %dma_wait3A] : memref<8x128xi32, #tpu.memory_space<vmem>> -> memref<1x128xi32, #tpu.memory_space<vmem>>
        %dma_wait3A_345 = tpu.memref_squeeze %dma_wait3A_344 : memref<1x128xi32, #tpu.memory_space<vmem>> -> memref<128xi32, #tpu.memory_space<vmem>>
        %dma_wait3A_346 = arith.constant 0 : i32
        %dma_wait3A_347 = arith.constant 0 : i32
        %dma_wait3A_348 = tpu.memref_slice %arg2[%dma_wait3A_346, %dma_wait3A_347] : memref<10000x128xf32, #tpu.memory_space<hbm>> -> memref<10000x128xf32, #tpu.memory_space<hbm>>
        tpu.wait_indirect_dma semaphore(%arg12 : memref<!tpu.dma_semaphore, #tpu.memory_space<semaphore_mem>>) src(%dma_wait3A_348 : memref<10000x128xf32, #tpu.memory_space<hbm>>) dst(%arg9 : memref<128x128xf32, #tpu.memory_space<vmem>>)
        "tpu.region"() ({
          %run_scoped3A = tpu.sem_alloc : memref<!tpu.dma_semaphore, #tpu.memory_space<semaphore_mem>>
          %dma_start3A_363 = arith.constant 0 : i32
          %dma_start3A_364 = tpu.memref_slice %arg8[%mul3A_335, %dma_start3A_363] : memref<8x128xi32, #tpu.memory_space<vmem>> -> memref<1x128xi32, #tpu.memory_space<vmem>>
          %dma_start3A_365 = tpu.memref_squeeze %dma_start3A_364 : memref<1x128xi32, #tpu.memory_space<vmem>> -> memref<128xi32, #tpu.memory_space<vmem>>
          %dma_start3A_366 = arith.constant 0 : i32
          %dma_start3A_367 = arith.constant 0 : i32
          %dma_start3A_368 = tpu.memref_slice %arg11[%dma_start3A_366, %dma_start3A_367] : memref<10008x128xf32, #tpu.memory_space<vmem_shared>> -> memref<10008x128xf32, #tpu.memory_space<vmem_shared>>
          tpu.enqueue_indirect_dma source(%arg9 : memref<128x128xf32, #tpu.memory_space<vmem>>) target(%dma_start3A_368 : memref<10008x128xf32, #tpu.memory_space<vmem_shared>>) offsets(%dma_start3A_365 : memref<128xi32, #tpu.memory_space<vmem>>) semaphore(%run_scoped3A : memref<!tpu.dma_semaphore, #tpu.memory_space<semaphore_mem>>) {add = true}
          %dma_wait3A_369 = arith.constant 0 : i32
          %dma_wait3A_370 = tpu.memref_slice %arg8[%mul3A_335, %dma_wait3A_369] : memref<8x128xi32, #tpu.memory_space<vmem>> -> memref<1x128xi32, #tpu.memory_space<vmem>>
          %dma_wait3A_371 = tpu.memref_squeeze %dma_wait3A_370 : memref<1x128xi32, #tpu.memory_space<vmem>> -> memref<128xi32, #tpu.memory_space<vmem>>
          %dma_wait3A_372 = arith.constant 0 : i32
          %dma_wait3A_373 = arith.constant 0 : i32
          %dma_wait3A_374 = tpu.memref_slice %arg11[%dma_wait3A_372, %dma_wait3A_373] : memref<10008x128xf32, #tpu.memory_space<vmem_shared>> -> memref<10008x128xf32, #tpu.memory_space<vmem_shared>>
          tpu.wait_indirect_dma semaphore(%run_scoped3A : memref<!tpu.dma_semaphore, #tpu.memory_space<semaphore_mem>>) src(%arg9 : memref<128x128xf32, #tpu.memory_space<vmem>>) dst(%dma_wait3A_374 : memref<10008x128xf32, #tpu.memory_space<vmem_shared>>)
          tpu.yield
        }) : () -> ()
        %lt3A = arith.constant 3 : i32
        %lt3A_349 = arith.cmpi slt, %scan3A_333, %lt3A : i32
        %convert_element_type3A_350 = arith.extui %lt3A_349 : i1 to i32
        %cond3A_351 = arith.constant 0 : i32
        %cond3A_352 = arith.cmpi ne, %convert_element_type3A_350, %cond3A_351 : i32
        scf.if %cond3A_352 {
          %add3A_363 = arith.constant 2 : i32
          %add3A_364 = arith.addi %mul3A_335, %add3A_363 : i32
          %dma_start3A_365 = arith.constant 0 : i32
          %dma_start3A_366 = tpu.memref_slice %arg7[%add3A_364, %dma_start3A_365] : memref<8x128xi32, #tpu.memory_space<vmem>> -> memref<1x128xi32, #tpu.memory_space<vmem>>
          %dma_start3A_367 = tpu.memref_squeeze %dma_start3A_366 : memref<1x128xi32, #tpu.memory_space<vmem>> -> memref<128xi32, #tpu.memory_space<vmem>>
          %dma_start3A_368 = arith.constant 0 : i32
          %dma_start3A_369 = arith.constant 0 : i32
          %dma_start3A_370 = tpu.memref_slice %arg2[%dma_start3A_368, %dma_start3A_369] : memref<10000x128xf32, #tpu.memory_space<hbm>> -> memref<10000x128xf32, #tpu.memory_space<hbm>>
          tpu.enqueue_indirect_dma source(%dma_start3A_370 : memref<10000x128xf32, #tpu.memory_space<hbm>>) target(%arg9 : memref<128x128xf32, #tpu.memory_space<vmem>>) offsets(%dma_start3A_367 : memref<128xi32, #tpu.memory_space<vmem>>) semaphore(%arg12 : memref<!tpu.dma_semaphore, #tpu.memory_space<semaphore_mem>>)
        } else {
        }
        %add3A_353 = arith.constant 1 : i32
        %add3A_354 = arith.addi %mul3A_335, %add3A_353 : i32
        %dma_wait3A_355 = arith.constant 0 : i32
        %dma_wait3A_356 = tpu.memref_slice %arg7[%add3A_354, %dma_wait3A_355] : memref<8x128xi32, #tpu.memory_space<vmem>> -> memref<1x128xi32, #tpu.memory_space<vmem>>
        %dma_wait3A_357 = tpu.memref_squeeze %dma_wait3A_356 : memref<1x128xi32, #tpu.memory_space<vmem>> -> memref<128xi32, #tpu.memory_space<vmem>>
        %dma_wait3A_358 = arith.constant 0 : i32
        %dma_wait3A_359 = arith.constant 0 : i32
        %dma_wait3A_360 = tpu.memref_slice %arg2[%dma_wait3A_358, %dma_wait3A_359] : memref<10000x128xf32, #tpu.memory_space<hbm>> -> memref<10000x128xf32, #tpu.memory_space<hbm>>
        tpu.wait_indirect_dma semaphore(%arg13 : memref<!tpu.dma_semaphore, #tpu.memory_space<semaphore_mem>>) src(%dma_wait3A_360 : memref<10000x128xf32, #tpu.memory_space<hbm>>) dst(%arg10 : memref<128x128xf32, #tpu.memory_space<vmem>>)
        %add3A_361 = arith.constant 1 : i32
        %add3A_362 = arith.addi %mul3A_335, %add3A_361 : i32
        "tpu.region"() ({
          %run_scoped3A = tpu.sem_alloc : memref<!tpu.dma_semaphore, #tpu.memory_space<semaphore_mem>>
          %dma_start3A_363 = arith.constant 0 : i32
          %dma_start3A_364 = tpu.memref_slice %arg8[%add3A_362, %dma_start3A_363] : memref<8x128xi32, #tpu.memory_space<vmem>> -> memref<1x128xi32, #tpu.memory_space<vmem>>
          %dma_start3A_365 = tpu.memref_squeeze %dma_start3A_364 : memref<1x128xi32, #tpu.memory_space<vmem>> -> memref<128xi32, #tpu.memory_space<vmem>>
          %dma_start3A_366 = arith.constant 0 : i32
          %dma_start3A_367 = arith.constant 0 : i32
          %dma_start3A_368 = tpu.memref_slice %arg11[%dma_start3A_366, %dma_start3A_367] : memref<10008x128xf32, #tpu.memory_space<vmem_shared>> -> memref<10008x128xf32, #tpu.memory_space<vmem_shared>>
          tpu.enqueue_indirect_dma source(%arg10 : memref<128x128xf32, #tpu.memory_space<vmem>>) target(%dma_start3A_368 : memref<10008x128xf32, #tpu.memory_space<vmem_shared>>) offsets(%dma_start3A_365 : memref<128xi32, #tpu.memory_space<vmem>>) semaphore(%run_scoped3A : memref<!tpu.dma_semaphore, #tpu.memory_space<semaphore_mem>>) {add = true}
          %dma_wait3A_369 = arith.constant 0 : i32
          %dma_wait3A_370 = tpu.memref_slice %arg8[%add3A_362, %dma_wait3A_369] : memref<8x128xi32, #tpu.memory_space<vmem>> -> memref<1x128xi32, #tpu.memory_space<vmem>>
          %dma_wait3A_371 = tpu.memref_squeeze %dma_wait3A_370 : memref<1x128xi32, #tpu.memory_space<vmem>> -> memref<128xi32, #tpu.memory_space<vmem>>
          %dma_wait3A_372 = arith.constant 0 : i32
          %dma_wait3A_373 = arith.constant 0 : i32
          %dma_wait3A_374 = tpu.memref_slice %arg11[%dma_wait3A_372, %dma_wait3A_373] : memref<10008x128xf32, #tpu.memory_space<vmem_shared>> -> memref<10008x128xf32, #tpu.memory_space<vmem_shared>>
          tpu.wait_indirect_dma semaphore(%run_scoped3A : memref<!tpu.dma_semaphore, #tpu.memory_space<semaphore_mem>>) src(%arg10 : memref<128x128xf32, #tpu.memory_space<vmem>>) dst(%dma_wait3A_374 : memref<10008x128xf32, #tpu.memory_space<vmem_shared>>)
          tpu.yield
        }) : () -> ()
      }
      %scan3A_128 = arith.constant 4 : i32
      %mul3A_129 = arith.constant 152 : i32
      %mul3A_130 = arith.muli %arg1, %mul3A_129 : i32
      %add3A_131 = arith.constant 56 : i32
      %add3A_132 = arith.addi %mul3A_130, %add3A_131 : i32
      "tpu.region"() ({
        %run_scoped3A = tpu.sem_alloc : memref<!tpu.dma_semaphore, #tpu.memory_space<semaphore_mem>>
        %dma_start3A_333 = arith.constant 0 : i32
        %dma_start3A_334 = tpu.memref_slice %arg3[%add3A_132, %dma_start3A_333] : memref<2560x128xi32, #tpu.memory_space<hbm>> -> memref<8x128xi32, #tpu.memory_space<hbm>>
        %dma_start3A_335 = arith.constant 0 : i32
        %dma_start3A_336 = tpu.memref_slice %arg3[%add3A_132, %dma_start3A_335] : memref<2560x128xi32, #tpu.memory_space<hbm>> -> memref<8x128xi32, #tpu.memory_space<hbm>>
        tpu.enqueue_dma source(%dma_start3A_336 : memref<8x128xi32, #tpu.memory_space<hbm>>) target(%arg7 : memref<8x128xi32, #tpu.memory_space<vmem>>) target_semaphore(%run_scoped3A : memref<!tpu.dma_semaphore, #tpu.memory_space<semaphore_mem>>)
        %dma_wait3A = arith.constant 0 : i32
        %dma_wait3A_337 = tpu.memref_slice %arg3[%add3A_132, %dma_wait3A] : memref<2560x128xi32, #tpu.memory_space<hbm>> -> memref<8x128xi32, #tpu.memory_space<hbm>>
        %dma_wait3A_338 = arith.constant 0 : i32
        %dma_wait3A_339 = tpu.memref_slice %arg3[%add3A_132, %dma_wait3A_338] : memref<2560x128xi32, #tpu.memory_space<hbm>> -> memref<8x128xi32, #tpu.memory_space<hbm>>
        tpu.wait_dma2 semaphore(%run_scoped3A : memref<!tpu.dma_semaphore, #tpu.memory_space<semaphore_mem>>) src(%dma_wait3A_339 : memref<8x128xi32, #tpu.memory_space<hbm>>) dst(%arg7 : memref<8x128xi32, #tpu.memory_space<vmem>>)
        tpu.yield
      }) : () -> ()
      "tpu.region"() ({
        %run_scoped3A = tpu.sem_alloc : memref<!tpu.dma_semaphore, #tpu.memory_space<semaphore_mem>>
        %dma_start3A_333 = arith.constant 0 : i32
        %dma_start3A_334 = tpu.memref_slice %arg4[%add3A_132, %dma_start3A_333] : memref<2560x128xi32, #tpu.memory_space<hbm>> -> memref<8x128xi32, #tpu.memory_space<hbm>>
        %dma_start3A_335 = arith.constant 0 : i32
        %dma_start3A_336 = tpu.memref_slice %arg4[%add3A_132, %dma_start3A_335] : memref<2560x128xi32, #tpu.memory_space<hbm>> -> memref<8x128xi32, #tpu.memory_space<hbm>>
        tpu.enqueue_dma source(%dma_start3A_336 : memref<8x128xi32, #tpu.memory_space<hbm>>) target(%arg8 : memref<8x128xi32, #tpu.memory_space<vmem>>) target_semaphore(%run_scoped3A : memref<!tpu.dma_semaphore, #tpu.memory_space<semaphore_mem>>)
        %dma_wait3A = arith.constant 0 : i32
        %dma_wait3A_337 = tpu.memref_slice %arg4[%add3A_132, %dma_wait3A] : memref<2560x128xi32, #tpu.memory_space<hbm>> -> memref<8x128xi32, #tpu.memory_space<hbm>>
        %dma_wait3A_338 = arith.constant 0 : i32
        %dma_wait3A_339 = tpu.memref_slice %arg4[%add3A_132, %dma_wait3A_338] : memref<2560x128xi32, #tpu.memory_space<hbm>> -> memref<8x128xi32, #tpu.memory_space<hbm>>
        tpu.wait_dma2 semaphore(%run_scoped3A : memref<!tpu.dma_semaphore, #tpu.memory_space<semaphore_mem>>) src(%dma_wait3A_339 : memref<8x128xi32, #tpu.memory_space<hbm>>) dst(%arg8 : memref<8x128xi32, #tpu.memory_space<vmem>>)
        tpu.yield
      }) : () -> ()
      %dma_start3A_133 = arith.constant 0 : i32
      %dma_start3A_134 = arith.constant 0 : i32
      %dma_start3A_135 = tpu.memref_slice %arg7[%dma_start3A_133, %dma_start3A_134] : memref<8x128xi32, #tpu.memory_space<vmem>> -> memref<1x128xi32, #tpu.memory_space<vmem>>
      %dma_start3A_136 = tpu.memref_squeeze %dma_start3A_135 : memref<1x128xi32, #tpu.memory_space<vmem>> -> memref<128xi32, #tpu.memory_space<vmem>>
      %dma_start3A_137 = arith.constant 0 : i32
      %dma_start3A_138 = arith.constant 0 : i32
      %dma_start3A_139 = tpu.memref_slice %arg2[%dma_start3A_137, %dma_start3A_138] : memref<10000x128xf32, #tpu.memory_space<hbm>> -> memref<10000x128xf32, #tpu.memory_space<hbm>>
      tpu.enqueue_indirect_dma source(%dma_start3A_139 : memref<10000x128xf32, #tpu.memory_space<hbm>>) target(%arg9 : memref<128x128xf32, #tpu.memory_space<vmem>>) offsets(%dma_start3A_136 : memref<128xi32, #tpu.memory_space<vmem>>) semaphore(%arg12 : memref<!tpu.dma_semaphore, #tpu.memory_space<semaphore_mem>>)
      %scan3A_140 = arith.constant 0 : i32
      %scan3A_141 = arith.constant 0 : i32
      %scan3A_142 = arith.constant 4 : i32
      %scan3A_143 = arith.addi %scan3A_141, %scan3A_142 : i32
      %scan3A_144 = arith.constant 1 : i32
      scf.for %scan3A_333 = %scan3A_141 to %scan3A_143 step %scan3A_144  : i32 {
        %mul3A_334 = arith.constant 2 : i32
        %mul3A_335 = arith.muli %mul3A_334, %scan3A_333 : i32
        %add3A_336 = arith.constant 1 : i32
        %add3A_337 = arith.addi %mul3A_335, %add3A_336 : i32
        %dma_start3A_338 = arith.constant 0 : i32
        %dma_start3A_339 = tpu.memref_slice %arg7[%add3A_337, %dma_start3A_338] : memref<8x128xi32, #tpu.memory_space<vmem>> -> memref<1x128xi32, #tpu.memory_space<vmem>>
        %dma_start3A_340 = tpu.memref_squeeze %dma_start3A_339 : memref<1x128xi32, #tpu.memory_space<vmem>> -> memref<128xi32, #tpu.memory_space<vmem>>
        %dma_start3A_341 = arith.constant 0 : i32
        %dma_start3A_342 = arith.constant 0 : i32
        %dma_start3A_343 = tpu.memref_slice %arg2[%dma_start3A_341, %dma_start3A_342] : memref<10000x128xf32, #tpu.memory_space<hbm>> -> memref<10000x128xf32, #tpu.memory_space<hbm>>
        tpu.enqueue_indirect_dma source(%dma_start3A_343 : memref<10000x128xf32, #tpu.memory_space<hbm>>) target(%arg10 : memref<128x128xf32, #tpu.memory_space<vmem>>) offsets(%dma_start3A_340 : memref<128xi32, #tpu.memory_space<vmem>>) semaphore(%arg13 : memref<!tpu.dma_semaphore, #tpu.memory_space<semaphore_mem>>)
        %dma_wait3A = arith.constant 0 : i32
        %dma_wait3A_344 = tpu.memref_slice %arg7[%mul3A_335, %dma_wait3A] : memref<8x128xi32, #tpu.memory_space<vmem>> -> memref<1x128xi32, #tpu.memory_space<vmem>>
        %dma_wait3A_345 = tpu.memref_squeeze %dma_wait3A_344 : memref<1x128xi32, #tpu.memory_space<vmem>> -> memref<128xi32, #tpu.memory_space<vmem>>
        %dma_wait3A_346 = arith.constant 0 : i32
        %dma_wait3A_347 = arith.constant 0 : i32
        %dma_wait3A_348 = tpu.memref_slice %arg2[%dma_wait3A_346, %dma_wait3A_347] : memref<10000x128xf32, #tpu.memory_space<hbm>> -> memref<10000x128xf32, #tpu.memory_space<hbm>>
        tpu.wait_indirect_dma semaphore(%arg12 : memref<!tpu.dma_semaphore, #tpu.memory_space<semaphore_mem>>) src(%dma_wait3A_348 : memref<10000x128xf32, #tpu.memory_space<hbm>>) dst(%arg9 : memref<128x128xf32, #tpu.memory_space<vmem>>)
        "tpu.region"() ({
          %run_scoped3A = tpu.sem_alloc : memref<!tpu.dma_semaphore, #tpu.memory_space<semaphore_mem>>
          %dma_start3A_363 = arith.constant 0 : i32
          %dma_start3A_364 = tpu.memref_slice %arg8[%mul3A_335, %dma_start3A_363] : memref<8x128xi32, #tpu.memory_space<vmem>> -> memref<1x128xi32, #tpu.memory_space<vmem>>
          %dma_start3A_365 = tpu.memref_squeeze %dma_start3A_364 : memref<1x128xi32, #tpu.memory_space<vmem>> -> memref<128xi32, #tpu.memory_space<vmem>>
          %dma_start3A_366 = arith.constant 0 : i32
          %dma_start3A_367 = arith.constant 0 : i32
          %dma_start3A_368 = tpu.memref_slice %arg11[%dma_start3A_366, %dma_start3A_367] : memref<10008x128xf32, #tpu.memory_space<vmem_shared>> -> memref<10008x128xf32, #tpu.memory_space<vmem_shared>>
          tpu.enqueue_indirect_dma source(%arg9 : memref<128x128xf32, #tpu.memory_space<vmem>>) target(%dma_start3A_368 : memref<10008x128xf32, #tpu.memory_space<vmem_shared>>) offsets(%dma_start3A_365 : memref<128xi32, #tpu.memory_space<vmem>>) semaphore(%run_scoped3A : memref<!tpu.dma_semaphore, #tpu.memory_space<semaphore_mem>>) {add = true}
          %dma_wait3A_369 = arith.constant 0 : i32
          %dma_wait3A_370 = tpu.memref_slice %arg8[%mul3A_335, %dma_wait3A_369] : memref<8x128xi32, #tpu.memory_space<vmem>> -> memref<1x128xi32, #tpu.memory_space<vmem>>
          %dma_wait3A_371 = tpu.memref_squeeze %dma_wait3A_370 : memref<1x128xi32, #tpu.memory_space<vmem>> -> memref<128xi32, #tpu.memory_space<vmem>>
          %dma_wait3A_372 = arith.constant 0 : i32
          %dma_wait3A_373 = arith.constant 0 : i32
          %dma_wait3A_374 = tpu.memref_slice %arg11[%dma_wait3A_372, %dma_wait3A_373] : memref<10008x128xf32, #tpu.memory_space<vmem_shared>> -> memref<10008x128xf32, #tpu.memory_space<vmem_shared>>
          tpu.wait_indirect_dma semaphore(%run_scoped3A : memref<!tpu.dma_semaphore, #tpu.memory_space<semaphore_mem>>) src(%arg9 : memref<128x128xf32, #tpu.memory_space<vmem>>) dst(%dma_wait3A_374 : memref<10008x128xf32, #tpu.memory_space<vmem_shared>>)
          tpu.yield
        }) : () -> ()
        %lt3A = arith.constant 3 : i32
        %lt3A_349 = arith.cmpi slt, %scan3A_333, %lt3A : i32
        %convert_element_type3A_350 = arith.extui %lt3A_349 : i1 to i32
        %cond3A_351 = arith.constant 0 : i32
        %cond3A_352 = arith.cmpi ne, %convert_element_type3A_350, %cond3A_351 : i32
        scf.if %cond3A_352 {
          %add3A_363 = arith.constant 2 : i32
          %add3A_364 = arith.addi %mul3A_335, %add3A_363 : i32
          %dma_start3A_365 = arith.constant 0 : i32
          %dma_start3A_366 = tpu.memref_slice %arg7[%add3A_364, %dma_start3A_365] : memref<8x128xi32, #tpu.memory_space<vmem>> -> memref<1x128xi32, #tpu.memory_space<vmem>>
          %dma_start3A_367 = tpu.memref_squeeze %dma_start3A_366 : memref<1x128xi32, #tpu.memory_space<vmem>> -> memref<128xi32, #tpu.memory_space<vmem>>
          %dma_start3A_368 = arith.constant 0 : i32
          %dma_start3A_369 = arith.constant 0 : i32
          %dma_start3A_370 = tpu.memref_slice %arg2[%dma_start3A_368, %dma_start3A_369] : memref<10000x128xf32, #tpu.memory_space<hbm>> -> memref<10000x128xf32, #tpu.memory_space<hbm>>
          tpu.enqueue_indirect_dma source(%dma_start3A_370 : memref<10000x128xf32, #tpu.memory_space<hbm>>) target(%arg9 : memref<128x128xf32, #tpu.memory_space<vmem>>) offsets(%dma_start3A_367 : memref<128xi32, #tpu.memory_space<vmem>>) semaphore(%arg12 : memref<!tpu.dma_semaphore, #tpu.memory_space<semaphore_mem>>)
        } else {
        }
        %add3A_353 = arith.constant 1 : i32
        %add3A_354 = arith.addi %mul3A_335, %add3A_353 : i32
        %dma_wait3A_355 = arith.constant 0 : i32
        %dma_wait3A_356 = tpu.memref_slice %arg7[%add3A_354, %dma_wait3A_355] : memref<8x128xi32, #tpu.memory_space<vmem>> -> memref<1x128xi32, #tpu.memory_space<vmem>>
        %dma_wait3A_357 = tpu.memref_squeeze %dma_wait3A_356 : memref<1x128xi32, #tpu.memory_space<vmem>> -> memref<128xi32, #tpu.memory_space<vmem>>
        %dma_wait3A_358 = arith.constant 0 : i32
        %dma_wait3A_359 = arith.constant 0 : i32
        %dma_wait3A_360 = tpu.memref_slice %arg2[%dma_wait3A_358, %dma_wait3A_359] : memref<10000x128xf32, #tpu.memory_space<hbm>> -> memref<10000x128xf32, #tpu.memory_space<hbm>>
        tpu.wait_indirect_dma semaphore(%arg13 : memref<!tpu.dma_semaphore, #tpu.memory_space<semaphore_mem>>) src(%dma_wait3A_360 : memref<10000x128xf32, #tpu.memory_space<hbm>>) dst(%arg10 : memref<128x128xf32, #tpu.memory_space<vmem>>)
        %add3A_361 = arith.constant 1 : i32
        %add3A_362 = arith.addi %mul3A_335, %add3A_361 : i32
        "tpu.region"() ({
          %run_scoped3A = tpu.sem_alloc : memref<!tpu.dma_semaphore, #tpu.memory_space<semaphore_mem>>
          %dma_start3A_363 = arith.constant 0 : i32
          %dma_start3A_364 = tpu.memref_slice %arg8[%add3A_362, %dma_start3A_363] : memref<8x128xi32, #tpu.memory_space<vmem>> -> memref<1x128xi32, #tpu.memory_space<vmem>>
          %dma_start3A_365 = tpu.memref_squeeze %dma_start3A_364 : memref<1x128xi32, #tpu.memory_space<vmem>> -> memref<128xi32, #tpu.memory_space<vmem>>
          %dma_start3A_366 = arith.constant 0 : i32
          %dma_start3A_367 = arith.constant 0 : i32
          %dma_start3A_368 = tpu.memref_slice %arg11[%dma_start3A_366, %dma_start3A_367] : memref<10008x128xf32, #tpu.memory_space<vmem_shared>> -> memref<10008x128xf32, #tpu.memory_space<vmem_shared>>
          tpu.enqueue_indirect_dma source(%arg10 : memref<128x128xf32, #tpu.memory_space<vmem>>) target(%dma_start3A_368 : memref<10008x128xf32, #tpu.memory_space<vmem_shared>>) offsets(%dma_start3A_365 : memref<128xi32, #tpu.memory_space<vmem>>) semaphore(%run_scoped3A : memref<!tpu.dma_semaphore, #tpu.memory_space<semaphore_mem>>) {add = true}
          %dma_wait3A_369 = arith.constant 0 : i32
          %dma_wait3A_370 = tpu.memref_slice %arg8[%add3A_362, %dma_wait3A_369] : memref<8x128xi32, #tpu.memory_space<vmem>> -> memref<1x128xi32, #tpu.memory_space<vmem>>
          %dma_wait3A_371 = tpu.memref_squeeze %dma_wait3A_370 : memref<1x128xi32, #tpu.memory_space<vmem>> -> memref<128xi32, #tpu.memory_space<vmem>>
          %dma_wait3A_372 = arith.constant 0 : i32
          %dma_wait3A_373 = arith.constant 0 : i32
          %dma_wait3A_374 = tpu.memref_slice %arg11[%dma_wait3A_372, %dma_wait3A_373] : memref<10008x128xf32, #tpu.memory_space<vmem_shared>> -> memref<10008x128xf32, #tpu.memory_space<vmem_shared>>
          tpu.wait_indirect_dma semaphore(%run_scoped3A : memref<!tpu.dma_semaphore, #tpu.memory_space<semaphore_mem>>) src(%arg10 : memref<128x128xf32, #tpu.memory_space<vmem>>) dst(%dma_wait3A_374 : memref<10008x128xf32, #tpu.memory_space<vmem_shared>>)
          tpu.yield
        }) : () -> ()
      }
      %scan3A_145 = arith.constant 4 : i32
      %mul3A_146 = arith.constant 152 : i32
      %mul3A_147 = arith.muli %arg1, %mul3A_146 : i32
      %add3A_148 = arith.constant 64 : i32
      %add3A_149 = arith.addi %mul3A_147, %add3A_148 : i32
      "tpu.region"() ({
        %run_scoped3A = tpu.sem_alloc : memref<!tpu.dma_semaphore, #tpu.memory_space<semaphore_mem>>
        %dma_start3A_333 = arith.constant 0 : i32
        %dma_start3A_334 = tpu.memref_slice %arg3[%add3A_149, %dma_start3A_333] : memref<2560x128xi32, #tpu.memory_space<hbm>> -> memref<8x128xi32, #tpu.memory_space<hbm>>
        %dma_start3A_335 = arith.constant 0 : i32
        %dma_start3A_336 = tpu.memref_slice %arg3[%add3A_149, %dma_start3A_335] : memref<2560x128xi32, #tpu.memory_space<hbm>> -> memref<8x128xi32, #tpu.memory_space<hbm>>
        tpu.enqueue_dma source(%dma_start3A_336 : memref<8x128xi32, #tpu.memory_space<hbm>>) target(%arg7 : memref<8x128xi32, #tpu.memory_space<vmem>>) target_semaphore(%run_scoped3A : memref<!tpu.dma_semaphore, #tpu.memory_space<semaphore_mem>>)
        %dma_wait3A = arith.constant 0 : i32
        %dma_wait3A_337 = tpu.memref_slice %arg3[%add3A_149, %dma_wait3A] : memref<2560x128xi32, #tpu.memory_space<hbm>> -> memref<8x128xi32, #tpu.memory_space<hbm>>
        %dma_wait3A_338 = arith.constant 0 : i32
        %dma_wait3A_339 = tpu.memref_slice %arg3[%add3A_149, %dma_wait3A_338] : memref<2560x128xi32, #tpu.memory_space<hbm>> -> memref<8x128xi32, #tpu.memory_space<hbm>>
        tpu.wait_dma2 semaphore(%run_scoped3A : memref<!tpu.dma_semaphore, #tpu.memory_space<semaphore_mem>>) src(%dma_wait3A_339 : memref<8x128xi32, #tpu.memory_space<hbm>>) dst(%arg7 : memref<8x128xi32, #tpu.memory_space<vmem>>)
        tpu.yield
      }) : () -> ()
      "tpu.region"() ({
        %run_scoped3A = tpu.sem_alloc : memref<!tpu.dma_semaphore, #tpu.memory_space<semaphore_mem>>
        %dma_start3A_333 = arith.constant 0 : i32
        %dma_start3A_334 = tpu.memref_slice %arg4[%add3A_149, %dma_start3A_333] : memref<2560x128xi32, #tpu.memory_space<hbm>> -> memref<8x128xi32, #tpu.memory_space<hbm>>
        %dma_start3A_335 = arith.constant 0 : i32
        %dma_start3A_336 = tpu.memref_slice %arg4[%add3A_149, %dma_start3A_335] : memref<2560x128xi32, #tpu.memory_space<hbm>> -> memref<8x128xi32, #tpu.memory_space<hbm>>
        tpu.enqueue_dma source(%dma_start3A_336 : memref<8x128xi32, #tpu.memory_space<hbm>>) target(%arg8 : memref<8x128xi32, #tpu.memory_space<vmem>>) target_semaphore(%run_scoped3A : memref<!tpu.dma_semaphore, #tpu.memory_space<semaphore_mem>>)
        %dma_wait3A = arith.constant 0 : i32
        %dma_wait3A_337 = tpu.memref_slice %arg4[%add3A_149, %dma_wait3A] : memref<2560x128xi32, #tpu.memory_space<hbm>> -> memref<8x128xi32, #tpu.memory_space<hbm>>
        %dma_wait3A_338 = arith.constant 0 : i32
        %dma_wait3A_339 = tpu.memref_slice %arg4[%add3A_149, %dma_wait3A_338] : memref<2560x128xi32, #tpu.memory_space<hbm>> -> memref<8x128xi32, #tpu.memory_space<hbm>>
        tpu.wait_dma2 semaphore(%run_scoped3A : memref<!tpu.dma_semaphore, #tpu.memory_space<semaphore_mem>>) src(%dma_wait3A_339 : memref<8x128xi32, #tpu.memory_space<hbm>>) dst(%arg8 : memref<8x128xi32, #tpu.memory_space<vmem>>)
        tpu.yield
      }) : () -> ()
      %dma_start3A_150 = arith.constant 0 : i32
      %dma_start3A_151 = arith.constant 0 : i32
      %dma_start3A_152 = tpu.memref_slice %arg7[%dma_start3A_150, %dma_start3A_151] : memref<8x128xi32, #tpu.memory_space<vmem>> -> memref<1x128xi32, #tpu.memory_space<vmem>>
      %dma_start3A_153 = tpu.memref_squeeze %dma_start3A_152 : memref<1x128xi32, #tpu.memory_space<vmem>> -> memref<128xi32, #tpu.memory_space<vmem>>
      %dma_start3A_154 = arith.constant 0 : i32
      %dma_start3A_155 = arith.constant 0 : i32
      %dma_start3A_156 = tpu.memref_slice %arg2[%dma_start3A_154, %dma_start3A_155] : memref<10000x128xf32, #tpu.memory_space<hbm>> -> memref<10000x128xf32, #tpu.memory_space<hbm>>
      tpu.enqueue_indirect_dma source(%dma_start3A_156 : memref<10000x128xf32, #tpu.memory_space<hbm>>) target(%arg9 : memref<128x128xf32, #tpu.memory_space<vmem>>) offsets(%dma_start3A_153 : memref<128xi32, #tpu.memory_space<vmem>>) semaphore(%arg12 : memref<!tpu.dma_semaphore, #tpu.memory_space<semaphore_mem>>)
      %scan3A_157 = arith.constant 0 : i32
      %scan3A_158 = arith.constant 0 : i32
      %scan3A_159 = arith.constant 4 : i32
      %scan3A_160 = arith.addi %scan3A_158, %scan3A_159 : i32
      %scan3A_161 = arith.constant 1 : i32
      scf.for %scan3A_333 = %scan3A_158 to %scan3A_160 step %scan3A_161  : i32 {
        %mul3A_334 = arith.constant 2 : i32
        %mul3A_335 = arith.muli %mul3A_334, %scan3A_333 : i32
        %add3A_336 = arith.constant 1 : i32
        %add3A_337 = arith.addi %mul3A_335, %add3A_336 : i32
        %dma_start3A_338 = arith.constant 0 : i32
        %dma_start3A_339 = tpu.memref_slice %arg7[%add3A_337, %dma_start3A_338] : memref<8x128xi32, #tpu.memory_space<vmem>> -> memref<1x128xi32, #tpu.memory_space<vmem>>
        %dma_start3A_340 = tpu.memref_squeeze %dma_start3A_339 : memref<1x128xi32, #tpu.memory_space<vmem>> -> memref<128xi32, #tpu.memory_space<vmem>>
        %dma_start3A_341 = arith.constant 0 : i32
        %dma_start3A_342 = arith.constant 0 : i32
        %dma_start3A_343 = tpu.memref_slice %arg2[%dma_start3A_341, %dma_start3A_342] : memref<10000x128xf32, #tpu.memory_space<hbm>> -> memref<10000x128xf32, #tpu.memory_space<hbm>>
        tpu.enqueue_indirect_dma source(%dma_start3A_343 : memref<10000x128xf32, #tpu.memory_space<hbm>>) target(%arg10 : memref<128x128xf32, #tpu.memory_space<vmem>>) offsets(%dma_start3A_340 : memref<128xi32, #tpu.memory_space<vmem>>) semaphore(%arg13 : memref<!tpu.dma_semaphore, #tpu.memory_space<semaphore_mem>>)
        %dma_wait3A = arith.constant 0 : i32
        %dma_wait3A_344 = tpu.memref_slice %arg7[%mul3A_335, %dma_wait3A] : memref<8x128xi32, #tpu.memory_space<vmem>> -> memref<1x128xi32, #tpu.memory_space<vmem>>
        %dma_wait3A_345 = tpu.memref_squeeze %dma_wait3A_344 : memref<1x128xi32, #tpu.memory_space<vmem>> -> memref<128xi32, #tpu.memory_space<vmem>>
        %dma_wait3A_346 = arith.constant 0 : i32
        %dma_wait3A_347 = arith.constant 0 : i32
        %dma_wait3A_348 = tpu.memref_slice %arg2[%dma_wait3A_346, %dma_wait3A_347] : memref<10000x128xf32, #tpu.memory_space<hbm>> -> memref<10000x128xf32, #tpu.memory_space<hbm>>
        tpu.wait_indirect_dma semaphore(%arg12 : memref<!tpu.dma_semaphore, #tpu.memory_space<semaphore_mem>>) src(%dma_wait3A_348 : memref<10000x128xf32, #tpu.memory_space<hbm>>) dst(%arg9 : memref<128x128xf32, #tpu.memory_space<vmem>>)
        "tpu.region"() ({
          %run_scoped3A = tpu.sem_alloc : memref<!tpu.dma_semaphore, #tpu.memory_space<semaphore_mem>>
          %dma_start3A_363 = arith.constant 0 : i32
          %dma_start3A_364 = tpu.memref_slice %arg8[%mul3A_335, %dma_start3A_363] : memref<8x128xi32, #tpu.memory_space<vmem>> -> memref<1x128xi32, #tpu.memory_space<vmem>>
          %dma_start3A_365 = tpu.memref_squeeze %dma_start3A_364 : memref<1x128xi32, #tpu.memory_space<vmem>> -> memref<128xi32, #tpu.memory_space<vmem>>
          %dma_start3A_366 = arith.constant 0 : i32
          %dma_start3A_367 = arith.constant 0 : i32
          %dma_start3A_368 = tpu.memref_slice %arg11[%dma_start3A_366, %dma_start3A_367] : memref<10008x128xf32, #tpu.memory_space<vmem_shared>> -> memref<10008x128xf32, #tpu.memory_space<vmem_shared>>
          tpu.enqueue_indirect_dma source(%arg9 : memref<128x128xf32, #tpu.memory_space<vmem>>) target(%dma_start3A_368 : memref<10008x128xf32, #tpu.memory_space<vmem_shared>>) offsets(%dma_start3A_365 : memref<128xi32, #tpu.memory_space<vmem>>) semaphore(%run_scoped3A : memref<!tpu.dma_semaphore, #tpu.memory_space<semaphore_mem>>) {add = true}
          %dma_wait3A_369 = arith.constant 0 : i32
          %dma_wait3A_370 = tpu.memref_slice %arg8[%mul3A_335, %dma_wait3A_369] : memref<8x128xi32, #tpu.memory_space<vmem>> -> memref<1x128xi32, #tpu.memory_space<vmem>>
          %dma_wait3A_371 = tpu.memref_squeeze %dma_wait3A_370 : memref<1x128xi32, #tpu.memory_space<vmem>> -> memref<128xi32, #tpu.memory_space<vmem>>
          %dma_wait3A_372 = arith.constant 0 : i32
          %dma_wait3A_373 = arith.constant 0 : i32
          %dma_wait3A_374 = tpu.memref_slice %arg11[%dma_wait3A_372, %dma_wait3A_373] : memref<10008x128xf32, #tpu.memory_space<vmem_shared>> -> memref<10008x128xf32, #tpu.memory_space<vmem_shared>>
          tpu.wait_indirect_dma semaphore(%run_scoped3A : memref<!tpu.dma_semaphore, #tpu.memory_space<semaphore_mem>>) src(%arg9 : memref<128x128xf32, #tpu.memory_space<vmem>>) dst(%dma_wait3A_374 : memref<10008x128xf32, #tpu.memory_space<vmem_shared>>)
          tpu.yield
        }) : () -> ()
        %lt3A = arith.constant 3 : i32
        %lt3A_349 = arith.cmpi slt, %scan3A_333, %lt3A : i32
        %convert_element_type3A_350 = arith.extui %lt3A_349 : i1 to i32
        %cond3A_351 = arith.constant 0 : i32
        %cond3A_352 = arith.cmpi ne, %convert_element_type3A_350, %cond3A_351 : i32
        scf.if %cond3A_352 {
          %add3A_363 = arith.constant 2 : i32
          %add3A_364 = arith.addi %mul3A_335, %add3A_363 : i32
          %dma_start3A_365 = arith.constant 0 : i32
          %dma_start3A_366 = tpu.memref_slice %arg7[%add3A_364, %dma_start3A_365] : memref<8x128xi32, #tpu.memory_space<vmem>> -> memref<1x128xi32, #tpu.memory_space<vmem>>
          %dma_start3A_367 = tpu.memref_squeeze %dma_start3A_366 : memref<1x128xi32, #tpu.memory_space<vmem>> -> memref<128xi32, #tpu.memory_space<vmem>>
          %dma_start3A_368 = arith.constant 0 : i32
          %dma_start3A_369 = arith.constant 0 : i32
          %dma_start3A_370 = tpu.memref_slice %arg2[%dma_start3A_368, %dma_start3A_369] : memref<10000x128xf32, #tpu.memory_space<hbm>> -> memref<10000x128xf32, #tpu.memory_space<hbm>>
          tpu.enqueue_indirect_dma source(%dma_start3A_370 : memref<10000x128xf32, #tpu.memory_space<hbm>>) target(%arg9 : memref<128x128xf32, #tpu.memory_space<vmem>>) offsets(%dma_start3A_367 : memref<128xi32, #tpu.memory_space<vmem>>) semaphore(%arg12 : memref<!tpu.dma_semaphore, #tpu.memory_space<semaphore_mem>>)
        } else {
        }
        %add3A_353 = arith.constant 1 : i32
        %add3A_354 = arith.addi %mul3A_335, %add3A_353 : i32
        %dma_wait3A_355 = arith.constant 0 : i32
        %dma_wait3A_356 = tpu.memref_slice %arg7[%add3A_354, %dma_wait3A_355] : memref<8x128xi32, #tpu.memory_space<vmem>> -> memref<1x128xi32, #tpu.memory_space<vmem>>
        %dma_wait3A_357 = tpu.memref_squeeze %dma_wait3A_356 : memref<1x128xi32, #tpu.memory_space<vmem>> -> memref<128xi32, #tpu.memory_space<vmem>>
        %dma_wait3A_358 = arith.constant 0 : i32
        %dma_wait3A_359 = arith.constant 0 : i32
        %dma_wait3A_360 = tpu.memref_slice %arg2[%dma_wait3A_358, %dma_wait3A_359] : memref<10000x128xf32, #tpu.memory_space<hbm>> -> memref<10000x128xf32, #tpu.memory_space<hbm>>
        tpu.wait_indirect_dma semaphore(%arg13 : memref<!tpu.dma_semaphore, #tpu.memory_space<semaphore_mem>>) src(%dma_wait3A_360 : memref<10000x128xf32, #tpu.memory_space<hbm>>) dst(%arg10 : memref<128x128xf32, #tpu.memory_space<vmem>>)
        %add3A_361 = arith.constant 1 : i32
        %add3A_362 = arith.addi %mul3A_335, %add3A_361 : i32
        "tpu.region"() ({
          %run_scoped3A = tpu.sem_alloc : memref<!tpu.dma_semaphore, #tpu.memory_space<semaphore_mem>>
          %dma_start3A_363 = arith.constant 0 : i32
          %dma_start3A_364 = tpu.memref_slice %arg8[%add3A_362, %dma_start3A_363] : memref<8x128xi32, #tpu.memory_space<vmem>> -> memref<1x128xi32, #tpu.memory_space<vmem>>
          %dma_start3A_365 = tpu.memref_squeeze %dma_start3A_364 : memref<1x128xi32, #tpu.memory_space<vmem>> -> memref<128xi32, #tpu.memory_space<vmem>>
          %dma_start3A_366 = arith.constant 0 : i32
          %dma_start3A_367 = arith.constant 0 : i32
          %dma_start3A_368 = tpu.memref_slice %arg11[%dma_start3A_366, %dma_start3A_367] : memref<10008x128xf32, #tpu.memory_space<vmem_shared>> -> memref<10008x128xf32, #tpu.memory_space<vmem_shared>>
          tpu.enqueue_indirect_dma source(%arg10 : memref<128x128xf32, #tpu.memory_space<vmem>>) target(%dma_start3A_368 : memref<10008x128xf32, #tpu.memory_space<vmem_shared>>) offsets(%dma_start3A_365 : memref<128xi32, #tpu.memory_space<vmem>>) semaphore(%run_scoped3A : memref<!tpu.dma_semaphore, #tpu.memory_space<semaphore_mem>>) {add = true}
          %dma_wait3A_369 = arith.constant 0 : i32
          %dma_wait3A_370 = tpu.memref_slice %arg8[%add3A_362, %dma_wait3A_369] : memref<8x128xi32, #tpu.memory_space<vmem>> -> memref<1x128xi32, #tpu.memory_space<vmem>>
          %dma_wait3A_371 = tpu.memref_squeeze %dma_wait3A_370 : memref<1x128xi32, #tpu.memory_space<vmem>> -> memref<128xi32, #tpu.memory_space<vmem>>
          %dma_wait3A_372 = arith.constant 0 : i32
          %dma_wait3A_373 = arith.constant 0 : i32
          %dma_wait3A_374 = tpu.memref_slice %arg11[%dma_wait3A_372, %dma_wait3A_373] : memref<10008x128xf32, #tpu.memory_space<vmem_shared>> -> memref<10008x128xf32, #tpu.memory_space<vmem_shared>>
          tpu.wait_indirect_dma semaphore(%run_scoped3A : memref<!tpu.dma_semaphore, #tpu.memory_space<semaphore_mem>>) src(%arg10 : memref<128x128xf32, #tpu.memory_space<vmem>>) dst(%dma_wait3A_374 : memref<10008x128xf32, #tpu.memory_space<vmem_shared>>)
          tpu.yield
        }) : () -> ()
      }
      %scan3A_162 = arith.constant 4 : i32
      %mul3A_163 = arith.constant 152 : i32
      %mul3A_164 = arith.muli %arg1, %mul3A_163 : i32
      %add3A_165 = arith.constant 72 : i32
      %add3A_166 = arith.addi %mul3A_164, %add3A_165 : i32
      "tpu.region"() ({
        %run_scoped3A = tpu.sem_alloc : memref<!tpu.dma_semaphore, #tpu.memory_space<semaphore_mem>>
        %dma_start3A_333 = arith.constant 0 : i32
        %dma_start3A_334 = tpu.memref_slice %arg3[%add3A_166, %dma_start3A_333] : memref<2560x128xi32, #tpu.memory_space<hbm>> -> memref<8x128xi32, #tpu.memory_space<hbm>>
        %dma_start3A_335 = arith.constant 0 : i32
        %dma_start3A_336 = tpu.memref_slice %arg3[%add3A_166, %dma_start3A_335] : memref<2560x128xi32, #tpu.memory_space<hbm>> -> memref<8x128xi32, #tpu.memory_space<hbm>>
        tpu.enqueue_dma source(%dma_start3A_336 : memref<8x128xi32, #tpu.memory_space<hbm>>) target(%arg7 : memref<8x128xi32, #tpu.memory_space<vmem>>) target_semaphore(%run_scoped3A : memref<!tpu.dma_semaphore, #tpu.memory_space<semaphore_mem>>)
        %dma_wait3A = arith.constant 0 : i32
        %dma_wait3A_337 = tpu.memref_slice %arg3[%add3A_166, %dma_wait3A] : memref<2560x128xi32, #tpu.memory_space<hbm>> -> memref<8x128xi32, #tpu.memory_space<hbm>>
        %dma_wait3A_338 = arith.constant 0 : i32
        %dma_wait3A_339 = tpu.memref_slice %arg3[%add3A_166, %dma_wait3A_338] : memref<2560x128xi32, #tpu.memory_space<hbm>> -> memref<8x128xi32, #tpu.memory_space<hbm>>
        tpu.wait_dma2 semaphore(%run_scoped3A : memref<!tpu.dma_semaphore, #tpu.memory_space<semaphore_mem>>) src(%dma_wait3A_339 : memref<8x128xi32, #tpu.memory_space<hbm>>) dst(%arg7 : memref<8x128xi32, #tpu.memory_space<vmem>>)
        tpu.yield
      }) : () -> ()
      "tpu.region"() ({
        %run_scoped3A = tpu.sem_alloc : memref<!tpu.dma_semaphore, #tpu.memory_space<semaphore_mem>>
        %dma_start3A_333 = arith.constant 0 : i32
        %dma_start3A_334 = tpu.memref_slice %arg4[%add3A_166, %dma_start3A_333] : memref<2560x128xi32, #tpu.memory_space<hbm>> -> memref<8x128xi32, #tpu.memory_space<hbm>>
        %dma_start3A_335 = arith.constant 0 : i32
        %dma_start3A_336 = tpu.memref_slice %arg4[%add3A_166, %dma_start3A_335] : memref<2560x128xi32, #tpu.memory_space<hbm>> -> memref<8x128xi32, #tpu.memory_space<hbm>>
        tpu.enqueue_dma source(%dma_start3A_336 : memref<8x128xi32, #tpu.memory_space<hbm>>) target(%arg8 : memref<8x128xi32, #tpu.memory_space<vmem>>) target_semaphore(%run_scoped3A : memref<!tpu.dma_semaphore, #tpu.memory_space<semaphore_mem>>)
        %dma_wait3A = arith.constant 0 : i32
        %dma_wait3A_337 = tpu.memref_slice %arg4[%add3A_166, %dma_wait3A] : memref<2560x128xi32, #tpu.memory_space<hbm>> -> memref<8x128xi32, #tpu.memory_space<hbm>>
        %dma_wait3A_338 = arith.constant 0 : i32
        %dma_wait3A_339 = tpu.memref_slice %arg4[%add3A_166, %dma_wait3A_338] : memref<2560x128xi32, #tpu.memory_space<hbm>> -> memref<8x128xi32, #tpu.memory_space<hbm>>
        tpu.wait_dma2 semaphore(%run_scoped3A : memref<!tpu.dma_semaphore, #tpu.memory_space<semaphore_mem>>) src(%dma_wait3A_339 : memref<8x128xi32, #tpu.memory_space<hbm>>) dst(%arg8 : memref<8x128xi32, #tpu.memory_space<vmem>>)
        tpu.yield
      }) : () -> ()
      %dma_start3A_167 = arith.constant 0 : i32
      %dma_start3A_168 = arith.constant 0 : i32
      %dma_start3A_169 = tpu.memref_slice %arg7[%dma_start3A_167, %dma_start3A_168] : memref<8x128xi32, #tpu.memory_space<vmem>> -> memref<1x128xi32, #tpu.memory_space<vmem>>
      %dma_start3A_170 = tpu.memref_squeeze %dma_start3A_169 : memref<1x128xi32, #tpu.memory_space<vmem>> -> memref<128xi32, #tpu.memory_space<vmem>>
      %dma_start3A_171 = arith.constant 0 : i32
      %dma_start3A_172 = arith.constant 0 : i32
      %dma_start3A_173 = tpu.memref_slice %arg2[%dma_start3A_171, %dma_start3A_172] : memref<10000x128xf32, #tpu.memory_space<hbm>> -> memref<10000x128xf32, #tpu.memory_space<hbm>>
      tpu.enqueue_indirect_dma source(%dma_start3A_173 : memref<10000x128xf32, #tpu.memory_space<hbm>>) target(%arg9 : memref<128x128xf32, #tpu.memory_space<vmem>>) offsets(%dma_start3A_170 : memref<128xi32, #tpu.memory_space<vmem>>) semaphore(%arg12 : memref<!tpu.dma_semaphore, #tpu.memory_space<semaphore_mem>>)
      %scan3A_174 = arith.constant 0 : i32
      %scan3A_175 = arith.constant 0 : i32
      %scan3A_176 = arith.constant 4 : i32
      %scan3A_177 = arith.addi %scan3A_175, %scan3A_176 : i32
      %scan3A_178 = arith.constant 1 : i32
      scf.for %scan3A_333 = %scan3A_175 to %scan3A_177 step %scan3A_178  : i32 {
        %mul3A_334 = arith.constant 2 : i32
        %mul3A_335 = arith.muli %mul3A_334, %scan3A_333 : i32
        %add3A_336 = arith.constant 1 : i32
        %add3A_337 = arith.addi %mul3A_335, %add3A_336 : i32
        %dma_start3A_338 = arith.constant 0 : i32
        %dma_start3A_339 = tpu.memref_slice %arg7[%add3A_337, %dma_start3A_338] : memref<8x128xi32, #tpu.memory_space<vmem>> -> memref<1x128xi32, #tpu.memory_space<vmem>>
        %dma_start3A_340 = tpu.memref_squeeze %dma_start3A_339 : memref<1x128xi32, #tpu.memory_space<vmem>> -> memref<128xi32, #tpu.memory_space<vmem>>
        %dma_start3A_341 = arith.constant 0 : i32
        %dma_start3A_342 = arith.constant 0 : i32
        %dma_start3A_343 = tpu.memref_slice %arg2[%dma_start3A_341, %dma_start3A_342] : memref<10000x128xf32, #tpu.memory_space<hbm>> -> memref<10000x128xf32, #tpu.memory_space<hbm>>
        tpu.enqueue_indirect_dma source(%dma_start3A_343 : memref<10000x128xf32, #tpu.memory_space<hbm>>) target(%arg10 : memref<128x128xf32, #tpu.memory_space<vmem>>) offsets(%dma_start3A_340 : memref<128xi32, #tpu.memory_space<vmem>>) semaphore(%arg13 : memref<!tpu.dma_semaphore, #tpu.memory_space<semaphore_mem>>)
        %dma_wait3A = arith.constant 0 : i32
        %dma_wait3A_344 = tpu.memref_slice %arg7[%mul3A_335, %dma_wait3A] : memref<8x128xi32, #tpu.memory_space<vmem>> -> memref<1x128xi32, #tpu.memory_space<vmem>>
        %dma_wait3A_345 = tpu.memref_squeeze %dma_wait3A_344 : memref<1x128xi32, #tpu.memory_space<vmem>> -> memref<128xi32, #tpu.memory_space<vmem>>
        %dma_wait3A_346 = arith.constant 0 : i32
        %dma_wait3A_347 = arith.constant 0 : i32
        %dma_wait3A_348 = tpu.memref_slice %arg2[%dma_wait3A_346, %dma_wait3A_347] : memref<10000x128xf32, #tpu.memory_space<hbm>> -> memref<10000x128xf32, #tpu.memory_space<hbm>>
        tpu.wait_indirect_dma semaphore(%arg12 : memref<!tpu.dma_semaphore, #tpu.memory_space<semaphore_mem>>) src(%dma_wait3A_348 : memref<10000x128xf32, #tpu.memory_space<hbm>>) dst(%arg9 : memref<128x128xf32, #tpu.memory_space<vmem>>)
        "tpu.region"() ({
          %run_scoped3A = tpu.sem_alloc : memref<!tpu.dma_semaphore, #tpu.memory_space<semaphore_mem>>
          %dma_start3A_363 = arith.constant 0 : i32
          %dma_start3A_364 = tpu.memref_slice %arg8[%mul3A_335, %dma_start3A_363] : memref<8x128xi32, #tpu.memory_space<vmem>> -> memref<1x128xi32, #tpu.memory_space<vmem>>
          %dma_start3A_365 = tpu.memref_squeeze %dma_start3A_364 : memref<1x128xi32, #tpu.memory_space<vmem>> -> memref<128xi32, #tpu.memory_space<vmem>>
          %dma_start3A_366 = arith.constant 0 : i32
          %dma_start3A_367 = arith.constant 0 : i32
          %dma_start3A_368 = tpu.memref_slice %arg11[%dma_start3A_366, %dma_start3A_367] : memref<10008x128xf32, #tpu.memory_space<vmem_shared>> -> memref<10008x128xf32, #tpu.memory_space<vmem_shared>>
          tpu.enqueue_indirect_dma source(%arg9 : memref<128x128xf32, #tpu.memory_space<vmem>>) target(%dma_start3A_368 : memref<10008x128xf32, #tpu.memory_space<vmem_shared>>) offsets(%dma_start3A_365 : memref<128xi32, #tpu.memory_space<vmem>>) semaphore(%run_scoped3A : memref<!tpu.dma_semaphore, #tpu.memory_space<semaphore_mem>>) {add = true}
          %dma_wait3A_369 = arith.constant 0 : i32
          %dma_wait3A_370 = tpu.memref_slice %arg8[%mul3A_335, %dma_wait3A_369] : memref<8x128xi32, #tpu.memory_space<vmem>> -> memref<1x128xi32, #tpu.memory_space<vmem>>
          %dma_wait3A_371 = tpu.memref_squeeze %dma_wait3A_370 : memref<1x128xi32, #tpu.memory_space<vmem>> -> memref<128xi32, #tpu.memory_space<vmem>>
          %dma_wait3A_372 = arith.constant 0 : i32
          %dma_wait3A_373 = arith.constant 0 : i32
          %dma_wait3A_374 = tpu.memref_slice %arg11[%dma_wait3A_372, %dma_wait3A_373] : memref<10008x128xf32, #tpu.memory_space<vmem_shared>> -> memref<10008x128xf32, #tpu.memory_space<vmem_shared>>
          tpu.wait_indirect_dma semaphore(%run_scoped3A : memref<!tpu.dma_semaphore, #tpu.memory_space<semaphore_mem>>) src(%arg9 : memref<128x128xf32, #tpu.memory_space<vmem>>) dst(%dma_wait3A_374 : memref<10008x128xf32, #tpu.memory_space<vmem_shared>>)
          tpu.yield
        }) : () -> ()
        %lt3A = arith.constant 3 : i32
        %lt3A_349 = arith.cmpi slt, %scan3A_333, %lt3A : i32
        %convert_element_type3A_350 = arith.extui %lt3A_349 : i1 to i32
        %cond3A_351 = arith.constant 0 : i32
        %cond3A_352 = arith.cmpi ne, %convert_element_type3A_350, %cond3A_351 : i32
        scf.if %cond3A_352 {
          %add3A_363 = arith.constant 2 : i32
          %add3A_364 = arith.addi %mul3A_335, %add3A_363 : i32
          %dma_start3A_365 = arith.constant 0 : i32
          %dma_start3A_366 = tpu.memref_slice %arg7[%add3A_364, %dma_start3A_365] : memref<8x128xi32, #tpu.memory_space<vmem>> -> memref<1x128xi32, #tpu.memory_space<vmem>>
          %dma_start3A_367 = tpu.memref_squeeze %dma_start3A_366 : memref<1x128xi32, #tpu.memory_space<vmem>> -> memref<128xi32, #tpu.memory_space<vmem>>
          %dma_start3A_368 = arith.constant 0 : i32
          %dma_start3A_369 = arith.constant 0 : i32
          %dma_start3A_370 = tpu.memref_slice %arg2[%dma_start3A_368, %dma_start3A_369] : memref<10000x128xf32, #tpu.memory_space<hbm>> -> memref<10000x128xf32, #tpu.memory_space<hbm>>
          tpu.enqueue_indirect_dma source(%dma_start3A_370 : memref<10000x128xf32, #tpu.memory_space<hbm>>) target(%arg9 : memref<128x128xf32, #tpu.memory_space<vmem>>) offsets(%dma_start3A_367 : memref<128xi32, #tpu.memory_space<vmem>>) semaphore(%arg12 : memref<!tpu.dma_semaphore, #tpu.memory_space<semaphore_mem>>)
        } else {
        }
        %add3A_353 = arith.constant 1 : i32
        %add3A_354 = arith.addi %mul3A_335, %add3A_353 : i32
        %dma_wait3A_355 = arith.constant 0 : i32
        %dma_wait3A_356 = tpu.memref_slice %arg7[%add3A_354, %dma_wait3A_355] : memref<8x128xi32, #tpu.memory_space<vmem>> -> memref<1x128xi32, #tpu.memory_space<vmem>>
        %dma_wait3A_357 = tpu.memref_squeeze %dma_wait3A_356 : memref<1x128xi32, #tpu.memory_space<vmem>> -> memref<128xi32, #tpu.memory_space<vmem>>
        %dma_wait3A_358 = arith.constant 0 : i32
        %dma_wait3A_359 = arith.constant 0 : i32
        %dma_wait3A_360 = tpu.memref_slice %arg2[%dma_wait3A_358, %dma_wait3A_359] : memref<10000x128xf32, #tpu.memory_space<hbm>> -> memref<10000x128xf32, #tpu.memory_space<hbm>>
        tpu.wait_indirect_dma semaphore(%arg13 : memref<!tpu.dma_semaphore, #tpu.memory_space<semaphore_mem>>) src(%dma_wait3A_360 : memref<10000x128xf32, #tpu.memory_space<hbm>>) dst(%arg10 : memref<128x128xf32, #tpu.memory_space<vmem>>)
        %add3A_361 = arith.constant 1 : i32
        %add3A_362 = arith.addi %mul3A_335, %add3A_361 : i32
        "tpu.region"() ({
          %run_scoped3A = tpu.sem_alloc : memref<!tpu.dma_semaphore, #tpu.memory_space<semaphore_mem>>
          %dma_start3A_363 = arith.constant 0 : i32
          %dma_start3A_364 = tpu.memref_slice %arg8[%add3A_362, %dma_start3A_363] : memref<8x128xi32, #tpu.memory_space<vmem>> -> memref<1x128xi32, #tpu.memory_space<vmem>>
          %dma_start3A_365 = tpu.memref_squeeze %dma_start3A_364 : memref<1x128xi32, #tpu.memory_space<vmem>> -> memref<128xi32, #tpu.memory_space<vmem>>
          %dma_start3A_366 = arith.constant 0 : i32
          %dma_start3A_367 = arith.constant 0 : i32
          %dma_start3A_368 = tpu.memref_slice %arg11[%dma_start3A_366, %dma_start3A_367] : memref<10008x128xf32, #tpu.memory_space<vmem_shared>> -> memref<10008x128xf32, #tpu.memory_space<vmem_shared>>
          tpu.enqueue_indirect_dma source(%arg10 : memref<128x128xf32, #tpu.memory_space<vmem>>) target(%dma_start3A_368 : memref<10008x128xf32, #tpu.memory_space<vmem_shared>>) offsets(%dma_start3A_365 : memref<128xi32, #tpu.memory_space<vmem>>) semaphore(%run_scoped3A : memref<!tpu.dma_semaphore, #tpu.memory_space<semaphore_mem>>) {add = true}
          %dma_wait3A_369 = arith.constant 0 : i32
          %dma_wait3A_370 = tpu.memref_slice %arg8[%add3A_362, %dma_wait3A_369] : memref<8x128xi32, #tpu.memory_space<vmem>> -> memref<1x128xi32, #tpu.memory_space<vmem>>
          %dma_wait3A_371 = tpu.memref_squeeze %dma_wait3A_370 : memref<1x128xi32, #tpu.memory_space<vmem>> -> memref<128xi32, #tpu.memory_space<vmem>>
          %dma_wait3A_372 = arith.constant 0 : i32
          %dma_wait3A_373 = arith.constant 0 : i32
          %dma_wait3A_374 = tpu.memref_slice %arg11[%dma_wait3A_372, %dma_wait3A_373] : memref<10008x128xf32, #tpu.memory_space<vmem_shared>> -> memref<10008x128xf32, #tpu.memory_space<vmem_shared>>
          tpu.wait_indirect_dma semaphore(%run_scoped3A : memref<!tpu.dma_semaphore, #tpu.memory_space<semaphore_mem>>) src(%arg10 : memref<128x128xf32, #tpu.memory_space<vmem>>) dst(%dma_wait3A_374 : memref<10008x128xf32, #tpu.memory_space<vmem_shared>>)
          tpu.yield
        }) : () -> ()
      }
      %scan3A_179 = arith.constant 4 : i32
      %mul3A_180 = arith.constant 152 : i32
      %mul3A_181 = arith.muli %arg1, %mul3A_180 : i32
      %add3A_182 = arith.constant 80 : i32
      %add3A_183 = arith.addi %mul3A_181, %add3A_182 : i32
      "tpu.region"() ({
        %run_scoped3A = tpu.sem_alloc : memref<!tpu.dma_semaphore, #tpu.memory_space<semaphore_mem>>
        %dma_start3A_333 = arith.constant 0 : i32
        %dma_start3A_334 = tpu.memref_slice %arg3[%add3A_183, %dma_start3A_333] : memref<2560x128xi32, #tpu.memory_space<hbm>> -> memref<8x128xi32, #tpu.memory_space<hbm>>
        %dma_start3A_335 = arith.constant 0 : i32
        %dma_start3A_336 = tpu.memref_slice %arg3[%add3A_183, %dma_start3A_335] : memref<2560x128xi32, #tpu.memory_space<hbm>> -> memref<8x128xi32, #tpu.memory_space<hbm>>
        tpu.enqueue_dma source(%dma_start3A_336 : memref<8x128xi32, #tpu.memory_space<hbm>>) target(%arg7 : memref<8x128xi32, #tpu.memory_space<vmem>>) target_semaphore(%run_scoped3A : memref<!tpu.dma_semaphore, #tpu.memory_space<semaphore_mem>>)
        %dma_wait3A = arith.constant 0 : i32
        %dma_wait3A_337 = tpu.memref_slice %arg3[%add3A_183, %dma_wait3A] : memref<2560x128xi32, #tpu.memory_space<hbm>> -> memref<8x128xi32, #tpu.memory_space<hbm>>
        %dma_wait3A_338 = arith.constant 0 : i32
        %dma_wait3A_339 = tpu.memref_slice %arg3[%add3A_183, %dma_wait3A_338] : memref<2560x128xi32, #tpu.memory_space<hbm>> -> memref<8x128xi32, #tpu.memory_space<hbm>>
        tpu.wait_dma2 semaphore(%run_scoped3A : memref<!tpu.dma_semaphore, #tpu.memory_space<semaphore_mem>>) src(%dma_wait3A_339 : memref<8x128xi32, #tpu.memory_space<hbm>>) dst(%arg7 : memref<8x128xi32, #tpu.memory_space<vmem>>)
        tpu.yield
      }) : () -> ()
      "tpu.region"() ({
        %run_scoped3A = tpu.sem_alloc : memref<!tpu.dma_semaphore, #tpu.memory_space<semaphore_mem>>
        %dma_start3A_333 = arith.constant 0 : i32
        %dma_start3A_334 = tpu.memref_slice %arg4[%add3A_183, %dma_start3A_333] : memref<2560x128xi32, #tpu.memory_space<hbm>> -> memref<8x128xi32, #tpu.memory_space<hbm>>
        %dma_start3A_335 = arith.constant 0 : i32
        %dma_start3A_336 = tpu.memref_slice %arg4[%add3A_183, %dma_start3A_335] : memref<2560x128xi32, #tpu.memory_space<hbm>> -> memref<8x128xi32, #tpu.memory_space<hbm>>
        tpu.enqueue_dma source(%dma_start3A_336 : memref<8x128xi32, #tpu.memory_space<hbm>>) target(%arg8 : memref<8x128xi32, #tpu.memory_space<vmem>>) target_semaphore(%run_scoped3A : memref<!tpu.dma_semaphore, #tpu.memory_space<semaphore_mem>>)
        %dma_wait3A = arith.constant 0 : i32
        %dma_wait3A_337 = tpu.memref_slice %arg4[%add3A_183, %dma_wait3A] : memref<2560x128xi32, #tpu.memory_space<hbm>> -> memref<8x128xi32, #tpu.memory_space<hbm>>
        %dma_wait3A_338 = arith.constant 0 : i32
        %dma_wait3A_339 = tpu.memref_slice %arg4[%add3A_183, %dma_wait3A_338] : memref<2560x128xi32, #tpu.memory_space<hbm>> -> memref<8x128xi32, #tpu.memory_space<hbm>>
        tpu.wait_dma2 semaphore(%run_scoped3A : memref<!tpu.dma_semaphore, #tpu.memory_space<semaphore_mem>>) src(%dma_wait3A_339 : memref<8x128xi32, #tpu.memory_space<hbm>>) dst(%arg8 : memref<8x128xi32, #tpu.memory_space<vmem>>)
        tpu.yield
      }) : () -> ()
      %dma_start3A_184 = arith.constant 0 : i32
      %dma_start3A_185 = arith.constant 0 : i32
      %dma_start3A_186 = tpu.memref_slice %arg7[%dma_start3A_184, %dma_start3A_185] : memref<8x128xi32, #tpu.memory_space<vmem>> -> memref<1x128xi32, #tpu.memory_space<vmem>>
      %dma_start3A_187 = tpu.memref_squeeze %dma_start3A_186 : memref<1x128xi32, #tpu.memory_space<vmem>> -> memref<128xi32, #tpu.memory_space<vmem>>
      %dma_start3A_188 = arith.constant 0 : i32
      %dma_start3A_189 = arith.constant 0 : i32
      %dma_start3A_190 = tpu.memref_slice %arg2[%dma_start3A_188, %dma_start3A_189] : memref<10000x128xf32, #tpu.memory_space<hbm>> -> memref<10000x128xf32, #tpu.memory_space<hbm>>
      tpu.enqueue_indirect_dma source(%dma_start3A_190 : memref<10000x128xf32, #tpu.memory_space<hbm>>) target(%arg9 : memref<128x128xf32, #tpu.memory_space<vmem>>) offsets(%dma_start3A_187 : memref<128xi32, #tpu.memory_space<vmem>>) semaphore(%arg12 : memref<!tpu.dma_semaphore, #tpu.memory_space<semaphore_mem>>)
      %scan3A_191 = arith.constant 0 : i32
      %scan3A_192 = arith.constant 0 : i32
      %scan3A_193 = arith.constant 4 : i32
      %scan3A_194 = arith.addi %scan3A_192, %scan3A_193 : i32
      %scan3A_195 = arith.constant 1 : i32
      scf.for %scan3A_333 = %scan3A_192 to %scan3A_194 step %scan3A_195  : i32 {
        %mul3A_334 = arith.constant 2 : i32
        %mul3A_335 = arith.muli %mul3A_334, %scan3A_333 : i32
        %add3A_336 = arith.constant 1 : i32
        %add3A_337 = arith.addi %mul3A_335, %add3A_336 : i32
        %dma_start3A_338 = arith.constant 0 : i32
        %dma_start3A_339 = tpu.memref_slice %arg7[%add3A_337, %dma_start3A_338] : memref<8x128xi32, #tpu.memory_space<vmem>> -> memref<1x128xi32, #tpu.memory_space<vmem>>
        %dma_start3A_340 = tpu.memref_squeeze %dma_start3A_339 : memref<1x128xi32, #tpu.memory_space<vmem>> -> memref<128xi32, #tpu.memory_space<vmem>>
        %dma_start3A_341 = arith.constant 0 : i32
        %dma_start3A_342 = arith.constant 0 : i32
        %dma_start3A_343 = tpu.memref_slice %arg2[%dma_start3A_341, %dma_start3A_342] : memref<10000x128xf32, #tpu.memory_space<hbm>> -> memref<10000x128xf32, #tpu.memory_space<hbm>>
        tpu.enqueue_indirect_dma source(%dma_start3A_343 : memref<10000x128xf32, #tpu.memory_space<hbm>>) target(%arg10 : memref<128x128xf32, #tpu.memory_space<vmem>>) offsets(%dma_start3A_340 : memref<128xi32, #tpu.memory_space<vmem>>) semaphore(%arg13 : memref<!tpu.dma_semaphore, #tpu.memory_space<semaphore_mem>>)
        %dma_wait3A = arith.constant 0 : i32
        %dma_wait3A_344 = tpu.memref_slice %arg7[%mul3A_335, %dma_wait3A] : memref<8x128xi32, #tpu.memory_space<vmem>> -> memref<1x128xi32, #tpu.memory_space<vmem>>
        %dma_wait3A_345 = tpu.memref_squeeze %dma_wait3A_344 : memref<1x128xi32, #tpu.memory_space<vmem>> -> memref<128xi32, #tpu.memory_space<vmem>>
        %dma_wait3A_346 = arith.constant 0 : i32
        %dma_wait3A_347 = arith.constant 0 : i32
        %dma_wait3A_348 = tpu.memref_slice %arg2[%dma_wait3A_346, %dma_wait3A_347] : memref<10000x128xf32, #tpu.memory_space<hbm>> -> memref<10000x128xf32, #tpu.memory_space<hbm>>
        tpu.wait_indirect_dma semaphore(%arg12 : memref<!tpu.dma_semaphore, #tpu.memory_space<semaphore_mem>>) src(%dma_wait3A_348 : memref<10000x128xf32, #tpu.memory_space<hbm>>) dst(%arg9 : memref<128x128xf32, #tpu.memory_space<vmem>>)
        "tpu.region"() ({
          %run_scoped3A = tpu.sem_alloc : memref<!tpu.dma_semaphore, #tpu.memory_space<semaphore_mem>>
          %dma_start3A_363 = arith.constant 0 : i32
          %dma_start3A_364 = tpu.memref_slice %arg8[%mul3A_335, %dma_start3A_363] : memref<8x128xi32, #tpu.memory_space<vmem>> -> memref<1x128xi32, #tpu.memory_space<vmem>>
          %dma_start3A_365 = tpu.memref_squeeze %dma_start3A_364 : memref<1x128xi32, #tpu.memory_space<vmem>> -> memref<128xi32, #tpu.memory_space<vmem>>
          %dma_start3A_366 = arith.constant 0 : i32
          %dma_start3A_367 = arith.constant 0 : i32
          %dma_start3A_368 = tpu.memref_slice %arg11[%dma_start3A_366, %dma_start3A_367] : memref<10008x128xf32, #tpu.memory_space<vmem_shared>> -> memref<10008x128xf32, #tpu.memory_space<vmem_shared>>
          tpu.enqueue_indirect_dma source(%arg9 : memref<128x128xf32, #tpu.memory_space<vmem>>) target(%dma_start3A_368 : memref<10008x128xf32, #tpu.memory_space<vmem_shared>>) offsets(%dma_start3A_365 : memref<128xi32, #tpu.memory_space<vmem>>) semaphore(%run_scoped3A : memref<!tpu.dma_semaphore, #tpu.memory_space<semaphore_mem>>) {add = true}
          %dma_wait3A_369 = arith.constant 0 : i32
          %dma_wait3A_370 = tpu.memref_slice %arg8[%mul3A_335, %dma_wait3A_369] : memref<8x128xi32, #tpu.memory_space<vmem>> -> memref<1x128xi32, #tpu.memory_space<vmem>>
          %dma_wait3A_371 = tpu.memref_squeeze %dma_wait3A_370 : memref<1x128xi32, #tpu.memory_space<vmem>> -> memref<128xi32, #tpu.memory_space<vmem>>
          %dma_wait3A_372 = arith.constant 0 : i32
          %dma_wait3A_373 = arith.constant 0 : i32
          %dma_wait3A_374 = tpu.memref_slice %arg11[%dma_wait3A_372, %dma_wait3A_373] : memref<10008x128xf32, #tpu.memory_space<vmem_shared>> -> memref<10008x128xf32, #tpu.memory_space<vmem_shared>>
          tpu.wait_indirect_dma semaphore(%run_scoped3A : memref<!tpu.dma_semaphore, #tpu.memory_space<semaphore_mem>>) src(%arg9 : memref<128x128xf32, #tpu.memory_space<vmem>>) dst(%dma_wait3A_374 : memref<10008x128xf32, #tpu.memory_space<vmem_shared>>)
          tpu.yield
        }) : () -> ()
        %lt3A = arith.constant 3 : i32
        %lt3A_349 = arith.cmpi slt, %scan3A_333, %lt3A : i32
        %convert_element_type3A_350 = arith.extui %lt3A_349 : i1 to i32
        %cond3A_351 = arith.constant 0 : i32
        %cond3A_352 = arith.cmpi ne, %convert_element_type3A_350, %cond3A_351 : i32
        scf.if %cond3A_352 {
          %add3A_363 = arith.constant 2 : i32
          %add3A_364 = arith.addi %mul3A_335, %add3A_363 : i32
          %dma_start3A_365 = arith.constant 0 : i32
          %dma_start3A_366 = tpu.memref_slice %arg7[%add3A_364, %dma_start3A_365] : memref<8x128xi32, #tpu.memory_space<vmem>> -> memref<1x128xi32, #tpu.memory_space<vmem>>
          %dma_start3A_367 = tpu.memref_squeeze %dma_start3A_366 : memref<1x128xi32, #tpu.memory_space<vmem>> -> memref<128xi32, #tpu.memory_space<vmem>>
          %dma_start3A_368 = arith.constant 0 : i32
          %dma_start3A_369 = arith.constant 0 : i32
          %dma_start3A_370 = tpu.memref_slice %arg2[%dma_start3A_368, %dma_start3A_369] : memref<10000x128xf32, #tpu.memory_space<hbm>> -> memref<10000x128xf32, #tpu.memory_space<hbm>>
          tpu.enqueue_indirect_dma source(%dma_start3A_370 : memref<10000x128xf32, #tpu.memory_space<hbm>>) target(%arg9 : memref<128x128xf32, #tpu.memory_space<vmem>>) offsets(%dma_start3A_367 : memref<128xi32, #tpu.memory_space<vmem>>) semaphore(%arg12 : memref<!tpu.dma_semaphore, #tpu.memory_space<semaphore_mem>>)
        } else {
        }
        %add3A_353 = arith.constant 1 : i32
        %add3A_354 = arith.addi %mul3A_335, %add3A_353 : i32
        %dma_wait3A_355 = arith.constant 0 : i32
        %dma_wait3A_356 = tpu.memref_slice %arg7[%add3A_354, %dma_wait3A_355] : memref<8x128xi32, #tpu.memory_space<vmem>> -> memref<1x128xi32, #tpu.memory_space<vmem>>
        %dma_wait3A_357 = tpu.memref_squeeze %dma_wait3A_356 : memref<1x128xi32, #tpu.memory_space<vmem>> -> memref<128xi32, #tpu.memory_space<vmem>>
        %dma_wait3A_358 = arith.constant 0 : i32
        %dma_wait3A_359 = arith.constant 0 : i32
        %dma_wait3A_360 = tpu.memref_slice %arg2[%dma_wait3A_358, %dma_wait3A_359] : memref<10000x128xf32, #tpu.memory_space<hbm>> -> memref<10000x128xf32, #tpu.memory_space<hbm>>
        tpu.wait_indirect_dma semaphore(%arg13 : memref<!tpu.dma_semaphore, #tpu.memory_space<semaphore_mem>>) src(%dma_wait3A_360 : memref<10000x128xf32, #tpu.memory_space<hbm>>) dst(%arg10 : memref<128x128xf32, #tpu.memory_space<vmem>>)
        %add3A_361 = arith.constant 1 : i32
        %add3A_362 = arith.addi %mul3A_335, %add3A_361 : i32
        "tpu.region"() ({
          %run_scoped3A = tpu.sem_alloc : memref<!tpu.dma_semaphore, #tpu.memory_space<semaphore_mem>>
          %dma_start3A_363 = arith.constant 0 : i32
          %dma_start3A_364 = tpu.memref_slice %arg8[%add3A_362, %dma_start3A_363] : memref<8x128xi32, #tpu.memory_space<vmem>> -> memref<1x128xi32, #tpu.memory_space<vmem>>
          %dma_start3A_365 = tpu.memref_squeeze %dma_start3A_364 : memref<1x128xi32, #tpu.memory_space<vmem>> -> memref<128xi32, #tpu.memory_space<vmem>>
          %dma_start3A_366 = arith.constant 0 : i32
          %dma_start3A_367 = arith.constant 0 : i32
          %dma_start3A_368 = tpu.memref_slice %arg11[%dma_start3A_366, %dma_start3A_367] : memref<10008x128xf32, #tpu.memory_space<vmem_shared>> -> memref<10008x128xf32, #tpu.memory_space<vmem_shared>>
          tpu.enqueue_indirect_dma source(%arg10 : memref<128x128xf32, #tpu.memory_space<vmem>>) target(%dma_start3A_368 : memref<10008x128xf32, #tpu.memory_space<vmem_shared>>) offsets(%dma_start3A_365 : memref<128xi32, #tpu.memory_space<vmem>>) semaphore(%run_scoped3A : memref<!tpu.dma_semaphore, #tpu.memory_space<semaphore_mem>>) {add = true}
          %dma_wait3A_369 = arith.constant 0 : i32
          %dma_wait3A_370 = tpu.memref_slice %arg8[%add3A_362, %dma_wait3A_369] : memref<8x128xi32, #tpu.memory_space<vmem>> -> memref<1x128xi32, #tpu.memory_space<vmem>>
          %dma_wait3A_371 = tpu.memref_squeeze %dma_wait3A_370 : memref<1x128xi32, #tpu.memory_space<vmem>> -> memref<128xi32, #tpu.memory_space<vmem>>
          %dma_wait3A_372 = arith.constant 0 : i32
          %dma_wait3A_373 = arith.constant 0 : i32
          %dma_wait3A_374 = tpu.memref_slice %arg11[%dma_wait3A_372, %dma_wait3A_373] : memref<10008x128xf32, #tpu.memory_space<vmem_shared>> -> memref<10008x128xf32, #tpu.memory_space<vmem_shared>>
          tpu.wait_indirect_dma semaphore(%run_scoped3A : memref<!tpu.dma_semaphore, #tpu.memory_space<semaphore_mem>>) src(%arg10 : memref<128x128xf32, #tpu.memory_space<vmem>>) dst(%dma_wait3A_374 : memref<10008x128xf32, #tpu.memory_space<vmem_shared>>)
          tpu.yield
        }) : () -> ()
      }
      %scan3A_196 = arith.constant 4 : i32
      %mul3A_197 = arith.constant 152 : i32
      %mul3A_198 = arith.muli %arg1, %mul3A_197 : i32
      %add3A_199 = arith.constant 88 : i32
      %add3A_200 = arith.addi %mul3A_198, %add3A_199 : i32
      "tpu.region"() ({
        %run_scoped3A = tpu.sem_alloc : memref<!tpu.dma_semaphore, #tpu.memory_space<semaphore_mem>>
        %dma_start3A_333 = arith.constant 0 : i32
        %dma_start3A_334 = tpu.memref_slice %arg3[%add3A_200, %dma_start3A_333] : memref<2560x128xi32, #tpu.memory_space<hbm>> -> memref<8x128xi32, #tpu.memory_space<hbm>>
        %dma_start3A_335 = arith.constant 0 : i32
        %dma_start3A_336 = tpu.memref_slice %arg3[%add3A_200, %dma_start3A_335] : memref<2560x128xi32, #tpu.memory_space<hbm>> -> memref<8x128xi32, #tpu.memory_space<hbm>>
        tpu.enqueue_dma source(%dma_start3A_336 : memref<8x128xi32, #tpu.memory_space<hbm>>) target(%arg7 : memref<8x128xi32, #tpu.memory_space<vmem>>) target_semaphore(%run_scoped3A : memref<!tpu.dma_semaphore, #tpu.memory_space<semaphore_mem>>)
        %dma_wait3A = arith.constant 0 : i32
        %dma_wait3A_337 = tpu.memref_slice %arg3[%add3A_200, %dma_wait3A] : memref<2560x128xi32, #tpu.memory_space<hbm>> -> memref<8x128xi32, #tpu.memory_space<hbm>>
        %dma_wait3A_338 = arith.constant 0 : i32
        %dma_wait3A_339 = tpu.memref_slice %arg3[%add3A_200, %dma_wait3A_338] : memref<2560x128xi32, #tpu.memory_space<hbm>> -> memref<8x128xi32, #tpu.memory_space<hbm>>
        tpu.wait_dma2 semaphore(%run_scoped3A : memref<!tpu.dma_semaphore, #tpu.memory_space<semaphore_mem>>) src(%dma_wait3A_339 : memref<8x128xi32, #tpu.memory_space<hbm>>) dst(%arg7 : memref<8x128xi32, #tpu.memory_space<vmem>>)
        tpu.yield
      }) : () -> ()
      "tpu.region"() ({
        %run_scoped3A = tpu.sem_alloc : memref<!tpu.dma_semaphore, #tpu.memory_space<semaphore_mem>>
        %dma_start3A_333 = arith.constant 0 : i32
        %dma_start3A_334 = tpu.memref_slice %arg4[%add3A_200, %dma_start3A_333] : memref<2560x128xi32, #tpu.memory_space<hbm>> -> memref<8x128xi32, #tpu.memory_space<hbm>>
        %dma_start3A_335 = arith.constant 0 : i32
        %dma_start3A_336 = tpu.memref_slice %arg4[%add3A_200, %dma_start3A_335] : memref<2560x128xi32, #tpu.memory_space<hbm>> -> memref<8x128xi32, #tpu.memory_space<hbm>>
        tpu.enqueue_dma source(%dma_start3A_336 : memref<8x128xi32, #tpu.memory_space<hbm>>) target(%arg8 : memref<8x128xi32, #tpu.memory_space<vmem>>) target_semaphore(%run_scoped3A : memref<!tpu.dma_semaphore, #tpu.memory_space<semaphore_mem>>)
        %dma_wait3A = arith.constant 0 : i32
        %dma_wait3A_337 = tpu.memref_slice %arg4[%add3A_200, %dma_wait3A] : memref<2560x128xi32, #tpu.memory_space<hbm>> -> memref<8x128xi32, #tpu.memory_space<hbm>>
        %dma_wait3A_338 = arith.constant 0 : i32
        %dma_wait3A_339 = tpu.memref_slice %arg4[%add3A_200, %dma_wait3A_338] : memref<2560x128xi32, #tpu.memory_space<hbm>> -> memref<8x128xi32, #tpu.memory_space<hbm>>
        tpu.wait_dma2 semaphore(%run_scoped3A : memref<!tpu.dma_semaphore, #tpu.memory_space<semaphore_mem>>) src(%dma_wait3A_339 : memref<8x128xi32, #tpu.memory_space<hbm>>) dst(%arg8 : memref<8x128xi32, #tpu.memory_space<vmem>>)
        tpu.yield
      }) : () -> ()
      %dma_start3A_201 = arith.constant 0 : i32
      %dma_start3A_202 = arith.constant 0 : i32
      %dma_start3A_203 = tpu.memref_slice %arg7[%dma_start3A_201, %dma_start3A_202] : memref<8x128xi32, #tpu.memory_space<vmem>> -> memref<1x128xi32, #tpu.memory_space<vmem>>
      %dma_start3A_204 = tpu.memref_squeeze %dma_start3A_203 : memref<1x128xi32, #tpu.memory_space<vmem>> -> memref<128xi32, #tpu.memory_space<vmem>>
      %dma_start3A_205 = arith.constant 0 : i32
      %dma_start3A_206 = arith.constant 0 : i32
      %dma_start3A_207 = tpu.memref_slice %arg2[%dma_start3A_205, %dma_start3A_206] : memref<10000x128xf32, #tpu.memory_space<hbm>> -> memref<10000x128xf32, #tpu.memory_space<hbm>>
      tpu.enqueue_indirect_dma source(%dma_start3A_207 : memref<10000x128xf32, #tpu.memory_space<hbm>>) target(%arg9 : memref<128x128xf32, #tpu.memory_space<vmem>>) offsets(%dma_start3A_204 : memref<128xi32, #tpu.memory_space<vmem>>) semaphore(%arg12 : memref<!tpu.dma_semaphore, #tpu.memory_space<semaphore_mem>>)
      %scan3A_208 = arith.constant 0 : i32
      %scan3A_209 = arith.constant 0 : i32
      %scan3A_210 = arith.constant 4 : i32
      %scan3A_211 = arith.addi %scan3A_209, %scan3A_210 : i32
      %scan3A_212 = arith.constant 1 : i32
      scf.for %scan3A_333 = %scan3A_209 to %scan3A_211 step %scan3A_212  : i32 {
        %mul3A_334 = arith.constant 2 : i32
        %mul3A_335 = arith.muli %mul3A_334, %scan3A_333 : i32
        %add3A_336 = arith.constant 1 : i32
        %add3A_337 = arith.addi %mul3A_335, %add3A_336 : i32
        %dma_start3A_338 = arith.constant 0 : i32
        %dma_start3A_339 = tpu.memref_slice %arg7[%add3A_337, %dma_start3A_338] : memref<8x128xi32, #tpu.memory_space<vmem>> -> memref<1x128xi32, #tpu.memory_space<vmem>>
        %dma_start3A_340 = tpu.memref_squeeze %dma_start3A_339 : memref<1x128xi32, #tpu.memory_space<vmem>> -> memref<128xi32, #tpu.memory_space<vmem>>
        %dma_start3A_341 = arith.constant 0 : i32
        %dma_start3A_342 = arith.constant 0 : i32
        %dma_start3A_343 = tpu.memref_slice %arg2[%dma_start3A_341, %dma_start3A_342] : memref<10000x128xf32, #tpu.memory_space<hbm>> -> memref<10000x128xf32, #tpu.memory_space<hbm>>
        tpu.enqueue_indirect_dma source(%dma_start3A_343 : memref<10000x128xf32, #tpu.memory_space<hbm>>) target(%arg10 : memref<128x128xf32, #tpu.memory_space<vmem>>) offsets(%dma_start3A_340 : memref<128xi32, #tpu.memory_space<vmem>>) semaphore(%arg13 : memref<!tpu.dma_semaphore, #tpu.memory_space<semaphore_mem>>)
        %dma_wait3A = arith.constant 0 : i32
        %dma_wait3A_344 = tpu.memref_slice %arg7[%mul3A_335, %dma_wait3A] : memref<8x128xi32, #tpu.memory_space<vmem>> -> memref<1x128xi32, #tpu.memory_space<vmem>>
        %dma_wait3A_345 = tpu.memref_squeeze %dma_wait3A_344 : memref<1x128xi32, #tpu.memory_space<vmem>> -> memref<128xi32, #tpu.memory_space<vmem>>
        %dma_wait3A_346 = arith.constant 0 : i32
        %dma_wait3A_347 = arith.constant 0 : i32
        %dma_wait3A_348 = tpu.memref_slice %arg2[%dma_wait3A_346, %dma_wait3A_347] : memref<10000x128xf32, #tpu.memory_space<hbm>> -> memref<10000x128xf32, #tpu.memory_space<hbm>>
        tpu.wait_indirect_dma semaphore(%arg12 : memref<!tpu.dma_semaphore, #tpu.memory_space<semaphore_mem>>) src(%dma_wait3A_348 : memref<10000x128xf32, #tpu.memory_space<hbm>>) dst(%arg9 : memref<128x128xf32, #tpu.memory_space<vmem>>)
        "tpu.region"() ({
          %run_scoped3A = tpu.sem_alloc : memref<!tpu.dma_semaphore, #tpu.memory_space<semaphore_mem>>
          %dma_start3A_363 = arith.constant 0 : i32
          %dma_start3A_364 = tpu.memref_slice %arg8[%mul3A_335, %dma_start3A_363] : memref<8x128xi32, #tpu.memory_space<vmem>> -> memref<1x128xi32, #tpu.memory_space<vmem>>
          %dma_start3A_365 = tpu.memref_squeeze %dma_start3A_364 : memref<1x128xi32, #tpu.memory_space<vmem>> -> memref<128xi32, #tpu.memory_space<vmem>>
          %dma_start3A_366 = arith.constant 0 : i32
          %dma_start3A_367 = arith.constant 0 : i32
          %dma_start3A_368 = tpu.memref_slice %arg11[%dma_start3A_366, %dma_start3A_367] : memref<10008x128xf32, #tpu.memory_space<vmem_shared>> -> memref<10008x128xf32, #tpu.memory_space<vmem_shared>>
          tpu.enqueue_indirect_dma source(%arg9 : memref<128x128xf32, #tpu.memory_space<vmem>>) target(%dma_start3A_368 : memref<10008x128xf32, #tpu.memory_space<vmem_shared>>) offsets(%dma_start3A_365 : memref<128xi32, #tpu.memory_space<vmem>>) semaphore(%run_scoped3A : memref<!tpu.dma_semaphore, #tpu.memory_space<semaphore_mem>>) {add = true}
          %dma_wait3A_369 = arith.constant 0 : i32
          %dma_wait3A_370 = tpu.memref_slice %arg8[%mul3A_335, %dma_wait3A_369] : memref<8x128xi32, #tpu.memory_space<vmem>> -> memref<1x128xi32, #tpu.memory_space<vmem>>
          %dma_wait3A_371 = tpu.memref_squeeze %dma_wait3A_370 : memref<1x128xi32, #tpu.memory_space<vmem>> -> memref<128xi32, #tpu.memory_space<vmem>>
          %dma_wait3A_372 = arith.constant 0 : i32
          %dma_wait3A_373 = arith.constant 0 : i32
          %dma_wait3A_374 = tpu.memref_slice %arg11[%dma_wait3A_372, %dma_wait3A_373] : memref<10008x128xf32, #tpu.memory_space<vmem_shared>> -> memref<10008x128xf32, #tpu.memory_space<vmem_shared>>
          tpu.wait_indirect_dma semaphore(%run_scoped3A : memref<!tpu.dma_semaphore, #tpu.memory_space<semaphore_mem>>) src(%arg9 : memref<128x128xf32, #tpu.memory_space<vmem>>) dst(%dma_wait3A_374 : memref<10008x128xf32, #tpu.memory_space<vmem_shared>>)
          tpu.yield
        }) : () -> ()
        %lt3A = arith.constant 3 : i32
        %lt3A_349 = arith.cmpi slt, %scan3A_333, %lt3A : i32
        %convert_element_type3A_350 = arith.extui %lt3A_349 : i1 to i32
        %cond3A_351 = arith.constant 0 : i32
        %cond3A_352 = arith.cmpi ne, %convert_element_type3A_350, %cond3A_351 : i32
        scf.if %cond3A_352 {
          %add3A_363 = arith.constant 2 : i32
          %add3A_364 = arith.addi %mul3A_335, %add3A_363 : i32
          %dma_start3A_365 = arith.constant 0 : i32
          %dma_start3A_366 = tpu.memref_slice %arg7[%add3A_364, %dma_start3A_365] : memref<8x128xi32, #tpu.memory_space<vmem>> -> memref<1x128xi32, #tpu.memory_space<vmem>>
          %dma_start3A_367 = tpu.memref_squeeze %dma_start3A_366 : memref<1x128xi32, #tpu.memory_space<vmem>> -> memref<128xi32, #tpu.memory_space<vmem>>
          %dma_start3A_368 = arith.constant 0 : i32
          %dma_start3A_369 = arith.constant 0 : i32
          %dma_start3A_370 = tpu.memref_slice %arg2[%dma_start3A_368, %dma_start3A_369] : memref<10000x128xf32, #tpu.memory_space<hbm>> -> memref<10000x128xf32, #tpu.memory_space<hbm>>
          tpu.enqueue_indirect_dma source(%dma_start3A_370 : memref<10000x128xf32, #tpu.memory_space<hbm>>) target(%arg9 : memref<128x128xf32, #tpu.memory_space<vmem>>) offsets(%dma_start3A_367 : memref<128xi32, #tpu.memory_space<vmem>>) semaphore(%arg12 : memref<!tpu.dma_semaphore, #tpu.memory_space<semaphore_mem>>)
        } else {
        }
        %add3A_353 = arith.constant 1 : i32
        %add3A_354 = arith.addi %mul3A_335, %add3A_353 : i32
        %dma_wait3A_355 = arith.constant 0 : i32
        %dma_wait3A_356 = tpu.memref_slice %arg7[%add3A_354, %dma_wait3A_355] : memref<8x128xi32, #tpu.memory_space<vmem>> -> memref<1x128xi32, #tpu.memory_space<vmem>>
        %dma_wait3A_357 = tpu.memref_squeeze %dma_wait3A_356 : memref<1x128xi32, #tpu.memory_space<vmem>> -> memref<128xi32, #tpu.memory_space<vmem>>
        %dma_wait3A_358 = arith.constant 0 : i32
        %dma_wait3A_359 = arith.constant 0 : i32
        %dma_wait3A_360 = tpu.memref_slice %arg2[%dma_wait3A_358, %dma_wait3A_359] : memref<10000x128xf32, #tpu.memory_space<hbm>> -> memref<10000x128xf32, #tpu.memory_space<hbm>>
        tpu.wait_indirect_dma semaphore(%arg13 : memref<!tpu.dma_semaphore, #tpu.memory_space<semaphore_mem>>) src(%dma_wait3A_360 : memref<10000x128xf32, #tpu.memory_space<hbm>>) dst(%arg10 : memref<128x128xf32, #tpu.memory_space<vmem>>)
        %add3A_361 = arith.constant 1 : i32
        %add3A_362 = arith.addi %mul3A_335, %add3A_361 : i32
        "tpu.region"() ({
          %run_scoped3A = tpu.sem_alloc : memref<!tpu.dma_semaphore, #tpu.memory_space<semaphore_mem>>
          %dma_start3A_363 = arith.constant 0 : i32
          %dma_start3A_364 = tpu.memref_slice %arg8[%add3A_362, %dma_start3A_363] : memref<8x128xi32, #tpu.memory_space<vmem>> -> memref<1x128xi32, #tpu.memory_space<vmem>>
          %dma_start3A_365 = tpu.memref_squeeze %dma_start3A_364 : memref<1x128xi32, #tpu.memory_space<vmem>> -> memref<128xi32, #tpu.memory_space<vmem>>
          %dma_start3A_366 = arith.constant 0 : i32
          %dma_start3A_367 = arith.constant 0 : i32
          %dma_start3A_368 = tpu.memref_slice %arg11[%dma_start3A_366, %dma_start3A_367] : memref<10008x128xf32, #tpu.memory_space<vmem_shared>> -> memref<10008x128xf32, #tpu.memory_space<vmem_shared>>
          tpu.enqueue_indirect_dma source(%arg10 : memref<128x128xf32, #tpu.memory_space<vmem>>) target(%dma_start3A_368 : memref<10008x128xf32, #tpu.memory_space<vmem_shared>>) offsets(%dma_start3A_365 : memref<128xi32, #tpu.memory_space<vmem>>) semaphore(%run_scoped3A : memref<!tpu.dma_semaphore, #tpu.memory_space<semaphore_mem>>) {add = true}
          %dma_wait3A_369 = arith.constant 0 : i32
          %dma_wait3A_370 = tpu.memref_slice %arg8[%add3A_362, %dma_wait3A_369] : memref<8x128xi32, #tpu.memory_space<vmem>> -> memref<1x128xi32, #tpu.memory_space<vmem>>
          %dma_wait3A_371 = tpu.memref_squeeze %dma_wait3A_370 : memref<1x128xi32, #tpu.memory_space<vmem>> -> memref<128xi32, #tpu.memory_space<vmem>>
          %dma_wait3A_372 = arith.constant 0 : i32
          %dma_wait3A_373 = arith.constant 0 : i32
          %dma_wait3A_374 = tpu.memref_slice %arg11[%dma_wait3A_372, %dma_wait3A_373] : memref<10008x128xf32, #tpu.memory_space<vmem_shared>> -> memref<10008x128xf32, #tpu.memory_space<vmem_shared>>
          tpu.wait_indirect_dma semaphore(%run_scoped3A : memref<!tpu.dma_semaphore, #tpu.memory_space<semaphore_mem>>) src(%arg10 : memref<128x128xf32, #tpu.memory_space<vmem>>) dst(%dma_wait3A_374 : memref<10008x128xf32, #tpu.memory_space<vmem_shared>>)
          tpu.yield
        }) : () -> ()
      }
      %scan3A_213 = arith.constant 4 : i32
      %mul3A_214 = arith.constant 152 : i32
      %mul3A_215 = arith.muli %arg1, %mul3A_214 : i32
      %add3A_216 = arith.constant 96 : i32
      %add3A_217 = arith.addi %mul3A_215, %add3A_216 : i32
      "tpu.region"() ({
        %run_scoped3A = tpu.sem_alloc : memref<!tpu.dma_semaphore, #tpu.memory_space<semaphore_mem>>
        %dma_start3A_333 = arith.constant 0 : i32
        %dma_start3A_334 = tpu.memref_slice %arg3[%add3A_217, %dma_start3A_333] : memref<2560x128xi32, #tpu.memory_space<hbm>> -> memref<8x128xi32, #tpu.memory_space<hbm>>
        %dma_start3A_335 = arith.constant 0 : i32
        %dma_start3A_336 = tpu.memref_slice %arg3[%add3A_217, %dma_start3A_335] : memref<2560x128xi32, #tpu.memory_space<hbm>> -> memref<8x128xi32, #tpu.memory_space<hbm>>
        tpu.enqueue_dma source(%dma_start3A_336 : memref<8x128xi32, #tpu.memory_space<hbm>>) target(%arg7 : memref<8x128xi32, #tpu.memory_space<vmem>>) target_semaphore(%run_scoped3A : memref<!tpu.dma_semaphore, #tpu.memory_space<semaphore_mem>>)
        %dma_wait3A = arith.constant 0 : i32
        %dma_wait3A_337 = tpu.memref_slice %arg3[%add3A_217, %dma_wait3A] : memref<2560x128xi32, #tpu.memory_space<hbm>> -> memref<8x128xi32, #tpu.memory_space<hbm>>
        %dma_wait3A_338 = arith.constant 0 : i32
        %dma_wait3A_339 = tpu.memref_slice %arg3[%add3A_217, %dma_wait3A_338] : memref<2560x128xi32, #tpu.memory_space<hbm>> -> memref<8x128xi32, #tpu.memory_space<hbm>>
        tpu.wait_dma2 semaphore(%run_scoped3A : memref<!tpu.dma_semaphore, #tpu.memory_space<semaphore_mem>>) src(%dma_wait3A_339 : memref<8x128xi32, #tpu.memory_space<hbm>>) dst(%arg7 : memref<8x128xi32, #tpu.memory_space<vmem>>)
        tpu.yield
      }) : () -> ()
      "tpu.region"() ({
        %run_scoped3A = tpu.sem_alloc : memref<!tpu.dma_semaphore, #tpu.memory_space<semaphore_mem>>
        %dma_start3A_333 = arith.constant 0 : i32
        %dma_start3A_334 = tpu.memref_slice %arg4[%add3A_217, %dma_start3A_333] : memref<2560x128xi32, #tpu.memory_space<hbm>> -> memref<8x128xi32, #tpu.memory_space<hbm>>
        %dma_start3A_335 = arith.constant 0 : i32
        %dma_start3A_336 = tpu.memref_slice %arg4[%add3A_217, %dma_start3A_335] : memref<2560x128xi32, #tpu.memory_space<hbm>> -> memref<8x128xi32, #tpu.memory_space<hbm>>
        tpu.enqueue_dma source(%dma_start3A_336 : memref<8x128xi32, #tpu.memory_space<hbm>>) target(%arg8 : memref<8x128xi32, #tpu.memory_space<vmem>>) target_semaphore(%run_scoped3A : memref<!tpu.dma_semaphore, #tpu.memory_space<semaphore_mem>>)
        %dma_wait3A = arith.constant 0 : i32
        %dma_wait3A_337 = tpu.memref_slice %arg4[%add3A_217, %dma_wait3A] : memref<2560x128xi32, #tpu.memory_space<hbm>> -> memref<8x128xi32, #tpu.memory_space<hbm>>
        %dma_wait3A_338 = arith.constant 0 : i32
        %dma_wait3A_339 = tpu.memref_slice %arg4[%add3A_217, %dma_wait3A_338] : memref<2560x128xi32, #tpu.memory_space<hbm>> -> memref<8x128xi32, #tpu.memory_space<hbm>>
        tpu.wait_dma2 semaphore(%run_scoped3A : memref<!tpu.dma_semaphore, #tpu.memory_space<semaphore_mem>>) src(%dma_wait3A_339 : memref<8x128xi32, #tpu.memory_space<hbm>>) dst(%arg8 : memref<8x128xi32, #tpu.memory_space<vmem>>)
        tpu.yield
      }) : () -> ()
      %dma_start3A_218 = arith.constant 0 : i32
      %dma_start3A_219 = arith.constant 0 : i32
      %dma_start3A_220 = tpu.memref_slice %arg7[%dma_start3A_218, %dma_start3A_219] : memref<8x128xi32, #tpu.memory_space<vmem>> -> memref<1x128xi32, #tpu.memory_space<vmem>>
      %dma_start3A_221 = tpu.memref_squeeze %dma_start3A_220 : memref<1x128xi32, #tpu.memory_space<vmem>> -> memref<128xi32, #tpu.memory_space<vmem>>
      %dma_start3A_222 = arith.constant 0 : i32
      %dma_start3A_223 = arith.constant 0 : i32
      %dma_start3A_224 = tpu.memref_slice %arg2[%dma_start3A_222, %dma_start3A_223] : memref<10000x128xf32, #tpu.memory_space<hbm>> -> memref<10000x128xf32, #tpu.memory_space<hbm>>
      tpu.enqueue_indirect_dma source(%dma_start3A_224 : memref<10000x128xf32, #tpu.memory_space<hbm>>) target(%arg9 : memref<128x128xf32, #tpu.memory_space<vmem>>) offsets(%dma_start3A_221 : memref<128xi32, #tpu.memory_space<vmem>>) semaphore(%arg12 : memref<!tpu.dma_semaphore, #tpu.memory_space<semaphore_mem>>)
      %scan3A_225 = arith.constant 0 : i32
      %scan3A_226 = arith.constant 0 : i32
      %scan3A_227 = arith.constant 4 : i32
      %scan3A_228 = arith.addi %scan3A_226, %scan3A_227 : i32
      %scan3A_229 = arith.constant 1 : i32
      scf.for %scan3A_333 = %scan3A_226 to %scan3A_228 step %scan3A_229  : i32 {
        %mul3A_334 = arith.constant 2 : i32
        %mul3A_335 = arith.muli %mul3A_334, %scan3A_333 : i32
        %add3A_336 = arith.constant 1 : i32
        %add3A_337 = arith.addi %mul3A_335, %add3A_336 : i32
        %dma_start3A_338 = arith.constant 0 : i32
        %dma_start3A_339 = tpu.memref_slice %arg7[%add3A_337, %dma_start3A_338] : memref<8x128xi32, #tpu.memory_space<vmem>> -> memref<1x128xi32, #tpu.memory_space<vmem>>
        %dma_start3A_340 = tpu.memref_squeeze %dma_start3A_339 : memref<1x128xi32, #tpu.memory_space<vmem>> -> memref<128xi32, #tpu.memory_space<vmem>>
        %dma_start3A_341 = arith.constant 0 : i32
        %dma_start3A_342 = arith.constant 0 : i32
        %dma_start3A_343 = tpu.memref_slice %arg2[%dma_start3A_341, %dma_start3A_342] : memref<10000x128xf32, #tpu.memory_space<hbm>> -> memref<10000x128xf32, #tpu.memory_space<hbm>>
        tpu.enqueue_indirect_dma source(%dma_start3A_343 : memref<10000x128xf32, #tpu.memory_space<hbm>>) target(%arg10 : memref<128x128xf32, #tpu.memory_space<vmem>>) offsets(%dma_start3A_340 : memref<128xi32, #tpu.memory_space<vmem>>) semaphore(%arg13 : memref<!tpu.dma_semaphore, #tpu.memory_space<semaphore_mem>>)
        %dma_wait3A = arith.constant 0 : i32
        %dma_wait3A_344 = tpu.memref_slice %arg7[%mul3A_335, %dma_wait3A] : memref<8x128xi32, #tpu.memory_space<vmem>> -> memref<1x128xi32, #tpu.memory_space<vmem>>
        %dma_wait3A_345 = tpu.memref_squeeze %dma_wait3A_344 : memref<1x128xi32, #tpu.memory_space<vmem>> -> memref<128xi32, #tpu.memory_space<vmem>>
        %dma_wait3A_346 = arith.constant 0 : i32
        %dma_wait3A_347 = arith.constant 0 : i32
        %dma_wait3A_348 = tpu.memref_slice %arg2[%dma_wait3A_346, %dma_wait3A_347] : memref<10000x128xf32, #tpu.memory_space<hbm>> -> memref<10000x128xf32, #tpu.memory_space<hbm>>
        tpu.wait_indirect_dma semaphore(%arg12 : memref<!tpu.dma_semaphore, #tpu.memory_space<semaphore_mem>>) src(%dma_wait3A_348 : memref<10000x128xf32, #tpu.memory_space<hbm>>) dst(%arg9 : memref<128x128xf32, #tpu.memory_space<vmem>>)
        "tpu.region"() ({
          %run_scoped3A = tpu.sem_alloc : memref<!tpu.dma_semaphore, #tpu.memory_space<semaphore_mem>>
          %dma_start3A_363 = arith.constant 0 : i32
          %dma_start3A_364 = tpu.memref_slice %arg8[%mul3A_335, %dma_start3A_363] : memref<8x128xi32, #tpu.memory_space<vmem>> -> memref<1x128xi32, #tpu.memory_space<vmem>>
          %dma_start3A_365 = tpu.memref_squeeze %dma_start3A_364 : memref<1x128xi32, #tpu.memory_space<vmem>> -> memref<128xi32, #tpu.memory_space<vmem>>
          %dma_start3A_366 = arith.constant 0 : i32
          %dma_start3A_367 = arith.constant 0 : i32
          %dma_start3A_368 = tpu.memref_slice %arg11[%dma_start3A_366, %dma_start3A_367] : memref<10008x128xf32, #tpu.memory_space<vmem_shared>> -> memref<10008x128xf32, #tpu.memory_space<vmem_shared>>
          tpu.enqueue_indirect_dma source(%arg9 : memref<128x128xf32, #tpu.memory_space<vmem>>) target(%dma_start3A_368 : memref<10008x128xf32, #tpu.memory_space<vmem_shared>>) offsets(%dma_start3A_365 : memref<128xi32, #tpu.memory_space<vmem>>) semaphore(%run_scoped3A : memref<!tpu.dma_semaphore, #tpu.memory_space<semaphore_mem>>) {add = true}
          %dma_wait3A_369 = arith.constant 0 : i32
          %dma_wait3A_370 = tpu.memref_slice %arg8[%mul3A_335, %dma_wait3A_369] : memref<8x128xi32, #tpu.memory_space<vmem>> -> memref<1x128xi32, #tpu.memory_space<vmem>>
          %dma_wait3A_371 = tpu.memref_squeeze %dma_wait3A_370 : memref<1x128xi32, #tpu.memory_space<vmem>> -> memref<128xi32, #tpu.memory_space<vmem>>
          %dma_wait3A_372 = arith.constant 0 : i32
          %dma_wait3A_373 = arith.constant 0 : i32
          %dma_wait3A_374 = tpu.memref_slice %arg11[%dma_wait3A_372, %dma_wait3A_373] : memref<10008x128xf32, #tpu.memory_space<vmem_shared>> -> memref<10008x128xf32, #tpu.memory_space<vmem_shared>>
          tpu.wait_indirect_dma semaphore(%run_scoped3A : memref<!tpu.dma_semaphore, #tpu.memory_space<semaphore_mem>>) src(%arg9 : memref<128x128xf32, #tpu.memory_space<vmem>>) dst(%dma_wait3A_374 : memref<10008x128xf32, #tpu.memory_space<vmem_shared>>)
          tpu.yield
        }) : () -> ()
        %lt3A = arith.constant 3 : i32
        %lt3A_349 = arith.cmpi slt, %scan3A_333, %lt3A : i32
        %convert_element_type3A_350 = arith.extui %lt3A_349 : i1 to i32
        %cond3A_351 = arith.constant 0 : i32
        %cond3A_352 = arith.cmpi ne, %convert_element_type3A_350, %cond3A_351 : i32
        scf.if %cond3A_352 {
          %add3A_363 = arith.constant 2 : i32
          %add3A_364 = arith.addi %mul3A_335, %add3A_363 : i32
          %dma_start3A_365 = arith.constant 0 : i32
          %dma_start3A_366 = tpu.memref_slice %arg7[%add3A_364, %dma_start3A_365] : memref<8x128xi32, #tpu.memory_space<vmem>> -> memref<1x128xi32, #tpu.memory_space<vmem>>
          %dma_start3A_367 = tpu.memref_squeeze %dma_start3A_366 : memref<1x128xi32, #tpu.memory_space<vmem>> -> memref<128xi32, #tpu.memory_space<vmem>>
          %dma_start3A_368 = arith.constant 0 : i32
          %dma_start3A_369 = arith.constant 0 : i32
          %dma_start3A_370 = tpu.memref_slice %arg2[%dma_start3A_368, %dma_start3A_369] : memref<10000x128xf32, #tpu.memory_space<hbm>> -> memref<10000x128xf32, #tpu.memory_space<hbm>>
          tpu.enqueue_indirect_dma source(%dma_start3A_370 : memref<10000x128xf32, #tpu.memory_space<hbm>>) target(%arg9 : memref<128x128xf32, #tpu.memory_space<vmem>>) offsets(%dma_start3A_367 : memref<128xi32, #tpu.memory_space<vmem>>) semaphore(%arg12 : memref<!tpu.dma_semaphore, #tpu.memory_space<semaphore_mem>>)
        } else {
        }
        %add3A_353 = arith.constant 1 : i32
        %add3A_354 = arith.addi %mul3A_335, %add3A_353 : i32
        %dma_wait3A_355 = arith.constant 0 : i32
        %dma_wait3A_356 = tpu.memref_slice %arg7[%add3A_354, %dma_wait3A_355] : memref<8x128xi32, #tpu.memory_space<vmem>> -> memref<1x128xi32, #tpu.memory_space<vmem>>
        %dma_wait3A_357 = tpu.memref_squeeze %dma_wait3A_356 : memref<1x128xi32, #tpu.memory_space<vmem>> -> memref<128xi32, #tpu.memory_space<vmem>>
        %dma_wait3A_358 = arith.constant 0 : i32
        %dma_wait3A_359 = arith.constant 0 : i32
        %dma_wait3A_360 = tpu.memref_slice %arg2[%dma_wait3A_358, %dma_wait3A_359] : memref<10000x128xf32, #tpu.memory_space<hbm>> -> memref<10000x128xf32, #tpu.memory_space<hbm>>
        tpu.wait_indirect_dma semaphore(%arg13 : memref<!tpu.dma_semaphore, #tpu.memory_space<semaphore_mem>>) src(%dma_wait3A_360 : memref<10000x128xf32, #tpu.memory_space<hbm>>) dst(%arg10 : memref<128x128xf32, #tpu.memory_space<vmem>>)
        %add3A_361 = arith.constant 1 : i32
        %add3A_362 = arith.addi %mul3A_335, %add3A_361 : i32
        "tpu.region"() ({
          %run_scoped3A = tpu.sem_alloc : memref<!tpu.dma_semaphore, #tpu.memory_space<semaphore_mem>>
          %dma_start3A_363 = arith.constant 0 : i32
          %dma_start3A_364 = tpu.memref_slice %arg8[%add3A_362, %dma_start3A_363] : memref<8x128xi32, #tpu.memory_space<vmem>> -> memref<1x128xi32, #tpu.memory_space<vmem>>
          %dma_start3A_365 = tpu.memref_squeeze %dma_start3A_364 : memref<1x128xi32, #tpu.memory_space<vmem>> -> memref<128xi32, #tpu.memory_space<vmem>>
          %dma_start3A_366 = arith.constant 0 : i32
          %dma_start3A_367 = arith.constant 0 : i32
          %dma_start3A_368 = tpu.memref_slice %arg11[%dma_start3A_366, %dma_start3A_367] : memref<10008x128xf32, #tpu.memory_space<vmem_shared>> -> memref<10008x128xf32, #tpu.memory_space<vmem_shared>>
          tpu.enqueue_indirect_dma source(%arg10 : memref<128x128xf32, #tpu.memory_space<vmem>>) target(%dma_start3A_368 : memref<10008x128xf32, #tpu.memory_space<vmem_shared>>) offsets(%dma_start3A_365 : memref<128xi32, #tpu.memory_space<vmem>>) semaphore(%run_scoped3A : memref<!tpu.dma_semaphore, #tpu.memory_space<semaphore_mem>>) {add = true}
          %dma_wait3A_369 = arith.constant 0 : i32
          %dma_wait3A_370 = tpu.memref_slice %arg8[%add3A_362, %dma_wait3A_369] : memref<8x128xi32, #tpu.memory_space<vmem>> -> memref<1x128xi32, #tpu.memory_space<vmem>>
          %dma_wait3A_371 = tpu.memref_squeeze %dma_wait3A_370 : memref<1x128xi32, #tpu.memory_space<vmem>> -> memref<128xi32, #tpu.memory_space<vmem>>
          %dma_wait3A_372 = arith.constant 0 : i32
          %dma_wait3A_373 = arith.constant 0 : i32
          %dma_wait3A_374 = tpu.memref_slice %arg11[%dma_wait3A_372, %dma_wait3A_373] : memref<10008x128xf32, #tpu.memory_space<vmem_shared>> -> memref<10008x128xf32, #tpu.memory_space<vmem_shared>>
          tpu.wait_indirect_dma semaphore(%run_scoped3A : memref<!tpu.dma_semaphore, #tpu.memory_space<semaphore_mem>>) src(%arg10 : memref<128x128xf32, #tpu.memory_space<vmem>>) dst(%dma_wait3A_374 : memref<10008x128xf32, #tpu.memory_space<vmem_shared>>)
          tpu.yield
        }) : () -> ()
      }
      %scan3A_230 = arith.constant 4 : i32
      %mul3A_231 = arith.constant 152 : i32
      %mul3A_232 = arith.muli %arg1, %mul3A_231 : i32
      %add3A_233 = arith.constant 104 : i32
      %add3A_234 = arith.addi %mul3A_232, %add3A_233 : i32
      "tpu.region"() ({
        %run_scoped3A = tpu.sem_alloc : memref<!tpu.dma_semaphore, #tpu.memory_space<semaphore_mem>>
        %dma_start3A_333 = arith.constant 0 : i32
        %dma_start3A_334 = tpu.memref_slice %arg3[%add3A_234, %dma_start3A_333] : memref<2560x128xi32, #tpu.memory_space<hbm>> -> memref<8x128xi32, #tpu.memory_space<hbm>>
        %dma_start3A_335 = arith.constant 0 : i32
        %dma_start3A_336 = tpu.memref_slice %arg3[%add3A_234, %dma_start3A_335] : memref<2560x128xi32, #tpu.memory_space<hbm>> -> memref<8x128xi32, #tpu.memory_space<hbm>>
        tpu.enqueue_dma source(%dma_start3A_336 : memref<8x128xi32, #tpu.memory_space<hbm>>) target(%arg7 : memref<8x128xi32, #tpu.memory_space<vmem>>) target_semaphore(%run_scoped3A : memref<!tpu.dma_semaphore, #tpu.memory_space<semaphore_mem>>)
        %dma_wait3A = arith.constant 0 : i32
        %dma_wait3A_337 = tpu.memref_slice %arg3[%add3A_234, %dma_wait3A] : memref<2560x128xi32, #tpu.memory_space<hbm>> -> memref<8x128xi32, #tpu.memory_space<hbm>>
        %dma_wait3A_338 = arith.constant 0 : i32
        %dma_wait3A_339 = tpu.memref_slice %arg3[%add3A_234, %dma_wait3A_338] : memref<2560x128xi32, #tpu.memory_space<hbm>> -> memref<8x128xi32, #tpu.memory_space<hbm>>
        tpu.wait_dma2 semaphore(%run_scoped3A : memref<!tpu.dma_semaphore, #tpu.memory_space<semaphore_mem>>) src(%dma_wait3A_339 : memref<8x128xi32, #tpu.memory_space<hbm>>) dst(%arg7 : memref<8x128xi32, #tpu.memory_space<vmem>>)
        tpu.yield
      }) : () -> ()
      "tpu.region"() ({
        %run_scoped3A = tpu.sem_alloc : memref<!tpu.dma_semaphore, #tpu.memory_space<semaphore_mem>>
        %dma_start3A_333 = arith.constant 0 : i32
        %dma_start3A_334 = tpu.memref_slice %arg4[%add3A_234, %dma_start3A_333] : memref<2560x128xi32, #tpu.memory_space<hbm>> -> memref<8x128xi32, #tpu.memory_space<hbm>>
        %dma_start3A_335 = arith.constant 0 : i32
        %dma_start3A_336 = tpu.memref_slice %arg4[%add3A_234, %dma_start3A_335] : memref<2560x128xi32, #tpu.memory_space<hbm>> -> memref<8x128xi32, #tpu.memory_space<hbm>>
        tpu.enqueue_dma source(%dma_start3A_336 : memref<8x128xi32, #tpu.memory_space<hbm>>) target(%arg8 : memref<8x128xi32, #tpu.memory_space<vmem>>) target_semaphore(%run_scoped3A : memref<!tpu.dma_semaphore, #tpu.memory_space<semaphore_mem>>)
        %dma_wait3A = arith.constant 0 : i32
        %dma_wait3A_337 = tpu.memref_slice %arg4[%add3A_234, %dma_wait3A] : memref<2560x128xi32, #tpu.memory_space<hbm>> -> memref<8x128xi32, #tpu.memory_space<hbm>>
        %dma_wait3A_338 = arith.constant 0 : i32
        %dma_wait3A_339 = tpu.memref_slice %arg4[%add3A_234, %dma_wait3A_338] : memref<2560x128xi32, #tpu.memory_space<hbm>> -> memref<8x128xi32, #tpu.memory_space<hbm>>
        tpu.wait_dma2 semaphore(%run_scoped3A : memref<!tpu.dma_semaphore, #tpu.memory_space<semaphore_mem>>) src(%dma_wait3A_339 : memref<8x128xi32, #tpu.memory_space<hbm>>) dst(%arg8 : memref<8x128xi32, #tpu.memory_space<vmem>>)
        tpu.yield
      }) : () -> ()
      %dma_start3A_235 = arith.constant 0 : i32
      %dma_start3A_236 = arith.constant 0 : i32
      %dma_start3A_237 = tpu.memref_slice %arg7[%dma_start3A_235, %dma_start3A_236] : memref<8x128xi32, #tpu.memory_space<vmem>> -> memref<1x128xi32, #tpu.memory_space<vmem>>
      %dma_start3A_238 = tpu.memref_squeeze %dma_start3A_237 : memref<1x128xi32, #tpu.memory_space<vmem>> -> memref<128xi32, #tpu.memory_space<vmem>>
      %dma_start3A_239 = arith.constant 0 : i32
      %dma_start3A_240 = arith.constant 0 : i32
      %dma_start3A_241 = tpu.memref_slice %arg2[%dma_start3A_239, %dma_start3A_240] : memref<10000x128xf32, #tpu.memory_space<hbm>> -> memref<10000x128xf32, #tpu.memory_space<hbm>>
      tpu.enqueue_indirect_dma source(%dma_start3A_241 : memref<10000x128xf32, #tpu.memory_space<hbm>>) target(%arg9 : memref<128x128xf32, #tpu.memory_space<vmem>>) offsets(%dma_start3A_238 : memref<128xi32, #tpu.memory_space<vmem>>) semaphore(%arg12 : memref<!tpu.dma_semaphore, #tpu.memory_space<semaphore_mem>>)
      %scan3A_242 = arith.constant 0 : i32
      %scan3A_243 = arith.constant 0 : i32
      %scan3A_244 = arith.constant 4 : i32
      %scan3A_245 = arith.addi %scan3A_243, %scan3A_244 : i32
      %scan3A_246 = arith.constant 1 : i32
      scf.for %scan3A_333 = %scan3A_243 to %scan3A_245 step %scan3A_246  : i32 {
        %mul3A_334 = arith.constant 2 : i32
        %mul3A_335 = arith.muli %mul3A_334, %scan3A_333 : i32
        %add3A_336 = arith.constant 1 : i32
        %add3A_337 = arith.addi %mul3A_335, %add3A_336 : i32
        %dma_start3A_338 = arith.constant 0 : i32
        %dma_start3A_339 = tpu.memref_slice %arg7[%add3A_337, %dma_start3A_338] : memref<8x128xi32, #tpu.memory_space<vmem>> -> memref<1x128xi32, #tpu.memory_space<vmem>>
        %dma_start3A_340 = tpu.memref_squeeze %dma_start3A_339 : memref<1x128xi32, #tpu.memory_space<vmem>> -> memref<128xi32, #tpu.memory_space<vmem>>
        %dma_start3A_341 = arith.constant 0 : i32
        %dma_start3A_342 = arith.constant 0 : i32
        %dma_start3A_343 = tpu.memref_slice %arg2[%dma_start3A_341, %dma_start3A_342] : memref<10000x128xf32, #tpu.memory_space<hbm>> -> memref<10000x128xf32, #tpu.memory_space<hbm>>
        tpu.enqueue_indirect_dma source(%dma_start3A_343 : memref<10000x128xf32, #tpu.memory_space<hbm>>) target(%arg10 : memref<128x128xf32, #tpu.memory_space<vmem>>) offsets(%dma_start3A_340 : memref<128xi32, #tpu.memory_space<vmem>>) semaphore(%arg13 : memref<!tpu.dma_semaphore, #tpu.memory_space<semaphore_mem>>)
        %dma_wait3A = arith.constant 0 : i32
        %dma_wait3A_344 = tpu.memref_slice %arg7[%mul3A_335, %dma_wait3A] : memref<8x128xi32, #tpu.memory_space<vmem>> -> memref<1x128xi32, #tpu.memory_space<vmem>>
        %dma_wait3A_345 = tpu.memref_squeeze %dma_wait3A_344 : memref<1x128xi32, #tpu.memory_space<vmem>> -> memref<128xi32, #tpu.memory_space<vmem>>
        %dma_wait3A_346 = arith.constant 0 : i32
        %dma_wait3A_347 = arith.constant 0 : i32
        %dma_wait3A_348 = tpu.memref_slice %arg2[%dma_wait3A_346, %dma_wait3A_347] : memref<10000x128xf32, #tpu.memory_space<hbm>> -> memref<10000x128xf32, #tpu.memory_space<hbm>>
        tpu.wait_indirect_dma semaphore(%arg12 : memref<!tpu.dma_semaphore, #tpu.memory_space<semaphore_mem>>) src(%dma_wait3A_348 : memref<10000x128xf32, #tpu.memory_space<hbm>>) dst(%arg9 : memref<128x128xf32, #tpu.memory_space<vmem>>)
        "tpu.region"() ({
          %run_scoped3A = tpu.sem_alloc : memref<!tpu.dma_semaphore, #tpu.memory_space<semaphore_mem>>
          %dma_start3A_363 = arith.constant 0 : i32
          %dma_start3A_364 = tpu.memref_slice %arg8[%mul3A_335, %dma_start3A_363] : memref<8x128xi32, #tpu.memory_space<vmem>> -> memref<1x128xi32, #tpu.memory_space<vmem>>
          %dma_start3A_365 = tpu.memref_squeeze %dma_start3A_364 : memref<1x128xi32, #tpu.memory_space<vmem>> -> memref<128xi32, #tpu.memory_space<vmem>>
          %dma_start3A_366 = arith.constant 0 : i32
          %dma_start3A_367 = arith.constant 0 : i32
          %dma_start3A_368 = tpu.memref_slice %arg11[%dma_start3A_366, %dma_start3A_367] : memref<10008x128xf32, #tpu.memory_space<vmem_shared>> -> memref<10008x128xf32, #tpu.memory_space<vmem_shared>>
          tpu.enqueue_indirect_dma source(%arg9 : memref<128x128xf32, #tpu.memory_space<vmem>>) target(%dma_start3A_368 : memref<10008x128xf32, #tpu.memory_space<vmem_shared>>) offsets(%dma_start3A_365 : memref<128xi32, #tpu.memory_space<vmem>>) semaphore(%run_scoped3A : memref<!tpu.dma_semaphore, #tpu.memory_space<semaphore_mem>>) {add = true}
          %dma_wait3A_369 = arith.constant 0 : i32
          %dma_wait3A_370 = tpu.memref_slice %arg8[%mul3A_335, %dma_wait3A_369] : memref<8x128xi32, #tpu.memory_space<vmem>> -> memref<1x128xi32, #tpu.memory_space<vmem>>
          %dma_wait3A_371 = tpu.memref_squeeze %dma_wait3A_370 : memref<1x128xi32, #tpu.memory_space<vmem>> -> memref<128xi32, #tpu.memory_space<vmem>>
          %dma_wait3A_372 = arith.constant 0 : i32
          %dma_wait3A_373 = arith.constant 0 : i32
          %dma_wait3A_374 = tpu.memref_slice %arg11[%dma_wait3A_372, %dma_wait3A_373] : memref<10008x128xf32, #tpu.memory_space<vmem_shared>> -> memref<10008x128xf32, #tpu.memory_space<vmem_shared>>
          tpu.wait_indirect_dma semaphore(%run_scoped3A : memref<!tpu.dma_semaphore, #tpu.memory_space<semaphore_mem>>) src(%arg9 : memref<128x128xf32, #tpu.memory_space<vmem>>) dst(%dma_wait3A_374 : memref<10008x128xf32, #tpu.memory_space<vmem_shared>>)
          tpu.yield
        }) : () -> ()
        %lt3A = arith.constant 3 : i32
        %lt3A_349 = arith.cmpi slt, %scan3A_333, %lt3A : i32
        %convert_element_type3A_350 = arith.extui %lt3A_349 : i1 to i32
        %cond3A_351 = arith.constant 0 : i32
        %cond3A_352 = arith.cmpi ne, %convert_element_type3A_350, %cond3A_351 : i32
        scf.if %cond3A_352 {
          %add3A_363 = arith.constant 2 : i32
          %add3A_364 = arith.addi %mul3A_335, %add3A_363 : i32
          %dma_start3A_365 = arith.constant 0 : i32
          %dma_start3A_366 = tpu.memref_slice %arg7[%add3A_364, %dma_start3A_365] : memref<8x128xi32, #tpu.memory_space<vmem>> -> memref<1x128xi32, #tpu.memory_space<vmem>>
          %dma_start3A_367 = tpu.memref_squeeze %dma_start3A_366 : memref<1x128xi32, #tpu.memory_space<vmem>> -> memref<128xi32, #tpu.memory_space<vmem>>
          %dma_start3A_368 = arith.constant 0 : i32
          %dma_start3A_369 = arith.constant 0 : i32
          %dma_start3A_370 = tpu.memref_slice %arg2[%dma_start3A_368, %dma_start3A_369] : memref<10000x128xf32, #tpu.memory_space<hbm>> -> memref<10000x128xf32, #tpu.memory_space<hbm>>
          tpu.enqueue_indirect_dma source(%dma_start3A_370 : memref<10000x128xf32, #tpu.memory_space<hbm>>) target(%arg9 : memref<128x128xf32, #tpu.memory_space<vmem>>) offsets(%dma_start3A_367 : memref<128xi32, #tpu.memory_space<vmem>>) semaphore(%arg12 : memref<!tpu.dma_semaphore, #tpu.memory_space<semaphore_mem>>)
        } else {
        }
        %add3A_353 = arith.constant 1 : i32
        %add3A_354 = arith.addi %mul3A_335, %add3A_353 : i32
        %dma_wait3A_355 = arith.constant 0 : i32
        %dma_wait3A_356 = tpu.memref_slice %arg7[%add3A_354, %dma_wait3A_355] : memref<8x128xi32, #tpu.memory_space<vmem>> -> memref<1x128xi32, #tpu.memory_space<vmem>>
        %dma_wait3A_357 = tpu.memref_squeeze %dma_wait3A_356 : memref<1x128xi32, #tpu.memory_space<vmem>> -> memref<128xi32, #tpu.memory_space<vmem>>
        %dma_wait3A_358 = arith.constant 0 : i32
        %dma_wait3A_359 = arith.constant 0 : i32
        %dma_wait3A_360 = tpu.memref_slice %arg2[%dma_wait3A_358, %dma_wait3A_359] : memref<10000x128xf32, #tpu.memory_space<hbm>> -> memref<10000x128xf32, #tpu.memory_space<hbm>>
        tpu.wait_indirect_dma semaphore(%arg13 : memref<!tpu.dma_semaphore, #tpu.memory_space<semaphore_mem>>) src(%dma_wait3A_360 : memref<10000x128xf32, #tpu.memory_space<hbm>>) dst(%arg10 : memref<128x128xf32, #tpu.memory_space<vmem>>)
        %add3A_361 = arith.constant 1 : i32
        %add3A_362 = arith.addi %mul3A_335, %add3A_361 : i32
        "tpu.region"() ({
          %run_scoped3A = tpu.sem_alloc : memref<!tpu.dma_semaphore, #tpu.memory_space<semaphore_mem>>
          %dma_start3A_363 = arith.constant 0 : i32
          %dma_start3A_364 = tpu.memref_slice %arg8[%add3A_362, %dma_start3A_363] : memref<8x128xi32, #tpu.memory_space<vmem>> -> memref<1x128xi32, #tpu.memory_space<vmem>>
          %dma_start3A_365 = tpu.memref_squeeze %dma_start3A_364 : memref<1x128xi32, #tpu.memory_space<vmem>> -> memref<128xi32, #tpu.memory_space<vmem>>
          %dma_start3A_366 = arith.constant 0 : i32
          %dma_start3A_367 = arith.constant 0 : i32
          %dma_start3A_368 = tpu.memref_slice %arg11[%dma_start3A_366, %dma_start3A_367] : memref<10008x128xf32, #tpu.memory_space<vmem_shared>> -> memref<10008x128xf32, #tpu.memory_space<vmem_shared>>
          tpu.enqueue_indirect_dma source(%arg10 : memref<128x128xf32, #tpu.memory_space<vmem>>) target(%dma_start3A_368 : memref<10008x128xf32, #tpu.memory_space<vmem_shared>>) offsets(%dma_start3A_365 : memref<128xi32, #tpu.memory_space<vmem>>) semaphore(%run_scoped3A : memref<!tpu.dma_semaphore, #tpu.memory_space<semaphore_mem>>) {add = true}
          %dma_wait3A_369 = arith.constant 0 : i32
          %dma_wait3A_370 = tpu.memref_slice %arg8[%add3A_362, %dma_wait3A_369] : memref<8x128xi32, #tpu.memory_space<vmem>> -> memref<1x128xi32, #tpu.memory_space<vmem>>
          %dma_wait3A_371 = tpu.memref_squeeze %dma_wait3A_370 : memref<1x128xi32, #tpu.memory_space<vmem>> -> memref<128xi32, #tpu.memory_space<vmem>>
          %dma_wait3A_372 = arith.constant 0 : i32
          %dma_wait3A_373 = arith.constant 0 : i32
          %dma_wait3A_374 = tpu.memref_slice %arg11[%dma_wait3A_372, %dma_wait3A_373] : memref<10008x128xf32, #tpu.memory_space<vmem_shared>> -> memref<10008x128xf32, #tpu.memory_space<vmem_shared>>
          tpu.wait_indirect_dma semaphore(%run_scoped3A : memref<!tpu.dma_semaphore, #tpu.memory_space<semaphore_mem>>) src(%arg10 : memref<128x128xf32, #tpu.memory_space<vmem>>) dst(%dma_wait3A_374 : memref<10008x128xf32, #tpu.memory_space<vmem_shared>>)
          tpu.yield
        }) : () -> ()
      }
      %scan3A_247 = arith.constant 4 : i32
      %mul3A_248 = arith.constant 152 : i32
      %mul3A_249 = arith.muli %arg1, %mul3A_248 : i32
      %add3A_250 = arith.constant 112 : i32
      %add3A_251 = arith.addi %mul3A_249, %add3A_250 : i32
      "tpu.region"() ({
        %run_scoped3A = tpu.sem_alloc : memref<!tpu.dma_semaphore, #tpu.memory_space<semaphore_mem>>
        %dma_start3A_333 = arith.constant 0 : i32
        %dma_start3A_334 = tpu.memref_slice %arg3[%add3A_251, %dma_start3A_333] : memref<2560x128xi32, #tpu.memory_space<hbm>> -> memref<8x128xi32, #tpu.memory_space<hbm>>
        %dma_start3A_335 = arith.constant 0 : i32
        %dma_start3A_336 = tpu.memref_slice %arg3[%add3A_251, %dma_start3A_335] : memref<2560x128xi32, #tpu.memory_space<hbm>> -> memref<8x128xi32, #tpu.memory_space<hbm>>
        tpu.enqueue_dma source(%dma_start3A_336 : memref<8x128xi32, #tpu.memory_space<hbm>>) target(%arg7 : memref<8x128xi32, #tpu.memory_space<vmem>>) target_semaphore(%run_scoped3A : memref<!tpu.dma_semaphore, #tpu.memory_space<semaphore_mem>>)
        %dma_wait3A = arith.constant 0 : i32
        %dma_wait3A_337 = tpu.memref_slice %arg3[%add3A_251, %dma_wait3A] : memref<2560x128xi32, #tpu.memory_space<hbm>> -> memref<8x128xi32, #tpu.memory_space<hbm>>
        %dma_wait3A_338 = arith.constant 0 : i32
        %dma_wait3A_339 = tpu.memref_slice %arg3[%add3A_251, %dma_wait3A_338] : memref<2560x128xi32, #tpu.memory_space<hbm>> -> memref<8x128xi32, #tpu.memory_space<hbm>>
        tpu.wait_dma2 semaphore(%run_scoped3A : memref<!tpu.dma_semaphore, #tpu.memory_space<semaphore_mem>>) src(%dma_wait3A_339 : memref<8x128xi32, #tpu.memory_space<hbm>>) dst(%arg7 : memref<8x128xi32, #tpu.memory_space<vmem>>)
        tpu.yield
      }) : () -> ()
      "tpu.region"() ({
        %run_scoped3A = tpu.sem_alloc : memref<!tpu.dma_semaphore, #tpu.memory_space<semaphore_mem>>
        %dma_start3A_333 = arith.constant 0 : i32
        %dma_start3A_334 = tpu.memref_slice %arg4[%add3A_251, %dma_start3A_333] : memref<2560x128xi32, #tpu.memory_space<hbm>> -> memref<8x128xi32, #tpu.memory_space<hbm>>
        %dma_start3A_335 = arith.constant 0 : i32
        %dma_start3A_336 = tpu.memref_slice %arg4[%add3A_251, %dma_start3A_335] : memref<2560x128xi32, #tpu.memory_space<hbm>> -> memref<8x128xi32, #tpu.memory_space<hbm>>
        tpu.enqueue_dma source(%dma_start3A_336 : memref<8x128xi32, #tpu.memory_space<hbm>>) target(%arg8 : memref<8x128xi32, #tpu.memory_space<vmem>>) target_semaphore(%run_scoped3A : memref<!tpu.dma_semaphore, #tpu.memory_space<semaphore_mem>>)
        %dma_wait3A = arith.constant 0 : i32
        %dma_wait3A_337 = tpu.memref_slice %arg4[%add3A_251, %dma_wait3A] : memref<2560x128xi32, #tpu.memory_space<hbm>> -> memref<8x128xi32, #tpu.memory_space<hbm>>
        %dma_wait3A_338 = arith.constant 0 : i32
        %dma_wait3A_339 = tpu.memref_slice %arg4[%add3A_251, %dma_wait3A_338] : memref<2560x128xi32, #tpu.memory_space<hbm>> -> memref<8x128xi32, #tpu.memory_space<hbm>>
        tpu.wait_dma2 semaphore(%run_scoped3A : memref<!tpu.dma_semaphore, #tpu.memory_space<semaphore_mem>>) src(%dma_wait3A_339 : memref<8x128xi32, #tpu.memory_space<hbm>>) dst(%arg8 : memref<8x128xi32, #tpu.memory_space<vmem>>)
        tpu.yield
      }) : () -> ()
      %dma_start3A_252 = arith.constant 0 : i32
      %dma_start3A_253 = arith.constant 0 : i32
      %dma_start3A_254 = tpu.memref_slice %arg7[%dma_start3A_252, %dma_start3A_253] : memref<8x128xi32, #tpu.memory_space<vmem>> -> memref<1x128xi32, #tpu.memory_space<vmem>>
      %dma_start3A_255 = tpu.memref_squeeze %dma_start3A_254 : memref<1x128xi32, #tpu.memory_space<vmem>> -> memref<128xi32, #tpu.memory_space<vmem>>
      %dma_start3A_256 = arith.constant 0 : i32
      %dma_start3A_257 = arith.constant 0 : i32
      %dma_start3A_258 = tpu.memref_slice %arg2[%dma_start3A_256, %dma_start3A_257] : memref<10000x128xf32, #tpu.memory_space<hbm>> -> memref<10000x128xf32, #tpu.memory_space<hbm>>
      tpu.enqueue_indirect_dma source(%dma_start3A_258 : memref<10000x128xf32, #tpu.memory_space<hbm>>) target(%arg9 : memref<128x128xf32, #tpu.memory_space<vmem>>) offsets(%dma_start3A_255 : memref<128xi32, #tpu.memory_space<vmem>>) semaphore(%arg12 : memref<!tpu.dma_semaphore, #tpu.memory_space<semaphore_mem>>)
      %scan3A_259 = arith.constant 0 : i32
      %scan3A_260 = arith.constant 0 : i32
      %scan3A_261 = arith.constant 4 : i32
      %scan3A_262 = arith.addi %scan3A_260, %scan3A_261 : i32
      %scan3A_263 = arith.constant 1 : i32
      scf.for %scan3A_333 = %scan3A_260 to %scan3A_262 step %scan3A_263  : i32 {
        %mul3A_334 = arith.constant 2 : i32
        %mul3A_335 = arith.muli %mul3A_334, %scan3A_333 : i32
        %add3A_336 = arith.constant 1 : i32
        %add3A_337 = arith.addi %mul3A_335, %add3A_336 : i32
        %dma_start3A_338 = arith.constant 0 : i32
        %dma_start3A_339 = tpu.memref_slice %arg7[%add3A_337, %dma_start3A_338] : memref<8x128xi32, #tpu.memory_space<vmem>> -> memref<1x128xi32, #tpu.memory_space<vmem>>
        %dma_start3A_340 = tpu.memref_squeeze %dma_start3A_339 : memref<1x128xi32, #tpu.memory_space<vmem>> -> memref<128xi32, #tpu.memory_space<vmem>>
        %dma_start3A_341 = arith.constant 0 : i32
        %dma_start3A_342 = arith.constant 0 : i32
        %dma_start3A_343 = tpu.memref_slice %arg2[%dma_start3A_341, %dma_start3A_342] : memref<10000x128xf32, #tpu.memory_space<hbm>> -> memref<10000x128xf32, #tpu.memory_space<hbm>>
        tpu.enqueue_indirect_dma source(%dma_start3A_343 : memref<10000x128xf32, #tpu.memory_space<hbm>>) target(%arg10 : memref<128x128xf32, #tpu.memory_space<vmem>>) offsets(%dma_start3A_340 : memref<128xi32, #tpu.memory_space<vmem>>) semaphore(%arg13 : memref<!tpu.dma_semaphore, #tpu.memory_space<semaphore_mem>>)
        %dma_wait3A = arith.constant 0 : i32
        %dma_wait3A_344 = tpu.memref_slice %arg7[%mul3A_335, %dma_wait3A] : memref<8x128xi32, #tpu.memory_space<vmem>> -> memref<1x128xi32, #tpu.memory_space<vmem>>
        %dma_wait3A_345 = tpu.memref_squeeze %dma_wait3A_344 : memref<1x128xi32, #tpu.memory_space<vmem>> -> memref<128xi32, #tpu.memory_space<vmem>>
        %dma_wait3A_346 = arith.constant 0 : i32
        %dma_wait3A_347 = arith.constant 0 : i32
        %dma_wait3A_348 = tpu.memref_slice %arg2[%dma_wait3A_346, %dma_wait3A_347] : memref<10000x128xf32, #tpu.memory_space<hbm>> -> memref<10000x128xf32, #tpu.memory_space<hbm>>
        tpu.wait_indirect_dma semaphore(%arg12 : memref<!tpu.dma_semaphore, #tpu.memory_space<semaphore_mem>>) src(%dma_wait3A_348 : memref<10000x128xf32, #tpu.memory_space<hbm>>) dst(%arg9 : memref<128x128xf32, #tpu.memory_space<vmem>>)
        "tpu.region"() ({
          %run_scoped3A = tpu.sem_alloc : memref<!tpu.dma_semaphore, #tpu.memory_space<semaphore_mem>>
          %dma_start3A_363 = arith.constant 0 : i32
          %dma_start3A_364 = tpu.memref_slice %arg8[%mul3A_335, %dma_start3A_363] : memref<8x128xi32, #tpu.memory_space<vmem>> -> memref<1x128xi32, #tpu.memory_space<vmem>>
          %dma_start3A_365 = tpu.memref_squeeze %dma_start3A_364 : memref<1x128xi32, #tpu.memory_space<vmem>> -> memref<128xi32, #tpu.memory_space<vmem>>
          %dma_start3A_366 = arith.constant 0 : i32
          %dma_start3A_367 = arith.constant 0 : i32
          %dma_start3A_368 = tpu.memref_slice %arg11[%dma_start3A_366, %dma_start3A_367] : memref<10008x128xf32, #tpu.memory_space<vmem_shared>> -> memref<10008x128xf32, #tpu.memory_space<vmem_shared>>
          tpu.enqueue_indirect_dma source(%arg9 : memref<128x128xf32, #tpu.memory_space<vmem>>) target(%dma_start3A_368 : memref<10008x128xf32, #tpu.memory_space<vmem_shared>>) offsets(%dma_start3A_365 : memref<128xi32, #tpu.memory_space<vmem>>) semaphore(%run_scoped3A : memref<!tpu.dma_semaphore, #tpu.memory_space<semaphore_mem>>) {add = true}
          %dma_wait3A_369 = arith.constant 0 : i32
          %dma_wait3A_370 = tpu.memref_slice %arg8[%mul3A_335, %dma_wait3A_369] : memref<8x128xi32, #tpu.memory_space<vmem>> -> memref<1x128xi32, #tpu.memory_space<vmem>>
          %dma_wait3A_371 = tpu.memref_squeeze %dma_wait3A_370 : memref<1x128xi32, #tpu.memory_space<vmem>> -> memref<128xi32, #tpu.memory_space<vmem>>
          %dma_wait3A_372 = arith.constant 0 : i32
          %dma_wait3A_373 = arith.constant 0 : i32
          %dma_wait3A_374 = tpu.memref_slice %arg11[%dma_wait3A_372, %dma_wait3A_373] : memref<10008x128xf32, #tpu.memory_space<vmem_shared>> -> memref<10008x128xf32, #tpu.memory_space<vmem_shared>>
          tpu.wait_indirect_dma semaphore(%run_scoped3A : memref<!tpu.dma_semaphore, #tpu.memory_space<semaphore_mem>>) src(%arg9 : memref<128x128xf32, #tpu.memory_space<vmem>>) dst(%dma_wait3A_374 : memref<10008x128xf32, #tpu.memory_space<vmem_shared>>)
          tpu.yield
        }) : () -> ()
        %lt3A = arith.constant 3 : i32
        %lt3A_349 = arith.cmpi slt, %scan3A_333, %lt3A : i32
        %convert_element_type3A_350 = arith.extui %lt3A_349 : i1 to i32
        %cond3A_351 = arith.constant 0 : i32
        %cond3A_352 = arith.cmpi ne, %convert_element_type3A_350, %cond3A_351 : i32
        scf.if %cond3A_352 {
          %add3A_363 = arith.constant 2 : i32
          %add3A_364 = arith.addi %mul3A_335, %add3A_363 : i32
          %dma_start3A_365 = arith.constant 0 : i32
          %dma_start3A_366 = tpu.memref_slice %arg7[%add3A_364, %dma_start3A_365] : memref<8x128xi32, #tpu.memory_space<vmem>> -> memref<1x128xi32, #tpu.memory_space<vmem>>
          %dma_start3A_367 = tpu.memref_squeeze %dma_start3A_366 : memref<1x128xi32, #tpu.memory_space<vmem>> -> memref<128xi32, #tpu.memory_space<vmem>>
          %dma_start3A_368 = arith.constant 0 : i32
          %dma_start3A_369 = arith.constant 0 : i32
          %dma_start3A_370 = tpu.memref_slice %arg2[%dma_start3A_368, %dma_start3A_369] : memref<10000x128xf32, #tpu.memory_space<hbm>> -> memref<10000x128xf32, #tpu.memory_space<hbm>>
          tpu.enqueue_indirect_dma source(%dma_start3A_370 : memref<10000x128xf32, #tpu.memory_space<hbm>>) target(%arg9 : memref<128x128xf32, #tpu.memory_space<vmem>>) offsets(%dma_start3A_367 : memref<128xi32, #tpu.memory_space<vmem>>) semaphore(%arg12 : memref<!tpu.dma_semaphore, #tpu.memory_space<semaphore_mem>>)
        } else {
        }
        %add3A_353 = arith.constant 1 : i32
        %add3A_354 = arith.addi %mul3A_335, %add3A_353 : i32
        %dma_wait3A_355 = arith.constant 0 : i32
        %dma_wait3A_356 = tpu.memref_slice %arg7[%add3A_354, %dma_wait3A_355] : memref<8x128xi32, #tpu.memory_space<vmem>> -> memref<1x128xi32, #tpu.memory_space<vmem>>
        %dma_wait3A_357 = tpu.memref_squeeze %dma_wait3A_356 : memref<1x128xi32, #tpu.memory_space<vmem>> -> memref<128xi32, #tpu.memory_space<vmem>>
        %dma_wait3A_358 = arith.constant 0 : i32
        %dma_wait3A_359 = arith.constant 0 : i32
        %dma_wait3A_360 = tpu.memref_slice %arg2[%dma_wait3A_358, %dma_wait3A_359] : memref<10000x128xf32, #tpu.memory_space<hbm>> -> memref<10000x128xf32, #tpu.memory_space<hbm>>
        tpu.wait_indirect_dma semaphore(%arg13 : memref<!tpu.dma_semaphore, #tpu.memory_space<semaphore_mem>>) src(%dma_wait3A_360 : memref<10000x128xf32, #tpu.memory_space<hbm>>) dst(%arg10 : memref<128x128xf32, #tpu.memory_space<vmem>>)
        %add3A_361 = arith.constant 1 : i32
        %add3A_362 = arith.addi %mul3A_335, %add3A_361 : i32
        "tpu.region"() ({
          %run_scoped3A = tpu.sem_alloc : memref<!tpu.dma_semaphore, #tpu.memory_space<semaphore_mem>>
          %dma_start3A_363 = arith.constant 0 : i32
          %dma_start3A_364 = tpu.memref_slice %arg8[%add3A_362, %dma_start3A_363] : memref<8x128xi32, #tpu.memory_space<vmem>> -> memref<1x128xi32, #tpu.memory_space<vmem>>
          %dma_start3A_365 = tpu.memref_squeeze %dma_start3A_364 : memref<1x128xi32, #tpu.memory_space<vmem>> -> memref<128xi32, #tpu.memory_space<vmem>>
          %dma_start3A_366 = arith.constant 0 : i32
          %dma_start3A_367 = arith.constant 0 : i32
          %dma_start3A_368 = tpu.memref_slice %arg11[%dma_start3A_366, %dma_start3A_367] : memref<10008x128xf32, #tpu.memory_space<vmem_shared>> -> memref<10008x128xf32, #tpu.memory_space<vmem_shared>>
          tpu.enqueue_indirect_dma source(%arg10 : memref<128x128xf32, #tpu.memory_space<vmem>>) target(%dma_start3A_368 : memref<10008x128xf32, #tpu.memory_space<vmem_shared>>) offsets(%dma_start3A_365 : memref<128xi32, #tpu.memory_space<vmem>>) semaphore(%run_scoped3A : memref<!tpu.dma_semaphore, #tpu.memory_space<semaphore_mem>>) {add = true}
          %dma_wait3A_369 = arith.constant 0 : i32
          %dma_wait3A_370 = tpu.memref_slice %arg8[%add3A_362, %dma_wait3A_369] : memref<8x128xi32, #tpu.memory_space<vmem>> -> memref<1x128xi32, #tpu.memory_space<vmem>>
          %dma_wait3A_371 = tpu.memref_squeeze %dma_wait3A_370 : memref<1x128xi32, #tpu.memory_space<vmem>> -> memref<128xi32, #tpu.memory_space<vmem>>
          %dma_wait3A_372 = arith.constant 0 : i32
          %dma_wait3A_373 = arith.constant 0 : i32
          %dma_wait3A_374 = tpu.memref_slice %arg11[%dma_wait3A_372, %dma_wait3A_373] : memref<10008x128xf32, #tpu.memory_space<vmem_shared>> -> memref<10008x128xf32, #tpu.memory_space<vmem_shared>>
          tpu.wait_indirect_dma semaphore(%run_scoped3A : memref<!tpu.dma_semaphore, #tpu.memory_space<semaphore_mem>>) src(%arg10 : memref<128x128xf32, #tpu.memory_space<vmem>>) dst(%dma_wait3A_374 : memref<10008x128xf32, #tpu.memory_space<vmem_shared>>)
          tpu.yield
        }) : () -> ()
      }
      %scan3A_264 = arith.constant 4 : i32
      %mul3A_265 = arith.constant 152 : i32
      %mul3A_266 = arith.muli %arg1, %mul3A_265 : i32
      %add3A_267 = arith.constant 120 : i32
      %add3A_268 = arith.addi %mul3A_266, %add3A_267 : i32
      "tpu.region"() ({
        %run_scoped3A = tpu.sem_alloc : memref<!tpu.dma_semaphore, #tpu.memory_space<semaphore_mem>>
        %dma_start3A_333 = arith.constant 0 : i32
        %dma_start3A_334 = tpu.memref_slice %arg3[%add3A_268, %dma_start3A_333] : memref<2560x128xi32, #tpu.memory_space<hbm>> -> memref<8x128xi32, #tpu.memory_space<hbm>>
        %dma_start3A_335 = arith.constant 0 : i32
        %dma_start3A_336 = tpu.memref_slice %arg3[%add3A_268, %dma_start3A_335] : memref<2560x128xi32, #tpu.memory_space<hbm>> -> memref<8x128xi32, #tpu.memory_space<hbm>>
        tpu.enqueue_dma source(%dma_start3A_336 : memref<8x128xi32, #tpu.memory_space<hbm>>) target(%arg7 : memref<8x128xi32, #tpu.memory_space<vmem>>) target_semaphore(%run_scoped3A : memref<!tpu.dma_semaphore, #tpu.memory_space<semaphore_mem>>)
        %dma_wait3A = arith.constant 0 : i32
        %dma_wait3A_337 = tpu.memref_slice %arg3[%add3A_268, %dma_wait3A] : memref<2560x128xi32, #tpu.memory_space<hbm>> -> memref<8x128xi32, #tpu.memory_space<hbm>>
        %dma_wait3A_338 = arith.constant 0 : i32
        %dma_wait3A_339 = tpu.memref_slice %arg3[%add3A_268, %dma_wait3A_338] : memref<2560x128xi32, #tpu.memory_space<hbm>> -> memref<8x128xi32, #tpu.memory_space<hbm>>
        tpu.wait_dma2 semaphore(%run_scoped3A : memref<!tpu.dma_semaphore, #tpu.memory_space<semaphore_mem>>) src(%dma_wait3A_339 : memref<8x128xi32, #tpu.memory_space<hbm>>) dst(%arg7 : memref<8x128xi32, #tpu.memory_space<vmem>>)
        tpu.yield
      }) : () -> ()
      "tpu.region"() ({
        %run_scoped3A = tpu.sem_alloc : memref<!tpu.dma_semaphore, #tpu.memory_space<semaphore_mem>>
        %dma_start3A_333 = arith.constant 0 : i32
        %dma_start3A_334 = tpu.memref_slice %arg4[%add3A_268, %dma_start3A_333] : memref<2560x128xi32, #tpu.memory_space<hbm>> -> memref<8x128xi32, #tpu.memory_space<hbm>>
        %dma_start3A_335 = arith.constant 0 : i32
        %dma_start3A_336 = tpu.memref_slice %arg4[%add3A_268, %dma_start3A_335] : memref<2560x128xi32, #tpu.memory_space<hbm>> -> memref<8x128xi32, #tpu.memory_space<hbm>>
        tpu.enqueue_dma source(%dma_start3A_336 : memref<8x128xi32, #tpu.memory_space<hbm>>) target(%arg8 : memref<8x128xi32, #tpu.memory_space<vmem>>) target_semaphore(%run_scoped3A : memref<!tpu.dma_semaphore, #tpu.memory_space<semaphore_mem>>)
        %dma_wait3A = arith.constant 0 : i32
        %dma_wait3A_337 = tpu.memref_slice %arg4[%add3A_268, %dma_wait3A] : memref<2560x128xi32, #tpu.memory_space<hbm>> -> memref<8x128xi32, #tpu.memory_space<hbm>>
        %dma_wait3A_338 = arith.constant 0 : i32
        %dma_wait3A_339 = tpu.memref_slice %arg4[%add3A_268, %dma_wait3A_338] : memref<2560x128xi32, #tpu.memory_space<hbm>> -> memref<8x128xi32, #tpu.memory_space<hbm>>
        tpu.wait_dma2 semaphore(%run_scoped3A : memref<!tpu.dma_semaphore, #tpu.memory_space<semaphore_mem>>) src(%dma_wait3A_339 : memref<8x128xi32, #tpu.memory_space<hbm>>) dst(%arg8 : memref<8x128xi32, #tpu.memory_space<vmem>>)
        tpu.yield
      }) : () -> ()
      %dma_start3A_269 = arith.constant 0 : i32
      %dma_start3A_270 = arith.constant 0 : i32
      %dma_start3A_271 = tpu.memref_slice %arg7[%dma_start3A_269, %dma_start3A_270] : memref<8x128xi32, #tpu.memory_space<vmem>> -> memref<1x128xi32, #tpu.memory_space<vmem>>
      %dma_start3A_272 = tpu.memref_squeeze %dma_start3A_271 : memref<1x128xi32, #tpu.memory_space<vmem>> -> memref<128xi32, #tpu.memory_space<vmem>>
      %dma_start3A_273 = arith.constant 0 : i32
      %dma_start3A_274 = arith.constant 0 : i32
      %dma_start3A_275 = tpu.memref_slice %arg2[%dma_start3A_273, %dma_start3A_274] : memref<10000x128xf32, #tpu.memory_space<hbm>> -> memref<10000x128xf32, #tpu.memory_space<hbm>>
      tpu.enqueue_indirect_dma source(%dma_start3A_275 : memref<10000x128xf32, #tpu.memory_space<hbm>>) target(%arg9 : memref<128x128xf32, #tpu.memory_space<vmem>>) offsets(%dma_start3A_272 : memref<128xi32, #tpu.memory_space<vmem>>) semaphore(%arg12 : memref<!tpu.dma_semaphore, #tpu.memory_space<semaphore_mem>>)
      %scan3A_276 = arith.constant 0 : i32
      %scan3A_277 = arith.constant 0 : i32
      %scan3A_278 = arith.constant 4 : i32
      %scan3A_279 = arith.addi %scan3A_277, %scan3A_278 : i32
      %scan3A_280 = arith.constant 1 : i32
      scf.for %scan3A_333 = %scan3A_277 to %scan3A_279 step %scan3A_280  : i32 {
        %mul3A_334 = arith.constant 2 : i32
        %mul3A_335 = arith.muli %mul3A_334, %scan3A_333 : i32
        %add3A_336 = arith.constant 1 : i32
        %add3A_337 = arith.addi %mul3A_335, %add3A_336 : i32
        %dma_start3A_338 = arith.constant 0 : i32
        %dma_start3A_339 = tpu.memref_slice %arg7[%add3A_337, %dma_start3A_338] : memref<8x128xi32, #tpu.memory_space<vmem>> -> memref<1x128xi32, #tpu.memory_space<vmem>>
        %dma_start3A_340 = tpu.memref_squeeze %dma_start3A_339 : memref<1x128xi32, #tpu.memory_space<vmem>> -> memref<128xi32, #tpu.memory_space<vmem>>
        %dma_start3A_341 = arith.constant 0 : i32
        %dma_start3A_342 = arith.constant 0 : i32
        %dma_start3A_343 = tpu.memref_slice %arg2[%dma_start3A_341, %dma_start3A_342] : memref<10000x128xf32, #tpu.memory_space<hbm>> -> memref<10000x128xf32, #tpu.memory_space<hbm>>
        tpu.enqueue_indirect_dma source(%dma_start3A_343 : memref<10000x128xf32, #tpu.memory_space<hbm>>) target(%arg10 : memref<128x128xf32, #tpu.memory_space<vmem>>) offsets(%dma_start3A_340 : memref<128xi32, #tpu.memory_space<vmem>>) semaphore(%arg13 : memref<!tpu.dma_semaphore, #tpu.memory_space<semaphore_mem>>)
        %dma_wait3A = arith.constant 0 : i32
        %dma_wait3A_344 = tpu.memref_slice %arg7[%mul3A_335, %dma_wait3A] : memref<8x128xi32, #tpu.memory_space<vmem>> -> memref<1x128xi32, #tpu.memory_space<vmem>>
        %dma_wait3A_345 = tpu.memref_squeeze %dma_wait3A_344 : memref<1x128xi32, #tpu.memory_space<vmem>> -> memref<128xi32, #tpu.memory_space<vmem>>
        %dma_wait3A_346 = arith.constant 0 : i32
        %dma_wait3A_347 = arith.constant 0 : i32
        %dma_wait3A_348 = tpu.memref_slice %arg2[%dma_wait3A_346, %dma_wait3A_347] : memref<10000x128xf32, #tpu.memory_space<hbm>> -> memref<10000x128xf32, #tpu.memory_space<hbm>>
        tpu.wait_indirect_dma semaphore(%arg12 : memref<!tpu.dma_semaphore, #tpu.memory_space<semaphore_mem>>) src(%dma_wait3A_348 : memref<10000x128xf32, #tpu.memory_space<hbm>>) dst(%arg9 : memref<128x128xf32, #tpu.memory_space<vmem>>)
        "tpu.region"() ({
          %run_scoped3A = tpu.sem_alloc : memref<!tpu.dma_semaphore, #tpu.memory_space<semaphore_mem>>
          %dma_start3A_363 = arith.constant 0 : i32
          %dma_start3A_364 = tpu.memref_slice %arg8[%mul3A_335, %dma_start3A_363] : memref<8x128xi32, #tpu.memory_space<vmem>> -> memref<1x128xi32, #tpu.memory_space<vmem>>
          %dma_start3A_365 = tpu.memref_squeeze %dma_start3A_364 : memref<1x128xi32, #tpu.memory_space<vmem>> -> memref<128xi32, #tpu.memory_space<vmem>>
          %dma_start3A_366 = arith.constant 0 : i32
          %dma_start3A_367 = arith.constant 0 : i32
          %dma_start3A_368 = tpu.memref_slice %arg11[%dma_start3A_366, %dma_start3A_367] : memref<10008x128xf32, #tpu.memory_space<vmem_shared>> -> memref<10008x128xf32, #tpu.memory_space<vmem_shared>>
          tpu.enqueue_indirect_dma source(%arg9 : memref<128x128xf32, #tpu.memory_space<vmem>>) target(%dma_start3A_368 : memref<10008x128xf32, #tpu.memory_space<vmem_shared>>) offsets(%dma_start3A_365 : memref<128xi32, #tpu.memory_space<vmem>>) semaphore(%run_scoped3A : memref<!tpu.dma_semaphore, #tpu.memory_space<semaphore_mem>>) {add = true}
          %dma_wait3A_369 = arith.constant 0 : i32
          %dma_wait3A_370 = tpu.memref_slice %arg8[%mul3A_335, %dma_wait3A_369] : memref<8x128xi32, #tpu.memory_space<vmem>> -> memref<1x128xi32, #tpu.memory_space<vmem>>
          %dma_wait3A_371 = tpu.memref_squeeze %dma_wait3A_370 : memref<1x128xi32, #tpu.memory_space<vmem>> -> memref<128xi32, #tpu.memory_space<vmem>>
          %dma_wait3A_372 = arith.constant 0 : i32
          %dma_wait3A_373 = arith.constant 0 : i32
          %dma_wait3A_374 = tpu.memref_slice %arg11[%dma_wait3A_372, %dma_wait3A_373] : memref<10008x128xf32, #tpu.memory_space<vmem_shared>> -> memref<10008x128xf32, #tpu.memory_space<vmem_shared>>
          tpu.wait_indirect_dma semaphore(%run_scoped3A : memref<!tpu.dma_semaphore, #tpu.memory_space<semaphore_mem>>) src(%arg9 : memref<128x128xf32, #tpu.memory_space<vmem>>) dst(%dma_wait3A_374 : memref<10008x128xf32, #tpu.memory_space<vmem_shared>>)
          tpu.yield
        }) : () -> ()
        %lt3A = arith.constant 3 : i32
        %lt3A_349 = arith.cmpi slt, %scan3A_333, %lt3A : i32
        %convert_element_type3A_350 = arith.extui %lt3A_349 : i1 to i32
        %cond3A_351 = arith.constant 0 : i32
        %cond3A_352 = arith.cmpi ne, %convert_element_type3A_350, %cond3A_351 : i32
        scf.if %cond3A_352 {
          %add3A_363 = arith.constant 2 : i32
          %add3A_364 = arith.addi %mul3A_335, %add3A_363 : i32
          %dma_start3A_365 = arith.constant 0 : i32
          %dma_start3A_366 = tpu.memref_slice %arg7[%add3A_364, %dma_start3A_365] : memref<8x128xi32, #tpu.memory_space<vmem>> -> memref<1x128xi32, #tpu.memory_space<vmem>>
          %dma_start3A_367 = tpu.memref_squeeze %dma_start3A_366 : memref<1x128xi32, #tpu.memory_space<vmem>> -> memref<128xi32, #tpu.memory_space<vmem>>
          %dma_start3A_368 = arith.constant 0 : i32
          %dma_start3A_369 = arith.constant 0 : i32
          %dma_start3A_370 = tpu.memref_slice %arg2[%dma_start3A_368, %dma_start3A_369] : memref<10000x128xf32, #tpu.memory_space<hbm>> -> memref<10000x128xf32, #tpu.memory_space<hbm>>
          tpu.enqueue_indirect_dma source(%dma_start3A_370 : memref<10000x128xf32, #tpu.memory_space<hbm>>) target(%arg9 : memref<128x128xf32, #tpu.memory_space<vmem>>) offsets(%dma_start3A_367 : memref<128xi32, #tpu.memory_space<vmem>>) semaphore(%arg12 : memref<!tpu.dma_semaphore, #tpu.memory_space<semaphore_mem>>)
        } else {
        }
        %add3A_353 = arith.constant 1 : i32
        %add3A_354 = arith.addi %mul3A_335, %add3A_353 : i32
        %dma_wait3A_355 = arith.constant 0 : i32
        %dma_wait3A_356 = tpu.memref_slice %arg7[%add3A_354, %dma_wait3A_355] : memref<8x128xi32, #tpu.memory_space<vmem>> -> memref<1x128xi32, #tpu.memory_space<vmem>>
        %dma_wait3A_357 = tpu.memref_squeeze %dma_wait3A_356 : memref<1x128xi32, #tpu.memory_space<vmem>> -> memref<128xi32, #tpu.memory_space<vmem>>
        %dma_wait3A_358 = arith.constant 0 : i32
        %dma_wait3A_359 = arith.constant 0 : i32
        %dma_wait3A_360 = tpu.memref_slice %arg2[%dma_wait3A_358, %dma_wait3A_359] : memref<10000x128xf32, #tpu.memory_space<hbm>> -> memref<10000x128xf32, #tpu.memory_space<hbm>>
        tpu.wait_indirect_dma semaphore(%arg13 : memref<!tpu.dma_semaphore, #tpu.memory_space<semaphore_mem>>) src(%dma_wait3A_360 : memref<10000x128xf32, #tpu.memory_space<hbm>>) dst(%arg10 : memref<128x128xf32, #tpu.memory_space<vmem>>)
        %add3A_361 = arith.constant 1 : i32
        %add3A_362 = arith.addi %mul3A_335, %add3A_361 : i32
        "tpu.region"() ({
          %run_scoped3A = tpu.sem_alloc : memref<!tpu.dma_semaphore, #tpu.memory_space<semaphore_mem>>
          %dma_start3A_363 = arith.constant 0 : i32
          %dma_start3A_364 = tpu.memref_slice %arg8[%add3A_362, %dma_start3A_363] : memref<8x128xi32, #tpu.memory_space<vmem>> -> memref<1x128xi32, #tpu.memory_space<vmem>>
          %dma_start3A_365 = tpu.memref_squeeze %dma_start3A_364 : memref<1x128xi32, #tpu.memory_space<vmem>> -> memref<128xi32, #tpu.memory_space<vmem>>
          %dma_start3A_366 = arith.constant 0 : i32
          %dma_start3A_367 = arith.constant 0 : i32
          %dma_start3A_368 = tpu.memref_slice %arg11[%dma_start3A_366, %dma_start3A_367] : memref<10008x128xf32, #tpu.memory_space<vmem_shared>> -> memref<10008x128xf32, #tpu.memory_space<vmem_shared>>
          tpu.enqueue_indirect_dma source(%arg10 : memref<128x128xf32, #tpu.memory_space<vmem>>) target(%dma_start3A_368 : memref<10008x128xf32, #tpu.memory_space<vmem_shared>>) offsets(%dma_start3A_365 : memref<128xi32, #tpu.memory_space<vmem>>) semaphore(%run_scoped3A : memref<!tpu.dma_semaphore, #tpu.memory_space<semaphore_mem>>) {add = true}
          %dma_wait3A_369 = arith.constant 0 : i32
          %dma_wait3A_370 = tpu.memref_slice %arg8[%add3A_362, %dma_wait3A_369] : memref<8x128xi32, #tpu.memory_space<vmem>> -> memref<1x128xi32, #tpu.memory_space<vmem>>
          %dma_wait3A_371 = tpu.memref_squeeze %dma_wait3A_370 : memref<1x128xi32, #tpu.memory_space<vmem>> -> memref<128xi32, #tpu.memory_space<vmem>>
          %dma_wait3A_372 = arith.constant 0 : i32
          %dma_wait3A_373 = arith.constant 0 : i32
          %dma_wait3A_374 = tpu.memref_slice %arg11[%dma_wait3A_372, %dma_wait3A_373] : memref<10008x128xf32, #tpu.memory_space<vmem_shared>> -> memref<10008x128xf32, #tpu.memory_space<vmem_shared>>
          tpu.wait_indirect_dma semaphore(%run_scoped3A : memref<!tpu.dma_semaphore, #tpu.memory_space<semaphore_mem>>) src(%arg10 : memref<128x128xf32, #tpu.memory_space<vmem>>) dst(%dma_wait3A_374 : memref<10008x128xf32, #tpu.memory_space<vmem_shared>>)
          tpu.yield
        }) : () -> ()
      }
      %scan3A_281 = arith.constant 4 : i32
      %mul3A_282 = arith.constant 152 : i32
      %mul3A_283 = arith.muli %arg1, %mul3A_282 : i32
      %add3A_284 = arith.constant 128 : i32
      %add3A_285 = arith.addi %mul3A_283, %add3A_284 : i32
      "tpu.region"() ({
        %run_scoped3A = tpu.sem_alloc : memref<!tpu.dma_semaphore, #tpu.memory_space<semaphore_mem>>
        %dma_start3A_333 = arith.constant 0 : i32
        %dma_start3A_334 = tpu.memref_slice %arg3[%add3A_285, %dma_start3A_333] : memref<2560x128xi32, #tpu.memory_space<hbm>> -> memref<8x128xi32, #tpu.memory_space<hbm>>
        %dma_start3A_335 = arith.constant 0 : i32
        %dma_start3A_336 = tpu.memref_slice %arg3[%add3A_285, %dma_start3A_335] : memref<2560x128xi32, #tpu.memory_space<hbm>> -> memref<8x128xi32, #tpu.memory_space<hbm>>
        tpu.enqueue_dma source(%dma_start3A_336 : memref<8x128xi32, #tpu.memory_space<hbm>>) target(%arg7 : memref<8x128xi32, #tpu.memory_space<vmem>>) target_semaphore(%run_scoped3A : memref<!tpu.dma_semaphore, #tpu.memory_space<semaphore_mem>>)
        %dma_wait3A = arith.constant 0 : i32
        %dma_wait3A_337 = tpu.memref_slice %arg3[%add3A_285, %dma_wait3A] : memref<2560x128xi32, #tpu.memory_space<hbm>> -> memref<8x128xi32, #tpu.memory_space<hbm>>
        %dma_wait3A_338 = arith.constant 0 : i32
        %dma_wait3A_339 = tpu.memref_slice %arg3[%add3A_285, %dma_wait3A_338] : memref<2560x128xi32, #tpu.memory_space<hbm>> -> memref<8x128xi32, #tpu.memory_space<hbm>>
        tpu.wait_dma2 semaphore(%run_scoped3A : memref<!tpu.dma_semaphore, #tpu.memory_space<semaphore_mem>>) src(%dma_wait3A_339 : memref<8x128xi32, #tpu.memory_space<hbm>>) dst(%arg7 : memref<8x128xi32, #tpu.memory_space<vmem>>)
        tpu.yield
      }) : () -> ()
      "tpu.region"() ({
        %run_scoped3A = tpu.sem_alloc : memref<!tpu.dma_semaphore, #tpu.memory_space<semaphore_mem>>
        %dma_start3A_333 = arith.constant 0 : i32
        %dma_start3A_334 = tpu.memref_slice %arg4[%add3A_285, %dma_start3A_333] : memref<2560x128xi32, #tpu.memory_space<hbm>> -> memref<8x128xi32, #tpu.memory_space<hbm>>
        %dma_start3A_335 = arith.constant 0 : i32
        %dma_start3A_336 = tpu.memref_slice %arg4[%add3A_285, %dma_start3A_335] : memref<2560x128xi32, #tpu.memory_space<hbm>> -> memref<8x128xi32, #tpu.memory_space<hbm>>
        tpu.enqueue_dma source(%dma_start3A_336 : memref<8x128xi32, #tpu.memory_space<hbm>>) target(%arg8 : memref<8x128xi32, #tpu.memory_space<vmem>>) target_semaphore(%run_scoped3A : memref<!tpu.dma_semaphore, #tpu.memory_space<semaphore_mem>>)
        %dma_wait3A = arith.constant 0 : i32
        %dma_wait3A_337 = tpu.memref_slice %arg4[%add3A_285, %dma_wait3A] : memref<2560x128xi32, #tpu.memory_space<hbm>> -> memref<8x128xi32, #tpu.memory_space<hbm>>
        %dma_wait3A_338 = arith.constant 0 : i32
        %dma_wait3A_339 = tpu.memref_slice %arg4[%add3A_285, %dma_wait3A_338] : memref<2560x128xi32, #tpu.memory_space<hbm>> -> memref<8x128xi32, #tpu.memory_space<hbm>>
        tpu.wait_dma2 semaphore(%run_scoped3A : memref<!tpu.dma_semaphore, #tpu.memory_space<semaphore_mem>>) src(%dma_wait3A_339 : memref<8x128xi32, #tpu.memory_space<hbm>>) dst(%arg8 : memref<8x128xi32, #tpu.memory_space<vmem>>)
        tpu.yield
      }) : () -> ()
      %dma_start3A_286 = arith.constant 0 : i32
      %dma_start3A_287 = arith.constant 0 : i32
      %dma_start3A_288 = tpu.memref_slice %arg7[%dma_start3A_286, %dma_start3A_287] : memref<8x128xi32, #tpu.memory_space<vmem>> -> memref<1x128xi32, #tpu.memory_space<vmem>>
      %dma_start3A_289 = tpu.memref_squeeze %dma_start3A_288 : memref<1x128xi32, #tpu.memory_space<vmem>> -> memref<128xi32, #tpu.memory_space<vmem>>
      %dma_start3A_290 = arith.constant 0 : i32
      %dma_start3A_291 = arith.constant 0 : i32
      %dma_start3A_292 = tpu.memref_slice %arg2[%dma_start3A_290, %dma_start3A_291] : memref<10000x128xf32, #tpu.memory_space<hbm>> -> memref<10000x128xf32, #tpu.memory_space<hbm>>
      tpu.enqueue_indirect_dma source(%dma_start3A_292 : memref<10000x128xf32, #tpu.memory_space<hbm>>) target(%arg9 : memref<128x128xf32, #tpu.memory_space<vmem>>) offsets(%dma_start3A_289 : memref<128xi32, #tpu.memory_space<vmem>>) semaphore(%arg12 : memref<!tpu.dma_semaphore, #tpu.memory_space<semaphore_mem>>)
      %scan3A_293 = arith.constant 0 : i32
      %scan3A_294 = arith.constant 0 : i32
      %scan3A_295 = arith.constant 4 : i32
      %scan3A_296 = arith.addi %scan3A_294, %scan3A_295 : i32
      %scan3A_297 = arith.constant 1 : i32
      scf.for %scan3A_333 = %scan3A_294 to %scan3A_296 step %scan3A_297  : i32 {
        %mul3A_334 = arith.constant 2 : i32
        %mul3A_335 = arith.muli %mul3A_334, %scan3A_333 : i32
        %add3A_336 = arith.constant 1 : i32
        %add3A_337 = arith.addi %mul3A_335, %add3A_336 : i32
        %dma_start3A_338 = arith.constant 0 : i32
        %dma_start3A_339 = tpu.memref_slice %arg7[%add3A_337, %dma_start3A_338] : memref<8x128xi32, #tpu.memory_space<vmem>> -> memref<1x128xi32, #tpu.memory_space<vmem>>
        %dma_start3A_340 = tpu.memref_squeeze %dma_start3A_339 : memref<1x128xi32, #tpu.memory_space<vmem>> -> memref<128xi32, #tpu.memory_space<vmem>>
        %dma_start3A_341 = arith.constant 0 : i32
        %dma_start3A_342 = arith.constant 0 : i32
        %dma_start3A_343 = tpu.memref_slice %arg2[%dma_start3A_341, %dma_start3A_342] : memref<10000x128xf32, #tpu.memory_space<hbm>> -> memref<10000x128xf32, #tpu.memory_space<hbm>>
        tpu.enqueue_indirect_dma source(%dma_start3A_343 : memref<10000x128xf32, #tpu.memory_space<hbm>>) target(%arg10 : memref<128x128xf32, #tpu.memory_space<vmem>>) offsets(%dma_start3A_340 : memref<128xi32, #tpu.memory_space<vmem>>) semaphore(%arg13 : memref<!tpu.dma_semaphore, #tpu.memory_space<semaphore_mem>>)
        %dma_wait3A = arith.constant 0 : i32
        %dma_wait3A_344 = tpu.memref_slice %arg7[%mul3A_335, %dma_wait3A] : memref<8x128xi32, #tpu.memory_space<vmem>> -> memref<1x128xi32, #tpu.memory_space<vmem>>
        %dma_wait3A_345 = tpu.memref_squeeze %dma_wait3A_344 : memref<1x128xi32, #tpu.memory_space<vmem>> -> memref<128xi32, #tpu.memory_space<vmem>>
        %dma_wait3A_346 = arith.constant 0 : i32
        %dma_wait3A_347 = arith.constant 0 : i32
        %dma_wait3A_348 = tpu.memref_slice %arg2[%dma_wait3A_346, %dma_wait3A_347] : memref<10000x128xf32, #tpu.memory_space<hbm>> -> memref<10000x128xf32, #tpu.memory_space<hbm>>
        tpu.wait_indirect_dma semaphore(%arg12 : memref<!tpu.dma_semaphore, #tpu.memory_space<semaphore_mem>>) src(%dma_wait3A_348 : memref<10000x128xf32, #tpu.memory_space<hbm>>) dst(%arg9 : memref<128x128xf32, #tpu.memory_space<vmem>>)
        "tpu.region"() ({
          %run_scoped3A = tpu.sem_alloc : memref<!tpu.dma_semaphore, #tpu.memory_space<semaphore_mem>>
          %dma_start3A_363 = arith.constant 0 : i32
          %dma_start3A_364 = tpu.memref_slice %arg8[%mul3A_335, %dma_start3A_363] : memref<8x128xi32, #tpu.memory_space<vmem>> -> memref<1x128xi32, #tpu.memory_space<vmem>>
          %dma_start3A_365 = tpu.memref_squeeze %dma_start3A_364 : memref<1x128xi32, #tpu.memory_space<vmem>> -> memref<128xi32, #tpu.memory_space<vmem>>
          %dma_start3A_366 = arith.constant 0 : i32
          %dma_start3A_367 = arith.constant 0 : i32
          %dma_start3A_368 = tpu.memref_slice %arg11[%dma_start3A_366, %dma_start3A_367] : memref<10008x128xf32, #tpu.memory_space<vmem_shared>> -> memref<10008x128xf32, #tpu.memory_space<vmem_shared>>
          tpu.enqueue_indirect_dma source(%arg9 : memref<128x128xf32, #tpu.memory_space<vmem>>) target(%dma_start3A_368 : memref<10008x128xf32, #tpu.memory_space<vmem_shared>>) offsets(%dma_start3A_365 : memref<128xi32, #tpu.memory_space<vmem>>) semaphore(%run_scoped3A : memref<!tpu.dma_semaphore, #tpu.memory_space<semaphore_mem>>) {add = true}
          %dma_wait3A_369 = arith.constant 0 : i32
          %dma_wait3A_370 = tpu.memref_slice %arg8[%mul3A_335, %dma_wait3A_369] : memref<8x128xi32, #tpu.memory_space<vmem>> -> memref<1x128xi32, #tpu.memory_space<vmem>>
          %dma_wait3A_371 = tpu.memref_squeeze %dma_wait3A_370 : memref<1x128xi32, #tpu.memory_space<vmem>> -> memref<128xi32, #tpu.memory_space<vmem>>
          %dma_wait3A_372 = arith.constant 0 : i32
          %dma_wait3A_373 = arith.constant 0 : i32
          %dma_wait3A_374 = tpu.memref_slice %arg11[%dma_wait3A_372, %dma_wait3A_373] : memref<10008x128xf32, #tpu.memory_space<vmem_shared>> -> memref<10008x128xf32, #tpu.memory_space<vmem_shared>>
          tpu.wait_indirect_dma semaphore(%run_scoped3A : memref<!tpu.dma_semaphore, #tpu.memory_space<semaphore_mem>>) src(%arg9 : memref<128x128xf32, #tpu.memory_space<vmem>>) dst(%dma_wait3A_374 : memref<10008x128xf32, #tpu.memory_space<vmem_shared>>)
          tpu.yield
        }) : () -> ()
        %lt3A = arith.constant 3 : i32
        %lt3A_349 = arith.cmpi slt, %scan3A_333, %lt3A : i32
        %convert_element_type3A_350 = arith.extui %lt3A_349 : i1 to i32
        %cond3A_351 = arith.constant 0 : i32
        %cond3A_352 = arith.cmpi ne, %convert_element_type3A_350, %cond3A_351 : i32
        scf.if %cond3A_352 {
          %add3A_363 = arith.constant 2 : i32
          %add3A_364 = arith.addi %mul3A_335, %add3A_363 : i32
          %dma_start3A_365 = arith.constant 0 : i32
          %dma_start3A_366 = tpu.memref_slice %arg7[%add3A_364, %dma_start3A_365] : memref<8x128xi32, #tpu.memory_space<vmem>> -> memref<1x128xi32, #tpu.memory_space<vmem>>
          %dma_start3A_367 = tpu.memref_squeeze %dma_start3A_366 : memref<1x128xi32, #tpu.memory_space<vmem>> -> memref<128xi32, #tpu.memory_space<vmem>>
          %dma_start3A_368 = arith.constant 0 : i32
          %dma_start3A_369 = arith.constant 0 : i32
          %dma_start3A_370 = tpu.memref_slice %arg2[%dma_start3A_368, %dma_start3A_369] : memref<10000x128xf32, #tpu.memory_space<hbm>> -> memref<10000x128xf32, #tpu.memory_space<hbm>>
          tpu.enqueue_indirect_dma source(%dma_start3A_370 : memref<10000x128xf32, #tpu.memory_space<hbm>>) target(%arg9 : memref<128x128xf32, #tpu.memory_space<vmem>>) offsets(%dma_start3A_367 : memref<128xi32, #tpu.memory_space<vmem>>) semaphore(%arg12 : memref<!tpu.dma_semaphore, #tpu.memory_space<semaphore_mem>>)
        } else {
        }
        %add3A_353 = arith.constant 1 : i32
        %add3A_354 = arith.addi %mul3A_335, %add3A_353 : i32
        %dma_wait3A_355 = arith.constant 0 : i32
        %dma_wait3A_356 = tpu.memref_slice %arg7[%add3A_354, %dma_wait3A_355] : memref<8x128xi32, #tpu.memory_space<vmem>> -> memref<1x128xi32, #tpu.memory_space<vmem>>
        %dma_wait3A_357 = tpu.memref_squeeze %dma_wait3A_356 : memref<1x128xi32, #tpu.memory_space<vmem>> -> memref<128xi32, #tpu.memory_space<vmem>>
        %dma_wait3A_358 = arith.constant 0 : i32
        %dma_wait3A_359 = arith.constant 0 : i32
        %dma_wait3A_360 = tpu.memref_slice %arg2[%dma_wait3A_358, %dma_wait3A_359] : memref<10000x128xf32, #tpu.memory_space<hbm>> -> memref<10000x128xf32, #tpu.memory_space<hbm>>
        tpu.wait_indirect_dma semaphore(%arg13 : memref<!tpu.dma_semaphore, #tpu.memory_space<semaphore_mem>>) src(%dma_wait3A_360 : memref<10000x128xf32, #tpu.memory_space<hbm>>) dst(%arg10 : memref<128x128xf32, #tpu.memory_space<vmem>>)
        %add3A_361 = arith.constant 1 : i32
        %add3A_362 = arith.addi %mul3A_335, %add3A_361 : i32
        "tpu.region"() ({
          %run_scoped3A = tpu.sem_alloc : memref<!tpu.dma_semaphore, #tpu.memory_space<semaphore_mem>>
          %dma_start3A_363 = arith.constant 0 : i32
          %dma_start3A_364 = tpu.memref_slice %arg8[%add3A_362, %dma_start3A_363] : memref<8x128xi32, #tpu.memory_space<vmem>> -> memref<1x128xi32, #tpu.memory_space<vmem>>
          %dma_start3A_365 = tpu.memref_squeeze %dma_start3A_364 : memref<1x128xi32, #tpu.memory_space<vmem>> -> memref<128xi32, #tpu.memory_space<vmem>>
          %dma_start3A_366 = arith.constant 0 : i32
          %dma_start3A_367 = arith.constant 0 : i32
          %dma_start3A_368 = tpu.memref_slice %arg11[%dma_start3A_366, %dma_start3A_367] : memref<10008x128xf32, #tpu.memory_space<vmem_shared>> -> memref<10008x128xf32, #tpu.memory_space<vmem_shared>>
          tpu.enqueue_indirect_dma source(%arg10 : memref<128x128xf32, #tpu.memory_space<vmem>>) target(%dma_start3A_368 : memref<10008x128xf32, #tpu.memory_space<vmem_shared>>) offsets(%dma_start3A_365 : memref<128xi32, #tpu.memory_space<vmem>>) semaphore(%run_scoped3A : memref<!tpu.dma_semaphore, #tpu.memory_space<semaphore_mem>>) {add = true}
          %dma_wait3A_369 = arith.constant 0 : i32
          %dma_wait3A_370 = tpu.memref_slice %arg8[%add3A_362, %dma_wait3A_369] : memref<8x128xi32, #tpu.memory_space<vmem>> -> memref<1x128xi32, #tpu.memory_space<vmem>>
          %dma_wait3A_371 = tpu.memref_squeeze %dma_wait3A_370 : memref<1x128xi32, #tpu.memory_space<vmem>> -> memref<128xi32, #tpu.memory_space<vmem>>
          %dma_wait3A_372 = arith.constant 0 : i32
          %dma_wait3A_373 = arith.constant 0 : i32
          %dma_wait3A_374 = tpu.memref_slice %arg11[%dma_wait3A_372, %dma_wait3A_373] : memref<10008x128xf32, #tpu.memory_space<vmem_shared>> -> memref<10008x128xf32, #tpu.memory_space<vmem_shared>>
          tpu.wait_indirect_dma semaphore(%run_scoped3A : memref<!tpu.dma_semaphore, #tpu.memory_space<semaphore_mem>>) src(%arg10 : memref<128x128xf32, #tpu.memory_space<vmem>>) dst(%dma_wait3A_374 : memref<10008x128xf32, #tpu.memory_space<vmem_shared>>)
          tpu.yield
        }) : () -> ()
      }
      %scan3A_298 = arith.constant 4 : i32
      %mul3A_299 = arith.constant 152 : i32
      %mul3A_300 = arith.muli %arg1, %mul3A_299 : i32
      %add3A_301 = arith.constant 136 : i32
      %add3A_302 = arith.addi %mul3A_300, %add3A_301 : i32
      "tpu.region"() ({
        %run_scoped3A = tpu.sem_alloc : memref<!tpu.dma_semaphore, #tpu.memory_space<semaphore_mem>>
        %dma_start3A_333 = arith.constant 0 : i32
        %dma_start3A_334 = tpu.memref_slice %arg3[%add3A_302, %dma_start3A_333] : memref<2560x128xi32, #tpu.memory_space<hbm>> -> memref<8x128xi32, #tpu.memory_space<hbm>>
        %dma_start3A_335 = arith.constant 0 : i32
        %dma_start3A_336 = tpu.memref_slice %arg3[%add3A_302, %dma_start3A_335] : memref<2560x128xi32, #tpu.memory_space<hbm>> -> memref<8x128xi32, #tpu.memory_space<hbm>>
        tpu.enqueue_dma source(%dma_start3A_336 : memref<8x128xi32, #tpu.memory_space<hbm>>) target(%arg7 : memref<8x128xi32, #tpu.memory_space<vmem>>) target_semaphore(%run_scoped3A : memref<!tpu.dma_semaphore, #tpu.memory_space<semaphore_mem>>)
        %dma_wait3A = arith.constant 0 : i32
        %dma_wait3A_337 = tpu.memref_slice %arg3[%add3A_302, %dma_wait3A] : memref<2560x128xi32, #tpu.memory_space<hbm>> -> memref<8x128xi32, #tpu.memory_space<hbm>>
        %dma_wait3A_338 = arith.constant 0 : i32
        %dma_wait3A_339 = tpu.memref_slice %arg3[%add3A_302, %dma_wait3A_338] : memref<2560x128xi32, #tpu.memory_space<hbm>> -> memref<8x128xi32, #tpu.memory_space<hbm>>
        tpu.wait_dma2 semaphore(%run_scoped3A : memref<!tpu.dma_semaphore, #tpu.memory_space<semaphore_mem>>) src(%dma_wait3A_339 : memref<8x128xi32, #tpu.memory_space<hbm>>) dst(%arg7 : memref<8x128xi32, #tpu.memory_space<vmem>>)
        tpu.yield
      }) : () -> ()
      "tpu.region"() ({
        %run_scoped3A = tpu.sem_alloc : memref<!tpu.dma_semaphore, #tpu.memory_space<semaphore_mem>>
        %dma_start3A_333 = arith.constant 0 : i32
        %dma_start3A_334 = tpu.memref_slice %arg4[%add3A_302, %dma_start3A_333] : memref<2560x128xi32, #tpu.memory_space<hbm>> -> memref<8x128xi32, #tpu.memory_space<hbm>>
        %dma_start3A_335 = arith.constant 0 : i32
        %dma_start3A_336 = tpu.memref_slice %arg4[%add3A_302, %dma_start3A_335] : memref<2560x128xi32, #tpu.memory_space<hbm>> -> memref<8x128xi32, #tpu.memory_space<hbm>>
        tpu.enqueue_dma source(%dma_start3A_336 : memref<8x128xi32, #tpu.memory_space<hbm>>) target(%arg8 : memref<8x128xi32, #tpu.memory_space<vmem>>) target_semaphore(%run_scoped3A : memref<!tpu.dma_semaphore, #tpu.memory_space<semaphore_mem>>)
        %dma_wait3A = arith.constant 0 : i32
        %dma_wait3A_337 = tpu.memref_slice %arg4[%add3A_302, %dma_wait3A] : memref<2560x128xi32, #tpu.memory_space<hbm>> -> memref<8x128xi32, #tpu.memory_space<hbm>>
        %dma_wait3A_338 = arith.constant 0 : i32
        %dma_wait3A_339 = tpu.memref_slice %arg4[%add3A_302, %dma_wait3A_338] : memref<2560x128xi32, #tpu.memory_space<hbm>> -> memref<8x128xi32, #tpu.memory_space<hbm>>
        tpu.wait_dma2 semaphore(%run_scoped3A : memref<!tpu.dma_semaphore, #tpu.memory_space<semaphore_mem>>) src(%dma_wait3A_339 : memref<8x128xi32, #tpu.memory_space<hbm>>) dst(%arg8 : memref<8x128xi32, #tpu.memory_space<vmem>>)
        tpu.yield
      }) : () -> ()
      %dma_start3A_303 = arith.constant 0 : i32
      %dma_start3A_304 = arith.constant 0 : i32
      %dma_start3A_305 = tpu.memref_slice %arg7[%dma_start3A_303, %dma_start3A_304] : memref<8x128xi32, #tpu.memory_space<vmem>> -> memref<1x128xi32, #tpu.memory_space<vmem>>
      %dma_start3A_306 = tpu.memref_squeeze %dma_start3A_305 : memref<1x128xi32, #tpu.memory_space<vmem>> -> memref<128xi32, #tpu.memory_space<vmem>>
      %dma_start3A_307 = arith.constant 0 : i32
      %dma_start3A_308 = arith.constant 0 : i32
      %dma_start3A_309 = tpu.memref_slice %arg2[%dma_start3A_307, %dma_start3A_308] : memref<10000x128xf32, #tpu.memory_space<hbm>> -> memref<10000x128xf32, #tpu.memory_space<hbm>>
      tpu.enqueue_indirect_dma source(%dma_start3A_309 : memref<10000x128xf32, #tpu.memory_space<hbm>>) target(%arg9 : memref<128x128xf32, #tpu.memory_space<vmem>>) offsets(%dma_start3A_306 : memref<128xi32, #tpu.memory_space<vmem>>) semaphore(%arg12 : memref<!tpu.dma_semaphore, #tpu.memory_space<semaphore_mem>>)
      %scan3A_310 = arith.constant 0 : i32
      %scan3A_311 = arith.constant 0 : i32
      %scan3A_312 = arith.constant 4 : i32
      %scan3A_313 = arith.addi %scan3A_311, %scan3A_312 : i32
      %scan3A_314 = arith.constant 1 : i32
      scf.for %scan3A_333 = %scan3A_311 to %scan3A_313 step %scan3A_314  : i32 {
        %mul3A_334 = arith.constant 2 : i32
        %mul3A_335 = arith.muli %mul3A_334, %scan3A_333 : i32
        %add3A_336 = arith.constant 1 : i32
        %add3A_337 = arith.addi %mul3A_335, %add3A_336 : i32
        %dma_start3A_338 = arith.constant 0 : i32
        %dma_start3A_339 = tpu.memref_slice %arg7[%add3A_337, %dma_start3A_338] : memref<8x128xi32, #tpu.memory_space<vmem>> -> memref<1x128xi32, #tpu.memory_space<vmem>>
        %dma_start3A_340 = tpu.memref_squeeze %dma_start3A_339 : memref<1x128xi32, #tpu.memory_space<vmem>> -> memref<128xi32, #tpu.memory_space<vmem>>
        %dma_start3A_341 = arith.constant 0 : i32
        %dma_start3A_342 = arith.constant 0 : i32
        %dma_start3A_343 = tpu.memref_slice %arg2[%dma_start3A_341, %dma_start3A_342] : memref<10000x128xf32, #tpu.memory_space<hbm>> -> memref<10000x128xf32, #tpu.memory_space<hbm>>
        tpu.enqueue_indirect_dma source(%dma_start3A_343 : memref<10000x128xf32, #tpu.memory_space<hbm>>) target(%arg10 : memref<128x128xf32, #tpu.memory_space<vmem>>) offsets(%dma_start3A_340 : memref<128xi32, #tpu.memory_space<vmem>>) semaphore(%arg13 : memref<!tpu.dma_semaphore, #tpu.memory_space<semaphore_mem>>)
        %dma_wait3A = arith.constant 0 : i32
        %dma_wait3A_344 = tpu.memref_slice %arg7[%mul3A_335, %dma_wait3A] : memref<8x128xi32, #tpu.memory_space<vmem>> -> memref<1x128xi32, #tpu.memory_space<vmem>>
        %dma_wait3A_345 = tpu.memref_squeeze %dma_wait3A_344 : memref<1x128xi32, #tpu.memory_space<vmem>> -> memref<128xi32, #tpu.memory_space<vmem>>
        %dma_wait3A_346 = arith.constant 0 : i32
        %dma_wait3A_347 = arith.constant 0 : i32
        %dma_wait3A_348 = tpu.memref_slice %arg2[%dma_wait3A_346, %dma_wait3A_347] : memref<10000x128xf32, #tpu.memory_space<hbm>> -> memref<10000x128xf32, #tpu.memory_space<hbm>>
        tpu.wait_indirect_dma semaphore(%arg12 : memref<!tpu.dma_semaphore, #tpu.memory_space<semaphore_mem>>) src(%dma_wait3A_348 : memref<10000x128xf32, #tpu.memory_space<hbm>>) dst(%arg9 : memref<128x128xf32, #tpu.memory_space<vmem>>)
        "tpu.region"() ({
          %run_scoped3A = tpu.sem_alloc : memref<!tpu.dma_semaphore, #tpu.memory_space<semaphore_mem>>
          %dma_start3A_363 = arith.constant 0 : i32
          %dma_start3A_364 = tpu.memref_slice %arg8[%mul3A_335, %dma_start3A_363] : memref<8x128xi32, #tpu.memory_space<vmem>> -> memref<1x128xi32, #tpu.memory_space<vmem>>
          %dma_start3A_365 = tpu.memref_squeeze %dma_start3A_364 : memref<1x128xi32, #tpu.memory_space<vmem>> -> memref<128xi32, #tpu.memory_space<vmem>>
          %dma_start3A_366 = arith.constant 0 : i32
          %dma_start3A_367 = arith.constant 0 : i32
          %dma_start3A_368 = tpu.memref_slice %arg11[%dma_start3A_366, %dma_start3A_367] : memref<10008x128xf32, #tpu.memory_space<vmem_shared>> -> memref<10008x128xf32, #tpu.memory_space<vmem_shared>>
          tpu.enqueue_indirect_dma source(%arg9 : memref<128x128xf32, #tpu.memory_space<vmem>>) target(%dma_start3A_368 : memref<10008x128xf32, #tpu.memory_space<vmem_shared>>) offsets(%dma_start3A_365 : memref<128xi32, #tpu.memory_space<vmem>>) semaphore(%run_scoped3A : memref<!tpu.dma_semaphore, #tpu.memory_space<semaphore_mem>>) {add = true}
          %dma_wait3A_369 = arith.constant 0 : i32
          %dma_wait3A_370 = tpu.memref_slice %arg8[%mul3A_335, %dma_wait3A_369] : memref<8x128xi32, #tpu.memory_space<vmem>> -> memref<1x128xi32, #tpu.memory_space<vmem>>
          %dma_wait3A_371 = tpu.memref_squeeze %dma_wait3A_370 : memref<1x128xi32, #tpu.memory_space<vmem>> -> memref<128xi32, #tpu.memory_space<vmem>>
          %dma_wait3A_372 = arith.constant 0 : i32
          %dma_wait3A_373 = arith.constant 0 : i32
          %dma_wait3A_374 = tpu.memref_slice %arg11[%dma_wait3A_372, %dma_wait3A_373] : memref<10008x128xf32, #tpu.memory_space<vmem_shared>> -> memref<10008x128xf32, #tpu.memory_space<vmem_shared>>
          tpu.wait_indirect_dma semaphore(%run_scoped3A : memref<!tpu.dma_semaphore, #tpu.memory_space<semaphore_mem>>) src(%arg9 : memref<128x128xf32, #tpu.memory_space<vmem>>) dst(%dma_wait3A_374 : memref<10008x128xf32, #tpu.memory_space<vmem_shared>>)
          tpu.yield
        }) : () -> ()
        %lt3A = arith.constant 3 : i32
        %lt3A_349 = arith.cmpi slt, %scan3A_333, %lt3A : i32
        %convert_element_type3A_350 = arith.extui %lt3A_349 : i1 to i32
        %cond3A_351 = arith.constant 0 : i32
        %cond3A_352 = arith.cmpi ne, %convert_element_type3A_350, %cond3A_351 : i32
        scf.if %cond3A_352 {
          %add3A_363 = arith.constant 2 : i32
          %add3A_364 = arith.addi %mul3A_335, %add3A_363 : i32
          %dma_start3A_365 = arith.constant 0 : i32
          %dma_start3A_366 = tpu.memref_slice %arg7[%add3A_364, %dma_start3A_365] : memref<8x128xi32, #tpu.memory_space<vmem>> -> memref<1x128xi32, #tpu.memory_space<vmem>>
          %dma_start3A_367 = tpu.memref_squeeze %dma_start3A_366 : memref<1x128xi32, #tpu.memory_space<vmem>> -> memref<128xi32, #tpu.memory_space<vmem>>
          %dma_start3A_368 = arith.constant 0 : i32
          %dma_start3A_369 = arith.constant 0 : i32
          %dma_start3A_370 = tpu.memref_slice %arg2[%dma_start3A_368, %dma_start3A_369] : memref<10000x128xf32, #tpu.memory_space<hbm>> -> memref<10000x128xf32, #tpu.memory_space<hbm>>
          tpu.enqueue_indirect_dma source(%dma_start3A_370 : memref<10000x128xf32, #tpu.memory_space<hbm>>) target(%arg9 : memref<128x128xf32, #tpu.memory_space<vmem>>) offsets(%dma_start3A_367 : memref<128xi32, #tpu.memory_space<vmem>>) semaphore(%arg12 : memref<!tpu.dma_semaphore, #tpu.memory_space<semaphore_mem>>)
        } else {
        }
        %add3A_353 = arith.constant 1 : i32
        %add3A_354 = arith.addi %mul3A_335, %add3A_353 : i32
        %dma_wait3A_355 = arith.constant 0 : i32
        %dma_wait3A_356 = tpu.memref_slice %arg7[%add3A_354, %dma_wait3A_355] : memref<8x128xi32, #tpu.memory_space<vmem>> -> memref<1x128xi32, #tpu.memory_space<vmem>>
        %dma_wait3A_357 = tpu.memref_squeeze %dma_wait3A_356 : memref<1x128xi32, #tpu.memory_space<vmem>> -> memref<128xi32, #tpu.memory_space<vmem>>
        %dma_wait3A_358 = arith.constant 0 : i32
        %dma_wait3A_359 = arith.constant 0 : i32
        %dma_wait3A_360 = tpu.memref_slice %arg2[%dma_wait3A_358, %dma_wait3A_359] : memref<10000x128xf32, #tpu.memory_space<hbm>> -> memref<10000x128xf32, #tpu.memory_space<hbm>>
        tpu.wait_indirect_dma semaphore(%arg13 : memref<!tpu.dma_semaphore, #tpu.memory_space<semaphore_mem>>) src(%dma_wait3A_360 : memref<10000x128xf32, #tpu.memory_space<hbm>>) dst(%arg10 : memref<128x128xf32, #tpu.memory_space<vmem>>)
        %add3A_361 = arith.constant 1 : i32
        %add3A_362 = arith.addi %mul3A_335, %add3A_361 : i32
        "tpu.region"() ({
          %run_scoped3A = tpu.sem_alloc : memref<!tpu.dma_semaphore, #tpu.memory_space<semaphore_mem>>
          %dma_start3A_363 = arith.constant 0 : i32
          %dma_start3A_364 = tpu.memref_slice %arg8[%add3A_362, %dma_start3A_363] : memref<8x128xi32, #tpu.memory_space<vmem>> -> memref<1x128xi32, #tpu.memory_space<vmem>>
          %dma_start3A_365 = tpu.memref_squeeze %dma_start3A_364 : memref<1x128xi32, #tpu.memory_space<vmem>> -> memref<128xi32, #tpu.memory_space<vmem>>
          %dma_start3A_366 = arith.constant 0 : i32
          %dma_start3A_367 = arith.constant 0 : i32
          %dma_start3A_368 = tpu.memref_slice %arg11[%dma_start3A_366, %dma_start3A_367] : memref<10008x128xf32, #tpu.memory_space<vmem_shared>> -> memref<10008x128xf32, #tpu.memory_space<vmem_shared>>
          tpu.enqueue_indirect_dma source(%arg10 : memref<128x128xf32, #tpu.memory_space<vmem>>) target(%dma_start3A_368 : memref<10008x128xf32, #tpu.memory_space<vmem_shared>>) offsets(%dma_start3A_365 : memref<128xi32, #tpu.memory_space<vmem>>) semaphore(%run_scoped3A : memref<!tpu.dma_semaphore, #tpu.memory_space<semaphore_mem>>) {add = true}
          %dma_wait3A_369 = arith.constant 0 : i32
          %dma_wait3A_370 = tpu.memref_slice %arg8[%add3A_362, %dma_wait3A_369] : memref<8x128xi32, #tpu.memory_space<vmem>> -> memref<1x128xi32, #tpu.memory_space<vmem>>
          %dma_wait3A_371 = tpu.memref_squeeze %dma_wait3A_370 : memref<1x128xi32, #tpu.memory_space<vmem>> -> memref<128xi32, #tpu.memory_space<vmem>>
          %dma_wait3A_372 = arith.constant 0 : i32
          %dma_wait3A_373 = arith.constant 0 : i32
          %dma_wait3A_374 = tpu.memref_slice %arg11[%dma_wait3A_372, %dma_wait3A_373] : memref<10008x128xf32, #tpu.memory_space<vmem_shared>> -> memref<10008x128xf32, #tpu.memory_space<vmem_shared>>
          tpu.wait_indirect_dma semaphore(%run_scoped3A : memref<!tpu.dma_semaphore, #tpu.memory_space<semaphore_mem>>) src(%arg10 : memref<128x128xf32, #tpu.memory_space<vmem>>) dst(%dma_wait3A_374 : memref<10008x128xf32, #tpu.memory_space<vmem_shared>>)
          tpu.yield
        }) : () -> ()
      }
      %scan3A_315 = arith.constant 4 : i32
      %mul3A_316 = arith.constant 152 : i32
      %mul3A_317 = arith.muli %arg1, %mul3A_316 : i32
      %add3A_318 = arith.constant 144 : i32
      %add3A_319 = arith.addi %mul3A_317, %add3A_318 : i32
      "tpu.region"() ({
        %run_scoped3A = tpu.sem_alloc : memref<!tpu.dma_semaphore, #tpu.memory_space<semaphore_mem>>
        %dma_start3A_333 = arith.constant 0 : i32
        %dma_start3A_334 = tpu.memref_slice %arg3[%add3A_319, %dma_start3A_333] : memref<2560x128xi32, #tpu.memory_space<hbm>> -> memref<8x128xi32, #tpu.memory_space<hbm>>
        %dma_start3A_335 = arith.constant 0 : i32
        %dma_start3A_336 = tpu.memref_slice %arg3[%add3A_319, %dma_start3A_335] : memref<2560x128xi32, #tpu.memory_space<hbm>> -> memref<8x128xi32, #tpu.memory_space<hbm>>
        tpu.enqueue_dma source(%dma_start3A_336 : memref<8x128xi32, #tpu.memory_space<hbm>>) target(%arg7 : memref<8x128xi32, #tpu.memory_space<vmem>>) target_semaphore(%run_scoped3A : memref<!tpu.dma_semaphore, #tpu.memory_space<semaphore_mem>>)
        %dma_wait3A = arith.constant 0 : i32
        %dma_wait3A_337 = tpu.memref_slice %arg3[%add3A_319, %dma_wait3A] : memref<2560x128xi32, #tpu.memory_space<hbm>> -> memref<8x128xi32, #tpu.memory_space<hbm>>
        %dma_wait3A_338 = arith.constant 0 : i32
        %dma_wait3A_339 = tpu.memref_slice %arg3[%add3A_319, %dma_wait3A_338] : memref<2560x128xi32, #tpu.memory_space<hbm>> -> memref<8x128xi32, #tpu.memory_space<hbm>>
        tpu.wait_dma2 semaphore(%run_scoped3A : memref<!tpu.dma_semaphore, #tpu.memory_space<semaphore_mem>>) src(%dma_wait3A_339 : memref<8x128xi32, #tpu.memory_space<hbm>>) dst(%arg7 : memref<8x128xi32, #tpu.memory_space<vmem>>)
        tpu.yield
      }) : () -> ()
      "tpu.region"() ({
        %run_scoped3A = tpu.sem_alloc : memref<!tpu.dma_semaphore, #tpu.memory_space<semaphore_mem>>
        %dma_start3A_333 = arith.constant 0 : i32
        %dma_start3A_334 = tpu.memref_slice %arg4[%add3A_319, %dma_start3A_333] : memref<2560x128xi32, #tpu.memory_space<hbm>> -> memref<8x128xi32, #tpu.memory_space<hbm>>
        %dma_start3A_335 = arith.constant 0 : i32
        %dma_start3A_336 = tpu.memref_slice %arg4[%add3A_319, %dma_start3A_335] : memref<2560x128xi32, #tpu.memory_space<hbm>> -> memref<8x128xi32, #tpu.memory_space<hbm>>
        tpu.enqueue_dma source(%dma_start3A_336 : memref<8x128xi32, #tpu.memory_space<hbm>>) target(%arg8 : memref<8x128xi32, #tpu.memory_space<vmem>>) target_semaphore(%run_scoped3A : memref<!tpu.dma_semaphore, #tpu.memory_space<semaphore_mem>>)
        %dma_wait3A = arith.constant 0 : i32
        %dma_wait3A_337 = tpu.memref_slice %arg4[%add3A_319, %dma_wait3A] : memref<2560x128xi32, #tpu.memory_space<hbm>> -> memref<8x128xi32, #tpu.memory_space<hbm>>
        %dma_wait3A_338 = arith.constant 0 : i32
        %dma_wait3A_339 = tpu.memref_slice %arg4[%add3A_319, %dma_wait3A_338] : memref<2560x128xi32, #tpu.memory_space<hbm>> -> memref<8x128xi32, #tpu.memory_space<hbm>>
        tpu.wait_dma2 semaphore(%run_scoped3A : memref<!tpu.dma_semaphore, #tpu.memory_space<semaphore_mem>>) src(%dma_wait3A_339 : memref<8x128xi32, #tpu.memory_space<hbm>>) dst(%arg8 : memref<8x128xi32, #tpu.memory_space<vmem>>)
        tpu.yield
      }) : () -> ()
      %dma_start3A_320 = arith.constant 0 : i32
      %dma_start3A_321 = arith.constant 0 : i32
      %dma_start3A_322 = tpu.memref_slice %arg7[%dma_start3A_320, %dma_start3A_321] : memref<8x128xi32, #tpu.memory_space<vmem>> -> memref<1x128xi32, #tpu.memory_space<vmem>>
      %dma_start3A_323 = tpu.memref_squeeze %dma_start3A_322 : memref<1x128xi32, #tpu.memory_space<vmem>> -> memref<128xi32, #tpu.memory_space<vmem>>
      %dma_start3A_324 = arith.constant 0 : i32
      %dma_start3A_325 = arith.constant 0 : i32
      %dma_start3A_326 = tpu.memref_slice %arg2[%dma_start3A_324, %dma_start3A_325] : memref<10000x128xf32, #tpu.memory_space<hbm>> -> memref<10000x128xf32, #tpu.memory_space<hbm>>
      tpu.enqueue_indirect_dma source(%dma_start3A_326 : memref<10000x128xf32, #tpu.memory_space<hbm>>) target(%arg9 : memref<128x128xf32, #tpu.memory_space<vmem>>) offsets(%dma_start3A_323 : memref<128xi32, #tpu.memory_space<vmem>>) semaphore(%arg12 : memref<!tpu.dma_semaphore, #tpu.memory_space<semaphore_mem>>)
      %scan3A_327 = arith.constant 0 : i32
      %scan3A_328 = arith.constant 0 : i32
      %scan3A_329 = arith.constant 4 : i32
      %scan3A_330 = arith.addi %scan3A_328, %scan3A_329 : i32
      %scan3A_331 = arith.constant 1 : i32
      scf.for %scan3A_333 = %scan3A_328 to %scan3A_330 step %scan3A_331  : i32 {
        %mul3A_334 = arith.constant 2 : i32
        %mul3A_335 = arith.muli %mul3A_334, %scan3A_333 : i32
        %add3A_336 = arith.constant 1 : i32
        %add3A_337 = arith.addi %mul3A_335, %add3A_336 : i32
        %dma_start3A_338 = arith.constant 0 : i32
        %dma_start3A_339 = tpu.memref_slice %arg7[%add3A_337, %dma_start3A_338] : memref<8x128xi32, #tpu.memory_space<vmem>> -> memref<1x128xi32, #tpu.memory_space<vmem>>
        %dma_start3A_340 = tpu.memref_squeeze %dma_start3A_339 : memref<1x128xi32, #tpu.memory_space<vmem>> -> memref<128xi32, #tpu.memory_space<vmem>>
        %dma_start3A_341 = arith.constant 0 : i32
        %dma_start3A_342 = arith.constant 0 : i32
        %dma_start3A_343 = tpu.memref_slice %arg2[%dma_start3A_341, %dma_start3A_342] : memref<10000x128xf32, #tpu.memory_space<hbm>> -> memref<10000x128xf32, #tpu.memory_space<hbm>>
        tpu.enqueue_indirect_dma source(%dma_start3A_343 : memref<10000x128xf32, #tpu.memory_space<hbm>>) target(%arg10 : memref<128x128xf32, #tpu.memory_space<vmem>>) offsets(%dma_start3A_340 : memref<128xi32, #tpu.memory_space<vmem>>) semaphore(%arg13 : memref<!tpu.dma_semaphore, #tpu.memory_space<semaphore_mem>>)
        %dma_wait3A = arith.constant 0 : i32
        %dma_wait3A_344 = tpu.memref_slice %arg7[%mul3A_335, %dma_wait3A] : memref<8x128xi32, #tpu.memory_space<vmem>> -> memref<1x128xi32, #tpu.memory_space<vmem>>
        %dma_wait3A_345 = tpu.memref_squeeze %dma_wait3A_344 : memref<1x128xi32, #tpu.memory_space<vmem>> -> memref<128xi32, #tpu.memory_space<vmem>>
        %dma_wait3A_346 = arith.constant 0 : i32
        %dma_wait3A_347 = arith.constant 0 : i32
        %dma_wait3A_348 = tpu.memref_slice %arg2[%dma_wait3A_346, %dma_wait3A_347] : memref<10000x128xf32, #tpu.memory_space<hbm>> -> memref<10000x128xf32, #tpu.memory_space<hbm>>
        tpu.wait_indirect_dma semaphore(%arg12 : memref<!tpu.dma_semaphore, #tpu.memory_space<semaphore_mem>>) src(%dma_wait3A_348 : memref<10000x128xf32, #tpu.memory_space<hbm>>) dst(%arg9 : memref<128x128xf32, #tpu.memory_space<vmem>>)
        "tpu.region"() ({
          %run_scoped3A = tpu.sem_alloc : memref<!tpu.dma_semaphore, #tpu.memory_space<semaphore_mem>>
          %dma_start3A_363 = arith.constant 0 : i32
          %dma_start3A_364 = tpu.memref_slice %arg8[%mul3A_335, %dma_start3A_363] : memref<8x128xi32, #tpu.memory_space<vmem>> -> memref<1x128xi32, #tpu.memory_space<vmem>>
          %dma_start3A_365 = tpu.memref_squeeze %dma_start3A_364 : memref<1x128xi32, #tpu.memory_space<vmem>> -> memref<128xi32, #tpu.memory_space<vmem>>
          %dma_start3A_366 = arith.constant 0 : i32
          %dma_start3A_367 = arith.constant 0 : i32
          %dma_start3A_368 = tpu.memref_slice %arg11[%dma_start3A_366, %dma_start3A_367] : memref<10008x128xf32, #tpu.memory_space<vmem_shared>> -> memref<10008x128xf32, #tpu.memory_space<vmem_shared>>
          tpu.enqueue_indirect_dma source(%arg9 : memref<128x128xf32, #tpu.memory_space<vmem>>) target(%dma_start3A_368 : memref<10008x128xf32, #tpu.memory_space<vmem_shared>>) offsets(%dma_start3A_365 : memref<128xi32, #tpu.memory_space<vmem>>) semaphore(%run_scoped3A : memref<!tpu.dma_semaphore, #tpu.memory_space<semaphore_mem>>) {add = true}
          %dma_wait3A_369 = arith.constant 0 : i32
          %dma_wait3A_370 = tpu.memref_slice %arg8[%mul3A_335, %dma_wait3A_369] : memref<8x128xi32, #tpu.memory_space<vmem>> -> memref<1x128xi32, #tpu.memory_space<vmem>>
          %dma_wait3A_371 = tpu.memref_squeeze %dma_wait3A_370 : memref<1x128xi32, #tpu.memory_space<vmem>> -> memref<128xi32, #tpu.memory_space<vmem>>
          %dma_wait3A_372 = arith.constant 0 : i32
          %dma_wait3A_373 = arith.constant 0 : i32
          %dma_wait3A_374 = tpu.memref_slice %arg11[%dma_wait3A_372, %dma_wait3A_373] : memref<10008x128xf32, #tpu.memory_space<vmem_shared>> -> memref<10008x128xf32, #tpu.memory_space<vmem_shared>>
          tpu.wait_indirect_dma semaphore(%run_scoped3A : memref<!tpu.dma_semaphore, #tpu.memory_space<semaphore_mem>>) src(%arg9 : memref<128x128xf32, #tpu.memory_space<vmem>>) dst(%dma_wait3A_374 : memref<10008x128xf32, #tpu.memory_space<vmem_shared>>)
          tpu.yield
        }) : () -> ()
        %lt3A = arith.constant 3 : i32
        %lt3A_349 = arith.cmpi slt, %scan3A_333, %lt3A : i32
        %convert_element_type3A_350 = arith.extui %lt3A_349 : i1 to i32
        %cond3A_351 = arith.constant 0 : i32
        %cond3A_352 = arith.cmpi ne, %convert_element_type3A_350, %cond3A_351 : i32
        scf.if %cond3A_352 {
          %add3A_363 = arith.constant 2 : i32
          %add3A_364 = arith.addi %mul3A_335, %add3A_363 : i32
          %dma_start3A_365 = arith.constant 0 : i32
          %dma_start3A_366 = tpu.memref_slice %arg7[%add3A_364, %dma_start3A_365] : memref<8x128xi32, #tpu.memory_space<vmem>> -> memref<1x128xi32, #tpu.memory_space<vmem>>
          %dma_start3A_367 = tpu.memref_squeeze %dma_start3A_366 : memref<1x128xi32, #tpu.memory_space<vmem>> -> memref<128xi32, #tpu.memory_space<vmem>>
          %dma_start3A_368 = arith.constant 0 : i32
          %dma_start3A_369 = arith.constant 0 : i32
          %dma_start3A_370 = tpu.memref_slice %arg2[%dma_start3A_368, %dma_start3A_369] : memref<10000x128xf32, #tpu.memory_space<hbm>> -> memref<10000x128xf32, #tpu.memory_space<hbm>>
          tpu.enqueue_indirect_dma source(%dma_start3A_370 : memref<10000x128xf32, #tpu.memory_space<hbm>>) target(%arg9 : memref<128x128xf32, #tpu.memory_space<vmem>>) offsets(%dma_start3A_367 : memref<128xi32, #tpu.memory_space<vmem>>) semaphore(%arg12 : memref<!tpu.dma_semaphore, #tpu.memory_space<semaphore_mem>>)
        } else {
        }
        %add3A_353 = arith.constant 1 : i32
        %add3A_354 = arith.addi %mul3A_335, %add3A_353 : i32
        %dma_wait3A_355 = arith.constant 0 : i32
        %dma_wait3A_356 = tpu.memref_slice %arg7[%add3A_354, %dma_wait3A_355] : memref<8x128xi32, #tpu.memory_space<vmem>> -> memref<1x128xi32, #tpu.memory_space<vmem>>
        %dma_wait3A_357 = tpu.memref_squeeze %dma_wait3A_356 : memref<1x128xi32, #tpu.memory_space<vmem>> -> memref<128xi32, #tpu.memory_space<vmem>>
        %dma_wait3A_358 = arith.constant 0 : i32
        %dma_wait3A_359 = arith.constant 0 : i32
        %dma_wait3A_360 = tpu.memref_slice %arg2[%dma_wait3A_358, %dma_wait3A_359] : memref<10000x128xf32, #tpu.memory_space<hbm>> -> memref<10000x128xf32, #tpu.memory_space<hbm>>
        tpu.wait_indirect_dma semaphore(%arg13 : memref<!tpu.dma_semaphore, #tpu.memory_space<semaphore_mem>>) src(%dma_wait3A_360 : memref<10000x128xf32, #tpu.memory_space<hbm>>) dst(%arg10 : memref<128x128xf32, #tpu.memory_space<vmem>>)
        %add3A_361 = arith.constant 1 : i32
        %add3A_362 = arith.addi %mul3A_335, %add3A_361 : i32
        "tpu.region"() ({
          %run_scoped3A = tpu.sem_alloc : memref<!tpu.dma_semaphore, #tpu.memory_space<semaphore_mem>>
          %dma_start3A_363 = arith.constant 0 : i32
          %dma_start3A_364 = tpu.memref_slice %arg8[%add3A_362, %dma_start3A_363] : memref<8x128xi32, #tpu.memory_space<vmem>> -> memref<1x128xi32, #tpu.memory_space<vmem>>
          %dma_start3A_365 = tpu.memref_squeeze %dma_start3A_364 : memref<1x128xi32, #tpu.memory_space<vmem>> -> memref<128xi32, #tpu.memory_space<vmem>>
          %dma_start3A_366 = arith.constant 0 : i32
          %dma_start3A_367 = arith.constant 0 : i32
          %dma_start3A_368 = tpu.memref_slice %arg11[%dma_start3A_366, %dma_start3A_367] : memref<10008x128xf32, #tpu.memory_space<vmem_shared>> -> memref<10008x128xf32, #tpu.memory_space<vmem_shared>>
          tpu.enqueue_indirect_dma source(%arg10 : memref<128x128xf32, #tpu.memory_space<vmem>>) target(%dma_start3A_368 : memref<10008x128xf32, #tpu.memory_space<vmem_shared>>) offsets(%dma_start3A_365 : memref<128xi32, #tpu.memory_space<vmem>>) semaphore(%run_scoped3A : memref<!tpu.dma_semaphore, #tpu.memory_space<semaphore_mem>>) {add = true}
          %dma_wait3A_369 = arith.constant 0 : i32
          %dma_wait3A_370 = tpu.memref_slice %arg8[%add3A_362, %dma_wait3A_369] : memref<8x128xi32, #tpu.memory_space<vmem>> -> memref<1x128xi32, #tpu.memory_space<vmem>>
          %dma_wait3A_371 = tpu.memref_squeeze %dma_wait3A_370 : memref<1x128xi32, #tpu.memory_space<vmem>> -> memref<128xi32, #tpu.memory_space<vmem>>
          %dma_wait3A_372 = arith.constant 0 : i32
          %dma_wait3A_373 = arith.constant 0 : i32
          %dma_wait3A_374 = tpu.memref_slice %arg11[%dma_wait3A_372, %dma_wait3A_373] : memref<10008x128xf32, #tpu.memory_space<vmem_shared>> -> memref<10008x128xf32, #tpu.memory_space<vmem_shared>>
          tpu.wait_indirect_dma semaphore(%run_scoped3A : memref<!tpu.dma_semaphore, #tpu.memory_space<semaphore_mem>>) src(%arg10 : memref<128x128xf32, #tpu.memory_space<vmem>>) dst(%dma_wait3A_374 : memref<10008x128xf32, #tpu.memory_space<vmem_shared>>)
          tpu.yield
        }) : () -> ()
      }
      %scan3A_332 = arith.constant 4 : i32
    } else {
    }
    %eq3A_3 = arith.constant 1 : i32
    %eq3A_4 = arith.cmpi eq, %arg0, %eq3A_3 : i32
    %convert_element_type3A_5 = arith.extui %eq3A_4 : i1 to i32
    %cond3A_6 = arith.constant 0 : i32
    %cond3A_7 = arith.cmpi ne, %convert_element_type3A_5, %cond3A_6 : i32
    scf.if %cond3A_7 {
      %mul3A_13 = arith.constant 8 : i32
      %mul3A_14 = arith.muli %arg1, %mul3A_13 : i32
      %add3A = arith.constant 2432 : i32
      %add3A_15 = arith.addi %add3A, %mul3A_14 : i32
      %add3A_16 = arith.constant 0 : i32
      %add3A_17 = arith.addi %add3A_15, %add3A_16 : i32
      "tpu.region"() ({
        %run_scoped3A = tpu.sem_alloc : memref<!tpu.dma_semaphore, #tpu.memory_space<semaphore_mem>>
        %dma_start3A_29 = arith.constant 0 : i32
        %dma_start3A_30 = tpu.memref_slice %arg3[%add3A_17, %dma_start3A_29] : memref<2560x128xi32, #tpu.memory_space<hbm>> -> memref<8x128xi32, #tpu.memory_space<hbm>>
        %dma_start3A_31 = arith.constant 0 : i32
        %dma_start3A_32 = tpu.memref_slice %arg3[%add3A_17, %dma_start3A_31] : memref<2560x128xi32, #tpu.memory_space<hbm>> -> memref<8x128xi32, #tpu.memory_space<hbm>>
        tpu.enqueue_dma source(%dma_start3A_32 : memref<8x128xi32, #tpu.memory_space<hbm>>) target(%arg7 : memref<8x128xi32, #tpu.memory_space<vmem>>) target_semaphore(%run_scoped3A : memref<!tpu.dma_semaphore, #tpu.memory_space<semaphore_mem>>)
        %dma_wait3A = arith.constant 0 : i32
        %dma_wait3A_33 = tpu.memref_slice %arg3[%add3A_17, %dma_wait3A] : memref<2560x128xi32, #tpu.memory_space<hbm>> -> memref<8x128xi32, #tpu.memory_space<hbm>>
        %dma_wait3A_34 = arith.constant 0 : i32
        %dma_wait3A_35 = tpu.memref_slice %arg3[%add3A_17, %dma_wait3A_34] : memref<2560x128xi32, #tpu.memory_space<hbm>> -> memref<8x128xi32, #tpu.memory_space<hbm>>
        tpu.wait_dma2 semaphore(%run_scoped3A : memref<!tpu.dma_semaphore, #tpu.memory_space<semaphore_mem>>) src(%dma_wait3A_35 : memref<8x128xi32, #tpu.memory_space<hbm>>) dst(%arg7 : memref<8x128xi32, #tpu.memory_space<vmem>>)
        tpu.yield
      }) : () -> ()
      "tpu.region"() ({
        %run_scoped3A = tpu.sem_alloc : memref<!tpu.dma_semaphore, #tpu.memory_space<semaphore_mem>>
        %dma_start3A_29 = arith.constant 0 : i32
        %dma_start3A_30 = tpu.memref_slice %arg4[%add3A_17, %dma_start3A_29] : memref<2560x128xi32, #tpu.memory_space<hbm>> -> memref<8x128xi32, #tpu.memory_space<hbm>>
        %dma_start3A_31 = arith.constant 0 : i32
        %dma_start3A_32 = tpu.memref_slice %arg4[%add3A_17, %dma_start3A_31] : memref<2560x128xi32, #tpu.memory_space<hbm>> -> memref<8x128xi32, #tpu.memory_space<hbm>>
        tpu.enqueue_dma source(%dma_start3A_32 : memref<8x128xi32, #tpu.memory_space<hbm>>) target(%arg8 : memref<8x128xi32, #tpu.memory_space<vmem>>) target_semaphore(%run_scoped3A : memref<!tpu.dma_semaphore, #tpu.memory_space<semaphore_mem>>)
        %dma_wait3A = arith.constant 0 : i32
        %dma_wait3A_33 = tpu.memref_slice %arg4[%add3A_17, %dma_wait3A] : memref<2560x128xi32, #tpu.memory_space<hbm>> -> memref<8x128xi32, #tpu.memory_space<hbm>>
        %dma_wait3A_34 = arith.constant 0 : i32
        %dma_wait3A_35 = tpu.memref_slice %arg4[%add3A_17, %dma_wait3A_34] : memref<2560x128xi32, #tpu.memory_space<hbm>> -> memref<8x128xi32, #tpu.memory_space<hbm>>
        tpu.wait_dma2 semaphore(%run_scoped3A : memref<!tpu.dma_semaphore, #tpu.memory_space<semaphore_mem>>) src(%dma_wait3A_35 : memref<8x128xi32, #tpu.memory_space<hbm>>) dst(%arg8 : memref<8x128xi32, #tpu.memory_space<vmem>>)
        tpu.yield
      }) : () -> ()
      %dma_start3A = arith.constant 0 : i32
      %dma_start3A_18 = arith.constant 0 : i32
      %dma_start3A_19 = tpu.memref_slice %arg7[%dma_start3A, %dma_start3A_18] : memref<8x128xi32, #tpu.memory_space<vmem>> -> memref<1x128xi32, #tpu.memory_space<vmem>>
      %dma_start3A_20 = tpu.memref_squeeze %dma_start3A_19 : memref<1x128xi32, #tpu.memory_space<vmem>> -> memref<128xi32, #tpu.memory_space<vmem>>
      %dma_start3A_21 = arith.constant 0 : i32
      %dma_start3A_22 = arith.constant 0 : i32
      %dma_start3A_23 = tpu.memref_slice %arg2[%dma_start3A_21, %dma_start3A_22] : memref<10000x128xf32, #tpu.memory_space<hbm>> -> memref<10000x128xf32, #tpu.memory_space<hbm>>
      tpu.enqueue_indirect_dma source(%dma_start3A_23 : memref<10000x128xf32, #tpu.memory_space<hbm>>) target(%arg9 : memref<128x128xf32, #tpu.memory_space<vmem>>) offsets(%dma_start3A_20 : memref<128xi32, #tpu.memory_space<vmem>>) semaphore(%arg12 : memref<!tpu.dma_semaphore, #tpu.memory_space<semaphore_mem>>)
      %scan3A = arith.constant 0 : i32
      %scan3A_24 = arith.constant 0 : i32
      %scan3A_25 = arith.constant 4 : i32
      %scan3A_26 = arith.addi %scan3A_24, %scan3A_25 : i32
      %scan3A_27 = arith.constant 1 : i32
      scf.for %scan3A_29 = %scan3A_24 to %scan3A_26 step %scan3A_27  : i32 {
        %mul3A_30 = arith.constant 2 : i32
        %mul3A_31 = arith.muli %mul3A_30, %scan3A_29 : i32
        %add3A_32 = arith.constant 1 : i32
        %add3A_33 = arith.addi %mul3A_31, %add3A_32 : i32
        %dma_start3A_34 = arith.constant 0 : i32
        %dma_start3A_35 = tpu.memref_slice %arg7[%add3A_33, %dma_start3A_34] : memref<8x128xi32, #tpu.memory_space<vmem>> -> memref<1x128xi32, #tpu.memory_space<vmem>>
        %dma_start3A_36 = tpu.memref_squeeze %dma_start3A_35 : memref<1x128xi32, #tpu.memory_space<vmem>> -> memref<128xi32, #tpu.memory_space<vmem>>
        %dma_start3A_37 = arith.constant 0 : i32
        %dma_start3A_38 = arith.constant 0 : i32
        %dma_start3A_39 = tpu.memref_slice %arg2[%dma_start3A_37, %dma_start3A_38] : memref<10000x128xf32, #tpu.memory_space<hbm>> -> memref<10000x128xf32, #tpu.memory_space<hbm>>
        tpu.enqueue_indirect_dma source(%dma_start3A_39 : memref<10000x128xf32, #tpu.memory_space<hbm>>) target(%arg10 : memref<128x128xf32, #tpu.memory_space<vmem>>) offsets(%dma_start3A_36 : memref<128xi32, #tpu.memory_space<vmem>>) semaphore(%arg13 : memref<!tpu.dma_semaphore, #tpu.memory_space<semaphore_mem>>)
        %dma_wait3A = arith.constant 0 : i32
        %dma_wait3A_40 = tpu.memref_slice %arg7[%mul3A_31, %dma_wait3A] : memref<8x128xi32, #tpu.memory_space<vmem>> -> memref<1x128xi32, #tpu.memory_space<vmem>>
        %dma_wait3A_41 = tpu.memref_squeeze %dma_wait3A_40 : memref<1x128xi32, #tpu.memory_space<vmem>> -> memref<128xi32, #tpu.memory_space<vmem>>
        %dma_wait3A_42 = arith.constant 0 : i32
        %dma_wait3A_43 = arith.constant 0 : i32
        %dma_wait3A_44 = tpu.memref_slice %arg2[%dma_wait3A_42, %dma_wait3A_43] : memref<10000x128xf32, #tpu.memory_space<hbm>> -> memref<10000x128xf32, #tpu.memory_space<hbm>>
        tpu.wait_indirect_dma semaphore(%arg12 : memref<!tpu.dma_semaphore, #tpu.memory_space<semaphore_mem>>) src(%dma_wait3A_44 : memref<10000x128xf32, #tpu.memory_space<hbm>>) dst(%arg9 : memref<128x128xf32, #tpu.memory_space<vmem>>)
        "tpu.region"() ({
          %run_scoped3A = tpu.sem_alloc : memref<!tpu.dma_semaphore, #tpu.memory_space<semaphore_mem>>
          %dma_start3A_59 = arith.constant 0 : i32
          %dma_start3A_60 = tpu.memref_slice %arg8[%mul3A_31, %dma_start3A_59] : memref<8x128xi32, #tpu.memory_space<vmem>> -> memref<1x128xi32, #tpu.memory_space<vmem>>
          %dma_start3A_61 = tpu.memref_squeeze %dma_start3A_60 : memref<1x128xi32, #tpu.memory_space<vmem>> -> memref<128xi32, #tpu.memory_space<vmem>>
          %dma_start3A_62 = arith.constant 0 : i32
          %dma_start3A_63 = arith.constant 0 : i32
          %dma_start3A_64 = tpu.memref_slice %arg11[%dma_start3A_62, %dma_start3A_63] : memref<10008x128xf32, #tpu.memory_space<vmem_shared>> -> memref<10008x128xf32, #tpu.memory_space<vmem_shared>>
          tpu.enqueue_indirect_dma source(%arg9 : memref<128x128xf32, #tpu.memory_space<vmem>>) target(%dma_start3A_64 : memref<10008x128xf32, #tpu.memory_space<vmem_shared>>) offsets(%dma_start3A_61 : memref<128xi32, #tpu.memory_space<vmem>>) semaphore(%run_scoped3A : memref<!tpu.dma_semaphore, #tpu.memory_space<semaphore_mem>>) {add = true}
          %dma_wait3A_65 = arith.constant 0 : i32
          %dma_wait3A_66 = tpu.memref_slice %arg8[%mul3A_31, %dma_wait3A_65] : memref<8x128xi32, #tpu.memory_space<vmem>> -> memref<1x128xi32, #tpu.memory_space<vmem>>
          %dma_wait3A_67 = tpu.memref_squeeze %dma_wait3A_66 : memref<1x128xi32, #tpu.memory_space<vmem>> -> memref<128xi32, #tpu.memory_space<vmem>>
          %dma_wait3A_68 = arith.constant 0 : i32
          %dma_wait3A_69 = arith.constant 0 : i32
          %dma_wait3A_70 = tpu.memref_slice %arg11[%dma_wait3A_68, %dma_wait3A_69] : memref<10008x128xf32, #tpu.memory_space<vmem_shared>> -> memref<10008x128xf32, #tpu.memory_space<vmem_shared>>
          tpu.wait_indirect_dma semaphore(%run_scoped3A : memref<!tpu.dma_semaphore, #tpu.memory_space<semaphore_mem>>) src(%arg9 : memref<128x128xf32, #tpu.memory_space<vmem>>) dst(%dma_wait3A_70 : memref<10008x128xf32, #tpu.memory_space<vmem_shared>>)
          tpu.yield
        }) : () -> ()
        %lt3A = arith.constant 3 : i32
        %lt3A_45 = arith.cmpi slt, %scan3A_29, %lt3A : i32
        %convert_element_type3A_46 = arith.extui %lt3A_45 : i1 to i32
        %cond3A_47 = arith.constant 0 : i32
        %cond3A_48 = arith.cmpi ne, %convert_element_type3A_46, %cond3A_47 : i32
        scf.if %cond3A_48 {
          %add3A_59 = arith.constant 2 : i32
          %add3A_60 = arith.addi %mul3A_31, %add3A_59 : i32
          %dma_start3A_61 = arith.constant 0 : i32
          %dma_start3A_62 = tpu.memref_slice %arg7[%add3A_60, %dma_start3A_61] : memref<8x128xi32, #tpu.memory_space<vmem>> -> memref<1x128xi32, #tpu.memory_space<vmem>>
          %dma_start3A_63 = tpu.memref_squeeze %dma_start3A_62 : memref<1x128xi32, #tpu.memory_space<vmem>> -> memref<128xi32, #tpu.memory_space<vmem>>
          %dma_start3A_64 = arith.constant 0 : i32
          %dma_start3A_65 = arith.constant 0 : i32
          %dma_start3A_66 = tpu.memref_slice %arg2[%dma_start3A_64, %dma_start3A_65] : memref<10000x128xf32, #tpu.memory_space<hbm>> -> memref<10000x128xf32, #tpu.memory_space<hbm>>
          tpu.enqueue_indirect_dma source(%dma_start3A_66 : memref<10000x128xf32, #tpu.memory_space<hbm>>) target(%arg9 : memref<128x128xf32, #tpu.memory_space<vmem>>) offsets(%dma_start3A_63 : memref<128xi32, #tpu.memory_space<vmem>>) semaphore(%arg12 : memref<!tpu.dma_semaphore, #tpu.memory_space<semaphore_mem>>)
        } else {
        }
        %add3A_49 = arith.constant 1 : i32
        %add3A_50 = arith.addi %mul3A_31, %add3A_49 : i32
        %dma_wait3A_51 = arith.constant 0 : i32
        %dma_wait3A_52 = tpu.memref_slice %arg7[%add3A_50, %dma_wait3A_51] : memref<8x128xi32, #tpu.memory_space<vmem>> -> memref<1x128xi32, #tpu.memory_space<vmem>>
        %dma_wait3A_53 = tpu.memref_squeeze %dma_wait3A_52 : memref<1x128xi32, #tpu.memory_space<vmem>> -> memref<128xi32, #tpu.memory_space<vmem>>
        %dma_wait3A_54 = arith.constant 0 : i32
        %dma_wait3A_55 = arith.constant 0 : i32
        %dma_wait3A_56 = tpu.memref_slice %arg2[%dma_wait3A_54, %dma_wait3A_55] : memref<10000x128xf32, #tpu.memory_space<hbm>> -> memref<10000x128xf32, #tpu.memory_space<hbm>>
        tpu.wait_indirect_dma semaphore(%arg13 : memref<!tpu.dma_semaphore, #tpu.memory_space<semaphore_mem>>) src(%dma_wait3A_56 : memref<10000x128xf32, #tpu.memory_space<hbm>>) dst(%arg10 : memref<128x128xf32, #tpu.memory_space<vmem>>)
        %add3A_57 = arith.constant 1 : i32
        %add3A_58 = arith.addi %mul3A_31, %add3A_57 : i32
        "tpu.region"() ({
          %run_scoped3A = tpu.sem_alloc : memref<!tpu.dma_semaphore, #tpu.memory_space<semaphore_mem>>
          %dma_start3A_59 = arith.constant 0 : i32
          %dma_start3A_60 = tpu.memref_slice %arg8[%add3A_58, %dma_start3A_59] : memref<8x128xi32, #tpu.memory_space<vmem>> -> memref<1x128xi32, #tpu.memory_space<vmem>>
          %dma_start3A_61 = tpu.memref_squeeze %dma_start3A_60 : memref<1x128xi32, #tpu.memory_space<vmem>> -> memref<128xi32, #tpu.memory_space<vmem>>
          %dma_start3A_62 = arith.constant 0 : i32
          %dma_start3A_63 = arith.constant 0 : i32
          %dma_start3A_64 = tpu.memref_slice %arg11[%dma_start3A_62, %dma_start3A_63] : memref<10008x128xf32, #tpu.memory_space<vmem_shared>> -> memref<10008x128xf32, #tpu.memory_space<vmem_shared>>
          tpu.enqueue_indirect_dma source(%arg10 : memref<128x128xf32, #tpu.memory_space<vmem>>) target(%dma_start3A_64 : memref<10008x128xf32, #tpu.memory_space<vmem_shared>>) offsets(%dma_start3A_61 : memref<128xi32, #tpu.memory_space<vmem>>) semaphore(%run_scoped3A : memref<!tpu.dma_semaphore, #tpu.memory_space<semaphore_mem>>) {add = true}
          %dma_wait3A_65 = arith.constant 0 : i32
          %dma_wait3A_66 = tpu.memref_slice %arg8[%add3A_58, %dma_wait3A_65] : memref<8x128xi32, #tpu.memory_space<vmem>> -> memref<1x128xi32, #tpu.memory_space<vmem>>
          %dma_wait3A_67 = tpu.memref_squeeze %dma_wait3A_66 : memref<1x128xi32, #tpu.memory_space<vmem>> -> memref<128xi32, #tpu.memory_space<vmem>>
          %dma_wait3A_68 = arith.constant 0 : i32
          %dma_wait3A_69 = arith.constant 0 : i32
          %dma_wait3A_70 = tpu.memref_slice %arg11[%dma_wait3A_68, %dma_wait3A_69] : memref<10008x128xf32, #tpu.memory_space<vmem_shared>> -> memref<10008x128xf32, #tpu.memory_space<vmem_shared>>
          tpu.wait_indirect_dma semaphore(%run_scoped3A : memref<!tpu.dma_semaphore, #tpu.memory_space<semaphore_mem>>) src(%arg10 : memref<128x128xf32, #tpu.memory_space<vmem>>) dst(%dma_wait3A_70 : memref<10008x128xf32, #tpu.memory_space<vmem_shared>>)
          tpu.yield
        }) : () -> ()
      }
      %scan3A_28 = arith.constant 4 : i32
    } else {
    }
    %barrier3A_8 = arith.constant 0 : index
    tpu.barrier barrier_id(%barrier3A_8)
    %mul3A_9 = arith.constant 624 : i32
    %mul3A_10 = arith.muli %arg1, %mul3A_9 : i32
    %mul3A_11 = arith.constant 624 : i32
    %mul3A_12 = arith.muli %arg1, %mul3A_11 : i32
    "tpu.region"() ({
      %run_scoped3A = tpu.sem_alloc : memref<!tpu.dma_semaphore, #tpu.memory_space<semaphore_mem>>
      %dma_start3A = arith.constant 0 : i32
      %dma_start3A_13 = tpu.memref_slice %arg6[%arg0, %mul3A_12, %dma_start3A] : memref<2x10000x128xf32, #tpu.memory_space<hbm>> -> memref<1x640x128xf32, #tpu.memory_space<hbm>>
      %dma_start3A_14 = tpu.memref_squeeze %dma_start3A_13 : memref<1x640x128xf32, #tpu.memory_space<hbm>> -> memref<640x128xf32, #tpu.memory_space<hbm>>
      %dma_start3A_15 = arith.constant 0 : i32
      %dma_start3A_16 = tpu.memref_slice %arg11[%mul3A_10, %dma_start3A_15] : memref<10008x128xf32, #tpu.memory_space<vmem_shared>> -> memref<640x128xf32, #tpu.memory_space<vmem_shared>>
      tpu.enqueue_dma source(%dma_start3A_16 : memref<640x128xf32, #tpu.memory_space<vmem_shared>>) target(%dma_start3A_14 : memref<640x128xf32, #tpu.memory_space<hbm>>) target_semaphore(%run_scoped3A : memref<!tpu.dma_semaphore, #tpu.memory_space<semaphore_mem>>)
      %dma_wait3A = arith.constant 0 : i32
      %dma_wait3A_17 = tpu.memref_slice %arg6[%arg0, %mul3A_12, %dma_wait3A] : memref<2x10000x128xf32, #tpu.memory_space<hbm>> -> memref<1x640x128xf32, #tpu.memory_space<hbm>>
      %dma_wait3A_18 = tpu.memref_squeeze %dma_wait3A_17 : memref<1x640x128xf32, #tpu.memory_space<hbm>> -> memref<640x128xf32, #tpu.memory_space<hbm>>
      %dma_wait3A_19 = arith.constant 0 : i32
      %dma_wait3A_20 = tpu.memref_slice %arg11[%mul3A_10, %dma_wait3A_19] : memref<10008x128xf32, #tpu.memory_space<vmem_shared>> -> memref<640x128xf32, #tpu.memory_space<vmem_shared>>
      tpu.wait_dma2 semaphore(%run_scoped3A : memref<!tpu.dma_semaphore, #tpu.memory_space<semaphore_mem>>) src(%dma_wait3A_20 : memref<640x128xf32, #tpu.memory_space<vmem_shared>>) dst(%dma_wait3A_18 : memref<640x128xf32, #tpu.memory_space<hbm>>)
      tpu.yield
    }) : () -> ()
    return
  }
}

module attributes {stable_mosaic.version = 14 : i64} {
  func.func @add_body(%arg0: i32, %arg1: memref<1x1000x128xf32, #tpu.memory_space<vmem>>, %arg2: memref<1x1000x128xf32, #tpu.memory_space<vmem>>, %arg3: memref<1000x128xf32, #tpu.memory_space<vmem>>) attributes {dimension_semantics = [#tpu.dimension_semantics<arbitrary>], iteration_bounds = array<i64: 10>, scalar_prefetch = 0 : i64, scratch_operands = 0 : i64, tpu.core_type = #tpu.core_type<tc>, window_params = [{transform_indices = @transform_0, window_bounds = array<i64: 1, 1000, 128>}, {transform_indices = @transform_1, window_bounds = array<i64: 1, 1000, 128>}, {transform_indices = @transform_2, window_bounds = array<i64: 1000, 128>}]} {
    %get3A = arith.constant 0 : index
    %get3A_0 = arith.constant 0 : index
    %get3A_1 = arith.constant 0 : index
    %get3A_2 = vector.load %arg1[%get3A, %get3A_0, %get3A_1] : memref<1x1000x128xf32, #tpu.memory_space<vmem>>, vector<1x1000x128xf32>
    %get3A_3 = vector.shape_cast %get3A_2 : vector<1x1000x128xf32> to vector<1000x128xf32>
    %get3A_4 = arith.constant 0 : index
    %get3A_5 = arith.constant 0 : index
    %get3A_6 = arith.constant 0 : index
    %get3A_7 = vector.load %arg2[%get3A_4, %get3A_5, %get3A_6] : memref<1x1000x128xf32, #tpu.memory_space<vmem>>, vector<1x1000x128xf32>
    %get3A_8 = vector.shape_cast %get3A_7 : vector<1x1000x128xf32> to vector<1000x128xf32>
    %add3A = arith.addf %get3A_3, %get3A_8 : vector<1000x128xf32>
    %swap3A = arith.constant 0 : index
    %swap3A_9 = arith.constant 0 : index
    %swap3A_10 = vector.load %arg3[%swap3A, %swap3A_9] : memref<1000x128xf32, #tpu.memory_space<vmem>>, vector<1000x128xf32>
    tpu.vector_store %arg3[%swap3A, %swap3A_9], %add3A {strides = array<i32>} : memref<1000x128xf32, #tpu.memory_space<vmem>>, vector<1000x128xf32>,
    return
  }
  func.func @transform_0(%arg0: i32) -> (i32, i32, i32) {
    %c0_i32 = arith.constant 0 : i32
    %c0_i32_0 = arith.constant 0 : i32
    %c0_i32_1 = arith.constant 0 : i32
    return %c0_i32, %arg0, %c0_i32_0 : i32, i32, i32
  }
  func.func @transform_1(%arg0: i32) -> (i32, i32, i32) {
    %c1_i32 = arith.constant 1 : i32
    %c0_i32 = arith.constant 0 : i32
    %c0_i32_0 = arith.constant 0 : i32
    return %c1_i32, %arg0, %c0_i32 : i32, i32, i32
  }
  func.func @transform_2(%arg0: i32) -> (i32, i32) {
    %c0_i32 = arith.constant 0 : i32
    %c0_i32_0 = arith.constant 0 : i32
    return %arg0, %c0_i32 : i32, i32
  }
}

</mosaic_0001>

<sc_bundles>
// kernel: kernel.4.cloned.1.call-start
scs
__scs_entry_jumppad:
0x0: {  	(pc) =	sbr.rel $0x88, $3  }
0x1: {  	(tag) =	ssettag $0x0;
	lr =	simm.s32 $0x1  }
0x2: {  	[smem:$0x3F9F] =	sst lr;
	_ =	strace $0xD0000000  }
0x3: {  	_ = 	snop  }
0x4: {  	_ = 	snop  }
0x5: {  	_ = 	snop  }
0x6: {  	_ = 	snop  }
0x7: {  	_ = 	snop  }
__scs_overlays_trampoline_lowered:
0x8: {  	[smem:$0x3FAE] =	sst s0  }
0x9: {  	[smem:$0x3FAF] =	sst s1  }
0xa: {  	[smem:$0x3FB0] =	sst s2  }
0xb: {  	[smem:$0x3FB1] =	sst s3  }
0xc: {  	[smem:$0x3FB2] =	sst s4  }
0xd: {  	[smem:$0x3FB3] =	sst s5  }
0xe: {  	[smem:$0x3FB4] =	sst s6  }
0xf: {  	[smem:$0x3FB5] =	sst s7  }
0x10: {  	[smem:$0x3FB6] =	sst s8  }
0x11: {  	[smem:$0x3FB7] =	sst s9;
	s0 =	simm.s32 @!p0 $0x0  }
0x12: {  	s1 =	sld [smem:$0x3F9D];
	s0 =	simm.s32 @p0 $0x1  }
0x13: {  	[smem:$0x3FB8] =	sst s0;
	s0 =	simm.s32 @!p1 $0x0  }
0x14: {  	s2 =	sld [smem:$0x3F9C];
	s0 =	simm.s32 @p1 $0x1  }
0x15: {  	[smem:$0x3FB9] =	sst s0;
	s0 =	simm.s32 @!p2 $0x0  }
0x16: {  	s3 =	sld [smem:$0x3FDB];
	s0 =	simm.s32 @p2 $0x1  }
0x17: {  	s4 =	simm.s32 $0x1BF5;
	[smem:$0x3FBB] =	sst s0  }
0x18: {  	s0 =	sld [smem:$0x3F9E];
	_ =	swait.ge [sflag:s4], $0x0  }
0x19: {  	s7 =	sld [smem:$0x3F9F]  }
0x1a: {  	s8 =	sadd.s32 $0xFFFFE003, lr  }
0x1b: {  	s9 =	sadd.s32 $0xFFFFFEF7, lr;
	s5 =	simm.s32 $0xFFFFFFFF;
	p2 =	slt.u32 s8, $0xFFFFF086  }
0x1c: {  	p1 =	slt.u32 s9, $0xF7A;
	s5 =	simm.s32 @!p2 $0x0  }
0x1d: {  	s5 =	simm.s32 @p1 $0x1;
	p0 =	seq.s32 s7, s2  }
0x1e: {  	s7 =	smul.u32 @!p0 $0xF7A, s2;
	p2 =	seq.s32 @!p0 s5, $0x0  }
0x1f: {  	s9 =	smul.u32 $0xF7A, s1;
	s8 =	simm.s32 @!p0 $0x1BF5;
	p2 =	por !p2, p0  }
0x20: {  	[sflag:s8] =	ssyncset.s32 @!p0 $0xFFFFF086;
	s6 =	sadd.s32 @!p0 s3, s7;
	s7 =	simm.s32 @!p0 $0x108  }
0x21: {  	s3 =	sadd.s32 s3, s9;
	s6 =	sadd.s32 @!p0 $0x88, s6;
	s7 =	simm.s32 @p2 $0x1082  }
0x22: {  	[simem:s7], [sflag:s8] =	dma.local @!p0 [hbm:s6], $0xF7A  }
0x23: {  	s9 =	sor.u32 $0xD0000000, s2;
	s6 =	simm.s32 $0x108;
	_ =	swait.ge @!p0 [sflag:s8], $0x0  }
0x24: {  	s3 =	sadd.s32 $0x88, s3;
	s6 =	simm.s32 @!p1 $0x1082;
	[sflag:s4] =	ssyncset.s32 $0xFFFFF086  }
0x25: {  	[simem:s6], [sflag:s4] =	dma.local [hbm:s3], $0xF7A  }
0x26: {  	[smem:$0x3F9F] =	sst s1;
	(tag) =	ssettag s2;
	_ =	strace s9  }
0x27: {  	s1 =	sld [smem:$0x3FAF]  }
0x28: {  	s2 =	sld [smem:$0x3FB0]  }
0x29: {  	s4 =	sld [smem:$0x3FB2]  }
0x2a: {  	p0 =	seq.s32 s5, $0x0;
	s5 =	sld [smem:$0x3FB3]  }
0x2b: {  	s6 =	sld [smem:$0x3FB4]  }
0x2c: {  	s7 =	sld [smem:$0x3FB5]  }
0x2d: {  	s3 =	simm.s32 $0x108;
	s8 =	sld [smem:$0x3FB6]  }
0x2e: {  	s3 =	simm.s32 @!p0 $0x1082;
	s9 =	sld [smem:$0x3FB7]  }
0x2f: {  	lr =	sadd.s32 s0, s3;
	s0 =	sld [smem:$0x3FAE]  }
0x30: {  	s3 =	sld [smem:$0x3FB1]  }
0x31: {  	[smem:$0x3FBA] =	sst s10  }
0x32: {  	s10 =	sld [smem:$0x3FB8];
	_ =	sdelay $0x3  }
0x33: {  	p0 =	seq.s32 s10, $0x1;
	s10 =	sld [smem:$0x3FBA];
	_ =	sdelay $0x3  }
0x34: {  	[smem:$0x3FBA] =	sst s10  }
0x35: {  	s10 =	sld [smem:$0x3FB9];
	_ =	sdelay $0x3  }
0x36: {  	p1 =	seq.s32 s10, $0x1;
	s10 =	sld [smem:$0x3FBA];
	_ =	sdelay $0x3  }
0x37: {  	[smem:$0x3FBA] =	sst s10  }
0x38: {  	s10 =	sld [smem:$0x3FBB]  }
0x39: {  	_ = 	snop;
	(pc) =	sbr.ind lr, $3  }
0x3a: {  	_ = 	snop  }
0x3b: {  	_ = 	snop  }
0x3c: {  	p2 =	seq.s32 s10, $0x1;
	s10 =	sld [smem:$0x3FBA]  }
0x3d: {  	_ =	shalt  }
0x3e: {  	_ =	shalt  }
0x3f: {  	_ =	shalt  }
0x40: {  	_ =	shalt  }
0x41: {  	_ =	shalt  }
0x42: {  	_ =	shalt  }
0x43: {  	_ =	shalt  }
0x44: {  	_ =	shalt  }
0x45: {  	_ =	shalt  }
0x46: {  	_ =	shalt  }
0x47: {  	_ =	shalt  }
0x48: {  	_ =	shalt  }
0x49: {  	_ =	shalt  }
0x4a: {  	_ =	shalt  }
0x4b: {  	_ =	shalt  }
0x4c: {  	_ =	shalt  }
0x4d: {  	_ =	shalt  }
0x4e: {  	_ =	shalt  }
0x4f: {  	_ =	shalt  }
0x50: {  	_ =	shalt  }
0x51: {  	_ =	shalt  }
0x52: {  	_ =	shalt  }
0x53: {  	_ =	shalt  }
0x54: {  	_ =	shalt  }
0x55: {  	_ =	shalt  }
0x56: {  	_ =	shalt  }
0x57: {  	_ =	shalt  }
0x58: {  	_ =	shalt  }
0x59: {  	_ =	shalt  }
0x5a: {  	_ =	shalt  }
0x5b: {  	_ =	shalt  }
0x5c: {  	_ =	shalt  }
0x5d: {  	_ =	shalt  }
0x5e: {  	_ =	shalt  }
0x5f: {  	_ =	shalt  }
0x60: {  	_ =	shalt  }
0x61: {  	_ =	shalt  }
0x62: {  	_ =	shalt  }
0x63: {  	_ =	shalt  }
0x64: {  	_ =	shalt  }
0x65: {  	_ =	shalt  }
0x66: {  	_ =	shalt  }
0x67: {  	_ =	shalt  }
0x68: {  	_ =	shalt  }
0x69: {  	_ =	shalt  }
0x6a: {  	_ =	shalt  }
0x6b: {  	_ =	shalt  }
0x6c: {  	_ =	shalt  }
0x6d: {  	_ =	shalt  }
0x6e: {  	_ =	shalt  }
0x6f: {  	_ =	shalt  }
0x70: {  	_ =	shalt  }
0x71: {  	_ =	shalt  }
0x72: {  	_ =	shalt  }
0x73: {  	_ =	shalt  }
0x74: {  	_ =	shalt  }
0x75: {  	_ =	shalt  }
0x76: {  	_ =	shalt  }
0x77: {  	_ =	shalt  }
0x78: {  	_ =	shalt  }
0x79: {  	_ =	shalt  }
0x7a: {  	_ =	shalt  }
0x7b: {  	_ =	shalt  }
0x7c: {  	_ =	shalt  }
0x7d: {  	_ =	shalt  }
0x7e: {  	_ =	shalt  }
0x7f: {  	_ =	shalt  }
0x80: {  	_ =	shalt  }
0x81: {  	_ =	shalt  }
0x82: {  	_ =	shalt  }
0x83: {  	_ =	shalt  }
0x84: {  	_ =	shalt  }
0x85: {  	_ =	shalt  }
0x86: {  	_ =	shalt  }
0x87: {  	_ =	shalt  }
.Lfunc_end0:
.L_simem_size_0:
called_computation_lowered:
.L_overlay_start_0:
0x88: {  	s2 =	sld [smem:$0x3FD9]  }
0x89: {  	s3 =	sld [smem:$0x3FFE];
	_ =	sdelay $0x1  }
0x8a: {  	s1 =	srdreg.scid  }
0x8b: {  	s0 =	sand.u32 $0x1, s1  }
0x8c: {  	s17 =	sshll.u32 s0, $0xA;
	s2 =	sadd.s32 s3, s2  }
0x8d: {  	s2 =	sadd.s32 s2, s17  }
0x8e: {  	[smem:$0x3FC6] =	sst s2  }
0x8f: {  	_ = 	snop  }
0x90: {  	s2 =	sld [smem:$0x3FC9]  }
0x91: {  	s18 =	sld [smem:$0x3FD0];
	(tm) =	ssettm $0x1  }
0x92: {  	s4 =	sld [smem:$0x3FFB];
	_ =	sdelay $0x3  }
0x93: {  	_ =	strace s4  }
0x94: {  	s4 =	sld [smem:$0x3FFC];
	_ =	sdelay $0x3  }
0x95: {  	_ =	strace s4  }
0x96: {  	s4 =	sld [smem:$0x3FFD];
	_ =	sdelay $0x3  }
0x97: {  	_ =	strace s4  }
0x98: {  	_ =	strace $0x8FFFFFFF  }
0x99: {  	s19 =	sld [smem:$0x3FDB];
	_ =	sdelay $0x1  }
0x9a: {  	s5 =	simm.s32 $_scs_section_size  }
0x9b: {  	s6 =	simm.s32 $_size__tile_overlayer_lowered;
	s7 =	simm.s32 $_tile_overlayer_lowered  }
0x9c: {  	s22 =	simm.s32 $0x1BFF;
	s21 =	sshll.u32 s7, $0x1;
	s4 =	sadd.s32 s5, s19  }
0x9d: {  	s8 =	simm.s32 $0x0;
	s20 =	sshll.u32 s6, $0x1;
	s6 =	sadd.s32 s21, s4  }
0x9e: {  	[timem:s8], [sflag:s22] =	dma.local [hbm:s6], s20  }
0x9f: {  	_ =	swait.ge [sflag:s22], s20  }
0xa0: {  	s5 =	ssub.s32 $0x0, s20;
	[sflag:s22] =	ssyncset.done $0x0  }
0xa1: {  	[sflag:s22] =	ssyncadd.s32 s5;
	_ =	sdelay $0x1  }
0xa2: {  	s23 =	simm.s32 $0x1B8B  }
0xa3: {  	_ =	swait.ge [sflag:s23], $0x1  }
0xa4: {  	[sflag:s23] =	ssyncset.done $0x0  }
0xa5: {  	s25 =	simm.s32 $0x1B8E;
	s24 =	sld [smem:$0x3FFE];
	[sflag:s23] =	ssyncadd.s32 $0xFFFFFFFF  }
0xa6: {  	s26 =	simm.s32 $execute0_lowered;
	[smem:$0x3FD2] =	sst s25  }
0xa7: {  	s6 =	sshll.u32 s26, $0x1;
	_ =	strace $0x80000046;
	[dreg:$0x1] =	wrdreg $0xFFFFFFFF  }
0xa8: {  	s28 =	simm.s32 $_size_execute0_lowered;
	s4 =	sadd.s32 s4, s6;
	[dreg:$0x0] =	wrdreg $0x0  }
0xa9: {  	s6 =	sshll.u32 s28, $0x1;
	[dreg:$0x2] =	wrdreg s4  }
0xaa: {  	[dreg:$0x3] =	wrdreg s6  }
0xab: {  	[dreg:$0x4] =	wrdreg $0xC0  }
0xac: {  	_ =	task [dreg:s8], $0x5FFFF  }
0xad: {  	[dreg:$0x1] =	wrdreg $0xFFFFFFFF  }
0xae: {  	[dreg:$0x0] =	wrdreg $0x60  }
0xaf: {  	[dreg:$0x2] =	wrdreg s2  }
0xb0: {  	[dreg:$0x3] =	wrdreg s24  }
0xb1: {  	[dreg:$0x4] =	wrdreg s18  }
0xb2: {  	[dreg:$0x5] =	wrdreg $0x88000  }
0xb3: {  	[dreg:$0x6] =	wrdreg $0x9  }
0xb4: {  	_ =	task.clear_ibuf [dreg:s8], $0x7FFFF;
	_ =	strace $0x90000046  }
0xb5: {  	s29 =	simm.s32 $0x9;
	_ =	strace $0x80000048  }
0xb6: {  	_ =	swait.ge [sflag:s29], $0x1  }
0xb7: {  	[sflag:s29] =	ssyncadd.s32 $0xFFFFFFFF  }
0xb8: {  	_ =	strace $0x90000048  }
0xb9: {  	_ =	sfence  }
0xba: {  	s30 =	sld [smem:$0x0];
	_ =	sdelay $0x2  }
0xbb: {  	s31 =	sshll.u32 s1, $0xD;
	s1 =	sshrl.u32 s1, $0x2  }
0xbc: {  	s3 =	sand.u32 $0x4000, s31;
	s1 =	sadd.s32 s1, s30  }
0xbd: {  	s0 =	sor.u32 s3, s0;
	s1 =	sshll.u32 s1, $0x11  }
0xbe: {  	s0 =	sor.u32 s1, s0  }
0xbf: {  	s0 =	sadd.s32 $0x8F2B, s0  }
0xc0: {  	[sflag:s0] =	ssyncadd.remote.s32 $0x1  }
0xc1: {  	_ =	sfence.sel $0xFFFF  }
0xc2: {  	[dreg:$0x0] =	wrdreg $0xFFFFFFFF;
	(pc) =	sbr.abs _section_cstart, $3  }
0xc3: {  	[dreg:$0x1] =	wrdreg $0xFFFFFFFF  }
0xc4: {  	_ =	task.clear_ibuf [dreg:s8], $0x2FFFF;
	_ =	strace $0x9FFFFFFF  }
0xc5: {  	(tm) =	ssettm $0x7FFFFFFF  }
tec
execute0_lowered:
.L_overlay_start_1:
0x0: {  	(tag) =	ssettag $0x1  }
0x1: {  	s0 =	rddreg [dreg:$0x0]  }
0x2: {  	s12 =	rddreg [dreg:$0x1];
	s11 =	stileid.u32  }
0x3: {  	s1 =	srdreg.scid;
	s3 =	smul.u32 $0x13800, s11  }
0x4: {  	s13 =	rddreg [dreg:$0x2];
	s22 =	smul.u32 $0x4E000, s11  }
0x5: {  	s5 =	rddreg [dreg:$0x3];
	s6 =	simm.s32 $0x0;
	s9 =	smul.u32 $0x4C00, s11  }
0x6: {  	s28 =	simm.s32 $0x400;
	s2 =	sand.u32 $0x1, s1;
	s10 =	smul.u32 $0x980, s11  }
0x7: {  	[smem:$0x7FF] =	sst s6;
	s1 =	smul.u32 $0x138800, s2;
	s4 =	ssub.s32 $0x2, s2  }
0x8: {  	_ =	strace $0x80000047;
	s7 =	sshrl.u32 s4, $0x1;
	s8 =	sshrl.u32 s22, $0x2  }
0x9: {  	s9 =	sshrl.u32 s9, $0x3;
	s26 =	sadd.s32 s12, s10;
	s1 =	sadd.s32 s3, s1  }
0xa: {  	s3 =	ssub.s32 s4, s7;
	s23 =	sadd.s32 s8, s5;
	[dreg:$0x6] =	wrdreg s26  }
0xb: {  	s25 =	sadd.s32 $0x80, s9;
	s7 =	sadd.s32 s13, s10;
	[dreg:$0x5] =	wrdreg s23  }
0xc: {  	p0 =	seq.s32 s2, $0x1;
	[dreg:$0x7] =	wrdreg s7;
	s10 =	sadd.s32 s12, s25  }
0xd: {  	s14 =	sadd.s32 $0x100, s9;
	s2 =	sadd.s32 s13, s25;
	[dreg:$0x8] =	wrdreg s10  }
0xe: {  	s15 =	sadd.s32 $0x180, s9;
	s16 =	sadd.s32 s12, s14;
	[dreg:$0x9] =	wrdreg s2  }
0xf: {  	s24 =	sshll.u32 s11, $0x6;
	s17 =	sadd.s32 s12, s15;
	[dreg:$0xa] =	wrdreg s16  }
0x10: {  	s19 =	sadd.s32 $0x200, s9;
	s18 =	sadd.s32 s13, s15;
	[dreg:$0xc] =	wrdreg s17  }
0x11: {  	s20 =	sadd.s32 $0x280, s9;
	s21 =	sadd.s32 s12, s19;
	[dreg:$0xd] =	wrdreg s18  }
0x12: {  	s8 =	sor.u32 $0x1C03, s24;
	s22 =	sadd.s32 s12, s20;
	[dreg:$0xe] =	wrdreg s21  }
0x13: {  	s24 =	sadd.s32 $0x300, s9;
	s23 =	sadd.s32 s13, s20;
	[dreg:$0x10] =	wrdreg s22  }
0x14: {  	s29 =	simm.s32 $0x80;
	s26 =	sadd.s32 s12, s24;
	[dreg:$0x11] =	wrdreg s23  }
0x15: {  	s25 =	sadd.s32 $0x380, s9;
	s2 =	sadd.s32 s13, s14;
	[dreg:$0x12] =	wrdreg s26  }
0x16: {  	s30 =	simm.s32 $0x800;
	s7 =	sadd.s32 s12, s25;
	[dreg:$0xb] =	wrdreg s2  }
0x17: {  	s15 =	sadd.s32 $0x480, s9;
	s10 =	sadd.s32 s13, s25;
	[dreg:$0x14] =	wrdreg s7  }
0x18: {  	s31 =	simm.s32 $0x4800;
	s17 =	sadd.s32 s12, s15;
	[dreg:$0x15] =	wrdreg s10  }
0x19: {  	s20 =	sadd.s32 $0x580, s9;
	s18 =	sadd.s32 s13, s15;
	[dreg:$0x18] =	wrdreg s17  }
0x1a: {  	s1 =	sshrl.u32 s1, $0x3;
	s22 =	sadd.s32 s12, s20;
	[dreg:$0x19] =	wrdreg s18  }
0x1b: {  	s1 =	sadd.s32 s1, s12;
	s23 =	sadd.s32 s13, s20;
	[dreg:$0x1c] =	wrdreg s22  }
0x1c: {  	s14 =	sadd.s32 $0x400, s9;
	s2 =	sadd.s32 s13, s19;
	[dreg:$0x1d] =	wrdreg s23  }
0x1d: {  	s25 =	sadd.s32 $0x680, s9;
	s16 =	sadd.s32 s12, s14;
	[dreg:$0xf] =	wrdreg s2  }
0x1e: {  	s15 =	sadd.s32 $0x700, s9;
	s10 =	sadd.s32 s12, s25;
	[dreg:$0x16] =	wrdreg s16  }
0x1f: {  	s20 =	sadd.s32 $0x800, s9;
	s17 =	sadd.s32 s12, s15;
	[smem:$0x7F3] =	sst s10  }
0x20: {  	s19 =	sadd.s32 $0x500, s9;
	s22 =	sadd.s32 s12, s20;
	[smem:$0x7F5] =	sst s17  }
0x21: {  	s2 =	sadd.s32 s13, s24;
	s21 =	sadd.s32 s12, s19;
	[smem:$0x7F9] =	sst s22  }
0x22: {  	s24 =	sadd.s32 $0x600, s9;
	s16 =	sadd.s32 $0x780, s9;
	[dreg:$0x13] =	wrdreg s2  }
0x23: {  	s10 =	simm.s32 $0x480;
	s2 =	sadd.s32 s13, s14;
	[dreg:$0x1a] =	wrdreg s21  }
0x24: {  	s17 =	simm.s32 $0x300;
	s26 =	sadd.s32 s12, s24;
	[dreg:$0x17] =	wrdreg s2  }
0x25: {  	s14 =	sadd.s32 s13, s25;
	s18 =	sadd.s32 s12, s16;
	[dreg:$0x1e] =	wrdreg s26  }
0x26: {  	s21 =	sadd.s32 $0x880, s9;
	s25 =	sadd.s32 $0x900, s9;
	[smem:$0x7F4] =	sst s14  }
0x27: {  	s9 =	simm.s32 $0x2;
	s2 =	sadd.s32 s13, s19;
	[smem:$0x7F7] =	sst s18  }
0x28: {  	s19 =	sadd.s32 s13, s16;
	s23 =	sadd.s32 s12, s21;
	[smem:$0x7FD] =	sst s25  }
0x29: {  	s26 =	sshll.u32 s11, $0x7;
	s25 =	sadd.s32 $0xA000, s12;
	s11 =	simm.s32 $0x180  }
0x2a: {  	s12 =	simm.s32 $0x500;
	s14 =	simm.s32 $0x580;
	[dreg:$0x1b] =	wrdreg s2  }
0x2b: {  	s16 =	simm.s32 $0x600;
	s18 =	simm.s32 $0x680;
	[smem:$0x7F8] =	sst s19  }
0x2c: {  	s2 =	sadd.s32 s13, s24;
	[smem:$0x7FB] =	sst s23;
	s24 =	sadd.s32 s13, s21  }
0x2d: {  	s23 =	sadd.s32 $0xCA00, s1;
	s1 =	simm.s32 $0x100;
	s19 =	simm.s32 $0x380  }
.Ltmp0:
0x2e: {  	s21 =	simm.s32 $0x780;
	[dreg:$0x1f] =	wrdreg s2;
	(pc) =	sbr.rel .LBB2_1-.Ltmp0, $4  }
0x2f: {  	s2 =	sadd.s32 s13, s15;
	[smem:$0x7FC] =	sst s24;
	s24 =	smax.u32 s3, $0x1  }
0x30: {  	s3 =	simm.s32 $0x1;
	s15 =	simm.s32 $0x280;
	[smem:$0x7F6] =	sst s2  }
0x31: {  	s2 =	sadd.s32 s13, s20;
	s13 =	simm.s32 $0x200;
	s20 =	simm.s32 $0x700  }
0x32: {  	[smem:$0x7FA] =	sst s2;
	s2 =	sor.u32 $0x9800, s26;
	s26 =	simm.s32 $0x3  }
.LBB2_3:
0x33: {  	s7 =	rddreg [dreg:$0x1]  }
0x34: {  	s7 =	sadd.s32 s7, s22  }
0x35: {  	[tilespmem:s6], [sflag:$0x3] =	stream.linear.gather [hbm4b:s7+s6], $0x400, $0x38;
	[tilespmem:$0x1C0C0] =	vst v63  }
0x36: {  	_ =	swait.ge [sflag:s26], $0x400  }
0x37: {  	[sflag:s26] =	ssyncset.done $0x0  }
0x38: {  	s7 =	rddreg [dreg:$0x2]  }
0x39: {  	[sflag:s26] =	ssyncadd.s32 $0xFFFFFC00;
	s7 =	sadd.s32 s7, s22  }
0x3a: {  	[tilespmem:s28], [sflag:$0x3] =	stream.linear.gather [hbm4b:s7+s6], $0x400, $0x38;
	[tilespmem:$0x1C0C0] =	vst v63  }
0x3b: {  	_ =	swait.ge [sflag:s26], $0x400  }
0x3c: {  	[sflag:s26] =	ssyncset.done $0x0  }
0x3d: {  	[sflag:s26] =	ssyncadd.s32 $0xFFFFFC00  }
0x3e: {  	[tilespmem:s30], [sflag:$0x1] =	stream.indirect.gather [hbm4b:s0+s29], $0x80, s6, s29, $0xb8;
	[tilespmem:$0x1C0C0] =	vst v63  }
0x3f: {  	_ = 	snop  }
0x40: {  	[tilespmem:s31], [sflag:$0x2] =	stream.indirect.gather [hbm4b:s0+s29], $0x80, s29, s29, $0xb8;
	[tilespmem:$0x1C0C0] =	vst v63  }
0x41: {  	_ =	swait.ge [sflag:s3], $0x4000  }
0x42: {  	[sflag:s3] =	ssyncset.done $0x0  }
0x43: {  	[sflag:s3] =	ssyncadd.s32 $0xFFFFC000  }
0x44: {  	[spmem:s5] =	stream.indirect.scatter.add.f32 [tilespmem:s30], [sflag:$0x3], $0x80, s28, s29, $0xb8;
	[tilespmem:$0x1C0C0] =	vst v63  }
0x45: {  	_ =	swait.ge [sflag:s26], $0x4000  }
0x46: {  	[sflag:s26] =	ssyncset.done $0x0  }
0x47: {  	[sflag:s26] =	ssyncadd.s32 $0xFFFFC000  }
0x48: {  	[tilespmem:s30], [sflag:$0x1] =	stream.indirect.gather [hbm4b:s0+s29], $0x80, s1, s29, $0xb8;
	[tilespmem:$0x1C0C0] =	vst v63  }
0x49: {  	_ =	swait.ge [sflag:s9], $0x4000  }
0x4a: {  	[sflag:s9] =	ssyncset.done $0x0  }
0x4b: {  	[sflag:s9] =	ssyncadd.s32 $0xFFFFC000  }
0x4c: {  	[spmem:s5] =	stream.indirect.scatter.add.f32 [tilespmem:s31], [sflag:$0x3], $0x80, s10, s29, $0xb8;
	[tilespmem:$0x1C0C0] =	vst v63  }
0x4d: {  	_ =	swait.ge [sflag:s26], $0x4000  }
0x4e: {  	[sflag:s26] =	ssyncset.done $0x0  }
0x4f: {  	[sflag:s26] =	ssyncadd.s32 $0xFFFFC000  }
0x50: {  	[tilespmem:s31], [sflag:$0x2] =	stream.indirect.gather [hbm4b:s0+s29], $0x80, s11, s29, $0xb8;
	[tilespmem:$0x1C0C0] =	vst v63  }
0x51: {  	_ =	swait.ge [sflag:s3], $0x4000  }
0x52: {  	[sflag:s3] =	ssyncset.done $0x0  }
0x53: {  	[sflag:s3] =	ssyncadd.s32 $0xFFFFC000  }
0x54: {  	[spmem:s5] =	stream.indirect.scatter.add.f32 [tilespmem:s30], [sflag:$0x3], $0x80, s12, s29, $0xb8;
	[tilespmem:$0x1C0C0] =	vst v63  }
0x55: {  	_ =	swait.ge [sflag:s26], $0x4000  }
0x56: {  	[sflag:s26] =	ssyncset.done $0x0  }
0x57: {  	[sflag:s26] =	ssyncadd.s32 $0xFFFFC000  }
0x58: {  	[tilespmem:s30], [sflag:$0x1] =	stream.indirect.gather [hbm4b:s0+s29], $0x80, s13, s29, $0xb8;
	[tilespmem:$0x1C0C0] =	vst v63  }
0x59: {  	_ =	swait.ge [sflag:s9], $0x4000  }
0x5a: {  	[sflag:s9] =	ssyncset.done $0x0  }
0x5b: {  	[sflag:s9] =	ssyncadd.s32 $0xFFFFC000  }
0x5c: {  	[spmem:s5] =	stream.indirect.scatter.add.f32 [tilespmem:s31], [sflag:$0x3], $0x80, s14, s29, $0xb8;
	[tilespmem:$0x1C0C0] =	vst v63  }
0x5d: {  	_ =	swait.ge [sflag:s26], $0x4000  }
0x5e: {  	[sflag:s26] =	ssyncset.done $0x0  }
0x5f: {  	[sflag:s26] =	ssyncadd.s32 $0xFFFFC000  }
0x60: {  	[tilespmem:s31], [sflag:$0x2] =	stream.indirect.gather [hbm4b:s0+s29], $0x80, s15, s29, $0xb8;
	[tilespmem:$0x1C0C0] =	vst v63  }
0x61: {  	_ =	swait.ge [sflag:s3], $0x4000  }
0x62: {  	[sflag:s3] =	ssyncset.done $0x0  }
0x63: {  	[sflag:s3] =	ssyncadd.s32 $0xFFFFC000  }
0x64: {  	[spmem:s5] =	stream.indirect.scatter.add.f32 [tilespmem:s30], [sflag:$0x3], $0x80, s16, s29, $0xb8;
	[tilespmem:$0x1C0C0] =	vst v63  }
0x65: {  	_ =	swait.ge [sflag:s26], $0x4000  }
0x66: {  	[sflag:s26] =	ssyncset.done $0x0  }
0x67: {  	[sflag:s26] =	ssyncadd.s32 $0xFFFFC000  }
0x68: {  	[tilespmem:s30], [sflag:$0x1] =	stream.indirect.gather [hbm4b:s0+s29], $0x80, s17, s29, $0xb8;
	[tilespmem:$0x1C0C0] =	vst v63  }
0x69: {  	_ =	swait.ge [sflag:s9], $0x4000  }
0x6a: {  	[sflag:s9] =	ssyncset.done $0x0  }
0x6b: {  	[sflag:s9] =	ssyncadd.s32 $0xFFFFC000  }
0x6c: {  	[spmem:s5] =	stream.indirect.scatter.add.f32 [tilespmem:s31], [sflag:$0x3], $0x80, s18, s29, $0xb8;
	[tilespmem:$0x1C0C0] =	vst v63  }
0x6d: {  	_ =	swait.ge [sflag:s26], $0x4000  }
0x6e: {  	[sflag:s26] =	ssyncset.done $0x0  }
0x6f: {  	[sflag:s26] =	ssyncadd.s32 $0xFFFFC000  }
0x70: {  	[tilespmem:s31], [sflag:$0x2] =	stream.indirect.gather [hbm4b:s0+s29], $0x80, s19, s29, $0xb8;
	[tilespmem:$0x1C0C0] =	vst v63  }
0x71: {  	_ =	swait.ge [sflag:s3], $0x4000  }
0x72: {  	[sflag:s3] =	ssyncset.done $0x0  }
0x73: {  	[sflag:s3] =	ssyncadd.s32 $0xFFFFC000  }
0x74: {  	[spmem:s5] =	stream.indirect.scatter.add.f32 [tilespmem:s30], [sflag:$0x3], $0x80, s20, s29, $0xb8;
	[tilespmem:$0x1C0C0] =	vst v63  }
0x75: {  	_ =	swait.ge [sflag:s26], $0x4000  }
0x76: {  	[sflag:s26] =	ssyncset.done $0x0  }
0x77: {  	[sflag:s26] =	ssyncadd.s32 $0xFFFFC000  }
0x78: {  	_ =	swait.ge [sflag:s9], $0x4000  }
0x79: {  	[sflag:s9] =	ssyncset.done $0x0  }
0x7a: {  	[sflag:s9] =	ssyncadd.s32 $0xFFFFC000  }
0x7b: {  	[spmem:s5] =	stream.indirect.scatter.add.f32 [tilespmem:s31], [sflag:$0x3], $0x80, s21, s29, $0xb8;
	[tilespmem:$0x1C0C0] =	vst v63  }
0x7c: {  	_ =	swait.ge [sflag:s26], $0x4000  }
0x7d: {  	s24 =	sadd.s32 $0xFFFFFFFF, s24;
	[sflag:s26] =	ssyncset.done $0x0  }
0x7e: {  	p1 =	sne.s32 s24, $0x0;
	[sflag:s26] =	ssyncadd.s32 $0xFFFFC000  }
.Ltmp1:
0x7f: {  	[bflag:$0x0] =	sbarrier.arrive $0xFFFF;
	(pc) =	sbr.rel @!p1 .LBB2_4-.Ltmp1, $4  }
0x80: {  	[hbm:s23], [sflag:s8] =	dma.local [spmem:s4], $0x2800  }
0x81: {  	_ =	swait.ge [sflag:s26], $0x2800  }
0x82: {  	[sflag:s26] =	ssyncset.done $0x0  }
0x83: {  	[sflag:s26] =	ssyncadd.s32 $0xFFFFD800  }
.LBB2_1:
0x84: {  	s4 =	rddreg [dreg:$0x5]  }
0x85: {  	s4 =	sshrl.u32 s4, $0x3  }
0x86: {  	[spmem:s4], [sflag:s8] =	dma.local [hbm:s25], $0x2880  }
.Ltmp2:
0x87: {  	_ =	swait.ge [sflag:s26], $0x2880;
	(pc) =	sbr.rel @p0 .LBB2_3-.Ltmp2, $4  }
0x88: {  	[sflag:s26] =	ssyncset.done $0x0  }
0x89: {  	[sflag:s26] =	ssyncadd.s32 $0xFFFFD780  }
0x8a: {  	[bflag:$0x0] =	sbarrier.arrive $0xFFFF  }
0x8b: {  	s22 =	smov.u32 s2  }
0x8c: {  	s7 =	rddreg [dreg:$0x6]  }
0x8d: {  	[tilespmem:s6], [sflag:$0x3] =	stream.linear.gather [hbm4b:s7+s6], $0x400, $0x38;
	[tilespmem:$0x1C0C0] =	vst v63  }
0x8e: {  	_ =	swait.ge [sflag:s26], $0x400  }
0x8f: {  	[sflag:s26] =	ssyncset.done $0x0  }
0x90: {  	s22 =	rddreg [dreg:$0x7];
	[sflag:s26] =	ssyncadd.s32 $0xFFFFFC00  }
0x91: {  	[tilespmem:s28], [sflag:$0x3] =	stream.linear.gather [hbm4b:s22+s6], $0x400, $0x38;
	[tilespmem:$0x1C0C0] =	vst v63  }
0x92: {  	_ =	swait.ge [sflag:s26], $0x400  }
0x93: {  	[sflag:s26] =	ssyncset.done $0x0  }
0x94: {  	[sflag:s26] =	ssyncadd.s32 $0xFFFFFC00  }
0x95: {  	[tilespmem:s30], [sflag:$0x1] =	stream.indirect.gather [hbm4b:s0+s29], $0x80, s6, s29, $0xb8;
	[tilespmem:$0x1C0C0] =	vst v63  }
0x96: {  	_ = 	snop  }
0x97: {  	[tilespmem:s31], [sflag:$0x2] =	stream.indirect.gather [hbm4b:s0+s29], $0x80, s29, s29, $0xb8;
	[tilespmem:$0x1C0C0] =	vst v63  }
0x98: {  	_ =	swait.ge [sflag:s3], $0x4000  }
0x99: {  	[sflag:s3] =	ssyncset.done $0x0  }
0x9a: {  	[sflag:s3] =	ssyncadd.s32 $0xFFFFC000  }
0x9b: {  	[spmem:s5] =	stream.indirect.scatter.add.f32 [tilespmem:s30], [sflag:$0x3], $0x80, s28, s29, $0xb8;
	[tilespmem:$0x1C0C0] =	vst v63  }
0x9c: {  	_ =	swait.ge [sflag:s26], $0x4000  }
0x9d: {  	[sflag:s26] =	ssyncset.done $0x0  }
0x9e: {  	[sflag:s26] =	ssyncadd.s32 $0xFFFFC000  }
0x9f: {  	[tilespmem:s30], [sflag:$0x1] =	stream.indirect.gather [hbm4b:s0+s29], $0x80, s1, s29, $0xb8;
	[tilespmem:$0x1C0C0] =	vst v63  }
0xa0: {  	_ =	swait.ge [sflag:s9], $0x4000  }
0xa1: {  	[sflag:s9] =	ssyncset.done $0x0  }
0xa2: {  	[sflag:s9] =	ssyncadd.s32 $0xFFFFC000  }
0xa3: {  	[spmem:s5] =	stream.indirect.scatter.add.f32 [tilespmem:s31], [sflag:$0x3], $0x80, s10, s29, $0xb8;
	[tilespmem:$0x1C0C0] =	vst v63  }
0xa4: {  	_ =	swait.ge [sflag:s26], $0x4000  }
0xa5: {  	[sflag:s26] =	ssyncset.done $0x0  }
0xa6: {  	[sflag:s26] =	ssyncadd.s32 $0xFFFFC000  }
0xa7: {  	[tilespmem:s31], [sflag:$0x2] =	stream.indirect.gather [hbm4b:s0+s29], $0x80, s11, s29, $0xb8;
	[tilespmem:$0x1C0C0] =	vst v63  }
0xa8: {  	_ =	swait.ge [sflag:s3], $0x4000  }
0xa9: {  	[sflag:s3] =	ssyncset.done $0x0  }
0xaa: {  	[sflag:s3] =	ssyncadd.s32 $0xFFFFC000  }
0xab: {  	[spmem:s5] =	stream.indirect.scatter.add.f32 [tilespmem:s30], [sflag:$0x3], $0x80, s12, s29, $0xb8;
	[tilespmem:$0x1C0C0] =	vst v63  }
0xac: {  	_ =	swait.ge [sflag:s26], $0x4000  }
0xad: {  	[sflag:s26] =	ssyncset.done $0x0  }
0xae: {  	[sflag:s26] =	ssyncadd.s32 $0xFFFFC000  }
0xaf: {  	[tilespmem:s30], [sflag:$0x1] =	stream.indirect.gather [hbm4b:s0+s29], $0x80, s13, s29, $0xb8;
	[tilespmem:$0x1C0C0] =	vst v63  }
0xb0: {  	_ =	swait.ge [sflag:s9], $0x4000  }
0xb1: {  	[sflag:s9] =	ssyncset.done $0x0  }
0xb2: {  	[sflag:s9] =	ssyncadd.s32 $0xFFFFC000  }
0xb3: {  	[spmem:s5] =	stream.indirect.scatter.add.f32 [tilespmem:s31], [sflag:$0x3], $0x80, s14, s29, $0xb8;
	[tilespmem:$0x1C0C0] =	vst v63  }
0xb4: {  	_ =	swait.ge [sflag:s26], $0x4000  }
0xb5: {  	[sflag:s26] =	ssyncset.done $0x0  }
0xb6: {  	[sflag:s26] =	ssyncadd.s32 $0xFFFFC000  }
0xb7: {  	[tilespmem:s31], [sflag:$0x2] =	stream.indirect.gather [hbm4b:s0+s29], $0x80, s15, s29, $0xb8;
	[tilespmem:$0x1C0C0] =	vst v63  }
0xb8: {  	_ =	swait.ge [sflag:s3], $0x4000  }
0xb9: {  	[sflag:s3] =	ssyncset.done $0x0  }
0xba: {  	[sflag:s3] =	ssyncadd.s32 $0xFFFFC000  }
0xbb: {  	[spmem:s5] =	stream.indirect.scatter.add.f32 [tilespmem:s30], [sflag:$0x3], $0x80, s16, s29, $0xb8;
	[tilespmem:$0x1C0C0] =	vst v63  }
0xbc: {  	_ =	swait.ge [sflag:s26], $0x4000  }
0xbd: {  	[sflag:s26] =	ssyncset.done $0x0  }
0xbe: {  	[sflag:s26] =	ssyncadd.s32 $0xFFFFC000  }
0xbf: {  	[tilespmem:s30], [sflag:$0x1] =	stream.indirect.gather [hbm4b:s0+s29], $0x80, s17, s29, $0xb8;
	[tilespmem:$0x1C0C0] =	vst v63  }
0xc0: {  	_ =	swait.ge [sflag:s9], $0x4000  }
0xc1: {  	[sflag:s9] =	ssyncset.done $0x0  }
0xc2: {  	[sflag:s9] =	ssyncadd.s32 $0xFFFFC000  }
0xc3: {  	[spmem:s5] =	stream.indirect.scatter.add.f32 [tilespmem:s31], [sflag:$0x3], $0x80, s18, s29, $0xb8;
	[tilespmem:$0x1C0C0] =	vst v63  }
0xc4: {  	_ =	swait.ge [sflag:s26], $0x4000  }
0xc5: {  	[sflag:s26] =	ssyncset.done $0x0  }
0xc6: {  	[sflag:s26] =	ssyncadd.s32 $0xFFFFC000  }
0xc7: {  	[tilespmem:s31], [sflag:$0x2] =	stream.indirect.gather [hbm4b:s0+s29], $0x80, s19, s29, $0xb8;
	[tilespmem:$0x1C0C0] =	vst v63  }
0xc8: {  	_ =	swait.ge [sflag:s3], $0x4000  }
0xc9: {  	[sflag:s3] =	ssyncset.done $0x0  }
0xca: {  	[sflag:s3] =	ssyncadd.s32 $0xFFFFC000  }
0xcb: {  	[spmem:s5] =	stream.indirect.scatter.add.f32 [tilespmem:s30], [sflag:$0x3], $0x80, s20, s29, $0xb8;
	[tilespmem:$0x1C0C0] =	vst v63  }
0xcc: {  	_ =	swait.ge [sflag:s26], $0x4000  }
0xcd: {  	[sflag:s26] =	ssyncset.done $0x0  }
0xce: {  	[sflag:s26] =	ssyncadd.s32 $0xFFFFC000  }
0xcf: {  	_ =	swait.ge [sflag:s9], $0x4000  }
0xd0: {  	[sflag:s9] =	ssyncset.done $0x0  }
0xd1: {  	[sflag:s9] =	ssyncadd.s32 $0xFFFFC000  }
0xd2: {  	[spmem:s5] =	stream.indirect.scatter.add.f32 [tilespmem:s31], [sflag:$0x3], $0x80, s21, s29, $0xb8;
	[tilespmem:$0x1C0C0] =	vst v63  }
0xd3: {  	_ =	swait.ge [sflag:s26], $0x4000  }
0xd4: {  	[sflag:s26] =	ssyncset.done $0x0  }
0xd5: {  	s22 =	rddreg [dreg:$0x8];
	[sflag:s26] =	ssyncadd.s32 $0xFFFFC000  }
0xd6: {  	[tilespmem:s6], [sflag:$0x3] =	stream.linear.gather [hbm4b:s22+s6], $0x400, $0x38;
	[tilespmem:$0x1C0C0] =	vst v63  }
0xd7: {  	_ =	swait.ge [sflag:s26], $0x400  }
0xd8: {  	[sflag:s26] =	ssyncset.done $0x0  }
0xd9: {  	s22 =	rddreg [dreg:$0x9];
	[sflag:s26] =	ssyncadd.s32 $0xFFFFFC00  }
0xda: {  	[tilespmem:s28], [sflag:$0x3] =	stream.linear.gather [hbm4b:s22+s6], $0x400, $0x38;
	[tilespmem:$0x1C0C0] =	vst v63  }
0xdb: {  	_ =	swait.ge [sflag:s26], $0x400  }
0xdc: {  	[sflag:s26] =	ssyncset.done $0x0  }
0xdd: {  	[sflag:s26] =	ssyncadd.s32 $0xFFFFFC00  }
0xde: {  	[tilespmem:s30], [sflag:$0x1] =	stream.indirect.gather [hbm4b:s0+s29], $0x80, s6, s29, $0xb8;
	[tilespmem:$0x1C0C0] =	vst v63  }
0xdf: {  	_ = 	snop  }
0xe0: {  	[tilespmem:s31], [sflag:$0x2] =	stream.indirect.gather [hbm4b:s0+s29], $0x80, s29, s29, $0xb8;
	[tilespmem:$0x1C0C0] =	vst v63  }
0xe1: {  	_ =	swait.ge [sflag:s3], $0x4000  }
0xe2: {  	[sflag:s3] =	ssyncset.done $0x0  }
0xe3: {  	[sflag:s3] =	ssyncadd.s32 $0xFFFFC000  }
0xe4: {  	[spmem:s5] =	stream.indirect.scatter.add.f32 [tilespmem:s30], [sflag:$0x3], $0x80, s28, s29, $0xb8;
	[tilespmem:$0x1C0C0] =	vst v63  }
0xe5: {  	_ =	swait.ge [sflag:s26], $0x4000  }
0xe6: {  	[sflag:s26] =	ssyncset.done $0x0  }
0xe7: {  	[sflag:s26] =	ssyncadd.s32 $0xFFFFC000  }
0xe8: {  	[tilespmem:s30], [sflag:$0x1] =	stream.indirect.gather [hbm4b:s0+s29], $0x80, s1, s29, $0xb8;
	[tilespmem:$0x1C0C0] =	vst v63  }
0xe9: {  	_ =	swait.ge [sflag:s9], $0x4000  }
0xea: {  	[sflag:s9] =	ssyncset.done $0x0  }
0xeb: {  	[sflag:s9] =	ssyncadd.s32 $0xFFFFC000  }
0xec: {  	[spmem:s5] =	stream.indirect.scatter.add.f32 [tilespmem:s31], [sflag:$0x3], $0x80, s10, s29, $0xb8;
	[tilespmem:$0x1C0C0] =	vst v63  }
0xed: {  	_ =	swait.ge [sflag:s26], $0x4000  }
0xee: {  	[sflag:s26] =	ssyncset.done $0x0  }
0xef: {  	[sflag:s26] =	ssyncadd.s32 $0xFFFFC000  }
0xf0: {  	[tilespmem:s31], [sflag:$0x2] =	stream.indirect.gather [hbm4b:s0+s29], $0x80, s11, s29, $0xb8;
	[tilespmem:$0x1C0C0] =	vst v63  }
0xf1: {  	_ =	swait.ge [sflag:s3], $0x4000  }
0xf2: {  	[sflag:s3] =	ssyncset.done $0x0  }
0xf3: {  	[sflag:s3] =	ssyncadd.s32 $0xFFFFC000  }
0xf4: {  	[spmem:s5] =	stream.indirect.scatter.add.f32 [tilespmem:s30], [sflag:$0x3], $0x80, s12, s29, $0xb8;
	[tilespmem:$0x1C0C0] =	vst v63  }
0xf5: {  	_ =	swait.ge [sflag:s26], $0x4000  }
0xf6: {  	[sflag:s26] =	ssyncset.done $0x0  }
0xf7: {  	[sflag:s26] =	ssyncadd.s32 $0xFFFFC000  }
0xf8: {  	[tilespmem:s30], [sflag:$0x1] =	stream.indirect.gather [hbm4b:s0+s29], $0x80, s13, s29, $0xb8;
	[tilespmem:$0x1C0C0] =	vst v63  }
0xf9: {  	_ =	swait.ge [sflag:s9], $0x4000  }
0xfa: {  	[sflag:s9] =	ssyncset.done $0x0  }
0xfb: {  	[sflag:s9] =	ssyncadd.s32 $0xFFFFC000  }
0xfc: {  	[spmem:s5] =	stream.indirect.scatter.add.f32 [tilespmem:s31], [sflag:$0x3], $0x80, s14, s29, $0xb8;
	[tilespmem:$0x1C0C0] =	vst v63  }
0xfd: {  	_ =	swait.ge [sflag:s26], $0x4000  }
0xfe: {  	[sflag:s26] =	ssyncset.done $0x0  }
0xff: {  	[sflag:s26] =	ssyncadd.s32 $0xFFFFC000  }
0x100: {  	[tilespmem:s31], [sflag:$0x2] =	stream.indirect.gather [hbm4b:s0+s29], $0x80, s15, s29, $0xb8;
	[tilespmem:$0x1C0C0] =	vst v63  }
0x101: {  	_ =	swait.ge [sflag:s3], $0x4000  }
0x102: {  	[sflag:s3] =	ssyncset.done $0x0  }
0x103: {  	[sflag:s3] =	ssyncadd.s32 $0xFFFFC000  }
0x104: {  	[spmem:s5] =	stream.indirect.scatter.add.f32 [tilespmem:s30], [sflag:$0x3], $0x80, s16, s29, $0xb8;
	[tilespmem:$0x1C0C0] =	vst v63  }
0x105: {  	_ =	swait.ge [sflag:s26], $0x4000  }
0x106: {  	[sflag:s26] =	ssyncset.done $0x0  }
0x107: {  	[sflag:s26] =	ssyncadd.s32 $0xFFFFC000  }
0x108: {  	[tilespmem:s30], [sflag:$0x1] =	stream.indirect.gather [hbm4b:s0+s29], $0x80, s17, s29, $0xb8;
	[tilespmem:$0x1C0C0] =	vst v63  }
0x109: {  	_ =	swait.ge [sflag:s9], $0x4000  }
0x10a: {  	[sflag:s9] =	ssyncset.done $0x0  }
0x10b: {  	[sflag:s9] =	ssyncadd.s32 $0xFFFFC000  }
0x10c: {  	[spmem:s5] =	stream.indirect.scatter.add.f32 [tilespmem:s31], [sflag:$0x3], $0x80, s18, s29, $0xb8;
	[tilespmem:$0x1C0C0] =	vst v63  }
0x10d: {  	_ =	swait.ge [sflag:s26], $0x4000  }
0x10e: {  	[sflag:s26] =	ssyncset.done $0x0  }
0x10f: {  	[sflag:s26] =	ssyncadd.s32 $0xFFFFC000  }
0x110: {  	[tilespmem:s31], [sflag:$0x2] =	stream.indirect.gather [hbm4b:s0+s29], $0x80, s19, s29, $0xb8;
	[tilespmem:$0x1C0C0] =	vst v63  }
0x111: {  	_ =	swait.ge [sflag:s3], $0x4000  }
0x112: {  	[sflag:s3] =	ssyncset.done $0x0  }
0x113: {  	[sflag:s3] =	ssyncadd.s32 $0xFFFFC000  }
0x114: {  	[spmem:s5] =	stream.indirect.scatter.add.f32 [tilespmem:s30], [sflag:$0x3], $0x80, s20, s29, $0xb8;
	[tilespmem:$0x1C0C0] =	vst v63  }
0x115: {  	_ =	swait.ge [sflag:s26], $0x4000  }
0x116: {  	[sflag:s26] =	ssyncset.done $0x0  }
0x117: {  	[sflag:s26] =	ssyncadd.s32 $0xFFFFC000  }
0x118: {  	_ =	swait.ge [sflag:s9], $0x4000  }
0x119: {  	[sflag:s9] =	ssyncset.done $0x0  }
0x11a: {  	[sflag:s9] =	ssyncadd.s32 $0xFFFFC000  }
0x11b: {  	[spmem:s5] =	stream.indirect.scatter.add.f32 [tilespmem:s31], [sflag:$0x3], $0x80, s21, s29, $0xb8;
	[tilespmem:$0x1C0C0] =	vst v63  }
0x11c: {  	_ =	swait.ge [sflag:s26], $0x4000  }
0x11d: {  	[sflag:s26] =	ssyncset.done $0x0  }
0x11e: {  	s22 =	rddreg [dreg:$0xa];
	[sflag:s26] =	ssyncadd.s32 $0xFFFFC000  }
0x11f: {  	[tilespmem:s6], [sflag:$0x3] =	stream.linear.gather [hbm4b:s22+s6], $0x400, $0x38;
	[tilespmem:$0x1C0C0] =	vst v63  }
0x120: {  	_ =	swait.ge [sflag:s26], $0x400  }
0x121: {  	[sflag:s26] =	ssyncset.done $0x0  }
0x122: {  	s22 =	rddreg [dreg:$0xb];
	[sflag:s26] =	ssyncadd.s32 $0xFFFFFC00  }
0x123: {  	[tilespmem:s28], [sflag:$0x3] =	stream.linear.gather [hbm4b:s22+s6], $0x400, $0x38;
	[tilespmem:$0x1C0C0] =	vst v63  }
0x124: {  	_ =	swait.ge [sflag:s26], $0x400  }
0x125: {  	[sflag:s26] =	ssyncset.done $0x0  }
0x126: {  	[sflag:s26] =	ssyncadd.s32 $0xFFFFFC00  }
0x127: {  	[tilespmem:s30], [sflag:$0x1] =	stream.indirect.gather [hbm4b:s0+s29], $0x80, s6, s29, $0xb8;
	[tilespmem:$0x1C0C0] =	vst v63  }
0x128: {  	_ = 	snop  }
0x129: {  	[tilespmem:s31], [sflag:$0x2] =	stream.indirect.gather [hbm4b:s0+s29], $0x80, s29, s29, $0xb8;
	[tilespmem:$0x1C0C0] =	vst v63  }
0x12a: {  	_ =	swait.ge [sflag:s3], $0x4000  }
0x12b: {  	[sflag:s3] =	ssyncset.done $0x0  }
0x12c: {  	[sflag:s3] =	ssyncadd.s32 $0xFFFFC000  }
0x12d: {  	[spmem:s5] =	stream.indirect.scatter.add.f32 [tilespmem:s30], [sflag:$0x3], $0x80, s28, s29, $0xb8;
	[tilespmem:$0x1C0C0] =	vst v63  }
0x12e: {  	_ =	swait.ge [sflag:s26], $0x4000  }
0x12f: {  	[sflag:s26] =	ssyncset.done $0x0  }
0x130: {  	[sflag:s26] =	ssyncadd.s32 $0xFFFFC000  }
0x131: {  	[tilespmem:s30], [sflag:$0x1] =	stream.indirect.gather [hbm4b:s0+s29], $0x80, s1, s29, $0xb8;
	[tilespmem:$0x1C0C0] =	vst v63  }
0x132: {  	_ =	swait.ge [sflag:s9], $0x4000  }
0x133: {  	[sflag:s9] =	ssyncset.done $0x0  }
0x134: {  	[sflag:s9] =	ssyncadd.s32 $0xFFFFC000  }
0x135: {  	[spmem:s5] =	stream.indirect.scatter.add.f32 [tilespmem:s31], [sflag:$0x3], $0x80, s10, s29, $0xb8;
	[tilespmem:$0x1C0C0] =	vst v63  }
0x136: {  	_ =	swait.ge [sflag:s26], $0x4000  }
0x137: {  	[sflag:s26] =	ssyncset.done $0x0  }
0x138: {  	[sflag:s26] =	ssyncadd.s32 $0xFFFFC000  }
0x139: {  	[tilespmem:s31], [sflag:$0x2] =	stream.indirect.gather [hbm4b:s0+s29], $0x80, s11, s29, $0xb8;
	[tilespmem:$0x1C0C0] =	vst v63  }
0x13a: {  	_ =	swait.ge [sflag:s3], $0x4000  }
0x13b: {  	[sflag:s3] =	ssyncset.done $0x0  }
0x13c: {  	[sflag:s3] =	ssyncadd.s32 $0xFFFFC000  }
0x13d: {  	[spmem:s5] =	stream.indirect.scatter.add.f32 [tilespmem:s30], [sflag:$0x3], $0x80, s12, s29, $0xb8;
	[tilespmem:$0x1C0C0] =	vst v63  }
0x13e: {  	_ =	swait.ge [sflag:s26], $0x4000  }
0x13f: {  	[sflag:s26] =	ssyncset.done $0x0  }
0x140: {  	[sflag:s26] =	ssyncadd.s32 $0xFFFFC000  }
0x141: {  	[tilespmem:s30], [sflag:$0x1] =	stream.indirect.gather [hbm4b:s0+s29], $0x80, s13, s29, $0xb8;
	[tilespmem:$0x1C0C0] =	vst v63  }
0x142: {  	_ =	swait.ge [sflag:s9], $0x4000  }
0x143: {  	[sflag:s9] =	ssyncset.done $0x0  }
0x144: {  	[sflag:s9] =	ssyncadd.s32 $0xFFFFC000  }
0x145: {  	[spmem:s5] =	stream.indirect.scatter.add.f32 [tilespmem:s31], [sflag:$0x3], $0x80, s14, s29, $0xb8;
	[tilespmem:$0x1C0C0] =	vst v63  }
0x146: {  	_ =	swait.ge [sflag:s26], $0x4000  }
0x147: {  	[sflag:s26] =	ssyncset.done $0x0  }
0x148: {  	[sflag:s26] =	ssyncadd.s32 $0xFFFFC000  }
0x149: {  	[tilespmem:s31], [sflag:$0x2] =	stream.indirect.gather [hbm4b:s0+s29], $0x80, s15, s29, $0xb8;
	[tilespmem:$0x1C0C0] =	vst v63  }
0x14a: {  	_ =	swait.ge [sflag:s3], $0x4000  }
0x14b: {  	[sflag:s3] =	ssyncset.done $0x0  }
0x14c: {  	[sflag:s3] =	ssyncadd.s32 $0xFFFFC000  }
0x14d: {  	[spmem:s5] =	stream.indirect.scatter.add.f32 [tilespmem:s30], [sflag:$0x3], $0x80, s16, s29, $0xb8;
	[tilespmem:$0x1C0C0] =	vst v63  }
0x14e: {  	_ =	swait.ge [sflag:s26], $0x4000  }
0x14f: {  	[sflag:s26] =	ssyncset.done $0x0  }
0x150: {  	[sflag:s26] =	ssyncadd.s32 $0xFFFFC000  }
0x151: {  	[tilespmem:s30], [sflag:$0x1] =	stream.indirect.gather [hbm4b:s0+s29], $0x80, s17, s29, $0xb8;
	[tilespmem:$0x1C0C0] =	vst v63  }
0x152: {  	_ =	swait.ge [sflag:s9], $0x4000  }
0x153: {  	[sflag:s9] =	ssyncset.done $0x0  }
0x154: {  	[sflag:s9] =	ssyncadd.s32 $0xFFFFC000  }
0x155: {  	[spmem:s5] =	stream.indirect.scatter.add.f32 [tilespmem:s31], [sflag:$0x3], $0x80, s18, s29, $0xb8;
	[tilespmem:$0x1C0C0] =	vst v63  }
0x156: {  	_ =	swait.ge [sflag:s26], $0x4000  }
0x157: {  	[sflag:s26] =	ssyncset.done $0x0  }
0x158: {  	[sflag:s26] =	ssyncadd.s32 $0xFFFFC000  }
0x159: {  	[tilespmem:s31], [sflag:$0x2] =	stream.indirect.gather [hbm4b:s0+s29], $0x80, s19, s29, $0xb8;
	[tilespmem:$0x1C0C0] =	vst v63  }
0x15a: {  	_ =	swait.ge [sflag:s3], $0x4000  }
0x15b: {  	[sflag:s3] =	ssyncset.done $0x0  }
0x15c: {  	[sflag:s3] =	ssyncadd.s32 $0xFFFFC000  }
0x15d: {  	[spmem:s5] =	stream.indirect.scatter.add.f32 [tilespmem:s30], [sflag:$0x3], $0x80, s20, s29, $0xb8;
	[tilespmem:$0x1C0C0] =	vst v63  }
0x15e: {  	_ =	swait.ge [sflag:s26], $0x4000  }
0x15f: {  	[sflag:s26] =	ssyncset.done $0x0  }
0x160: {  	[sflag:s26] =	ssyncadd.s32 $0xFFFFC000  }
0x161: {  	_ =	swait.ge [sflag:s9], $0x4000  }
0x162: {  	[sflag:s9] =	ssyncset.done $0x0  }
0x163: {  	[sflag:s9] =	ssyncadd.s32 $0xFFFFC000  }
0x164: {  	[spmem:s5] =	stream.indirect.scatter.add.f32 [tilespmem:s31], [sflag:$0x3], $0x80, s21, s29, $0xb8;
	[tilespmem:$0x1C0C0] =	vst v63  }
0x165: {  	_ =	swait.ge [sflag:s26], $0x4000  }
0x166: {  	[sflag:s26] =	ssyncset.done $0x0  }
0x167: {  	s22 =	rddreg [dreg:$0xc];
	[sflag:s26] =	ssyncadd.s32 $0xFFFFC000  }
0x168: {  	[tilespmem:s6], [sflag:$0x3] =	stream.linear.gather [hbm4b:s22+s6], $0x400, $0x38;
	[tilespmem:$0x1C0C0] =	vst v63  }
0x169: {  	_ =	swait.ge [sflag:s26], $0x400  }
0x16a: {  	[sflag:s26] =	ssyncset.done $0x0  }
0x16b: {  	s22 =	rddreg [dreg:$0xd];
	[sflag:s26] =	ssyncadd.s32 $0xFFFFFC00  }
0x16c: {  	[tilespmem:s28], [sflag:$0x3] =	stream.linear.gather [hbm4b:s22+s6], $0x400, $0x38;
	[tilespmem:$0x1C0C0] =	vst v63  }
0x16d: {  	_ =	swait.ge [sflag:s26], $0x400  }
0x16e: {  	[sflag:s26] =	ssyncset.done $0x0  }
0x16f: {  	[sflag:s26] =	ssyncadd.s32 $0xFFFFFC00  }
0x170: {  	[tilespmem:s30], [sflag:$0x1] =	stream.indirect.gather [hbm4b:s0+s29], $0x80, s6, s29, $0xb8;
	[tilespmem:$0x1C0C0] =	vst v63  }
0x171: {  	_ = 	snop  }
0x172: {  	[tilespmem:s31], [sflag:$0x2] =	stream.indirect.gather [hbm4b:s0+s29], $0x80, s29, s29, $0xb8;
	[tilespmem:$0x1C0C0] =	vst v63  }
0x173: {  	_ =	swait.ge [sflag:s3], $0x4000  }
0x174: {  	[sflag:s3] =	ssyncset.done $0x0  }
0x175: {  	[sflag:s3] =	ssyncadd.s32 $0xFFFFC000  }
0x176: {  	[spmem:s5] =	stream.indirect.scatter.add.f32 [tilespmem:s30], [sflag:$0x3], $0x80, s28, s29, $0xb8;
	[tilespmem:$0x1C0C0] =	vst v63  }
0x177: {  	_ =	swait.ge [sflag:s26], $0x4000  }
0x178: {  	[sflag:s26] =	ssyncset.done $0x0  }
0x179: {  	[sflag:s26] =	ssyncadd.s32 $0xFFFFC000  }
0x17a: {  	[tilespmem:s30], [sflag:$0x1] =	stream.indirect.gather [hbm4b:s0+s29], $0x80, s1, s29, $0xb8;
	[tilespmem:$0x1C0C0] =	vst v63  }
0x17b: {  	_ =	swait.ge [sflag:s9], $0x4000  }
0x17c: {  	[sflag:s9] =	ssyncset.done $0x0  }
0x17d: {  	[sflag:s9] =	ssyncadd.s32 $0xFFFFC000  }
0x17e: {  	[spmem:s5] =	stream.indirect.scatter.add.f32 [tilespmem:s31], [sflag:$0x3], $0x80, s10, s29, $0xb8;
	[tilespmem:$0x1C0C0] =	vst v63  }
0x17f: {  	_ =	swait.ge [sflag:s26], $0x4000  }
0x180: {  	[sflag:s26] =	ssyncset.done $0x0  }
0x181: {  	[sflag:s26] =	ssyncadd.s32 $0xFFFFC000  }
0x182: {  	[tilespmem:s31], [sflag:$0x2] =	stream.indirect.gather [hbm4b:s0+s29], $0x80, s11, s29, $0xb8;
	[tilespmem:$0x1C0C0] =	vst v63  }
0x183: {  	_ =	swait.ge [sflag:s3], $0x4000  }
0x184: {  	[sflag:s3] =	ssyncset.done $0x0  }
0x185: {  	[sflag:s3] =	ssyncadd.s32 $0xFFFFC000  }
0x186: {  	[spmem:s5] =	stream.indirect.scatter.add.f32 [tilespmem:s30], [sflag:$0x3], $0x80, s12, s29, $0xb8;
	[tilespmem:$0x1C0C0] =	vst v63  }
0x187: {  	_ =	swait.ge [sflag:s26], $0x4000  }
0x188: {  	[sflag:s26] =	ssyncset.done $0x0  }
0x189: {  	[sflag:s26] =	ssyncadd.s32 $0xFFFFC000  }
0x18a: {  	[tilespmem:s30], [sflag:$0x1] =	stream.indirect.gather [hbm4b:s0+s29], $0x80, s13, s29, $0xb8;
	[tilespmem:$0x1C0C0] =	vst v63  }
0x18b: {  	_ =	swait.ge [sflag:s9], $0x4000  }
0x18c: {  	[sflag:s9] =	ssyncset.done $0x0  }
0x18d: {  	[sflag:s9] =	ssyncadd.s32 $0xFFFFC000  }
0x18e: {  	[spmem:s5] =	stream.indirect.scatter.add.f32 [tilespmem:s31], [sflag:$0x3], $0x80, s14, s29, $0xb8;
	[tilespmem:$0x1C0C0] =	vst v63  }
0x18f: {  	_ =	swait.ge [sflag:s26], $0x4000  }
0x190: {  	[sflag:s26] =	ssyncset.done $0x0  }
0x191: {  	[sflag:s26] =	ssyncadd.s32 $0xFFFFC000  }
0x192: {  	[tilespmem:s31], [sflag:$0x2] =	stream.indirect.gather [hbm4b:s0+s29], $0x80, s15, s29, $0xb8;
	[tilespmem:$0x1C0C0] =	vst v63  }
0x193: {  	_ =	swait.ge [sflag:s3], $0x4000  }
0x194: {  	[sflag:s3] =	ssyncset.done $0x0  }
0x195: {  	[sflag:s3] =	ssyncadd.s32 $0xFFFFC000  }
0x196: {  	[spmem:s5] =	stream.indirect.scatter.add.f32 [tilespmem:s30], [sflag:$0x3], $0x80, s16, s29, $0xb8;
	[tilespmem:$0x1C0C0] =	vst v63  }
0x197: {  	_ =	swait.ge [sflag:s26], $0x4000  }
0x198: {  	[sflag:s26] =	ssyncset.done $0x0  }
0x199: {  	[sflag:s26] =	ssyncadd.s32 $0xFFFFC000  }
0x19a: {  	[tilespmem:s30], [sflag:$0x1] =	stream.indirect.gather [hbm4b:s0+s29], $0x80, s17, s29, $0xb8;
	[tilespmem:$0x1C0C0] =	vst v63  }
0x19b: {  	_ =	swait.ge [sflag:s9], $0x4000  }
0x19c: {  	[sflag:s9] =	ssyncset.done $0x0  }
0x19d: {  	[sflag:s9] =	ssyncadd.s32 $0xFFFFC000  }
0x19e: {  	[spmem:s5] =	stream.indirect.scatter.add.f32 [tilespmem:s31], [sflag:$0x3], $0x80, s18, s29, $0xb8;
	[tilespmem:$0x1C0C0] =	vst v63  }
0x19f: {  	_ =	swait.ge [sflag:s26], $0x4000  }
0x1a0: {  	[sflag:s26] =	ssyncset.done $0x0  }
0x1a1: {  	[sflag:s26] =	ssyncadd.s32 $0xFFFFC000  }
0x1a2: {  	[tilespmem:s31], [sflag:$0x2] =	stream.indirect.gather [hbm4b:s0+s29], $0x80, s19, s29, $0xb8;
	[tilespmem:$0x1C0C0] =	vst v63  }
0x1a3: {  	_ =	swait.ge [sflag:s3], $0x4000  }
0x1a4: {  	[sflag:s3] =	ssyncset.done $0x0  }
0x1a5: {  	[sflag:s3] =	ssyncadd.s32 $0xFFFFC000  }
0x1a6: {  	[spmem:s5] =	stream.indirect.scatter.add.f32 [tilespmem:s30], [sflag:$0x3], $0x80, s20, s29, $0xb8;
	[tilespmem:$0x1C0C0] =	vst v63  }
0x1a7: {  	_ =	swait.ge [sflag:s26], $0x4000  }
0x1a8: {  	[sflag:s26] =	ssyncset.done $0x0  }
0x1a9: {  	[sflag:s26] =	ssyncadd.s32 $0xFFFFC000  }
0x1aa: {  	_ =	swait.ge [sflag:s9], $0x4000  }
0x1ab: {  	[sflag:s9] =	ssyncset.done $0x0  }
0x1ac: {  	[sflag:s9] =	ssyncadd.s32 $0xFFFFC000  }
0x1ad: {  	[spmem:s5] =	stream.indirect.scatter.add.f32 [tilespmem:s31], [sflag:$0x3], $0x80, s21, s29, $0xb8;
	[tilespmem:$0x1C0C0] =	vst v63  }
0x1ae: {  	_ =	swait.ge [sflag:s26], $0x4000  }
0x1af: {  	[sflag:s26] =	ssyncset.done $0x0  }
0x1b0: {  	s22 =	rddreg [dreg:$0xe];
	[sflag:s26] =	ssyncadd.s32 $0xFFFFC000  }
0x1b1: {  	[tilespmem:s6], [sflag:$0x3] =	stream.linear.gather [hbm4b:s22+s6], $0x400, $0x38;
	[tilespmem:$0x1C0C0] =	vst v63  }
0x1b2: {  	_ =	swait.ge [sflag:s26], $0x400  }
0x1b3: {  	[sflag:s26] =	ssyncset.done $0x0  }
0x1b4: {  	s22 =	rddreg [dreg:$0xf];
	[sflag:s26] =	ssyncadd.s32 $0xFFFFFC00  }
0x1b5: {  	[tilespmem:s28], [sflag:$0x3] =	stream.linear.gather [hbm4b:s22+s6], $0x400, $0x38;
	[tilespmem:$0x1C0C0] =	vst v63  }
0x1b6: {  	_ =	swait.ge [sflag:s26], $0x400  }
0x1b7: {  	[sflag:s26] =	ssyncset.done $0x0  }
0x1b8: {  	[sflag:s26] =	ssyncadd.s32 $0xFFFFFC00  }
0x1b9: {  	[tilespmem:s30], [sflag:$0x1] =	stream.indirect.gather [hbm4b:s0+s29], $0x80, s6, s29, $0xb8;
	[tilespmem:$0x1C0C0] =	vst v63  }
0x1ba: {  	_ = 	snop  }
0x1bb: {  	[tilespmem:s31], [sflag:$0x2] =	stream.indirect.gather [hbm4b:s0+s29], $0x80, s29, s29, $0xb8;
	[tilespmem:$0x1C0C0] =	vst v63  }
0x1bc: {  	_ =	swait.ge [sflag:s3], $0x4000  }
0x1bd: {  	[sflag:s3] =	ssyncset.done $0x0  }
0x1be: {  	[sflag:s3] =	ssyncadd.s32 $0xFFFFC000  }
0x1bf: {  	[spmem:s5] =	stream.indirect.scatter.add.f32 [tilespmem:s30], [sflag:$0x3], $0x80, s28, s29, $0xb8;
	[tilespmem:$0x1C0C0] =	vst v63  }
0x1c0: {  	_ =	swait.ge [sflag:s26], $0x4000  }
0x1c1: {  	[sflag:s26] =	ssyncset.done $0x0  }
0x1c2: {  	[sflag:s26] =	ssyncadd.s32 $0xFFFFC000  }
0x1c3: {  	[tilespmem:s30], [sflag:$0x1] =	stream.indirect.gather [hbm4b:s0+s29], $0x80, s1, s29, $0xb8;
	[tilespmem:$0x1C0C0] =	vst v63  }
0x1c4: {  	_ =	swait.ge [sflag:s9], $0x4000  }
0x1c5: {  	[sflag:s9] =	ssyncset.done $0x0  }
0x1c6: {  	[sflag:s9] =	ssyncadd.s32 $0xFFFFC000  }
0x1c7: {  	[spmem:s5] =	stream.indirect.scatter.add.f32 [tilespmem:s31], [sflag:$0x3], $0x80, s10, s29, $0xb8;
	[tilespmem:$0x1C0C0] =	vst v63  }
0x1c8: {  	_ =	swait.ge [sflag:s26], $0x4000  }
0x1c9: {  	[sflag:s26] =	ssyncset.done $0x0  }
0x1ca: {  	[sflag:s26] =	ssyncadd.s32 $0xFFFFC000  }
0x1cb: {  	[tilespmem:s31], [sflag:$0x2] =	stream.indirect.gather [hbm4b:s0+s29], $0x80, s11, s29, $0xb8;
	[tilespmem:$0x1C0C0] =	vst v63  }
0x1cc: {  	_ =	swait.ge [sflag:s3], $0x4000  }
0x1cd: {  	[sflag:s3] =	ssyncset.done $0x0  }
0x1ce: {  	[sflag:s3] =	ssyncadd.s32 $0xFFFFC000  }
0x1cf: {  	[spmem:s5] =	stream.indirect.scatter.add.f32 [tilespmem:s30], [sflag:$0x3], $0x80, s12, s29, $0xb8;
	[tilespmem:$0x1C0C0] =	vst v63  }
0x1d0: {  	_ =	swait.ge [sflag:s26], $0x4000  }
0x1d1: {  	[sflag:s26] =	ssyncset.done $0x0  }
0x1d2: {  	[sflag:s26] =	ssyncadd.s32 $0xFFFFC000  }
0x1d3: {  	[tilespmem:s30], [sflag:$0x1] =	stream.indirect.gather [hbm4b:s0+s29], $0x80, s13, s29, $0xb8;
	[tilespmem:$0x1C0C0] =	vst v63  }
0x1d4: {  	_ =	swait.ge [sflag:s9], $0x4000  }
0x1d5: {  	[sflag:s9] =	ssyncset.done $0x0  }
0x1d6: {  	[sflag:s9] =	ssyncadd.s32 $0xFFFFC000  }
0x1d7: {  	[spmem:s5] =	stream.indirect.scatter.add.f32 [tilespmem:s31], [sflag:$0x3], $0x80, s14, s29, $0xb8;
	[tilespmem:$0x1C0C0] =	vst v63  }
0x1d8: {  	_ =	swait.ge [sflag:s26], $0x4000  }
0x1d9: {  	[sflag:s26] =	ssyncset.done $0x0  }
0x1da: {  	[sflag:s26] =	ssyncadd.s32 $0xFFFFC000  }
0x1db: {  	[tilespmem:s31], [sflag:$0x2] =	stream.indirect.gather [hbm4b:s0+s29], $0x80, s15, s29, $0xb8;
	[tilespmem:$0x1C0C0] =	vst v63  }
0x1dc: {  	_ =	swait.ge [sflag:s3], $0x4000  }
0x1dd: {  	[sflag:s3] =	ssyncset.done $0x0  }
0x1de: {  	[sflag:s3] =	ssyncadd.s32 $0xFFFFC000  }
0x1df: {  	[spmem:s5] =	stream.indirect.scatter.add.f32 [tilespmem:s30], [sflag:$0x3], $0x80, s16, s29, $0xb8;
	[tilespmem:$0x1C0C0] =	vst v63  }
0x1e0: {  	_ =	swait.ge [sflag:s26], $0x4000  }
0x1e1: {  	[sflag:s26] =	ssyncset.done $0x0  }
0x1e2: {  	[sflag:s26] =	ssyncadd.s32 $0xFFFFC000  }
0x1e3: {  	[tilespmem:s30], [sflag:$0x1] =	stream.indirect.gather [hbm4b:s0+s29], $0x80, s17, s29, $0xb8;
	[tilespmem:$0x1C0C0] =	vst v63  }
0x1e4: {  	_ =	swait.ge [sflag:s9], $0x4000  }
0x1e5: {  	[sflag:s9] =	ssyncset.done $0x0  }
0x1e6: {  	[sflag:s9] =	ssyncadd.s32 $0xFFFFC000  }
0x1e7: {  	[spmem:s5] =	stream.indirect.scatter.add.f32 [tilespmem:s31], [sflag:$0x3], $0x80, s18, s29, $0xb8;
	[tilespmem:$0x1C0C0] =	vst v63  }
0x1e8: {  	_ =	swait.ge [sflag:s26], $0x4000  }
0x1e9: {  	[sflag:s26] =	ssyncset.done $0x0  }
0x1ea: {  	[sflag:s26] =	ssyncadd.s32 $0xFFFFC000  }
0x1eb: {  	[tilespmem:s31], [sflag:$0x2] =	stream.indirect.gather [hbm4b:s0+s29], $0x80, s19, s29, $0xb8;
	[tilespmem:$0x1C0C0] =	vst v63  }
0x1ec: {  	_ =	swait.ge [sflag:s3], $0x4000  }
0x1ed: {  	[sflag:s3] =	ssyncset.done $0x0  }
0x1ee: {  	[sflag:s3] =	ssyncadd.s32 $0xFFFFC000  }
0x1ef: {  	[spmem:s5] =	stream.indirect.scatter.add.f32 [tilespmem:s30], [sflag:$0x3], $0x80, s20, s29, $0xb8;
	[tilespmem:$0x1C0C0] =	vst v63  }
0x1f0: {  	_ =	swait.ge [sflag:s26], $0x4000  }
0x1f1: {  	[sflag:s26] =	ssyncset.done $0x0  }
0x1f2: {  	[sflag:s26] =	ssyncadd.s32 $0xFFFFC000  }
0x1f3: {  	_ =	swait.ge [sflag:s9], $0x4000  }
0x1f4: {  	[sflag:s9] =	ssyncset.done $0x0  }
0x1f5: {  	[sflag:s9] =	ssyncadd.s32 $0xFFFFC000  }
0x1f6: {  	[spmem:s5] =	stream.indirect.scatter.add.f32 [tilespmem:s31], [sflag:$0x3], $0x80, s21, s29, $0xb8;
	[tilespmem:$0x1C0C0] =	vst v63  }
0x1f7: {  	_ =	swait.ge [sflag:s26], $0x4000  }
0x1f8: {  	[sflag:s26] =	ssyncset.done $0x0  }
0x1f9: {  	s22 =	rddreg [dreg:$0x10];
	[sflag:s26] =	ssyncadd.s32 $0xFFFFC000  }
0x1fa: {  	[tilespmem:s6], [sflag:$0x3] =	stream.linear.gather [hbm4b:s22+s6], $0x400, $0x38;
	[tilespmem:$0x1C0C0] =	vst v63  }
0x1fb: {  	_ =	swait.ge [sflag:s26], $0x400  }
0x1fc: {  	[sflag:s26] =	ssyncset.done $0x0  }
0x1fd: {  	s22 =	rddreg [dreg:$0x11];
	[sflag:s26] =	ssyncadd.s32 $0xFFFFFC00  }
0x1fe: {  	[tilespmem:s28], [sflag:$0x3] =	stream.linear.gather [hbm4b:s22+s6], $0x400, $0x38;
	[tilespmem:$0x1C0C0] =	vst v63  }
0x1ff: {  	_ =	swait.ge [sflag:s26], $0x400  }
0x200: {  	[sflag:s26] =	ssyncset.done $0x0  }
0x201: {  	[sflag:s26] =	ssyncadd.s32 $0xFFFFFC00  }
0x202: {  	[tilespmem:s30], [sflag:$0x1] =	stream.indirect.gather [hbm4b:s0+s29], $0x80, s6, s29, $0xb8;
	[tilespmem:$0x1C0C0] =	vst v63  }
0x203: {  	_ = 	snop  }
0x204: {  	[tilespmem:s31], [sflag:$0x2] =	stream.indirect.gather [hbm4b:s0+s29], $0x80, s29, s29, $0xb8;
	[tilespmem:$0x1C0C0] =	vst v63  }
0x205: {  	_ =	swait.ge [sflag:s3], $0x4000  }
0x206: {  	[sflag:s3] =	ssyncset.done $0x0  }
0x207: {  	[sflag:s3] =	ssyncadd.s32 $0xFFFFC000  }
0x208: {  	[spmem:s5] =	stream.indirect.scatter.add.f32 [tilespmem:s30], [sflag:$0x3], $0x80, s28, s29, $0xb8;
	[tilespmem:$0x1C0C0] =	vst v63  }
0x209: {  	_ =	swait.ge [sflag:s26], $0x4000  }
0x20a: {  	[sflag:s26] =	ssyncset.done $0x0  }
0x20b: {  	[sflag:s26] =	ssyncadd.s32 $0xFFFFC000  }
0x20c: {  	[tilespmem:s30], [sflag:$0x1] =	stream.indirect.gather [hbm4b:s0+s29], $0x80, s1, s29, $0xb8;
	[tilespmem:$0x1C0C0] =	vst v63  }
0x20d: {  	_ =	swait.ge [sflag:s9], $0x4000  }
0x20e: {  	[sflag:s9] =	ssyncset.done $0x0  }
0x20f: {  	[sflag:s9] =	ssyncadd.s32 $0xFFFFC000  }
0x210: {  	[spmem:s5] =	stream.indirect.scatter.add.f32 [tilespmem:s31], [sflag:$0x3], $0x80, s10, s29, $0xb8;
	[tilespmem:$0x1C0C0] =	vst v63  }
0x211: {  	_ =	swait.ge [sflag:s26], $0x4000  }
0x212: {  	[sflag:s26] =	ssyncset.done $0x0  }
0x213: {  	[sflag:s26] =	ssyncadd.s32 $0xFFFFC000  }
0x214: {  	[tilespmem:s31], [sflag:$0x2] =	stream.indirect.gather [hbm4b:s0+s29], $0x80, s11, s29, $0xb8;
	[tilespmem:$0x1C0C0] =	vst v63  }
0x215: {  	_ =	swait.ge [sflag:s3], $0x4000  }
0x216: {  	[sflag:s3] =	ssyncset.done $0x0  }
0x217: {  	[sflag:s3] =	ssyncadd.s32 $0xFFFFC000  }
0x218: {  	[spmem:s5] =	stream.indirect.scatter.add.f32 [tilespmem:s30], [sflag:$0x3], $0x80, s12, s29, $0xb8;
	[tilespmem:$0x1C0C0] =	vst v63  }
0x219: {  	_ =	swait.ge [sflag:s26], $0x4000  }
0x21a: {  	[sflag:s26] =	ssyncset.done $0x0  }
0x21b: {  	[sflag:s26] =	ssyncadd.s32 $0xFFFFC000  }
0x21c: {  	[tilespmem:s30], [sflag:$0x1] =	stream.indirect.gather [hbm4b:s0+s29], $0x80, s13, s29, $0xb8;
	[tilespmem:$0x1C0C0] =	vst v63  }
0x21d: {  	_ =	swait.ge [sflag:s9], $0x4000  }
0x21e: {  	[sflag:s9] =	ssyncset.done $0x0  }
0x21f: {  	[sflag:s9] =	ssyncadd.s32 $0xFFFFC000  }
0x220: {  	[spmem:s5] =	stream.indirect.scatter.add.f32 [tilespmem:s31], [sflag:$0x3], $0x80, s14, s29, $0xb8;
	[tilespmem:$0x1C0C0] =	vst v63  }
0x221: {  	_ =	swait.ge [sflag:s26], $0x4000  }
0x222: {  	[sflag:s26] =	ssyncset.done $0x0  }
0x223: {  	[sflag:s26] =	ssyncadd.s32 $0xFFFFC000  }
0x224: {  	[tilespmem:s31], [sflag:$0x2] =	stream.indirect.gather [hbm4b:s0+s29], $0x80, s15, s29, $0xb8;
	[tilespmem:$0x1C0C0] =	vst v63  }
0x225: {  	_ =	swait.ge [sflag:s3], $0x4000  }
0x226: {  	[sflag:s3] =	ssyncset.done $0x0  }
0x227: {  	[sflag:s3] =	ssyncadd.s32 $0xFFFFC000  }
0x228: {  	[spmem:s5] =	stream.indirect.scatter.add.f32 [tilespmem:s30], [sflag:$0x3], $0x80, s16, s29, $0xb8;
	[tilespmem:$0x1C0C0] =	vst v63  }
0x229: {  	_ =	swait.ge [sflag:s26], $0x4000  }
0x22a: {  	[sflag:s26] =	ssyncset.done $0x0  }
0x22b: {  	[sflag:s26] =	ssyncadd.s32 $0xFFFFC000  }
0x22c: {  	[tilespmem:s30], [sflag:$0x1] =	stream.indirect.gather [hbm4b:s0+s29], $0x80, s17, s29, $0xb8;
	[tilespmem:$0x1C0C0] =	vst v63  }
0x22d: {  	_ =	swait.ge [sflag:s9], $0x4000  }
0x22e: {  	[sflag:s9] =	ssyncset.done $0x0  }
0x22f: {  	[sflag:s9] =	ssyncadd.s32 $0xFFFFC000  }
0x230: {  	[spmem:s5] =	stream.indirect.scatter.add.f32 [tilespmem:s31], [sflag:$0x3], $0x80, s18, s29, $0xb8;
	[tilespmem:$0x1C0C0] =	vst v63  }
0x231: {  	_ =	swait.ge [sflag:s26], $0x4000  }
0x232: {  	[sflag:s26] =	ssyncset.done $0x0  }
0x233: {  	[sflag:s26] =	ssyncadd.s32 $0xFFFFC000  }
0x234: {  	[tilespmem:s31], [sflag:$0x2] =	stream.indirect.gather [hbm4b:s0+s29], $0x80, s19, s29, $0xb8;
	[tilespmem:$0x1C0C0] =	vst v63  }
0x235: {  	_ =	swait.ge [sflag:s3], $0x4000  }
0x236: {  	[sflag:s3] =	ssyncset.done $0x0  }
0x237: {  	[sflag:s3] =	ssyncadd.s32 $0xFFFFC000  }
0x238: {  	[spmem:s5] =	stream.indirect.scatter.add.f32 [tilespmem:s30], [sflag:$0x3], $0x80, s20, s29, $0xb8;
	[tilespmem:$0x1C0C0] =	vst v63  }
0x239: {  	_ =	swait.ge [sflag:s26], $0x4000  }
0x23a: {  	[sflag:s26] =	ssyncset.done $0x0  }
0x23b: {  	[sflag:s26] =	ssyncadd.s32 $0xFFFFC000  }
0x23c: {  	_ =	swait.ge [sflag:s9], $0x4000  }
0x23d: {  	[sflag:s9] =	ssyncset.done $0x0  }
0x23e: {  	[sflag:s9] =	ssyncadd.s32 $0xFFFFC000  }
0x23f: {  	[spmem:s5] =	stream.indirect.scatter.add.f32 [tilespmem:s31], [sflag:$0x3], $0x80, s21, s29, $0xb8;
	[tilespmem:$0x1C0C0] =	vst v63  }
0x240: {  	_ =	swait.ge [sflag:s26], $0x4000  }
0x241: {  	[sflag:s26] =	ssyncset.done $0x0  }
0x242: {  	s22 =	rddreg [dreg:$0x12];
	[sflag:s26] =	ssyncadd.s32 $0xFFFFC000  }
0x243: {  	[tilespmem:s6], [sflag:$0x3] =	stream.linear.gather [hbm4b:s22+s6], $0x400, $0x38;
	[tilespmem:$0x1C0C0] =	vst v63  }
0x244: {  	_ =	swait.ge [sflag:s26], $0x400  }
0x245: {  	[sflag:s26] =	ssyncset.done $0x0  }
0x246: {  	s22 =	rddreg [dreg:$0x13];
	[sflag:s26] =	ssyncadd.s32 $0xFFFFFC00  }
0x247: {  	[tilespmem:s28], [sflag:$0x3] =	stream.linear.gather [hbm4b:s22+s6], $0x400, $0x38;
	[tilespmem:$0x1C0C0] =	vst v63  }
0x248: {  	_ =	swait.ge [sflag:s26], $0x400  }
0x249: {  	[sflag:s26] =	ssyncset.done $0x0  }
0x24a: {  	[sflag:s26] =	ssyncadd.s32 $0xFFFFFC00  }
0x24b: {  	[tilespmem:s30], [sflag:$0x1] =	stream.indirect.gather [hbm4b:s0+s29], $0x80, s6, s29, $0xb8;
	[tilespmem:$0x1C0C0] =	vst v63  }
0x24c: {  	_ = 	snop  }
0x24d: {  	[tilespmem:s31], [sflag:$0x2] =	stream.indirect.gather [hbm4b:s0+s29], $0x80, s29, s29, $0xb8;
	[tilespmem:$0x1C0C0] =	vst v63  }
0x24e: {  	_ =	swait.ge [sflag:s3], $0x4000  }
0x24f: {  	[sflag:s3] =	ssyncset.done $0x0  }
0x250: {  	[sflag:s3] =	ssyncadd.s32 $0xFFFFC000  }
0x251: {  	[spmem:s5] =	stream.indirect.scatter.add.f32 [tilespmem:s30], [sflag:$0x3], $0x80, s28, s29, $0xb8;
	[tilespmem:$0x1C0C0] =	vst v63  }
0x252: {  	_ =	swait.ge [sflag:s26], $0x4000  }
0x253: {  	[sflag:s26] =	ssyncset.done $0x0  }
0x254: {  	[sflag:s26] =	ssyncadd.s32 $0xFFFFC000  }
0x255: {  	[tilespmem:s30], [sflag:$0x1] =	stream.indirect.gather [hbm4b:s0+s29], $0x80, s1, s29, $0xb8;
	[tilespmem:$0x1C0C0] =	vst v63  }
0x256: {  	_ =	swait.ge [sflag:s9], $0x4000  }
0x257: {  	[sflag:s9] =	ssyncset.done $0x0  }
0x258: {  	[sflag:s9] =	ssyncadd.s32 $0xFFFFC000  }
0x259: {  	[spmem:s5] =	stream.indirect.scatter.add.f32 [tilespmem:s31], [sflag:$0x3], $0x80, s10, s29, $0xb8;
	[tilespmem:$0x1C0C0] =	vst v63  }
0x25a: {  	_ =	swait.ge [sflag:s26], $0x4000  }
0x25b: {  	[sflag:s26] =	ssyncset.done $0x0  }
0x25c: {  	[sflag:s26] =	ssyncadd.s32 $0xFFFFC000  }
0x25d: {  	[tilespmem:s31], [sflag:$0x2] =	stream.indirect.gather [hbm4b:s0+s29], $0x80, s11, s29, $0xb8;
	[tilespmem:$0x1C0C0] =	vst v63  }
0x25e: {  	_ =	swait.ge [sflag:s3], $0x4000  }
0x25f: {  	[sflag:s3] =	ssyncset.done $0x0  }
0x260: {  	[sflag:s3] =	ssyncadd.s32 $0xFFFFC000  }
0x261: {  	[spmem:s5] =	stream.indirect.scatter.add.f32 [tilespmem:s30], [sflag:$0x3], $0x80, s12, s29, $0xb8;
	[tilespmem:$0x1C0C0] =	vst v63  }
0x262: {  	_ =	swait.ge [sflag:s26], $0x4000  }
0x263: {  	[sflag:s26] =	ssyncset.done $0x0  }
0x264: {  	[sflag:s26] =	ssyncadd.s32 $0xFFFFC000  }
0x265: {  	[tilespmem:s30], [sflag:$0x1] =	stream.indirect.gather [hbm4b:s0+s29], $0x80, s13, s29, $0xb8;
	[tilespmem:$0x1C0C0] =	vst v63  }
0x266: {  	_ =	swait.ge [sflag:s9], $0x4000  }
0x267: {  	[sflag:s9] =	ssyncset.done $0x0  }
0x268: {  	[sflag:s9] =	ssyncadd.s32 $0xFFFFC000  }
0x269: {  	[spmem:s5] =	stream.indirect.scatter.add.f32 [tilespmem:s31], [sflag:$0x3], $0x80, s14, s29, $0xb8;
	[tilespmem:$0x1C0C0] =	vst v63  }
0x26a: {  	_ =	swait.ge [sflag:s26], $0x4000  }
0x26b: {  	[sflag:s26] =	ssyncset.done $0x0  }
0x26c: {  	[sflag:s26] =	ssyncadd.s32 $0xFFFFC000  }
0x26d: {  	[tilespmem:s31], [sflag:$0x2] =	stream.indirect.gather [hbm4b:s0+s29], $0x80, s15, s29, $0xb8;
	[tilespmem:$0x1C0C0] =	vst v63  }
0x26e: {  	_ =	swait.ge [sflag:s3], $0x4000  }
0x26f: {  	[sflag:s3] =	ssyncset.done $0x0  }
0x270: {  	[sflag:s3] =	ssyncadd.s32 $0xFFFFC000  }
0x271: {  	[spmem:s5] =	stream.indirect.scatter.add.f32 [tilespmem:s30], [sflag:$0x3], $0x80, s16, s29, $0xb8;
	[tilespmem:$0x1C0C0] =	vst v63  }
0x272: {  	_ =	swait.ge [sflag:s26], $0x4000  }
0x273: {  	[sflag:s26] =	ssyncset.done $0x0  }
0x274: {  	[sflag:s26] =	ssyncadd.s32 $0xFFFFC000  }
0x275: {  	[tilespmem:s30], [sflag:$0x1] =	stream.indirect.gather [hbm4b:s0+s29], $0x80, s17, s29, $0xb8;
	[tilespmem:$0x1C0C0] =	vst v63  }
0x276: {  	_ =	swait.ge [sflag:s9], $0x4000  }
0x277: {  	[sflag:s9] =	ssyncset.done $0x0  }
0x278: {  	[sflag:s9] =	ssyncadd.s32 $0xFFFFC000  }
0x279: {  	[spmem:s5] =	stream.indirect.scatter.add.f32 [tilespmem:s31], [sflag:$0x3], $0x80, s18, s29, $0xb8;
	[tilespmem:$0x1C0C0] =	vst v63  }
0x27a: {  	_ =	swait.ge [sflag:s26], $0x4000  }
0x27b: {  	[sflag:s26] =	ssyncset.done $0x0  }
0x27c: {  	[sflag:s26] =	ssyncadd.s32 $0xFFFFC000  }
0x27d: {  	[tilespmem:s31], [sflag:$0x2] =	stream.indirect.gather [hbm4b:s0+s29], $0x80, s19, s29, $0xb8;
	[tilespmem:$0x1C0C0] =	vst v63  }
0x27e: {  	_ =	swait.ge [sflag:s3], $0x4000  }
0x27f: {  	[sflag:s3] =	ssyncset.done $0x0  }
0x280: {  	[sflag:s3] =	ssyncadd.s32 $0xFFFFC000  }
0x281: {  	[spmem:s5] =	stream.indirect.scatter.add.f32 [tilespmem:s30], [sflag:$0x3], $0x80, s20, s29, $0xb8;
	[tilespmem:$0x1C0C0] =	vst v63  }
0x282: {  	_ =	swait.ge [sflag:s26], $0x4000  }
0x283: {  	[sflag:s26] =	ssyncset.done $0x0  }
0x284: {  	[sflag:s26] =	ssyncadd.s32 $0xFFFFC000  }
0x285: {  	_ =	swait.ge [sflag:s9], $0x4000  }
0x286: {  	[sflag:s9] =	ssyncset.done $0x0  }
0x287: {  	[sflag:s9] =	ssyncadd.s32 $0xFFFFC000  }
0x288: {  	[spmem:s5] =	stream.indirect.scatter.add.f32 [tilespmem:s31], [sflag:$0x3], $0x80, s21, s29, $0xb8;
	[tilespmem:$0x1C0C0] =	vst v63  }
0x289: {  	_ =	swait.ge [sflag:s26], $0x4000  }
0x28a: {  	[sflag:s26] =	ssyncset.done $0x0  }
0x28b: {  	s22 =	rddreg [dreg:$0x14];
	[sflag:s26] =	ssyncadd.s32 $0xFFFFC000  }
0x28c: {  	[tilespmem:s6], [sflag:$0x3] =	stream.linear.gather [hbm4b:s22+s6], $0x400, $0x38;
	[tilespmem:$0x1C0C0] =	vst v63  }
0x28d: {  	_ =	swait.ge [sflag:s26], $0x400  }
0x28e: {  	[sflag:s26] =	ssyncset.done $0x0  }
0x28f: {  	s22 =	rddreg [dreg:$0x15];
	[sflag:s26] =	ssyncadd.s32 $0xFFFFFC00  }
0x290: {  	[tilespmem:s28], [sflag:$0x3] =	stream.linear.gather [hbm4b:s22+s6], $0x400, $0x38;
	[tilespmem:$0x1C0C0] =	vst v63  }
0x291: {  	_ =	swait.ge [sflag:s26], $0x400  }
0x292: {  	[sflag:s26] =	ssyncset.done $0x0  }
0x293: {  	[sflag:s26] =	ssyncadd.s32 $0xFFFFFC00  }
0x294: {  	[tilespmem:s30], [sflag:$0x1] =	stream.indirect.gather [hbm4b:s0+s29], $0x80, s6, s29, $0xb8;
	[tilespmem:$0x1C0C0] =	vst v63  }
0x295: {  	_ = 	snop  }
0x296: {  	[tilespmem:s31], [sflag:$0x2] =	stream.indirect.gather [hbm4b:s0+s29], $0x80, s29, s29, $0xb8;
	[tilespmem:$0x1C0C0] =	vst v63  }
0x297: {  	_ =	swait.ge [sflag:s3], $0x4000  }
0x298: {  	[sflag:s3] =	ssyncset.done $0x0  }
0x299: {  	[sflag:s3] =	ssyncadd.s32 $0xFFFFC000  }
0x29a: {  	[spmem:s5] =	stream.indirect.scatter.add.f32 [tilespmem:s30], [sflag:$0x3], $0x80, s28, s29, $0xb8;
	[tilespmem:$0x1C0C0] =	vst v63  }
0x29b: {  	_ =	swait.ge [sflag:s26], $0x4000  }
0x29c: {  	[sflag:s26] =	ssyncset.done $0x0  }
0x29d: {  	[sflag:s26] =	ssyncadd.s32 $0xFFFFC000  }
0x29e: {  	[tilespmem:s30], [sflag:$0x1] =	stream.indirect.gather [hbm4b:s0+s29], $0x80, s1, s29, $0xb8;
	[tilespmem:$0x1C0C0] =	vst v63  }
0x29f: {  	_ =	swait.ge [sflag:s9], $0x4000  }
0x2a0: {  	[sflag:s9] =	ssyncset.done $0x0  }
0x2a1: {  	[sflag:s9] =	ssyncadd.s32 $0xFFFFC000  }
0x2a2: {  	[spmem:s5] =	stream.indirect.scatter.add.f32 [tilespmem:s31], [sflag:$0x3], $0x80, s10, s29, $0xb8;
	[tilespmem:$0x1C0C0] =	vst v63  }
0x2a3: {  	_ =	swait.ge [sflag:s26], $0x4000  }
0x2a4: {  	[sflag:s26] =	ssyncset.done $0x0  }
0x2a5: {  	[sflag:s26] =	ssyncadd.s32 $0xFFFFC000  }
0x2a6: {  	[tilespmem:s31], [sflag:$0x2] =	stream.indirect.gather [hbm4b:s0+s29], $0x80, s11, s29, $0xb8;
	[tilespmem:$0x1C0C0] =	vst v63  }
0x2a7: {  	_ =	swait.ge [sflag:s3], $0x4000  }
0x2a8: {  	[sflag:s3] =	ssyncset.done $0x0  }
0x2a9: {  	[sflag:s3] =	ssyncadd.s32 $0xFFFFC000  }
0x2aa: {  	[spmem:s5] =	stream.indirect.scatter.add.f32 [tilespmem:s30], [sflag:$0x3], $0x80, s12, s29, $0xb8;
	[tilespmem:$0x1C0C0] =	vst v63  }
0x2ab: {  	_ =	swait.ge [sflag:s26], $0x4000  }
0x2ac: {  	[sflag:s26] =	ssyncset.done $0x0  }
0x2ad: {  	[sflag:s26] =	ssyncadd.s32 $0xFFFFC000  }
0x2ae: {  	[tilespmem:s30], [sflag:$0x1] =	stream.indirect.gather [hbm4b:s0+s29], $0x80, s13, s29, $0xb8;
	[tilespmem:$0x1C0C0] =	vst v63  }
0x2af: {  	_ =	swait.ge [sflag:s9], $0x4000  }
0x2b0: {  	[sflag:s9] =	ssyncset.done $0x0  }
0x2b1: {  	[sflag:s9] =	ssyncadd.s32 $0xFFFFC000  }
0x2b2: {  	[spmem:s5] =	stream.indirect.scatter.add.f32 [tilespmem:s31], [sflag:$0x3], $0x80, s14, s29, $0xb8;
	[tilespmem:$0x1C0C0] =	vst v63  }
0x2b3: {  	_ =	swait.ge [sflag:s26], $0x4000  }
0x2b4: {  	[sflag:s26] =	ssyncset.done $0x0  }
0x2b5: {  	[sflag:s26] =	ssyncadd.s32 $0xFFFFC000  }
0x2b6: {  	[tilespmem:s31], [sflag:$0x2] =	stream.indirect.gather [hbm4b:s0+s29], $0x80, s15, s29, $0xb8;
	[tilespmem:$0x1C0C0] =	vst v63  }
0x2b7: {  	_ =	swait.ge [sflag:s3], $0x4000  }
0x2b8: {  	[sflag:s3] =	ssyncset.done $0x0  }
0x2b9: {  	[sflag:s3] =	ssyncadd.s32 $0xFFFFC000  }
0x2ba: {  	[spmem:s5] =	stream.indirect.scatter.add.f32 [tilespmem:s30], [sflag:$0x3], $0x80, s16, s29, $0xb8;
	[tilespmem:$0x1C0C0] =	vst v63  }
0x2bb: {  	_ =	swait.ge [sflag:s26], $0x4000  }
0x2bc: {  	[sflag:s26] =	ssyncset.done $0x0  }
0x2bd: {  	[sflag:s26] =	ssyncadd.s32 $0xFFFFC000  }
0x2be: {  	[tilespmem:s30], [sflag:$0x1] =	stream.indirect.gather [hbm4b:s0+s29], $0x80, s17, s29, $0xb8;
	[tilespmem:$0x1C0C0] =	vst v63  }
0x2bf: {  	_ =	swait.ge [sflag:s9], $0x4000  }
0x2c0: {  	[sflag:s9] =	ssyncset.done $0x0  }
0x2c1: {  	[sflag:s9] =	ssyncadd.s32 $0xFFFFC000  }
0x2c2: {  	[spmem:s5] =	stream.indirect.scatter.add.f32 [tilespmem:s31], [sflag:$0x3], $0x80, s18, s29, $0xb8;
	[tilespmem:$0x1C0C0] =	vst v63  }
0x2c3: {  	_ =	swait.ge [sflag:s26], $0x4000  }
0x2c4: {  	[sflag:s26] =	ssyncset.done $0x0  }
0x2c5: {  	[sflag:s26] =	ssyncadd.s32 $0xFFFFC000  }
0x2c6: {  	[tilespmem:s31], [sflag:$0x2] =	stream.indirect.gather [hbm4b:s0+s29], $0x80, s19, s29, $0xb8;
	[tilespmem:$0x1C0C0] =	vst v63  }
0x2c7: {  	_ =	swait.ge [sflag:s3], $0x4000  }
0x2c8: {  	[sflag:s3] =	ssyncset.done $0x0  }
0x2c9: {  	[sflag:s3] =	ssyncadd.s32 $0xFFFFC000  }
0x2ca: {  	[spmem:s5] =	stream.indirect.scatter.add.f32 [tilespmem:s30], [sflag:$0x3], $0x80, s20, s29, $0xb8;
	[tilespmem:$0x1C0C0] =	vst v63  }
0x2cb: {  	_ =	swait.ge [sflag:s26], $0x4000  }
0x2cc: {  	[sflag:s26] =	ssyncset.done $0x0  }
0x2cd: {  	[sflag:s26] =	ssyncadd.s32 $0xFFFFC000  }
0x2ce: {  	_ =	swait.ge [sflag:s9], $0x4000  }
0x2cf: {  	[sflag:s9] =	ssyncset.done $0x0  }
0x2d0: {  	[sflag:s9] =	ssyncadd.s32 $0xFFFFC000  }
0x2d1: {  	[spmem:s5] =	stream.indirect.scatter.add.f32 [tilespmem:s31], [sflag:$0x3], $0x80, s21, s29, $0xb8;
	[tilespmem:$0x1C0C0] =	vst v63  }
0x2d2: {  	_ =	swait.ge [sflag:s26], $0x4000  }
0x2d3: {  	[sflag:s26] =	ssyncset.done $0x0  }
0x2d4: {  	s22 =	rddreg [dreg:$0x16];
	[sflag:s26] =	ssyncadd.s32 $0xFFFFC000  }
0x2d5: {  	[tilespmem:s6], [sflag:$0x3] =	stream.linear.gather [hbm4b:s22+s6], $0x400, $0x38;
	[tilespmem:$0x1C0C0] =	vst v63  }
0x2d6: {  	_ =	swait.ge [sflag:s26], $0x400  }
0x2d7: {  	[sflag:s26] =	ssyncset.done $0x0  }
0x2d8: {  	s22 =	rddreg [dreg:$0x17];
	[sflag:s26] =	ssyncadd.s32 $0xFFFFFC00  }
0x2d9: {  	[tilespmem:s28], [sflag:$0x3] =	stream.linear.gather [hbm4b:s22+s6], $0x400, $0x38;
	[tilespmem:$0x1C0C0] =	vst v63  }
0x2da: {  	_ =	swait.ge [sflag:s26], $0x400  }
0x2db: {  	[sflag:s26] =	ssyncset.done $0x0  }
0x2dc: {  	[sflag:s26] =	ssyncadd.s32 $0xFFFFFC00  }
0x2dd: {  	[tilespmem:s30], [sflag:$0x1] =	stream.indirect.gather [hbm4b:s0+s29], $0x80, s6, s29, $0xb8;
	[tilespmem:$0x1C0C0] =	vst v63  }
0x2de: {  	_ = 	snop  }
0x2df: {  	[tilespmem:s31], [sflag:$0x2] =	stream.indirect.gather [hbm4b:s0+s29], $0x80, s29, s29, $0xb8;
	[tilespmem:$0x1C0C0] =	vst v63  }
0x2e0: {  	_ =	swait.ge [sflag:s3], $0x4000  }
0x2e1: {  	[sflag:s3] =	ssyncset.done $0x0  }
0x2e2: {  	[sflag:s3] =	ssyncadd.s32 $0xFFFFC000  }
0x2e3: {  	[spmem:s5] =	stream.indirect.scatter.add.f32 [tilespmem:s30], [sflag:$0x3], $0x80, s28, s29, $0xb8;
	[tilespmem:$0x1C0C0] =	vst v63  }
0x2e4: {  	_ =	swait.ge [sflag:s26], $0x4000  }
0x2e5: {  	[sflag:s26] =	ssyncset.done $0x0  }
0x2e6: {  	[sflag:s26] =	ssyncadd.s32 $0xFFFFC000  }
0x2e7: {  	[tilespmem:s30], [sflag:$0x1] =	stream.indirect.gather [hbm4b:s0+s29], $0x80, s1, s29, $0xb8;
	[tilespmem:$0x1C0C0] =	vst v63  }
0x2e8: {  	_ =	swait.ge [sflag:s9], $0x4000  }
0x2e9: {  	[sflag:s9] =	ssyncset.done $0x0  }
0x2ea: {  	[sflag:s9] =	ssyncadd.s32 $0xFFFFC000  }
0x2eb: {  	[spmem:s5] =	stream.indirect.scatter.add.f32 [tilespmem:s31], [sflag:$0x3], $0x80, s10, s29, $0xb8;
	[tilespmem:$0x1C0C0] =	vst v63  }
0x2ec: {  	_ =	swait.ge [sflag:s26], $0x4000  }
0x2ed: {  	[sflag:s26] =	ssyncset.done $0x0  }
0x2ee: {  	[sflag:s26] =	ssyncadd.s32 $0xFFFFC000  }
0x2ef: {  	[tilespmem:s31], [sflag:$0x2] =	stream.indirect.gather [hbm4b:s0+s29], $0x80, s11, s29, $0xb8;
	[tilespmem:$0x1C0C0] =	vst v63  }
0x2f0: {  	_ =	swait.ge [sflag:s3], $0x4000  }
0x2f1: {  	[sflag:s3] =	ssyncset.done $0x0  }
0x2f2: {  	[sflag:s3] =	ssyncadd.s32 $0xFFFFC000  }
0x2f3: {  	[spmem:s5] =	stream.indirect.scatter.add.f32 [tilespmem:s30], [sflag:$0x3], $0x80, s12, s29, $0xb8;
	[tilespmem:$0x1C0C0] =	vst v63  }
0x2f4: {  	_ =	swait.ge [sflag:s26], $0x4000  }
0x2f5: {  	[sflag:s26] =	ssyncset.done $0x0  }
0x2f6: {  	[sflag:s26] =	ssyncadd.s32 $0xFFFFC000  }
0x2f7: {  	[tilespmem:s30], [sflag:$0x1] =	stream.indirect.gather [hbm4b:s0+s29], $0x80, s13, s29, $0xb8;
	[tilespmem:$0x1C0C0] =	vst v63  }
0x2f8: {  	_ =	swait.ge [sflag:s9], $0x4000  }
0x2f9: {  	[sflag:s9] =	ssyncset.done $0x0  }
0x2fa: {  	[sflag:s9] =	ssyncadd.s32 $0xFFFFC000  }
0x2fb: {  	[spmem:s5] =	stream.indirect.scatter.add.f32 [tilespmem:s31], [sflag:$0x3], $0x80, s14, s29, $0xb8;
	[tilespmem:$0x1C0C0] =	vst v63  }
0x2fc: {  	_ =	swait.ge [sflag:s26], $0x4000  }
0x2fd: {  	[sflag:s26] =	ssyncset.done $0x0  }
0x2fe: {  	[sflag:s26] =	ssyncadd.s32 $0xFFFFC000  }
0x2ff: {  	[tilespmem:s31], [sflag:$0x2] =	stream.indirect.gather [hbm4b:s0+s29], $0x80, s15, s29, $0xb8;
	[tilespmem:$0x1C0C0] =	vst v63  }
0x300: {  	_ =	swait.ge [sflag:s3], $0x4000  }
0x301: {  	[sflag:s3] =	ssyncset.done $0x0  }
0x302: {  	[sflag:s3] =	ssyncadd.s32 $0xFFFFC000  }
0x303: {  	[spmem:s5] =	stream.indirect.scatter.add.f32 [tilespmem:s30], [sflag:$0x3], $0x80, s16, s29, $0xb8;
	[tilespmem:$0x1C0C0] =	vst v63  }
0x304: {  	_ =	swait.ge [sflag:s26], $0x4000  }
0x305: {  	[sflag:s26] =	ssyncset.done $0x0  }
0x306: {  	[sflag:s26] =	ssyncadd.s32 $0xFFFFC000  }
0x307: {  	[tilespmem:s30], [sflag:$0x1] =	stream.indirect.gather [hbm4b:s0+s29], $0x80, s17, s29, $0xb8;
	[tilespmem:$0x1C0C0] =	vst v63  }
0x308: {  	_ =	swait.ge [sflag:s9], $0x4000  }
0x309: {  	[sflag:s9] =	ssyncset.done $0x0  }
0x30a: {  	[sflag:s9] =	ssyncadd.s32 $0xFFFFC000  }
0x30b: {  	[spmem:s5] =	stream.indirect.scatter.add.f32 [tilespmem:s31], [sflag:$0x3], $0x80, s18, s29, $0xb8;
	[tilespmem:$0x1C0C0] =	vst v63  }
0x30c: {  	_ =	swait.ge [sflag:s26], $0x4000  }
0x30d: {  	[sflag:s26] =	ssyncset.done $0x0  }
0x30e: {  	[sflag:s26] =	ssyncadd.s32 $0xFFFFC000  }
0x30f: {  	[tilespmem:s31], [sflag:$0x2] =	stream.indirect.gather [hbm4b:s0+s29], $0x80, s19, s29, $0xb8;
	[tilespmem:$0x1C0C0] =	vst v63  }
0x310: {  	_ =	swait.ge [sflag:s3], $0x4000  }
0x311: {  	[sflag:s3] =	ssyncset.done $0x0  }
0x312: {  	[sflag:s3] =	ssyncadd.s32 $0xFFFFC000  }
0x313: {  	[spmem:s5] =	stream.indirect.scatter.add.f32 [tilespmem:s30], [sflag:$0x3], $0x80, s20, s29, $0xb8;
	[tilespmem:$0x1C0C0] =	vst v63  }
0x314: {  	_ =	swait.ge [sflag:s26], $0x4000  }
0x315: {  	[sflag:s26] =	ssyncset.done $0x0  }
0x316: {  	[sflag:s26] =	ssyncadd.s32 $0xFFFFC000  }
0x317: {  	_ =	swait.ge [sflag:s9], $0x4000  }
0x318: {  	[sflag:s9] =	ssyncset.done $0x0  }
0x319: {  	[sflag:s9] =	ssyncadd.s32 $0xFFFFC000  }
0x31a: {  	[spmem:s5] =	stream.indirect.scatter.add.f32 [tilespmem:s31], [sflag:$0x3], $0x80, s21, s29, $0xb8;
	[tilespmem:$0x1C0C0] =	vst v63  }
0x31b: {  	_ =	swait.ge [sflag:s26], $0x4000  }
0x31c: {  	[sflag:s26] =	ssyncset.done $0x0  }
0x31d: {  	s22 =	rddreg [dreg:$0x18];
	[sflag:s26] =	ssyncadd.s32 $0xFFFFC000  }
0x31e: {  	[tilespmem:s6], [sflag:$0x3] =	stream.linear.gather [hbm4b:s22+s6], $0x400, $0x38;
	[tilespmem:$0x1C0C0] =	vst v63  }
0x31f: {  	_ =	swait.ge [sflag:s26], $0x400  }
0x320: {  	[sflag:s26] =	ssyncset.done $0x0  }
0x321: {  	s22 =	rddreg [dreg:$0x19];
	[sflag:s26] =	ssyncadd.s32 $0xFFFFFC00  }
0x322: {  	[tilespmem:s28], [sflag:$0x3] =	stream.linear.gather [hbm4b:s22+s6], $0x400, $0x38;
	[tilespmem:$0x1C0C0] =	vst v63  }
0x323: {  	_ =	swait.ge [sflag:s26], $0x400  }
0x324: {  	[sflag:s26] =	ssyncset.done $0x0  }
0x325: {  	[sflag:s26] =	ssyncadd.s32 $0xFFFFFC00  }
0x326: {  	[tilespmem:s30], [sflag:$0x1] =	stream.indirect.gather [hbm4b:s0+s29], $0x80, s6, s29, $0xb8;
	[tilespmem:$0x1C0C0] =	vst v63  }
0x327: {  	_ = 	snop  }
0x328: {  	[tilespmem:s31], [sflag:$0x2] =	stream.indirect.gather [hbm4b:s0+s29], $0x80, s29, s29, $0xb8;
	[tilespmem:$0x1C0C0] =	vst v63  }
0x329: {  	_ =	swait.ge [sflag:s3], $0x4000  }
0x32a: {  	[sflag:s3] =	ssyncset.done $0x0  }
0x32b: {  	[sflag:s3] =	ssyncadd.s32 $0xFFFFC000  }
0x32c: {  	[spmem:s5] =	stream.indirect.scatter.add.f32 [tilespmem:s30], [sflag:$0x3], $0x80, s28, s29, $0xb8;
	[tilespmem:$0x1C0C0] =	vst v63  }
0x32d: {  	_ =	swait.ge [sflag:s26], $0x4000  }
0x32e: {  	[sflag:s26] =	ssyncset.done $0x0  }
0x32f: {  	[sflag:s26] =	ssyncadd.s32 $0xFFFFC000  }
0x330: {  	[tilespmem:s30], [sflag:$0x1] =	stream.indirect.gather [hbm4b:s0+s29], $0x80, s1, s29, $0xb8;
	[tilespmem:$0x1C0C0] =	vst v63  }
0x331: {  	_ =	swait.ge [sflag:s9], $0x4000  }
0x332: {  	[sflag:s9] =	ssyncset.done $0x0  }
0x333: {  	[sflag:s9] =	ssyncadd.s32 $0xFFFFC000  }
0x334: {  	[spmem:s5] =	stream.indirect.scatter.add.f32 [tilespmem:s31], [sflag:$0x3], $0x80, s10, s29, $0xb8;
	[tilespmem:$0x1C0C0] =	vst v63  }
0x335: {  	_ =	swait.ge [sflag:s26], $0x4000  }
0x336: {  	[sflag:s26] =	ssyncset.done $0x0  }
0x337: {  	[sflag:s26] =	ssyncadd.s32 $0xFFFFC000  }
0x338: {  	[tilespmem:s31], [sflag:$0x2] =	stream.indirect.gather [hbm4b:s0+s29], $0x80, s11, s29, $0xb8;
	[tilespmem:$0x1C0C0] =	vst v63  }
0x339: {  	_ =	swait.ge [sflag:s3], $0x4000  }
0x33a: {  	[sflag:s3] =	ssyncset.done $0x0  }
0x33b: {  	[sflag:s3] =	ssyncadd.s32 $0xFFFFC000  }
0x33c: {  	[spmem:s5] =	stream.indirect.scatter.add.f32 [tilespmem:s30], [sflag:$0x3], $0x80, s12, s29, $0xb8;
	[tilespmem:$0x1C0C0] =	vst v63  }
0x33d: {  	_ =	swait.ge [sflag:s26], $0x4000  }
0x33e: {  	[sflag:s26] =	ssyncset.done $0x0  }
0x33f: {  	[sflag:s26] =	ssyncadd.s32 $0xFFFFC000  }
0x340: {  	[tilespmem:s30], [sflag:$0x1] =	stream.indirect.gather [hbm4b:s0+s29], $0x80, s13, s29, $0xb8;
	[tilespmem:$0x1C0C0] =	vst v63  }
0x341: {  	_ =	swait.ge [sflag:s9], $0x4000  }
0x342: {  	[sflag:s9] =	ssyncset.done $0x0  }
0x343: {  	[sflag:s9] =	ssyncadd.s32 $0xFFFFC000  }
0x344: {  	[spmem:s5] =	stream.indirect.scatter.add.f32 [tilespmem:s31], [sflag:$0x3], $0x80, s14, s29, $0xb8;
	[tilespmem:$0x1C0C0] =	vst v63  }
0x345: {  	_ =	swait.ge [sflag:s26], $0x4000  }
0x346: {  	[sflag:s26] =	ssyncset.done $0x0  }
0x347: {  	[sflag:s26] =	ssyncadd.s32 $0xFFFFC000  }
0x348: {  	[tilespmem:s31], [sflag:$0x2] =	stream.indirect.gather [hbm4b:s0+s29], $0x80, s15, s29, $0xb8;
	[tilespmem:$0x1C0C0] =	vst v63  }
0x349: {  	_ =	swait.ge [sflag:s3], $0x4000  }
0x34a: {  	[sflag:s3] =	ssyncset.done $0x0  }
0x34b: {  	[sflag:s3] =	ssyncadd.s32 $0xFFFFC000  }
0x34c: {  	[spmem:s5] =	stream.indirect.scatter.add.f32 [tilespmem:s30], [sflag:$0x3], $0x80, s16, s29, $0xb8;
	[tilespmem:$0x1C0C0] =	vst v63  }
0x34d: {  	_ =	swait.ge [sflag:s26], $0x4000  }
0x34e: {  	[sflag:s26] =	ssyncset.done $0x0  }
0x34f: {  	[sflag:s26] =	ssyncadd.s32 $0xFFFFC000  }
0x350: {  	[tilespmem:s30], [sflag:$0x1] =	stream.indirect.gather [hbm4b:s0+s29], $0x80, s17, s29, $0xb8;
	[tilespmem:$0x1C0C0] =	vst v63  }
0x351: {  	_ =	swait.ge [sflag:s9], $0x4000  }
0x352: {  	[sflag:s9] =	ssyncset.done $0x0  }
0x353: {  	[sflag:s9] =	ssyncadd.s32 $0xFFFFC000  }
0x354: {  	[spmem:s5] =	stream.indirect.scatter.add.f32 [tilespmem:s31], [sflag:$0x3], $0x80, s18, s29, $0xb8;
	[tilespmem:$0x1C0C0] =	vst v63  }
0x355: {  	_ =	swait.ge [sflag:s26], $0x4000  }
0x356: {  	[sflag:s26] =	ssyncset.done $0x0  }
0x357: {  	[sflag:s26] =	ssyncadd.s32 $0xFFFFC000  }
0x358: {  	[tilespmem:s31], [sflag:$0x2] =	stream.indirect.gather [hbm4b:s0+s29], $0x80, s19, s29, $0xb8;
	[tilespmem:$0x1C0C0] =	vst v63  }
0x359: {  	_ =	swait.ge [sflag:s3], $0x4000  }
0x35a: {  	[sflag:s3] =	ssyncset.done $0x0  }
0x35b: {  	[sflag:s3] =	ssyncadd.s32 $0xFFFFC000  }
0x35c: {  	[spmem:s5] =	stream.indirect.scatter.add.f32 [tilespmem:s30], [sflag:$0x3], $0x80, s20, s29, $0xb8;
	[tilespmem:$0x1C0C0] =	vst v63  }
0x35d: {  	_ =	swait.ge [sflag:s26], $0x4000  }
0x35e: {  	[sflag:s26] =	ssyncset.done $0x0  }
0x35f: {  	[sflag:s26] =	ssyncadd.s32 $0xFFFFC000  }
0x360: {  	_ =	swait.ge [sflag:s9], $0x4000  }
0x361: {  	[sflag:s9] =	ssyncset.done $0x0  }
0x362: {  	[sflag:s9] =	ssyncadd.s32 $0xFFFFC000  }
0x363: {  	[spmem:s5] =	stream.indirect.scatter.add.f32 [tilespmem:s31], [sflag:$0x3], $0x80, s21, s29, $0xb8;
	[tilespmem:$0x1C0C0] =	vst v63  }
0x364: {  	_ =	swait.ge [sflag:s26], $0x4000  }
0x365: {  	[sflag:s26] =	ssyncset.done $0x0  }
0x366: {  	s22 =	rddreg [dreg:$0x1a];
	[sflag:s26] =	ssyncadd.s32 $0xFFFFC000  }
0x367: {  	[tilespmem:s6], [sflag:$0x3] =	stream.linear.gather [hbm4b:s22+s6], $0x400, $0x38;
	[tilespmem:$0x1C0C0] =	vst v63  }
0x368: {  	_ =	swait.ge [sflag:s26], $0x400  }
0x369: {  	[sflag:s26] =	ssyncset.done $0x0  }
0x36a: {  	s22 =	rddreg [dreg:$0x1b];
	[sflag:s26] =	ssyncadd.s32 $0xFFFFFC00  }
0x36b: {  	[tilespmem:s28], [sflag:$0x3] =	stream.linear.gather [hbm4b:s22+s6], $0x400, $0x38;
	[tilespmem:$0x1C0C0] =	vst v63  }
0x36c: {  	_ =	swait.ge [sflag:s26], $0x400  }
0x36d: {  	[sflag:s26] =	ssyncset.done $0x0  }
0x36e: {  	[sflag:s26] =	ssyncadd.s32 $0xFFFFFC00  }
0x36f: {  	[tilespmem:s30], [sflag:$0x1] =	stream.indirect.gather [hbm4b:s0+s29], $0x80, s6, s29, $0xb8;
	[tilespmem:$0x1C0C0] =	vst v63  }
0x370: {  	_ = 	snop  }
0x371: {  	[tilespmem:s31], [sflag:$0x2] =	stream.indirect.gather [hbm4b:s0+s29], $0x80, s29, s29, $0xb8;
	[tilespmem:$0x1C0C0] =	vst v63  }
0x372: {  	_ =	swait.ge [sflag:s3], $0x4000  }
0x373: {  	[sflag:s3] =	ssyncset.done $0x0  }
0x374: {  	[sflag:s3] =	ssyncadd.s32 $0xFFFFC000  }
0x375: {  	[spmem:s5] =	stream.indirect.scatter.add.f32 [tilespmem:s30], [sflag:$0x3], $0x80, s28, s29, $0xb8;
	[tilespmem:$0x1C0C0] =	vst v63  }
0x376: {  	_ =	swait.ge [sflag:s26], $0x4000  }
0x377: {  	[sflag:s26] =	ssyncset.done $0x0  }
0x378: {  	[sflag:s26] =	ssyncadd.s32 $0xFFFFC000  }
0x379: {  	[tilespmem:s30], [sflag:$0x1] =	stream.indirect.gather [hbm4b:s0+s29], $0x80, s1, s29, $0xb8;
	[tilespmem:$0x1C0C0] =	vst v63  }
0x37a: {  	_ =	swait.ge [sflag:s9], $0x4000  }
0x37b: {  	[sflag:s9] =	ssyncset.done $0x0  }
0x37c: {  	[sflag:s9] =	ssyncadd.s32 $0xFFFFC000  }
0x37d: {  	[spmem:s5] =	stream.indirect.scatter.add.f32 [tilespmem:s31], [sflag:$0x3], $0x80, s10, s29, $0xb8;
	[tilespmem:$0x1C0C0] =	vst v63  }
0x37e: {  	_ =	swait.ge [sflag:s26], $0x4000  }
0x37f: {  	[sflag:s26] =	ssyncset.done $0x0  }
0x380: {  	[sflag:s26] =	ssyncadd.s32 $0xFFFFC000  }
0x381: {  	[tilespmem:s31], [sflag:$0x2] =	stream.indirect.gather [hbm4b:s0+s29], $0x80, s11, s29, $0xb8;
	[tilespmem:$0x1C0C0] =	vst v63  }
0x382: {  	_ =	swait.ge [sflag:s3], $0x4000  }
0x383: {  	[sflag:s3] =	ssyncset.done $0x0  }
0x384: {  	[sflag:s3] =	ssyncadd.s32 $0xFFFFC000  }
0x385: {  	[spmem:s5] =	stream.indirect.scatter.add.f32 [tilespmem:s30], [sflag:$0x3], $0x80, s12, s29, $0xb8;
	[tilespmem:$0x1C0C0] =	vst v63  }
0x386: {  	_ =	swait.ge [sflag:s26], $0x4000  }
0x387: {  	[sflag:s26] =	ssyncset.done $0x0  }
0x388: {  	[sflag:s26] =	ssyncadd.s32 $0xFFFFC000  }
0x389: {  	[tilespmem:s30], [sflag:$0x1] =	stream.indirect.gather [hbm4b:s0+s29], $0x80, s13, s29, $0xb8;
	[tilespmem:$0x1C0C0] =	vst v63  }
0x38a: {  	_ =	swait.ge [sflag:s9], $0x4000  }
0x38b: {  	[sflag:s9] =	ssyncset.done $0x0  }
0x38c: {  	[sflag:s9] =	ssyncadd.s32 $0xFFFFC000  }
0x38d: {  	[spmem:s5] =	stream.indirect.scatter.add.f32 [tilespmem:s31], [sflag:$0x3], $0x80, s14, s29, $0xb8;
	[tilespmem:$0x1C0C0] =	vst v63  }
0x38e: {  	_ =	swait.ge [sflag:s26], $0x4000  }
0x38f: {  	[sflag:s26] =	ssyncset.done $0x0  }
0x390: {  	[sflag:s26] =	ssyncadd.s32 $0xFFFFC000  }
0x391: {  	[tilespmem:s31], [sflag:$0x2] =	stream.indirect.gather [hbm4b:s0+s29], $0x80, s15, s29, $0xb8;
	[tilespmem:$0x1C0C0] =	vst v63  }
0x392: {  	_ =	swait.ge [sflag:s3], $0x4000  }
0x393: {  	[sflag:s3] =	ssyncset.done $0x0  }
0x394: {  	[sflag:s3] =	ssyncadd.s32 $0xFFFFC000  }
0x395: {  	[spmem:s5] =	stream.indirect.scatter.add.f32 [tilespmem:s30], [sflag:$0x3], $0x80, s16, s29, $0xb8;
	[tilespmem:$0x1C0C0] =	vst v63  }
0x396: {  	_ =	swait.ge [sflag:s26], $0x4000  }
0x397: {  	[sflag:s26] =	ssyncset.done $0x0  }
0x398: {  	[sflag:s26] =	ssyncadd.s32 $0xFFFFC000  }
0x399: {  	[tilespmem:s30], [sflag:$0x1] =	stream.indirect.gather [hbm4b:s0+s29], $0x80, s17, s29, $0xb8;
	[tilespmem:$0x1C0C0] =	vst v63  }
0x39a: {  	_ =	swait.ge [sflag:s9], $0x4000  }
0x39b: {  	[sflag:s9] =	ssyncset.done $0x0  }
0x39c: {  	[sflag:s9] =	ssyncadd.s32 $0xFFFFC000  }
0x39d: {  	[spmem:s5] =	stream.indirect.scatter.add.f32 [tilespmem:s31], [sflag:$0x3], $0x80, s18, s29, $0xb8;
	[tilespmem:$0x1C0C0] =	vst v63  }
0x39e: {  	_ =	swait.ge [sflag:s26], $0x4000  }
0x39f: {  	[sflag:s26] =	ssyncset.done $0x0  }
0x3a0: {  	[sflag:s26] =	ssyncadd.s32 $0xFFFFC000  }
0x3a1: {  	[tilespmem:s31], [sflag:$0x2] =	stream.indirect.gather [hbm4b:s0+s29], $0x80, s19, s29, $0xb8;
	[tilespmem:$0x1C0C0] =	vst v63  }
0x3a2: {  	_ =	swait.ge [sflag:s3], $0x4000  }
0x3a3: {  	[sflag:s3] =	ssyncset.done $0x0  }
0x3a4: {  	[sflag:s3] =	ssyncadd.s32 $0xFFFFC000  }
0x3a5: {  	[spmem:s5] =	stream.indirect.scatter.add.f32 [tilespmem:s30], [sflag:$0x3], $0x80, s20, s29, $0xb8;
	[tilespmem:$0x1C0C0] =	vst v63  }
0x3a6: {  	_ =	swait.ge [sflag:s26], $0x4000  }
0x3a7: {  	[sflag:s26] =	ssyncset.done $0x0  }
0x3a8: {  	[sflag:s26] =	ssyncadd.s32 $0xFFFFC000  }
0x3a9: {  	_ =	swait.ge [sflag:s9], $0x4000  }
0x3aa: {  	[sflag:s9] =	ssyncset.done $0x0  }
0x3ab: {  	[sflag:s9] =	ssyncadd.s32 $0xFFFFC000  }
0x3ac: {  	[spmem:s5] =	stream.indirect.scatter.add.f32 [tilespmem:s31], [sflag:$0x3], $0x80, s21, s29, $0xb8;
	[tilespmem:$0x1C0C0] =	vst v63  }
0x3ad: {  	_ =	swait.ge [sflag:s26], $0x4000  }
0x3ae: {  	[sflag:s26] =	ssyncset.done $0x0  }
0x3af: {  	s22 =	rddreg [dreg:$0x1c];
	[sflag:s26] =	ssyncadd.s32 $0xFFFFC000  }
0x3b0: {  	[tilespmem:s6], [sflag:$0x3] =	stream.linear.gather [hbm4b:s22+s6], $0x400, $0x38;
	[tilespmem:$0x1C0C0] =	vst v63  }
0x3b1: {  	_ =	swait.ge [sflag:s26], $0x400  }
0x3b2: {  	[sflag:s26] =	ssyncset.done $0x0  }
0x3b3: {  	s22 =	rddreg [dreg:$0x1d];
	[sflag:s26] =	ssyncadd.s32 $0xFFFFFC00  }
0x3b4: {  	[tilespmem:s28], [sflag:$0x3] =	stream.linear.gather [hbm4b:s22+s6], $0x400, $0x38;
	[tilespmem:$0x1C0C0] =	vst v63  }
0x3b5: {  	_ =	swait.ge [sflag:s26], $0x400  }
0x3b6: {  	[sflag:s26] =	ssyncset.done $0x0  }
0x3b7: {  	[sflag:s26] =	ssyncadd.s32 $0xFFFFFC00  }
0x3b8: {  	[tilespmem:s30], [sflag:$0x1] =	stream.indirect.gather [hbm4b:s0+s29], $0x80, s6, s29, $0xb8;
	[tilespmem:$0x1C0C0] =	vst v63  }
0x3b9: {  	_ = 	snop  }
0x3ba: {  	[tilespmem:s31], [sflag:$0x2] =	stream.indirect.gather [hbm4b:s0+s29], $0x80, s29, s29, $0xb8;
	[tilespmem:$0x1C0C0] =	vst v63  }
0x3bb: {  	_ =	swait.ge [sflag:s3], $0x4000  }
0x3bc: {  	[sflag:s3] =	ssyncset.done $0x0  }
0x3bd: {  	[sflag:s3] =	ssyncadd.s32 $0xFFFFC000  }
0x3be: {  	[spmem:s5] =	stream.indirect.scatter.add.f32 [tilespmem:s30], [sflag:$0x3], $0x80, s28, s29, $0xb8;
	[tilespmem:$0x1C0C0] =	vst v63  }
0x3bf: {  	_ =	swait.ge [sflag:s26], $0x4000  }
0x3c0: {  	[sflag:s26] =	ssyncset.done $0x0  }
0x3c1: {  	[sflag:s26] =	ssyncadd.s32 $0xFFFFC000  }
0x3c2: {  	[tilespmem:s30], [sflag:$0x1] =	stream.indirect.gather [hbm4b:s0+s29], $0x80, s1, s29, $0xb8;
	[tilespmem:$0x1C0C0] =	vst v63  }
0x3c3: {  	_ =	swait.ge [sflag:s9], $0x4000  }
0x3c4: {  	[sflag:s9] =	ssyncset.done $0x0  }
0x3c5: {  	[sflag:s9] =	ssyncadd.s32 $0xFFFFC000  }
0x3c6: {  	[spmem:s5] =	stream.indirect.scatter.add.f32 [tilespmem:s31], [sflag:$0x3], $0x80, s10, s29, $0xb8;
	[tilespmem:$0x1C0C0] =	vst v63  }
0x3c7: {  	_ =	swait.ge [sflag:s26], $0x4000  }
0x3c8: {  	[sflag:s26] =	ssyncset.done $0x0  }
0x3c9: {  	[sflag:s26] =	ssyncadd.s32 $0xFFFFC000  }
0x3ca: {  	[tilespmem:s31], [sflag:$0x2] =	stream.indirect.gather [hbm4b:s0+s29], $0x80, s11, s29, $0xb8;
	[tilespmem:$0x1C0C0] =	vst v63  }
0x3cb: {  	_ =	swait.ge [sflag:s3], $0x4000  }
0x3cc: {  	[sflag:s3] =	ssyncset.done $0x0  }
0x3cd: {  	[sflag:s3] =	ssyncadd.s32 $0xFFFFC000  }
0x3ce: {  	[spmem:s5] =	stream.indirect.scatter.add.f32 [tilespmem:s30], [sflag:$0x3], $0x80, s12, s29, $0xb8;
	[tilespmem:$0x1C0C0] =	vst v63  }
0x3cf: {  	_ =	swait.ge [sflag:s26], $0x4000  }
0x3d0: {  	[sflag:s26] =	ssyncset.done $0x0  }
0x3d1: {  	[sflag:s26] =	ssyncadd.s32 $0xFFFFC000  }
0x3d2: {  	[tilespmem:s30], [sflag:$0x1] =	stream.indirect.gather [hbm4b:s0+s29], $0x80, s13, s29, $0xb8;
	[tilespmem:$0x1C0C0] =	vst v63  }
0x3d3: {  	_ =	swait.ge [sflag:s9], $0x4000  }
0x3d4: {  	[sflag:s9] =	ssyncset.done $0x0  }
0x3d5: {  	[sflag:s9] =	ssyncadd.s32 $0xFFFFC000  }
0x3d6: {  	[spmem:s5] =	stream.indirect.scatter.add.f32 [tilespmem:s31], [sflag:$0x3], $0x80, s14, s29, $0xb8;
	[tilespmem:$0x1C0C0] =	vst v63  }
0x3d7: {  	_ =	swait.ge [sflag:s26], $0x4000  }
0x3d8: {  	[sflag:s26] =	ssyncset.done $0x0  }
0x3d9: {  	[sflag:s26] =	ssyncadd.s32 $0xFFFFC000  }
0x3da: {  	[tilespmem:s31], [sflag:$0x2] =	stream.indirect.gather [hbm4b:s0+s29], $0x80, s15, s29, $0xb8;
	[tilespmem:$0x1C0C0] =	vst v63  }
0x3db: {  	_ =	swait.ge [sflag:s3], $0x4000  }
0x3dc: {  	[sflag:s3] =	ssyncset.done $0x0  }
0x3dd: {  	[sflag:s3] =	ssyncadd.s32 $0xFFFFC000  }
0x3de: {  	[spmem:s5] =	stream.indirect.scatter.add.f32 [tilespmem:s30], [sflag:$0x3], $0x80, s16, s29, $0xb8;
	[tilespmem:$0x1C0C0] =	vst v63  }
0x3df: {  	_ =	swait.ge [sflag:s26], $0x4000  }
0x3e0: {  	[sflag:s26] =	ssyncset.done $0x0  }
0x3e1: {  	[sflag:s26] =	ssyncadd.s32 $0xFFFFC000  }
0x3e2: {  	[tilespmem:s30], [sflag:$0x1] =	stream.indirect.gather [hbm4b:s0+s29], $0x80, s17, s29, $0xb8;
	[tilespmem:$0x1C0C0] =	vst v63  }
0x3e3: {  	_ =	swait.ge [sflag:s9], $0x4000  }
0x3e4: {  	[sflag:s9] =	ssyncset.done $0x0  }
0x3e5: {  	[sflag:s9] =	ssyncadd.s32 $0xFFFFC000  }
0x3e6: {  	[spmem:s5] =	stream.indirect.scatter.add.f32 [tilespmem:s31], [sflag:$0x3], $0x80, s18, s29, $0xb8;
	[tilespmem:$0x1C0C0] =	vst v63  }
0x3e7: {  	_ =	swait.ge [sflag:s26], $0x4000  }
0x3e8: {  	[sflag:s26] =	ssyncset.done $0x0  }
0x3e9: {  	[sflag:s26] =	ssyncadd.s32 $0xFFFFC000  }
0x3ea: {  	[tilespmem:s31], [sflag:$0x2] =	stream.indirect.gather [hbm4b:s0+s29], $0x80, s19, s29, $0xb8;
	[tilespmem:$0x1C0C0] =	vst v63  }
0x3eb: {  	_ =	swait.ge [sflag:s3], $0x4000  }
0x3ec: {  	[sflag:s3] =	ssyncset.done $0x0  }
0x3ed: {  	[sflag:s3] =	ssyncadd.s32 $0xFFFFC000  }
0x3ee: {  	[spmem:s5] =	stream.indirect.scatter.add.f32 [tilespmem:s30], [sflag:$0x3], $0x80, s20, s29, $0xb8;
	[tilespmem:$0x1C0C0] =	vst v63  }
0x3ef: {  	_ =	swait.ge [sflag:s26], $0x4000  }
0x3f0: {  	[sflag:s26] =	ssyncset.done $0x0  }
0x3f1: {  	[sflag:s26] =	ssyncadd.s32 $0xFFFFC000  }
0x3f2: {  	_ =	swait.ge [sflag:s9], $0x4000  }
0x3f3: {  	[sflag:s9] =	ssyncset.done $0x0  }
0x3f4: {  	[sflag:s9] =	ssyncadd.s32 $0xFFFFC000  }
0x3f5: {  	[spmem:s5] =	stream.indirect.scatter.add.f32 [tilespmem:s31], [sflag:$0x3], $0x80, s21, s29, $0xb8;
	[tilespmem:$0x1C0C0] =	vst v63  }
0x3f6: {  	_ =	swait.ge [sflag:s26], $0x4000  }
0x3f7: {  	[sflag:s26] =	ssyncset.done $0x0  }
0x3f8: {  	s22 =	rddreg [dreg:$0x1e];
	[sflag:s26] =	ssyncadd.s32 $0xFFFFC000  }
0x3f9: {  	[tilespmem:s6], [sflag:$0x3] =	stream.linear.gather [hbm4b:s22+s6], $0x400, $0x38;
	[tilespmem:$0x1C0C0] =	vst v63  }
0x3fa: {  	_ =	swait.ge [sflag:s26], $0x400  }
0x3fb: {  	[sflag:s26] =	ssyncset.done $0x0  }
0x3fc: {  	s22 =	rddreg [dreg:$0x1f];
	[sflag:s26] =	ssyncadd.s32 $0xFFFFFC00  }
0x3fd: {  	[tilespmem:s28], [sflag:$0x3] =	stream.linear.gather [hbm4b:s22+s6], $0x400, $0x38;
	[tilespmem:$0x1C0C0] =	vst v63  }
0x3fe: {  	_ =	swait.ge [sflag:s26], $0x400  }
0x3ff: {  	[sflag:s26] =	ssyncset.done $0x0  }
0x400: {  	[sflag:s26] =	ssyncadd.s32 $0xFFFFFC00  }
0x401: {  	[tilespmem:s30], [sflag:$0x1] =	stream.indirect.gather [hbm4b:s0+s29], $0x80, s6, s29, $0xb8;
	[tilespmem:$0x1C0C0] =	vst v63  }
0x402: {  	_ = 	snop  }
0x403: {  	[tilespmem:s31], [sflag:$0x2] =	stream.indirect.gather [hbm4b:s0+s29], $0x80, s29, s29, $0xb8;
	[tilespmem:$0x1C0C0] =	vst v63  }
0x404: {  	_ =	swait.ge [sflag:s3], $0x4000  }
0x405: {  	[sflag:s3] =	ssyncset.done $0x0  }
0x406: {  	[sflag:s3] =	ssyncadd.s32 $0xFFFFC000  }
0x407: {  	[spmem:s5] =	stream.indirect.scatter.add.f32 [tilespmem:s30], [sflag:$0x3], $0x80, s28, s29, $0xb8;
	[tilespmem:$0x1C0C0] =	vst v63  }
0x408: {  	_ =	swait.ge [sflag:s26], $0x4000  }
0x409: {  	[sflag:s26] =	ssyncset.done $0x0  }
0x40a: {  	[sflag:s26] =	ssyncadd.s32 $0xFFFFC000  }
0x40b: {  	[tilespmem:s30], [sflag:$0x1] =	stream.indirect.gather [hbm4b:s0+s29], $0x80, s1, s29, $0xb8;
	[tilespmem:$0x1C0C0] =	vst v63  }
0x40c: {  	_ =	swait.ge [sflag:s9], $0x4000  }
0x40d: {  	[sflag:s9] =	ssyncset.done $0x0  }
0x40e: {  	[sflag:s9] =	ssyncadd.s32 $0xFFFFC000  }
0x40f: {  	[spmem:s5] =	stream.indirect.scatter.add.f32 [tilespmem:s31], [sflag:$0x3], $0x80, s10, s29, $0xb8;
	[tilespmem:$0x1C0C0] =	vst v63  }
0x410: {  	_ =	swait.ge [sflag:s26], $0x4000  }
0x411: {  	[sflag:s26] =	ssyncset.done $0x0  }
0x412: {  	[sflag:s26] =	ssyncadd.s32 $0xFFFFC000  }
0x413: {  	[tilespmem:s31], [sflag:$0x2] =	stream.indirect.gather [hbm4b:s0+s29], $0x80, s11, s29, $0xb8;
	[tilespmem:$0x1C0C0] =	vst v63  }
0x414: {  	_ =	swait.ge [sflag:s3], $0x4000  }
0x415: {  	[sflag:s3] =	ssyncset.done $0x0  }
0x416: {  	[sflag:s3] =	ssyncadd.s32 $0xFFFFC000  }
0x417: {  	[spmem:s5] =	stream.indirect.scatter.add.f32 [tilespmem:s30], [sflag:$0x3], $0x80, s12, s29, $0xb8;
	[tilespmem:$0x1C0C0] =	vst v63  }
0x418: {  	_ =	swait.ge [sflag:s26], $0x4000  }
0x419: {  	[sflag:s26] =	ssyncset.done $0x0  }
0x41a: {  	[sflag:s26] =	ssyncadd.s32 $0xFFFFC000  }
0x41b: {  	[tilespmem:s30], [sflag:$0x1] =	stream.indirect.gather [hbm4b:s0+s29], $0x80, s13, s29, $0xb8;
	[tilespmem:$0x1C0C0] =	vst v63  }
0x41c: {  	_ =	swait.ge [sflag:s9], $0x4000  }
0x41d: {  	[sflag:s9] =	ssyncset.done $0x0  }
0x41e: {  	[sflag:s9] =	ssyncadd.s32 $0xFFFFC000  }
0x41f: {  	[spmem:s5] =	stream.indirect.scatter.add.f32 [tilespmem:s31], [sflag:$0x3], $0x80, s14, s29, $0xb8;
	[tilespmem:$0x1C0C0] =	vst v63  }
0x420: {  	_ =	swait.ge [sflag:s26], $0x4000  }
0x421: {  	[sflag:s26] =	ssyncset.done $0x0  }
0x422: {  	[sflag:s26] =	ssyncadd.s32 $0xFFFFC000  }
0x423: {  	[tilespmem:s31], [sflag:$0x2] =	stream.indirect.gather [hbm4b:s0+s29], $0x80, s15, s29, $0xb8;
	[tilespmem:$0x1C0C0] =	vst v63  }
0x424: {  	_ =	swait.ge [sflag:s3], $0x4000  }
0x425: {  	[sflag:s3] =	ssyncset.done $0x0  }
0x426: {  	[sflag:s3] =	ssyncadd.s32 $0xFFFFC000  }
0x427: {  	[spmem:s5] =	stream.indirect.scatter.add.f32 [tilespmem:s30], [sflag:$0x3], $0x80, s16, s29, $0xb8;
	[tilespmem:$0x1C0C0] =	vst v63  }
0x428: {  	_ =	swait.ge [sflag:s26], $0x4000  }
0x429: {  	[sflag:s26] =	ssyncset.done $0x0  }
0x42a: {  	[sflag:s26] =	ssyncadd.s32 $0xFFFFC000  }
0x42b: {  	[tilespmem:s30], [sflag:$0x1] =	stream.indirect.gather [hbm4b:s0+s29], $0x80, s17, s29, $0xb8;
	[tilespmem:$0x1C0C0] =	vst v63  }
0x42c: {  	_ =	swait.ge [sflag:s9], $0x4000  }
0x42d: {  	[sflag:s9] =	ssyncset.done $0x0  }
0x42e: {  	[sflag:s9] =	ssyncadd.s32 $0xFFFFC000  }
0x42f: {  	[spmem:s5] =	stream.indirect.scatter.add.f32 [tilespmem:s31], [sflag:$0x3], $0x80, s18, s29, $0xb8;
	[tilespmem:$0x1C0C0] =	vst v63  }
0x430: {  	_ =	swait.ge [sflag:s26], $0x4000  }
0x431: {  	[sflag:s26] =	ssyncset.done $0x0  }
0x432: {  	[sflag:s26] =	ssyncadd.s32 $0xFFFFC000  }
0x433: {  	[tilespmem:s31], [sflag:$0x2] =	stream.indirect.gather [hbm4b:s0+s29], $0x80, s19, s29, $0xb8;
	[tilespmem:$0x1C0C0] =	vst v63  }
0x434: {  	_ =	swait.ge [sflag:s3], $0x4000  }
0x435: {  	[sflag:s3] =	ssyncset.done $0x0  }
0x436: {  	[sflag:s3] =	ssyncadd.s32 $0xFFFFC000  }
0x437: {  	[spmem:s5] =	stream.indirect.scatter.add.f32 [tilespmem:s30], [sflag:$0x3], $0x80, s20, s29, $0xb8;
	[tilespmem:$0x1C0C0] =	vst v63  }
0x438: {  	_ =	swait.ge [sflag:s26], $0x4000  }
0x439: {  	[sflag:s26] =	ssyncset.done $0x0  }
0x43a: {  	[sflag:s26] =	ssyncadd.s32 $0xFFFFC000  }
0x43b: {  	_ =	swait.ge [sflag:s9], $0x4000  }
0x43c: {  	[sflag:s9] =	ssyncset.done $0x0  }
0x43d: {  	[sflag:s9] =	ssyncadd.s32 $0xFFFFC000  }
0x43e: {  	[spmem:s5] =	stream.indirect.scatter.add.f32 [tilespmem:s31], [sflag:$0x3], $0x80, s21, s29, $0xb8;
	[tilespmem:$0x1C0C0] =	vst v63  }
0x43f: {  	_ =	swait.ge [sflag:s26], $0x4000  }
0x440: {  	s22 =	sld [smem:$0x7F3]  }
0x441: {  	[sflag:s26] =	ssyncset.done $0x0  }
0x442: {  	[sflag:s26] =	ssyncadd.s32 $0xFFFFC000  }
0x443: {  	[tilespmem:s6], [sflag:$0x3] =	stream.linear.gather [hbm4b:s22+s6], $0x400, $0x38;
	[tilespmem:$0x1C0C0] =	vst v63  }
0x444: {  	_ =	swait.ge [sflag:s26], $0x400  }
0x445: {  	s22 =	sld [smem:$0x7F4]  }
0x446: {  	[sflag:s26] =	ssyncset.done $0x0  }
0x447: {  	[sflag:s26] =	ssyncadd.s32 $0xFFFFFC00  }
0x448: {  	[tilespmem:s28], [sflag:$0x3] =	stream.linear.gather [hbm4b:s22+s6], $0x400, $0x38;
	[tilespmem:$0x1C0C0] =	vst v63  }
0x449: {  	_ =	swait.ge [sflag:s26], $0x400  }
0x44a: {  	[sflag:s26] =	ssyncset.done $0x0  }
0x44b: {  	[sflag:s26] =	ssyncadd.s32 $0xFFFFFC00  }
0x44c: {  	[tilespmem:s30], [sflag:$0x1] =	stream.indirect.gather [hbm4b:s0+s29], $0x80, s6, s29, $0xb8;
	[tilespmem:$0x1C0C0] =	vst v63  }
0x44d: {  	_ = 	snop  }
0x44e: {  	[tilespmem:s31], [sflag:$0x2] =	stream.indirect.gather [hbm4b:s0+s29], $0x80, s29, s29, $0xb8;
	[tilespmem:$0x1C0C0] =	vst v63  }
0x44f: {  	_ =	swait.ge [sflag:s3], $0x4000  }
0x450: {  	[sflag:s3] =	ssyncset.done $0x0  }
0x451: {  	[sflag:s3] =	ssyncadd.s32 $0xFFFFC000  }
0x452: {  	[spmem:s5] =	stream.indirect.scatter.add.f32 [tilespmem:s30], [sflag:$0x3], $0x80, s28, s29, $0xb8;
	[tilespmem:$0x1C0C0] =	vst v63  }
0x453: {  	_ =	swait.ge [sflag:s26], $0x4000  }
0x454: {  	[sflag:s26] =	ssyncset.done $0x0  }
0x455: {  	[sflag:s26] =	ssyncadd.s32 $0xFFFFC000  }
0x456: {  	[tilespmem:s30], [sflag:$0x1] =	stream.indirect.gather [hbm4b:s0+s29], $0x80, s1, s29, $0xb8;
	[tilespmem:$0x1C0C0] =	vst v63  }
0x457: {  	_ =	swait.ge [sflag:s9], $0x4000  }
0x458: {  	[sflag:s9] =	ssyncset.done $0x0  }
0x459: {  	[sflag:s9] =	ssyncadd.s32 $0xFFFFC000  }
0x45a: {  	[spmem:s5] =	stream.indirect.scatter.add.f32 [tilespmem:s31], [sflag:$0x3], $0x80, s10, s29, $0xb8;
	[tilespmem:$0x1C0C0] =	vst v63  }
0x45b: {  	_ =	swait.ge [sflag:s26], $0x4000  }
0x45c: {  	[sflag:s26] =	ssyncset.done $0x0  }
0x45d: {  	[sflag:s26] =	ssyncadd.s32 $0xFFFFC000  }
0x45e: {  	[tilespmem:s31], [sflag:$0x2] =	stream.indirect.gather [hbm4b:s0+s29], $0x80, s11, s29, $0xb8;
	[tilespmem:$0x1C0C0] =	vst v63  }
0x45f: {  	_ =	swait.ge [sflag:s3], $0x4000  }
0x460: {  	[sflag:s3] =	ssyncset.done $0x0  }
0x461: {  	[sflag:s3] =	ssyncadd.s32 $0xFFFFC000  }
0x462: {  	[spmem:s5] =	stream.indirect.scatter.add.f32 [tilespmem:s30], [sflag:$0x3], $0x80, s12, s29, $0xb8;
	[tilespmem:$0x1C0C0] =	vst v63  }
0x463: {  	_ =	swait.ge [sflag:s26], $0x4000  }
0x464: {  	[sflag:s26] =	ssyncset.done $0x0  }
0x465: {  	[sflag:s26] =	ssyncadd.s32 $0xFFFFC000  }
0x466: {  	[tilespmem:s30], [sflag:$0x1] =	stream.indirect.gather [hbm4b:s0+s29], $0x80, s13, s29, $0xb8;
	[tilespmem:$0x1C0C0] =	vst v63  }
0x467: {  	_ =	swait.ge [sflag:s9], $0x4000  }
0x468: {  	[sflag:s9] =	ssyncset.done $0x0  }
0x469: {  	[sflag:s9] =	ssyncadd.s32 $0xFFFFC000  }
0x46a: {  	[spmem:s5] =	stream.indirect.scatter.add.f32 [tilespmem:s31], [sflag:$0x3], $0x80, s14, s29, $0xb8;
	[tilespmem:$0x1C0C0] =	vst v63  }
0x46b: {  	_ =	swait.ge [sflag:s26], $0x4000  }
0x46c: {  	[sflag:s26] =	ssyncset.done $0x0  }
0x46d: {  	[sflag:s26] =	ssyncadd.s32 $0xFFFFC000  }
0x46e: {  	[tilespmem:s31], [sflag:$0x2] =	stream.indirect.gather [hbm4b:s0+s29], $0x80, s15, s29, $0xb8;
	[tilespmem:$0x1C0C0] =	vst v63  }
0x46f: {  	_ =	swait.ge [sflag:s3], $0x4000  }
0x470: {  	[sflag:s3] =	ssyncset.done $0x0  }
0x471: {  	[sflag:s3] =	ssyncadd.s32 $0xFFFFC000  }
0x472: {  	[spmem:s5] =	stream.indirect.scatter.add.f32 [tilespmem:s30], [sflag:$0x3], $0x80, s16, s29, $0xb8;
	[tilespmem:$0x1C0C0] =	vst v63  }
0x473: {  	_ =	swait.ge [sflag:s26], $0x4000  }
0x474: {  	[sflag:s26] =	ssyncset.done $0x0  }
0x475: {  	[sflag:s26] =	ssyncadd.s32 $0xFFFFC000  }
0x476: {  	[tilespmem:s30], [sflag:$0x1] =	stream.indirect.gather [hbm4b:s0+s29], $0x80, s17, s29, $0xb8;
	[tilespmem:$0x1C0C0] =	vst v63  }
0x477: {  	_ =	swait.ge [sflag:s9], $0x4000  }
0x478: {  	[sflag:s9] =	ssyncset.done $0x0  }
0x479: {  	[sflag:s9] =	ssyncadd.s32 $0xFFFFC000  }
0x47a: {  	[spmem:s5] =	stream.indirect.scatter.add.f32 [tilespmem:s31], [sflag:$0x3], $0x80, s18, s29, $0xb8;
	[tilespmem:$0x1C0C0] =	vst v63  }
0x47b: {  	_ =	swait.ge [sflag:s26], $0x4000  }
0x47c: {  	[sflag:s26] =	ssyncset.done $0x0  }
0x47d: {  	[sflag:s26] =	ssyncadd.s32 $0xFFFFC000  }
0x47e: {  	[tilespmem:s31], [sflag:$0x2] =	stream.indirect.gather [hbm4b:s0+s29], $0x80, s19, s29, $0xb8;
	[tilespmem:$0x1C0C0] =	vst v63  }
0x47f: {  	_ =	swait.ge [sflag:s3], $0x4000  }
0x480: {  	[sflag:s3] =	ssyncset.done $0x0  }
0x481: {  	[sflag:s3] =	ssyncadd.s32 $0xFFFFC000  }
0x482: {  	[spmem:s5] =	stream.indirect.scatter.add.f32 [tilespmem:s30], [sflag:$0x3], $0x80, s20, s29, $0xb8;
	[tilespmem:$0x1C0C0] =	vst v63  }
0x483: {  	_ =	swait.ge [sflag:s26], $0x4000  }
0x484: {  	[sflag:s26] =	ssyncset.done $0x0  }
0x485: {  	[sflag:s26] =	ssyncadd.s32 $0xFFFFC000  }
0x486: {  	_ =	swait.ge [sflag:s9], $0x4000  }
0x487: {  	[sflag:s9] =	ssyncset.done $0x0  }
0x488: {  	[sflag:s9] =	ssyncadd.s32 $0xFFFFC000  }
0x489: {  	[spmem:s5] =	stream.indirect.scatter.add.f32 [tilespmem:s31], [sflag:$0x3], $0x80, s21, s29, $0xb8;
	[tilespmem:$0x1C0C0] =	vst v63  }
0x48a: {  	_ =	swait.ge [sflag:s26], $0x4000  }
0x48b: {  	s22 =	sld [smem:$0x7F5]  }
0x48c: {  	[sflag:s26] =	ssyncset.done $0x0  }
0x48d: {  	[sflag:s26] =	ssyncadd.s32 $0xFFFFC000  }
0x48e: {  	[tilespmem:s6], [sflag:$0x3] =	stream.linear.gather [hbm4b:s22+s6], $0x400, $0x38;
	[tilespmem:$0x1C0C0] =	vst v63  }
0x48f: {  	_ =	swait.ge [sflag:s26], $0x400  }
0x490: {  	s22 =	sld [smem:$0x7F6]  }
0x491: {  	[sflag:s26] =	ssyncset.done $0x0  }
0x492: {  	[sflag:s26] =	ssyncadd.s32 $0xFFFFFC00  }
0x493: {  	[tilespmem:s28], [sflag:$0x3] =	stream.linear.gather [hbm4b:s22+s6], $0x400, $0x38;
	[tilespmem:$0x1C0C0] =	vst v63  }
0x494: {  	_ =	swait.ge [sflag:s26], $0x400  }
0x495: {  	[sflag:s26] =	ssyncset.done $0x0  }
0x496: {  	[sflag:s26] =	ssyncadd.s32 $0xFFFFFC00  }
0x497: {  	[tilespmem:s30], [sflag:$0x1] =	stream.indirect.gather [hbm4b:s0+s29], $0x80, s6, s29, $0xb8;
	[tilespmem:$0x1C0C0] =	vst v63  }
0x498: {  	_ = 	snop  }
0x499: {  	[tilespmem:s31], [sflag:$0x2] =	stream.indirect.gather [hbm4b:s0+s29], $0x80, s29, s29, $0xb8;
	[tilespmem:$0x1C0C0] =	vst v63  }
0x49a: {  	_ =	swait.ge [sflag:s3], $0x4000  }
0x49b: {  	[sflag:s3] =	ssyncset.done $0x0  }
0x49c: {  	[sflag:s3] =	ssyncadd.s32 $0xFFFFC000  }
0x49d: {  	[spmem:s5] =	stream.indirect.scatter.add.f32 [tilespmem:s30], [sflag:$0x3], $0x80, s28, s29, $0xb8;
	[tilespmem:$0x1C0C0] =	vst v63  }
0x49e: {  	_ =	swait.ge [sflag:s26], $0x4000  }
0x49f: {  	[sflag:s26] =	ssyncset.done $0x0  }
0x4a0: {  	[sflag:s26] =	ssyncadd.s32 $0xFFFFC000  }
0x4a1: {  	[tilespmem:s30], [sflag:$0x1] =	stream.indirect.gather [hbm4b:s0+s29], $0x80, s1, s29, $0xb8;
	[tilespmem:$0x1C0C0] =	vst v63  }
0x4a2: {  	_ =	swait.ge [sflag:s9], $0x4000  }
0x4a3: {  	[sflag:s9] =	ssyncset.done $0x0  }
0x4a4: {  	[sflag:s9] =	ssyncadd.s32 $0xFFFFC000  }
0x4a5: {  	[spmem:s5] =	stream.indirect.scatter.add.f32 [tilespmem:s31], [sflag:$0x3], $0x80, s10, s29, $0xb8;
	[tilespmem:$0x1C0C0] =	vst v63  }
0x4a6: {  	_ =	swait.ge [sflag:s26], $0x4000  }
0x4a7: {  	[sflag:s26] =	ssyncset.done $0x0  }
0x4a8: {  	[sflag:s26] =	ssyncadd.s32 $0xFFFFC000  }
0x4a9: {  	[tilespmem:s31], [sflag:$0x2] =	stream.indirect.gather [hbm4b:s0+s29], $0x80, s11, s29, $0xb8;
	[tilespmem:$0x1C0C0] =	vst v63  }
0x4aa: {  	_ =	swait.ge [sflag:s3], $0x4000  }
0x4ab: {  	[sflag:s3] =	ssyncset.done $0x0  }
0x4ac: {  	[sflag:s3] =	ssyncadd.s32 $0xFFFFC000  }
0x4ad: {  	[spmem:s5] =	stream.indirect.scatter.add.f32 [tilespmem:s30], [sflag:$0x3], $0x80, s12, s29, $0xb8;
	[tilespmem:$0x1C0C0] =	vst v63  }
0x4ae: {  	_ =	swait.ge [sflag:s26], $0x4000  }
0x4af: {  	[sflag:s26] =	ssyncset.done $0x0  }
0x4b0: {  	[sflag:s26] =	ssyncadd.s32 $0xFFFFC000  }
0x4b1: {  	[tilespmem:s30], [sflag:$0x1] =	stream.indirect.gather [hbm4b:s0+s29], $0x80, s13, s29, $0xb8;
	[tilespmem:$0x1C0C0] =	vst v63  }
0x4b2: {  	_ =	swait.ge [sflag:s9], $0x4000  }
0x4b3: {  	[sflag:s9] =	ssyncset.done $0x0  }
0x4b4: {  	[sflag:s9] =	ssyncadd.s32 $0xFFFFC000  }
0x4b5: {  	[spmem:s5] =	stream.indirect.scatter.add.f32 [tilespmem:s31], [sflag:$0x3], $0x80, s14, s29, $0xb8;
	[tilespmem:$0x1C0C0] =	vst v63  }
0x4b6: {  	_ =	swait.ge [sflag:s26], $0x4000  }
0x4b7: {  	[sflag:s26] =	ssyncset.done $0x0  }
0x4b8: {  	[sflag:s26] =	ssyncadd.s32 $0xFFFFC000  }
0x4b9: {  	[tilespmem:s31], [sflag:$0x2] =	stream.indirect.gather [hbm4b:s0+s29], $0x80, s15, s29, $0xb8;
	[tilespmem:$0x1C0C0] =	vst v63  }
0x4ba: {  	_ =	swait.ge [sflag:s3], $0x4000  }
0x4bb: {  	[sflag:s3] =	ssyncset.done $0x0  }
0x4bc: {  	[sflag:s3] =	ssyncadd.s32 $0xFFFFC000  }
0x4bd: {  	[spmem:s5] =	stream.indirect.scatter.add.f32 [tilespmem:s30], [sflag:$0x3], $0x80, s16, s29, $0xb8;
	[tilespmem:$0x1C0C0] =	vst v63  }
0x4be: {  	_ =	swait.ge [sflag:s26], $0x4000  }
0x4bf: {  	[sflag:s26] =	ssyncset.done $0x0  }
0x4c0: {  	[sflag:s26] =	ssyncadd.s32 $0xFFFFC000  }
0x4c1: {  	[tilespmem:s30], [sflag:$0x1] =	stream.indirect.gather [hbm4b:s0+s29], $0x80, s17, s29, $0xb8;
	[tilespmem:$0x1C0C0] =	vst v63  }
0x4c2: {  	_ =	swait.ge [sflag:s9], $0x4000  }
0x4c3: {  	[sflag:s9] =	ssyncset.done $0x0  }
0x4c4: {  	[sflag:s9] =	ssyncadd.s32 $0xFFFFC000  }
0x4c5: {  	[spmem:s5] =	stream.indirect.scatter.add.f32 [tilespmem:s31], [sflag:$0x3], $0x80, s18, s29, $0xb8;
	[tilespmem:$0x1C0C0] =	vst v63  }
0x4c6: {  	_ =	swait.ge [sflag:s26], $0x4000  }
0x4c7: {  	[sflag:s26] =	ssyncset.done $0x0  }
0x4c8: {  	[sflag:s26] =	ssyncadd.s32 $0xFFFFC000  }
0x4c9: {  	[tilespmem:s31], [sflag:$0x2] =	stream.indirect.gather [hbm4b:s0+s29], $0x80, s19, s29, $0xb8;
	[tilespmem:$0x1C0C0] =	vst v63  }
0x4ca: {  	_ =	swait.ge [sflag:s3], $0x4000  }
0x4cb: {  	[sflag:s3] =	ssyncset.done $0x0  }
0x4cc: {  	[sflag:s3] =	ssyncadd.s32 $0xFFFFC000  }
0x4cd: {  	[spmem:s5] =	stream.indirect.scatter.add.f32 [tilespmem:s30], [sflag:$0x3], $0x80, s20, s29, $0xb8;
	[tilespmem:$0x1C0C0] =	vst v63  }
0x4ce: {  	_ =	swait.ge [sflag:s26], $0x4000  }
0x4cf: {  	[sflag:s26] =	ssyncset.done $0x0  }
0x4d0: {  	[sflag:s26] =	ssyncadd.s32 $0xFFFFC000  }
0x4d1: {  	_ =	swait.ge [sflag:s9], $0x4000  }
0x4d2: {  	[sflag:s9] =	ssyncset.done $0x0  }
0x4d3: {  	[sflag:s9] =	ssyncadd.s32 $0xFFFFC000  }
0x4d4: {  	[spmem:s5] =	stream.indirect.scatter.add.f32 [tilespmem:s31], [sflag:$0x3], $0x80, s21, s29, $0xb8;
	[tilespmem:$0x1C0C0] =	vst v63  }
0x4d5: {  	_ =	swait.ge [sflag:s26], $0x4000  }
0x4d6: {  	s22 =	sld [smem:$0x7F7]  }
0x4d7: {  	[sflag:s26] =	ssyncset.done $0x0  }
0x4d8: {  	[sflag:s26] =	ssyncadd.s32 $0xFFFFC000  }
0x4d9: {  	[tilespmem:s6], [sflag:$0x3] =	stream.linear.gather [hbm4b:s22+s6], $0x400, $0x38;
	[tilespmem:$0x1C0C0] =	vst v63  }
0x4da: {  	_ =	swait.ge [sflag:s26], $0x400  }
0x4db: {  	s22 =	sld [smem:$0x7F8]  }
0x4dc: {  	[sflag:s26] =	ssyncset.done $0x0  }
0x4dd: {  	[sflag:s26] =	ssyncadd.s32 $0xFFFFFC00  }
0x4de: {  	[tilespmem:s28], [sflag:$0x3] =	stream.linear.gather [hbm4b:s22+s6], $0x400, $0x38;
	[tilespmem:$0x1C0C0] =	vst v63  }
0x4df: {  	_ =	swait.ge [sflag:s26], $0x400  }
0x4e0: {  	[sflag:s26] =	ssyncset.done $0x0  }
0x4e1: {  	[sflag:s26] =	ssyncadd.s32 $0xFFFFFC00  }
0x4e2: {  	[tilespmem:s30], [sflag:$0x1] =	stream.indirect.gather [hbm4b:s0+s29], $0x80, s6, s29, $0xb8;
	[tilespmem:$0x1C0C0] =	vst v63  }
0x4e3: {  	_ = 	snop  }
0x4e4: {  	[tilespmem:s31], [sflag:$0x2] =	stream.indirect.gather [hbm4b:s0+s29], $0x80, s29, s29, $0xb8;
	[tilespmem:$0x1C0C0] =	vst v63  }
0x4e5: {  	_ =	swait.ge [sflag:s3], $0x4000  }
0x4e6: {  	[sflag:s3] =	ssyncset.done $0x0  }
0x4e7: {  	[sflag:s3] =	ssyncadd.s32 $0xFFFFC000  }
0x4e8: {  	[spmem:s5] =	stream.indirect.scatter.add.f32 [tilespmem:s30], [sflag:$0x3], $0x80, s28, s29, $0xb8;
	[tilespmem:$0x1C0C0] =	vst v63  }
0x4e9: {  	_ =	swait.ge [sflag:s26], $0x4000  }
0x4ea: {  	[sflag:s26] =	ssyncset.done $0x0  }
0x4eb: {  	[sflag:s26] =	ssyncadd.s32 $0xFFFFC000  }
0x4ec: {  	[tilespmem:s30], [sflag:$0x1] =	stream.indirect.gather [hbm4b:s0+s29], $0x80, s1, s29, $0xb8;
	[tilespmem:$0x1C0C0] =	vst v63  }
0x4ed: {  	_ =	swait.ge [sflag:s9], $0x4000  }
0x4ee: {  	[sflag:s9] =	ssyncset.done $0x0  }
0x4ef: {  	[sflag:s9] =	ssyncadd.s32 $0xFFFFC000  }
0x4f0: {  	[spmem:s5] =	stream.indirect.scatter.add.f32 [tilespmem:s31], [sflag:$0x3], $0x80, s10, s29, $0xb8;
	[tilespmem:$0x1C0C0] =	vst v63  }
0x4f1: {  	_ =	swait.ge [sflag:s26], $0x4000  }
0x4f2: {  	[sflag:s26] =	ssyncset.done $0x0  }
0x4f3: {  	[sflag:s26] =	ssyncadd.s32 $0xFFFFC000  }
0x4f4: {  	[tilespmem:s31], [sflag:$0x2] =	stream.indirect.gather [hbm4b:s0+s29], $0x80, s11, s29, $0xb8;
	[tilespmem:$0x1C0C0] =	vst v63  }
0x4f5: {  	_ =	swait.ge [sflag:s3], $0x4000  }
0x4f6: {  	[sflag:s3] =	ssyncset.done $0x0  }
0x4f7: {  	[sflag:s3] =	ssyncadd.s32 $0xFFFFC000  }
0x4f8: {  	[spmem:s5] =	stream.indirect.scatter.add.f32 [tilespmem:s30], [sflag:$0x3], $0x80, s12, s29, $0xb8;
	[tilespmem:$0x1C0C0] =	vst v63  }
0x4f9: {  	_ =	swait.ge [sflag:s26], $0x4000  }
0x4fa: {  	[sflag:s26] =	ssyncset.done $0x0  }
0x4fb: {  	[sflag:s26] =	ssyncadd.s32 $0xFFFFC000  }
0x4fc: {  	[tilespmem:s30], [sflag:$0x1] =	stream.indirect.gather [hbm4b:s0+s29], $0x80, s13, s29, $0xb8;
	[tilespmem:$0x1C0C0] =	vst v63  }
0x4fd: {  	_ =	swait.ge [sflag:s9], $0x4000  }
0x4fe: {  	[sflag:s9] =	ssyncset.done $0x0  }
0x4ff: {  	[sflag:s9] =	ssyncadd.s32 $0xFFFFC000  }
0x500: {  	[spmem:s5] =	stream.indirect.scatter.add.f32 [tilespmem:s31], [sflag:$0x3], $0x80, s14, s29, $0xb8;
	[tilespmem:$0x1C0C0] =	vst v63  }
0x501: {  	_ =	swait.ge [sflag:s26], $0x4000  }
0x502: {  	[sflag:s26] =	ssyncset.done $0x0  }
0x503: {  	[sflag:s26] =	ssyncadd.s32 $0xFFFFC000  }
0x504: {  	[tilespmem:s31], [sflag:$0x2] =	stream.indirect.gather [hbm4b:s0+s29], $0x80, s15, s29, $0xb8;
	[tilespmem:$0x1C0C0] =	vst v63  }
0x505: {  	_ =	swait.ge [sflag:s3], $0x4000  }
0x506: {  	[sflag:s3] =	ssyncset.done $0x0  }
0x507: {  	[sflag:s3] =	ssyncadd.s32 $0xFFFFC000  }
0x508: {  	[spmem:s5] =	stream.indirect.scatter.add.f32 [tilespmem:s30], [sflag:$0x3], $0x80, s16, s29, $0xb8;
	[tilespmem:$0x1C0C0] =	vst v63  }
0x509: {  	_ =	swait.ge [sflag:s26], $0x4000  }
0x50a: {  	[sflag:s26] =	ssyncset.done $0x0  }
0x50b: {  	[sflag:s26] =	ssyncadd.s32 $0xFFFFC000  }
0x50c: {  	[tilespmem:s30], [sflag:$0x1] =	stream.indirect.gather [hbm4b:s0+s29], $0x80, s17, s29, $0xb8;
	[tilespmem:$0x1C0C0] =	vst v63  }
0x50d: {  	_ =	swait.ge [sflag:s9], $0x4000  }
0x50e: {  	[sflag:s9] =	ssyncset.done $0x0  }
0x50f: {  	[sflag:s9] =	ssyncadd.s32 $0xFFFFC000  }
0x510: {  	[spmem:s5] =	stream.indirect.scatter.add.f32 [tilespmem:s31], [sflag:$0x3], $0x80, s18, s29, $0xb8;
	[tilespmem:$0x1C0C0] =	vst v63  }
0x511: {  	_ =	swait.ge [sflag:s26], $0x4000  }
0x512: {  	[sflag:s26] =	ssyncset.done $0x0  }
0x513: {  	[sflag:s26] =	ssyncadd.s32 $0xFFFFC000  }
0x514: {  	[tilespmem:s31], [sflag:$0x2] =	stream.indirect.gather [hbm4b:s0+s29], $0x80, s19, s29, $0xb8;
	[tilespmem:$0x1C0C0] =	vst v63  }
0x515: {  	_ =	swait.ge [sflag:s3], $0x4000  }
0x516: {  	[sflag:s3] =	ssyncset.done $0x0  }
0x517: {  	[sflag:s3] =	ssyncadd.s32 $0xFFFFC000  }
0x518: {  	[spmem:s5] =	stream.indirect.scatter.add.f32 [tilespmem:s30], [sflag:$0x3], $0x80, s20, s29, $0xb8;
	[tilespmem:$0x1C0C0] =	vst v63  }
0x519: {  	_ =	swait.ge [sflag:s26], $0x4000  }
0x51a: {  	[sflag:s26] =	ssyncset.done $0x0  }
0x51b: {  	[sflag:s26] =	ssyncadd.s32 $0xFFFFC000  }
0x51c: {  	_ =	swait.ge [sflag:s9], $0x4000  }
0x51d: {  	[sflag:s9] =	ssyncset.done $0x0  }
0x51e: {  	[sflag:s9] =	ssyncadd.s32 $0xFFFFC000  }
0x51f: {  	[spmem:s5] =	stream.indirect.scatter.add.f32 [tilespmem:s31], [sflag:$0x3], $0x80, s21, s29, $0xb8;
	[tilespmem:$0x1C0C0] =	vst v63  }
0x520: {  	_ =	swait.ge [sflag:s26], $0x4000  }
0x521: {  	s22 =	sld [smem:$0x7F9]  }
0x522: {  	[sflag:s26] =	ssyncset.done $0x0  }
0x523: {  	[sflag:s26] =	ssyncadd.s32 $0xFFFFC000  }
0x524: {  	[tilespmem:s6], [sflag:$0x3] =	stream.linear.gather [hbm4b:s22+s6], $0x400, $0x38;
	[tilespmem:$0x1C0C0] =	vst v63  }
0x525: {  	_ =	swait.ge [sflag:s26], $0x400  }
0x526: {  	s22 =	sld [smem:$0x7FA]  }
0x527: {  	[sflag:s26] =	ssyncset.done $0x0  }
0x528: {  	[sflag:s26] =	ssyncadd.s32 $0xFFFFFC00  }
0x529: {  	[tilespmem:s28], [sflag:$0x3] =	stream.linear.gather [hbm4b:s22+s6], $0x400, $0x38;
	[tilespmem:$0x1C0C0] =	vst v63  }
0x52a: {  	_ =	swait.ge [sflag:s26], $0x400  }
0x52b: {  	[sflag:s26] =	ssyncset.done $0x0  }
0x52c: {  	[sflag:s26] =	ssyncadd.s32 $0xFFFFFC00  }
0x52d: {  	[tilespmem:s30], [sflag:$0x1] =	stream.indirect.gather [hbm4b:s0+s29], $0x80, s6, s29, $0xb8;
	[tilespmem:$0x1C0C0] =	vst v63  }
0x52e: {  	_ = 	snop  }
0x52f: {  	[tilespmem:s31], [sflag:$0x2] =	stream.indirect.gather [hbm4b:s0+s29], $0x80, s29, s29, $0xb8;
	[tilespmem:$0x1C0C0] =	vst v63  }
0x530: {  	_ =	swait.ge [sflag:s3], $0x4000  }
0x531: {  	[sflag:s3] =	ssyncset.done $0x0  }
0x532: {  	[sflag:s3] =	ssyncadd.s32 $0xFFFFC000  }
0x533: {  	[spmem:s5] =	stream.indirect.scatter.add.f32 [tilespmem:s30], [sflag:$0x3], $0x80, s28, s29, $0xb8;
	[tilespmem:$0x1C0C0] =	vst v63  }
0x534: {  	_ =	swait.ge [sflag:s26], $0x4000  }
0x535: {  	[sflag:s26] =	ssyncset.done $0x0  }
0x536: {  	[sflag:s26] =	ssyncadd.s32 $0xFFFFC000  }
0x537: {  	[tilespmem:s30], [sflag:$0x1] =	stream.indirect.gather [hbm4b:s0+s29], $0x80, s1, s29, $0xb8;
	[tilespmem:$0x1C0C0] =	vst v63  }
0x538: {  	_ =	swait.ge [sflag:s9], $0x4000  }
0x539: {  	[sflag:s9] =	ssyncset.done $0x0  }
0x53a: {  	[sflag:s9] =	ssyncadd.s32 $0xFFFFC000  }
0x53b: {  	[spmem:s5] =	stream.indirect.scatter.add.f32 [tilespmem:s31], [sflag:$0x3], $0x80, s10, s29, $0xb8;
	[tilespmem:$0x1C0C0] =	vst v63  }
0x53c: {  	_ =	swait.ge [sflag:s26], $0x4000  }
0x53d: {  	[sflag:s26] =	ssyncset.done $0x0  }
0x53e: {  	[sflag:s26] =	ssyncadd.s32 $0xFFFFC000  }
0x53f: {  	[tilespmem:s31], [sflag:$0x2] =	stream.indirect.gather [hbm4b:s0+s29], $0x80, s11, s29, $0xb8;
	[tilespmem:$0x1C0C0] =	vst v63  }
0x540: {  	_ =	swait.ge [sflag:s3], $0x4000  }
0x541: {  	[sflag:s3] =	ssyncset.done $0x0  }
0x542: {  	[sflag:s3] =	ssyncadd.s32 $0xFFFFC000  }
0x543: {  	[spmem:s5] =	stream.indirect.scatter.add.f32 [tilespmem:s30], [sflag:$0x3], $0x80, s12, s29, $0xb8;
	[tilespmem:$0x1C0C0] =	vst v63  }
0x544: {  	_ =	swait.ge [sflag:s26], $0x4000  }
0x545: {  	[sflag:s26] =	ssyncset.done $0x0  }
0x546: {  	[sflag:s26] =	ssyncadd.s32 $0xFFFFC000  }
0x547: {  	[tilespmem:s30], [sflag:$0x1] =	stream.indirect.gather [hbm4b:s0+s29], $0x80, s13, s29, $0xb8;
	[tilespmem:$0x1C0C0] =	vst v63  }
0x548: {  	_ =	swait.ge [sflag:s9], $0x4000  }
0x549: {  	[sflag:s9] =	ssyncset.done $0x0  }
0x54a: {  	[sflag:s9] =	ssyncadd.s32 $0xFFFFC000  }
0x54b: {  	[spmem:s5] =	stream.indirect.scatter.add.f32 [tilespmem:s31], [sflag:$0x3], $0x80, s14, s29, $0xb8;
	[tilespmem:$0x1C0C0] =	vst v63  }
0x54c: {  	_ =	swait.ge [sflag:s26], $0x4000  }
0x54d: {  	[sflag:s26] =	ssyncset.done $0x0  }
0x54e: {  	[sflag:s26] =	ssyncadd.s32 $0xFFFFC000  }
0x54f: {  	[tilespmem:s31], [sflag:$0x2] =	stream.indirect.gather [hbm4b:s0+s29], $0x80, s15, s29, $0xb8;
	[tilespmem:$0x1C0C0] =	vst v63  }
0x550: {  	_ =	swait.ge [sflag:s3], $0x4000  }
0x551: {  	[sflag:s3] =	ssyncset.done $0x0  }
0x552: {  	[sflag:s3] =	ssyncadd.s32 $0xFFFFC000  }
0x553: {  	[spmem:s5] =	stream.indirect.scatter.add.f32 [tilespmem:s30], [sflag:$0x3], $0x80, s16, s29, $0xb8;
	[tilespmem:$0x1C0C0] =	vst v63  }
0x554: {  	_ =	swait.ge [sflag:s26], $0x4000  }
0x555: {  	[sflag:s26] =	ssyncset.done $0x0  }
0x556: {  	[sflag:s26] =	ssyncadd.s32 $0xFFFFC000  }
0x557: {  	[tilespmem:s30], [sflag:$0x1] =	stream.indirect.gather [hbm4b:s0+s29], $0x80, s17, s29, $0xb8;
	[tilespmem:$0x1C0C0] =	vst v63  }
0x558: {  	_ =	swait.ge [sflag:s9], $0x4000  }
0x559: {  	[sflag:s9] =	ssyncset.done $0x0  }
0x55a: {  	[sflag:s9] =	ssyncadd.s32 $0xFFFFC000  }
0x55b: {  	[spmem:s5] =	stream.indirect.scatter.add.f32 [tilespmem:s31], [sflag:$0x3], $0x80, s18, s29, $0xb8;
	[tilespmem:$0x1C0C0] =	vst v63  }
0x55c: {  	_ =	swait.ge [sflag:s26], $0x4000  }
0x55d: {  	[sflag:s26] =	ssyncset.done $0x0  }
0x55e: {  	[sflag:s26] =	ssyncadd.s32 $0xFFFFC000  }
0x55f: {  	[tilespmem:s31], [sflag:$0x2] =	stream.indirect.gather [hbm4b:s0+s29], $0x80, s19, s29, $0xb8;
	[tilespmem:$0x1C0C0] =	vst v63  }
0x560: {  	_ =	swait.ge [sflag:s3], $0x4000  }
0x561: {  	[sflag:s3] =	ssyncset.done $0x0  }
0x562: {  	[sflag:s3] =	ssyncadd.s32 $0xFFFFC000  }
0x563: {  	[spmem:s5] =	stream.indirect.scatter.add.f32 [tilespmem:s30], [sflag:$0x3], $0x80, s20, s29, $0xb8;
	[tilespmem:$0x1C0C0] =	vst v63  }
0x564: {  	_ =	swait.ge [sflag:s26], $0x4000  }
0x565: {  	[sflag:s26] =	ssyncset.done $0x0  }
0x566: {  	[sflag:s26] =	ssyncadd.s32 $0xFFFFC000  }
0x567: {  	_ =	swait.ge [sflag:s9], $0x4000  }
0x568: {  	[sflag:s9] =	ssyncset.done $0x0  }
0x569: {  	[sflag:s9] =	ssyncadd.s32 $0xFFFFC000  }
0x56a: {  	[spmem:s5] =	stream.indirect.scatter.add.f32 [tilespmem:s31], [sflag:$0x3], $0x80, s21, s29, $0xb8;
	[tilespmem:$0x1C0C0] =	vst v63  }
0x56b: {  	_ =	swait.ge [sflag:s26], $0x4000  }
0x56c: {  	s22 =	sld [smem:$0x7FB]  }
0x56d: {  	[sflag:s26] =	ssyncset.done $0x0  }
0x56e: {  	[sflag:s26] =	ssyncadd.s32 $0xFFFFC000  }
0x56f: {  	[tilespmem:s6], [sflag:$0x3] =	stream.linear.gather [hbm4b:s22+s6], $0x400, $0x38;
	[tilespmem:$0x1C0C0] =	vst v63  }
0x570: {  	_ =	swait.ge [sflag:s26], $0x400  }
0x571: {  	s22 =	sld [smem:$0x7FC]  }
0x572: {  	[sflag:s26] =	ssyncset.done $0x0  }
0x573: {  	[sflag:s26] =	ssyncadd.s32 $0xFFFFFC00  }
0x574: {  	[tilespmem:s28], [sflag:$0x3] =	stream.linear.gather [hbm4b:s22+s6], $0x400, $0x38;
	[tilespmem:$0x1C0C0] =	vst v63  }
0x575: {  	_ =	swait.ge [sflag:s26], $0x400  }
0x576: {  	[sflag:s26] =	ssyncset.done $0x0  }
0x577: {  	[sflag:s26] =	ssyncadd.s32 $0xFFFFFC00  }
0x578: {  	[tilespmem:s30], [sflag:$0x1] =	stream.indirect.gather [hbm4b:s0+s29], $0x80, s6, s29, $0xb8;
	[tilespmem:$0x1C0C0] =	vst v63  }
0x579: {  	_ = 	snop  }
0x57a: {  	[tilespmem:s31], [sflag:$0x2] =	stream.indirect.gather [hbm4b:s0+s29], $0x80, s29, s29, $0xb8;
	[tilespmem:$0x1C0C0] =	vst v63  }
0x57b: {  	_ =	swait.ge [sflag:s3], $0x4000  }
0x57c: {  	[sflag:s3] =	ssyncset.done $0x0  }
0x57d: {  	[sflag:s3] =	ssyncadd.s32 $0xFFFFC000  }
0x57e: {  	[spmem:s5] =	stream.indirect.scatter.add.f32 [tilespmem:s30], [sflag:$0x3], $0x80, s28, s29, $0xb8;
	[tilespmem:$0x1C0C0] =	vst v63  }
0x57f: {  	_ =	swait.ge [sflag:s26], $0x4000  }
0x580: {  	[sflag:s26] =	ssyncset.done $0x0  }
0x581: {  	[sflag:s26] =	ssyncadd.s32 $0xFFFFC000  }
0x582: {  	[tilespmem:s30], [sflag:$0x1] =	stream.indirect.gather [hbm4b:s0+s29], $0x80, s1, s29, $0xb8;
	[tilespmem:$0x1C0C0] =	vst v63  }
0x583: {  	_ =	swait.ge [sflag:s9], $0x4000  }
0x584: {  	[sflag:s9] =	ssyncset.done $0x0  }
0x585: {  	[sflag:s9] =	ssyncadd.s32 $0xFFFFC000  }
0x586: {  	[spmem:s5] =	stream.indirect.scatter.add.f32 [tilespmem:s31], [sflag:$0x3], $0x80, s10, s29, $0xb8;
	[tilespmem:$0x1C0C0] =	vst v63  }
0x587: {  	_ =	swait.ge [sflag:s26], $0x4000  }
0x588: {  	[sflag:s26] =	ssyncset.done $0x0  }
0x589: {  	[sflag:s26] =	ssyncadd.s32 $0xFFFFC000  }
0x58a: {  	[tilespmem:s31], [sflag:$0x2] =	stream.indirect.gather [hbm4b:s0+s29], $0x80, s11, s29, $0xb8;
	[tilespmem:$0x1C0C0] =	vst v63  }
0x58b: {  	_ =	swait.ge [sflag:s3], $0x4000  }
0x58c: {  	[sflag:s3] =	ssyncset.done $0x0  }
0x58d: {  	[sflag:s3] =	ssyncadd.s32 $0xFFFFC000  }
0x58e: {  	[spmem:s5] =	stream.indirect.scatter.add.f32 [tilespmem:s30], [sflag:$0x3], $0x80, s12, s29, $0xb8;
	[tilespmem:$0x1C0C0] =	vst v63  }
0x58f: {  	_ =	swait.ge [sflag:s26], $0x4000  }
0x590: {  	[sflag:s26] =	ssyncset.done $0x0  }
0x591: {  	[sflag:s26] =	ssyncadd.s32 $0xFFFFC000  }
0x592: {  	[tilespmem:s30], [sflag:$0x1] =	stream.indirect.gather [hbm4b:s0+s29], $0x80, s13, s29, $0xb8;
	[tilespmem:$0x1C0C0] =	vst v63  }
0x593: {  	_ =	swait.ge [sflag:s9], $0x4000  }
0x594: {  	[sflag:s9] =	ssyncset.done $0x0  }
0x595: {  	[sflag:s9] =	ssyncadd.s32 $0xFFFFC000  }
0x596: {  	[spmem:s5] =	stream.indirect.scatter.add.f32 [tilespmem:s31], [sflag:$0x3], $0x80, s14, s29, $0xb8;
	[tilespmem:$0x1C0C0] =	vst v63  }
0x597: {  	_ =	swait.ge [sflag:s26], $0x4000  }
0x598: {  	[sflag:s26] =	ssyncset.done $0x0  }
0x599: {  	[sflag:s26] =	ssyncadd.s32 $0xFFFFC000  }
0x59a: {  	[tilespmem:s31], [sflag:$0x2] =	stream.indirect.gather [hbm4b:s0+s29], $0x80, s15, s29, $0xb8;
	[tilespmem:$0x1C0C0] =	vst v63  }
0x59b: {  	_ =	swait.ge [sflag:s3], $0x4000  }
0x59c: {  	[sflag:s3] =	ssyncset.done $0x0  }
0x59d: {  	[sflag:s3] =	ssyncadd.s32 $0xFFFFC000  }
0x59e: {  	[spmem:s5] =	stream.indirect.scatter.add.f32 [tilespmem:s30], [sflag:$0x3], $0x80, s16, s29, $0xb8;
	[tilespmem:$0x1C0C0] =	vst v63  }
0x59f: {  	_ =	swait.ge [sflag:s26], $0x4000  }
0x5a0: {  	[sflag:s26] =	ssyncset.done $0x0  }
0x5a1: {  	[sflag:s26] =	ssyncadd.s32 $0xFFFFC000  }
0x5a2: {  	[tilespmem:s30], [sflag:$0x1] =	stream.indirect.gather [hbm4b:s0+s29], $0x80, s17, s29, $0xb8;
	[tilespmem:$0x1C0C0] =	vst v63  }
0x5a3: {  	_ =	swait.ge [sflag:s9], $0x4000  }
0x5a4: {  	[sflag:s9] =	ssyncset.done $0x0  }
0x5a5: {  	[sflag:s9] =	ssyncadd.s32 $0xFFFFC000  }
0x5a6: {  	[spmem:s5] =	stream.indirect.scatter.add.f32 [tilespmem:s31], [sflag:$0x3], $0x80, s18, s29, $0xb8;
	[tilespmem:$0x1C0C0] =	vst v63  }
0x5a7: {  	_ =	swait.ge [sflag:s26], $0x4000  }
0x5a8: {  	[sflag:s26] =	ssyncset.done $0x0  }
0x5a9: {  	[sflag:s26] =	ssyncadd.s32 $0xFFFFC000  }
0x5aa: {  	[tilespmem:s31], [sflag:$0x2] =	stream.indirect.gather [hbm4b:s0+s29], $0x80, s19, s29, $0xb8;
	[tilespmem:$0x1C0C0] =	vst v63  }
0x5ab: {  	_ =	swait.ge [sflag:s3], $0x4000  }
0x5ac: {  	[sflag:s3] =	ssyncset.done $0x0  }
0x5ad: {  	[sflag:s3] =	ssyncadd.s32 $0xFFFFC000  }
0x5ae: {  	[spmem:s5] =	stream.indirect.scatter.add.f32 [tilespmem:s30], [sflag:$0x3], $0x80, s20, s29, $0xb8;
	[tilespmem:$0x1C0C0] =	vst v63  }
0x5af: {  	_ =	swait.ge [sflag:s26], $0x4000  }
0x5b0: {  	[sflag:s26] =	ssyncset.done $0x0  }
0x5b1: {  	[sflag:s26] =	ssyncadd.s32 $0xFFFFC000  }
0x5b2: {  	_ =	swait.ge [sflag:s9], $0x4000  }
0x5b3: {  	[sflag:s9] =	ssyncset.done $0x0  }
.Ltmp3:
0x5b4: {  	[sflag:s9] =	ssyncadd.s32 $0xFFFFC000;
	(pc) =	sbr.rel .LBB2_3-.Ltmp3, $4  }
0x5b5: {  	[spmem:s5] =	stream.indirect.scatter.add.f32 [tilespmem:s31], [sflag:$0x3], $0x80, s21, s29, $0xb8;
	[tilespmem:$0x1C0C0] =	vst v63  }
0x5b6: {  	_ =	swait.ge [sflag:s26], $0x4000  }
0x5b7: {  	[sflag:s26] =	ssyncset.done $0x0;
	s22 =	sld [smem:$0x7FD]  }
0x5b8: {  	[sflag:s26] =	ssyncadd.s32 $0xFFFFC000  }
.LBB2_4:
0x5b9: {  	_ =	sfence.sel $0x180000  }
0x5ba: {  	[bflag:$0x0] =	sbarrier.arrive $0xFFFF  }
0x5bb: {  	_ =	strace $0x90000047  }
0x5bc: {  	s0 =	stileid.u32;
	[bflag:$0x2] =	sbarrier.arrive $0xFFFF  }
0x5bd: {  	p0 =	sne.s32 s0, $0x0;
	s0 =	rddreg [dreg:$0x4]  }
0x5be: {  	s0 =	sadd.s32 @!p0 $0x100000, s0  }
0x5bf: {  	[sflag:s0] =	ssyncadd.tile.s32 @!p0 $0x1;
	_ =	shalt  }
.Lfunc_end2:
_tile_overlayer_lowered:
.L_overlay_start_2:
0x5c0: {  	(tag) =	ssettag $0x2  }
0x5c1: {  	s0 =	rddreg [dreg:$0x0];
	s2 =	stileid.u32  }
0x5c2: {  	s1 =	rddreg [dreg:$0x1];
	p0 =	sne.s32 s2, $0x0  }
0x5c3: {  	s3 =	rddreg [dreg:$0x2];
	[bflag:$0x3] =	sbarrier.arrive $0xFFFF;
	s2 =	simm.s32 @!p0 $0x1C03  }
0x5c4: {  	[timem:s3], [sflag:s2] =	dma.local @!p0 [hbm:s0], s1  }
0x5c5: {  	s0 =	simm.s32 @!p0 $0x3  }
0x5c6: {  	_ =	swait.ge @!p0 [sflag:s0], s1  }
0x5c7: {  	s1 =	ssub.s32 @!p0 $0x0, s1;
	[sflag:s0] =	ssyncset.done @!p0 $0x0  }
0x5c8: {  	[sflag:s0] =	ssyncadd.s32 @!p0 s1  }
0x5c9: {  	[bflag:$0x3] =	sbarrier.arrive $0xFFFF  }
0x5ca: {  	_ =	shalt  }

</sc_bundles>
